<compile_context>
chip_gen: v7x
topology: tpu7x:2x2x1
jax: 0.10.2.dev20260603
libtpu: 0.0.44.dev20260713+nightly
codegen_flags: <defaults>
</compile_context>

<pallas_src>
import functools
import math

import jax
import jax.numpy as jnp
from jax import lax
from jax.experimental import pallas as pl
from jax.experimental.pallas import tpu as pltpu
from jax.experimental.pallas import tpu_sc as plsc

N = 10000
H = 128
E = 320000
EN = E + N
NT = 16
NC = 2
NW = NT * NC
NPAD = 10112
RB = NPAD // NT
K = 128
NB = 3
NCH = 81
EPT = NCH * K
EPAD = NW * EPT
BR = 400
G = N // BR
BNSCALE = 1.0 / math.sqrt(1.0 + 1e-5)

_mesh = plsc.VectorSubcoreMesh(core_axis_name="c", subcore_axis_name="s")



@functools.partial(
    pl.kernel,
    out_type=jax.ShapeDtypeStruct((NC * NPAD,), jnp.float32),
    mesh=_mesh,
    scratch_types=[
        pltpu.VMEM((NB, K), jnp.int32),
        pltpu.VMEM((K,), jnp.float32),
        pltpu.VMEM((RB,), jnp.float32),
        pltpu.VMEM_SHARED((NPAD,), jnp.float32),
        [pltpu.SemaphoreType.DMA] * NB,
        [pltpu.SemaphoreType.DMA] * NB,
    ],
)
def _deg_kernel(dst_hbm, ones_hbm, zeros_hbm, out_hbm, didx, ones_v, buf, acc,
                lsem, ssem):
    c = lax.axis_index("c")
    s = lax.axis_index("s")
    w = c * NT + s
    row0 = w * NCH

    def load_idx(chunk, b):
        pltpu.async_copy(dst_hbm.at[pl.ds((row0 + chunk) * K, K)],
                         didx.at[b], lsem[b])

    def drain_load(b):
        pltpu.make_async_copy(dst_hbm.at[pl.ds(0, K)], didx.at[b],
                              lsem[b]).wait()

    def drain_scat(b):
        pltpu.make_async_copy(ones_hbm, ones_v, ssem[b]).wait()

    load_idx(0, 0)
    load_idx(1, 1)
    pltpu.sync_copy(ones_hbm, ones_v)
    pltpu.sync_copy(zeros_hbm, buf)
    pltpu.sync_copy(buf, acc.at[pl.ds(s * RB, RB)])
    plsc.subcore_barrier()

    def body(t, carry):
        for bi in range(NB):
            chunk = t * NB + bi
            bp = (bi + NB - 1) % NB
            drain_load(bi)
            pltpu.async_copy(ones_v, acc.at[didx.at[bi]], ssem[bi], add=True)
            if bi == 0:
                @pl.when(t > 0)
                def _():
                    drain_scat(bp)
                load_idx(chunk + 2, bp)
            else:
                drain_scat(bp)

                @pl.when(t < NCH // NB - 1)
                def _():
                    load_idx(chunk + 2, bp)
        return carry

    lax.fori_loop(0, NCH // NB, body, 0)
    drain_scat((NCH - 1) % NB)
    plsc.subcore_barrier()
    pltpu.sync_copy(acc.at[pl.ds(s * RB, RB)], buf)
    pltpu.sync_copy(buf, out_hbm.at[pl.ds(c * NPAD + s * RB, RB)])


@functools.partial(
    pl.kernel,
    out_type=jax.ShapeDtypeStruct((NC * NPAD, H), jnp.float32),
    mesh=_mesh,
    scratch_types=[
        pltpu.VMEM((NB, K), jnp.int32),
        pltpu.VMEM((NB, K), jnp.int32),
        pltpu.VMEM((NB * K, H), jnp.float32),
        pltpu.VMEM_SHARED((NPAD, H), jnp.float32),
        [pltpu.SemaphoreType.DMA] * NB,
        [pltpu.SemaphoreType.DMA] * NB,
    ],
)
def _agg_kernel(u_hbm, src_hbm, dst_hbm, zeros_hbm, out_hbm,
                sidx, didx, rows, acc, gsem, ssem):
    c = lax.axis_index("c")
    s = lax.axis_index("s")
    w = c * NT + s
    row0 = w * NCH

    def load_idx(chunk, b):
        pltpu.sync_copy(src_hbm.at[pl.ds((row0 + chunk) * K, K)], sidx.at[b])
        pltpu.sync_copy(dst_hbm.at[pl.ds((row0 + chunk) * K, K)], didx.at[b])

    def fire_gather(b):
        pltpu.async_copy(u_hbm.at[sidx.at[b]], rows.at[pl.ds(b * K, K)],
                         gsem[b])

    load_idx(0, 0)
    load_idx(1, 1)
    fire_gather(0)
    fire_gather(1)
    pltpu.sync_copy(zeros_hbm, rows.at[pl.ds(2 * K, K)])
    for r in range(4):
        pltpu.sync_copy(rows.at[pl.ds(2 * K, K)],
                        acc.at[pl.ds(s * RB + r * K, K)])
    pltpu.sync_copy(rows.at[pl.ds(2 * K, RB - 4 * K)],
                    acc.at[pl.ds(s * RB + 4 * K, RB - 4 * K)])
    plsc.subcore_barrier()

    def body(t, carry):
        for bi in range(NB):
            chunk = t * NB + bi
            bp = (bi + NB - 1) % NB
            pltpu.make_async_copy(
                zeros_hbm, rows.at[pl.ds(bi * K, K)], gsem[bi]).wait()
            pltpu.async_copy(rows.at[pl.ds(bi * K, K)], acc.at[didx.at[bi]],
                             ssem[bi], add=True)
            if bi == 0:
                @pl.when(t > 0)
                def _():
                    pltpu.make_async_copy(
                        zeros_hbm, rows.at[pl.ds(bp * K, K)], ssem[bp]).wait()
                load_idx(chunk + 2, bp)
                fire_gather(bp)
            elif bi == 1:
                pltpu.make_async_copy(
                    zeros_hbm, rows.at[pl.ds(bp * K, K)], ssem[bp]).wait()

                @pl.when(t < NCH // NB - 1)
                def _():
                    load_idx(chunk + 2, bp)
                    fire_gather(bp)
            else:
                pltpu.make_async_copy(
                    zeros_hbm, rows.at[pl.ds(bp * K, K)], ssem[bp]).wait()

                @pl.when(t < NCH // NB - 1)
                def _():
                    load_idx(chunk + 2, bp)
                    fire_gather(bp)
        return carry

    lax.fori_loop(0, NCH // NB, body, 0)
    pltpu.make_async_copy(
        zeros_hbm, rows.at[pl.ds(((NCH - 1) % NB) * K, K)],
        ssem[(NCH - 1) % NB]).wait()
    plsc.subcore_barrier()
    sz = [K, K, K, K, RB - 4 * K]

    def r2v(r):
        pltpu.async_copy(acc.at[pl.ds(s * RB + r * K, sz[r])],
                         rows.at[pl.ds((r % NB) * K, sz[r])], gsem[r % NB])

    def drain(sem, slot, n):
        pltpu.make_async_copy(zeros_hbm.at[pl.ds(0, n)],
                              rows.at[pl.ds(slot * K, n)], sem).wait()

    r2v(0)
    r2v(1)
    for r in range(5):
        slot = r % NB
        drain(gsem[slot], slot, sz[r])
        pltpu.async_copy(rows.at[pl.ds(slot * K, sz[r])],
                         out_hbm.at[pl.ds(c * NPAD + s * RB + r * K, sz[r])],
                         ssem[slot])
        if r + 2 < 5:
            if r - 1 >= 0:
                drain(ssem[(r + 2) % NB], (r + 2) % NB, sz[r - 1])
            r2v(r + 2)
    for r in range(2, 5):
        drain(ssem[r % NB], r % NB, sz[r])



def _row_spec():
    return pl.BlockSpec((BR, H), lambda i: (i, 0))


def _w_spec():
    return pl.BlockSpec((H, H), lambda i: (0, 0))


def _b_spec():
    return pl.BlockSpec((1, H), lambda i: (0, 0))


def _sigmoid(v):
    return 1.0 / (1.0 + jnp.exp(-v))


def _t0a_body(x_ref, wa_ref, ba_ref, h0_ref):
    h0 = jnp.dot(x_ref[...], wa_ref[...], preferred_element_type=jnp.float32)
    h0_ref[...] = h0 + ba_ref[...]


_t0a_call = pl.pallas_call(
    _t0a_body,
    grid=(G,),
    in_specs=[_row_spec(), _w_spec(), _b_spec()],
    out_specs=_row_spec(),
    out_shape=jax.ShapeDtypeStruct((N, H), jnp.float32),
)


def _t0b_body(h0_ref, wg0_ref, dinv_ref, u1_ref):
    u1 = jnp.dot(h0_ref[...], wg0_ref[...], preferred_element_type=jnp.float32)
    u1_ref[...] = u1 * dinv_ref[...]


_t0b_call = pl.pallas_call(
    _t0b_body,
    grid=(G,),
    in_specs=[_row_spec(), _w_spec(), _row_spec()],
    out_specs=_row_spec(),
    out_shape=jax.ShapeDtypeStruct((N, H), jnp.float32),
)


def _mid_body(pp_ref, uin_ref, hp_ref, dinv_ref, bg_ref, ga_ref,
              be_ref, wgn_ref, h_ref, u_ref):
    agg = pp_ref[0] + pp_ref[1] + uin_ref[...]
    hh = dinv_ref[...] * agg + bg_ref[...]
    hh = ga_ref[...] * (hh * BNSCALE) + be_ref[...]
    h = jnp.maximum(hh, 0.0) + hp_ref[...]
    h_ref[...] = h
    u = jnp.dot(h, wgn_ref[...], preferred_element_type=jnp.float32)
    u_ref[...] = u * dinv_ref[...]


_pp_spec = pl.BlockSpec((NC, BR, H), lambda i: (0, i, 0))

_mid_call = pl.pallas_call(
    _mid_body,
    grid=(G,),
    in_specs=[_pp_spec, _row_spec(), _row_spec(), _row_spec(),
              _b_spec(), _b_spec(), _b_spec(), _w_spec()],
    out_specs=[_row_spec(), _row_spec()],
    out_shape=[
        jax.ShapeDtypeStruct((N, H), jnp.float32),
        jax.ShapeDtypeStruct((N, H), jnp.float32),
    ],
)


def _fin_body(pp_ref, uin_ref, hp_ref, dinv_ref, bg_ref, ga_ref,
              be_ref, wop_ref, bop_ref, bb_ref, tb_ref, wt1_ref, bt1_ref,
              wt2_ref, bt2_ref, wn1l_ref, wn1u_ref, bn1_ref,
              wn2_ref, bn2_ref, wn3_ref, bn3_ref, out_ref, te2_ref):
    @pl.when(pl.program_id(0) == 0)
    def _():
        j = lax.broadcasted_iota(jnp.int32, (64, 64), 1).astype(jnp.float32)
        freq = jnp.exp(j * (-math.log(10000.0) / 63.0))
        arg = tb_ref[...] * freq
        emb = jnp.concatenate([jnp.sin(arg), jnp.cos(arg)], axis=1)
        v = jnp.dot(emb, wt1_ref[...], preferred_element_type=jnp.float32)
        v = v + bt1_ref[...]
        v = v * _sigmoid(v)
        v = jnp.dot(v, wt2_ref[...], preferred_element_type=jnp.float32)
        v = v + bt2_ref[...]
        te2_ref[...] = jnp.dot(v, wn1l_ref[...],
                               preferred_element_type=jnp.float32)

    agg = pp_ref[0] + pp_ref[1] + uin_ref[...]
    hh = dinv_ref[...] * agg + bg_ref[...]
    hh = ga_ref[...] * (hh * BNSCALE) + be_ref[...]
    h3 = jnp.maximum(hh, 0.0) + hp_ref[...]
    hn = jnp.dot(h3, wop_ref[...], preferred_element_type=jnp.float32)
    hn = hn + bop_ref[...]
    ids = lax.broadcasted_iota(jnp.int32, (BR, 64), 1).astype(jnp.float32)
    oh = (bb_ref[...] == ids).astype(jnp.float32)
    tn = jnp.dot(oh, te2_ref[...], preferred_element_type=jnp.float32)
    a = jnp.dot(hn, wn1u_ref[...], preferred_element_type=jnp.float32)
    a = a + tn + bn1_ref[...]
    a = a * _sigmoid(a)
    b = jnp.dot(a, wn2_ref[...], preferred_element_type=jnp.float32)
    b = b + bn2_ref[...]
    b = b * _sigmoid(b)
    o = jnp.dot(b, wn3_ref[...], preferred_element_type=jnp.float32)
    out_ref[...] = o + bn3_ref[...]


_fin_call = pl.pallas_call(
    _fin_body,
    grid=(G,),
    in_specs=[_pp_spec, _row_spec(), _row_spec(), _row_spec(),
              _b_spec(), _b_spec(), _b_spec(),
              _w_spec(), _b_spec(),
              pl.BlockSpec((BR, 64), lambda i: (i, 0)),
              pl.BlockSpec((64, 64), lambda i: (0, 0)),
              _w_spec(), _b_spec(), _w_spec(), _b_spec(), _w_spec(),
              _w_spec(), _b_spec(), _w_spec(), _b_spec(), _w_spec(), _b_spec()],
    out_specs=_row_spec(),
    out_shape=jax.ShapeDtypeStruct((N, H), jnp.float32),
    scratch_shapes=[pltpu.VMEM((64, H), jnp.float32)],
)



def kernel(x, edge_index, t, batch, W_atom, b_atom, Wg, bg, gamma, beta,
           W_op, b_op, Wt1, bt1, Wt2, bt2, Wn1, bn1, Wn2, bn2, Wn3, bn3):
    f32 = jnp.float32
    pad = EPAD - E
    padi = jnp.arange(pad, dtype=jnp.int32)
    src = jnp.concatenate(
        [edge_index[0].astype(jnp.int32), padi % N])
    dst = jnp.concatenate(
        [edge_index[1].astype(jnp.int32), N + padi % (NPAD - N)])
    src2 = src
    dst2 = dst
    zrows = jnp.zeros((K, H), f32)
    ones_k = jnp.ones((K,), f32)
    zrb = jnp.zeros((RB,), f32)

    degp = _deg_kernel(dst2, ones_k, zrb)
    deg = degp[:N] + degp[NPAD:NPAD + N] + 1.0
    dinv = jnp.where(deg > 0, lax.rsqrt(deg), 0.0)
    dinvb = jnp.broadcast_to(dinv[:, None], (N, H))

    ba2 = b_atom.reshape(1, H)
    h0 = _t0a_call(x, W_atom, ba2)
    u1 = _t0b_call(h0, Wg[0], dinvb)

    hprev = h0
    u = u1
    for i in range(2):
        aggp = _agg_kernel(u, src2, dst2, zrows).reshape(NC, NPAD, H)
        hprev, u = _mid_call(aggp, u, hprev, dinvb,
                             bg[i].reshape(1, H), gamma[i].reshape(1, H),
                             beta[i].reshape(1, H), Wg[i + 1])

    aggp = _agg_kernel(u, src2, dst2, zrows).reshape(NC, NPAD, H)

    tb = jnp.broadcast_to(t.astype(f32)[:, None], (64, 64))
    batchb = jnp.broadcast_to(batch.astype(f32)[:, None], (N, 64))
    out = _fin_call(aggp, u, hprev, dinvb,
                    bg[2].reshape(1, H), gamma[2].reshape(1, H),
                    beta[2].reshape(1, H), W_op, b_op.reshape(1, H),
                    batchb, tb, Wt1, bt1.reshape(1, H), Wt2,
                    bt2.reshape(1, H), Wn1[H:], Wn1[:H], bn1.reshape(1, H),
                    Wn2, bn2.reshape(1, H), Wn3, bn3.reshape(1, H))
    return out

# --- scband reference (transcript-rebuilt; emitter-appended) ---
"""Pipeline reference for scband-molecular-diffusion-gnn-61297773249033 (READ-ONLY COPY).

The authoritative reference and input builder live on the scoring server;
editing this copy changes nothing except your own understanding.
"""

import jax, jax.numpy as jnp
import numpy as np

N = 10000
E = 320000
D = 128
H = 128
L = 3
B = 64
T = 1000

def setup_inputs(seed: int = 0):
    key = jax.random.key(seed)
    ks = jax.random.split(key, 16)
    s = 1.0 / np.sqrt(H)
    inp = {}
    inp["x"] = jax.random.normal(ks[0], (N, D), dtype=jnp.float32)
    inp["edge_index"] = jax.random.randint(ks[1], (2, E), 0, N, dtype=jnp.int32)
    inp["t"] = jax.random.randint(ks[2], (B,), 0, T, dtype=jnp.int32)
    inp["batch"] = jnp.sort(jax.random.randint(ks[3], (N,), 0, B, dtype=jnp.int32))
    inp["W_atom"] = jax.random.normal(ks[4], (D, H)) * (1.0 / np.sqrt(D))
    inp["b_atom"] = jnp.zeros((H,))
    inp["Wg"] = jax.random.normal(ks[5], (L, H, H)) * s
    inp["bg"] = jnp.zeros((L, H))
    inp["gamma"] = jnp.ones((L, H))
    inp["beta"] = jnp.zeros((L, H))
    inp["W_op"] = jax.random.normal(ks[6], (H, H)) * s
    inp["b_op"] = jnp.zeros((H,))
    inp["Wt1"] = jax.random.normal(ks[7], (128, H)) * s
    inp["bt1"] = jnp.zeros((H,))
    inp["Wt2"] = jax.random.normal(ks[8], (H, H)) * s
    inp["bt2"] = jnp.zeros((H,))
    inp["Wn1"] = jax.random.normal(ks[9], (2 * H, H)) * (1.0 / np.sqrt(2 * H))
    inp["bn1"] = jnp.zeros((H,))
    inp["Wn2"] = jax.random.normal(ks[10], (H, H)) * s
    inp["bn2"] = jnp.zeros((H,))
    inp["Wn3"] = jax.random.normal(ks[11], (H, D)) * s
    inp["bn3"] = jnp.zeros((D,))
    return inp

def _silu(v):
    return v * jax.nn.sigmoid(v)

def _forward(x, W_atom, b_atom, Wg, bg, gamma, beta, W_op, b_op, Wt1, bt1, Wt2, bt2, Wn1, bn1, Wn2, bn2, Wn3, bn3, edge_index, t, batch):
    n = x.shape[0]
    si = jnp.arange(n, dtype=edge_index.dtype)
    src = jnp.concatenate([edge_index[0], si])
    dst = jnp.concatenate([edge_index[1], si])
    deg = jnp.zeros((n,), x.dtype).at[dst].add(1.0)
    dinv = jnp.where(deg > 0, 1.0 / jnp.sqrt(deg), 0.0)
    norm = (dinv[src] * dinv[dst])[:, None]
    h = x @ W_atom + b_atom
    eps = 1e-5
    bnscale = 1.0 / np.sqrt(1.0 + eps)
    for i in range(L):
        h_in = h
        hw = h @ Wg[i]
        msg = hw[src] * norm
        h = jnp.zeros_like(hw).at[dst].add(msg) + bg[i]
        h = gamma[i] * (h * bnscale) + beta[i]
        h = jax.nn.relu(h)
        h = h + h_in
    hn = h @ W_op + b_op
    half = 64
    freq = jnp.exp(jnp.arange(half, dtype=jnp.float32) * -(np.log(10000.0) / (half - 1)))
    te = t.astype(jnp.float32)[:, None] * freq[None, :]
    te = jnp.concatenate([jnp.sin(te), jnp.cos(te)], axis=-1)
    te = _silu(te @ Wt1 + bt1) @ Wt2 + bt2
    tn = te[batch]
    c = jnp.concatenate([hn, tn], axis=-1)
    h2 = _silu(c @ Wn1 + bn1)
    h2 = _silu(h2 @ Wn2 + bn2)
    return h2 @ Wn3 + bn3

def reference(x, edge_index, t, batch, W_atom, b_atom, Wg, bg, gamma, beta, W_op, b_op, Wt1, bt1, Wt2, bt2, Wn1, bn1, Wn2, bn2, Wn3, bn3):
    return _forward(x, W_atom, b_atom, Wg, bg, gamma, beta, W_op, b_op, Wt1, bt1, Wt2, bt2, Wn1, bn1, Wn2, bn2, Wn3, bn3, edge_index, t, batch)

if __name__ == "__main__":
    import jax
    _d = setup_inputs()
    print(jax.jit(kernel)(*tuple(_d.values())))

</pallas_src>

<mosaic_0001>
#map = affine_map<(d0, d1) -> (0, 0)>
#map1 = affine_map<(d0, d1) -> (0)>
module attributes {stable_mosaic.version = 14 : i64} {
  func.func @_agg_kernel(%arg0: i32, %arg1: i32, %arg2: memref<10000x128xf32, #tpu.memory_space<hbm>>, %arg3: memref<331776xi32, #tpu.memory_space<hbm>>, %arg4: memref<331776xi32, #tpu.memory_space<hbm>>, %arg5: memref<128x128xf32, #tpu.memory_space<hbm>>, %arg6: memref<20224x128xf32, #tpu.memory_space<hbm>>, %arg7: memref<3x128xi32, #tpu.memory_space<vmem>>, %arg8: memref<3x128xi32, #tpu.memory_space<vmem>>, %arg9: memref<384x128xf32, #tpu.memory_space<vmem>>, %arg10: memref<10112x128xf32, #tpu.memory_space<vmem_shared>>, %arg11: memref<!tpu.dma_semaphore, #tpu.memory_space<semaphore_mem>>, %arg12: memref<!tpu.dma_semaphore, #tpu.memory_space<semaphore_mem>>, %arg13: memref<!tpu.dma_semaphore, #tpu.memory_space<semaphore_mem>>, %arg14: memref<!tpu.dma_semaphore, #tpu.memory_space<semaphore_mem>>, %arg15: memref<!tpu.dma_semaphore, #tpu.memory_space<semaphore_mem>>, %arg16: memref<!tpu.dma_semaphore, #tpu.memory_space<semaphore_mem>>) attributes {dimension_semantics = [#tpu.dimension_semantics<core_parallel>, #tpu.dimension_semantics<subcore_parallel>], iteration_bounds = array<i64: 2, 16>, scalar_prefetch = 0 : i64, scratch_operands = 10 : i64, tpu.core_type = #tpu.core_type<sc_vector_subcore>, window_params = [{transform_indices = #map}, {transform_indices = #map1}, {transform_indices = #map1}, {transform_indices = #map}, {transform_indices = #map}]} {
    %mul3A = arith.constant 16 : i32
    %mul3A_0 = arith.muli %arg0, %mul3A : i32
    %add3A = arith.addi %mul3A_0, %arg1 : i32
    %mul3A_1 = arith.constant 81 : i32
    %mul3A_2 = arith.muli %add3A, %mul3A_1 : i32
    %add3A_3 = arith.constant 0 : i32
    %add3A_4 = arith.addi %mul3A_2, %add3A_3 : i32
    %mul3A_5 = arith.constant 128 : i32
    %mul3A_6 = arith.muli %add3A_4, %mul3A_5 : i32
    %run_scoped3A = arith.constant 0 : i32
    "tpu.region"() ({
      %run_scoped3A_347 = tpu.sem_alloc : memref<!tpu.dma_semaphore, #tpu.memory_space<semaphore_mem>>
      %dma_start3A_348 = arith.constant 0 : i32
      %dma_start3A_349 = tpu.memref_slice %arg7[%run_scoped3A, %dma_start3A_348] : memref<3x128xi32, #tpu.memory_space<vmem>> -> memref<1x128xi32, #tpu.memory_space<vmem>>
      %dma_start3A_350 = tpu.memref_squeeze %dma_start3A_349 : memref<1x128xi32, #tpu.memory_space<vmem>> -> memref<128xi32, #tpu.memory_space<vmem>>
      %dma_start3A_351 = tpu.memref_slice %arg3[%mul3A_6] : memref<331776xi32, #tpu.memory_space<hbm>> -> memref<128xi32, #tpu.memory_space<hbm>>
      %dma_start3A_352 = arith.constant 0 : i32
      %dma_start3A_353 = tpu.memref_slice %arg7[%run_scoped3A, %dma_start3A_352] : memref<3x128xi32, #tpu.memory_space<vmem>> -> memref<1x128xi32, #tpu.memory_space<vmem>>
      %dma_start3A_354 = tpu.memref_squeeze %dma_start3A_353 : memref<1x128xi32, #tpu.memory_space<vmem>> -> memref<128xi32, #tpu.memory_space<vmem>>
      %dma_start3A_355 = tpu.memref_slice %arg3[%mul3A_6] : memref<331776xi32, #tpu.memory_space<hbm>> -> memref<128xi32, #tpu.memory_space<hbm>>
      tpu.enqueue_dma source(%dma_start3A_355 : memref<128xi32, #tpu.memory_space<hbm>>) target(%dma_start3A_354 : memref<128xi32, #tpu.memory_space<vmem>>) target_semaphore(%run_scoped3A_347 : memref<!tpu.dma_semaphore, #tpu.memory_space<semaphore_mem>>)
      %dma_wait3A_356 = arith.constant 0 : i32
      %dma_wait3A_357 = tpu.memref_slice %arg7[%run_scoped3A, %dma_wait3A_356] : memref<3x128xi32, #tpu.memory_space<vmem>> -> memref<1x128xi32, #tpu.memory_space<vmem>>
      %dma_wait3A_358 = tpu.memref_squeeze %dma_wait3A_357 : memref<1x128xi32, #tpu.memory_space<vmem>> -> memref<128xi32, #tpu.memory_space<vmem>>
      %dma_wait3A_359 = tpu.memref_slice %arg3[%mul3A_6] : memref<331776xi32, #tpu.memory_space<hbm>> -> memref<128xi32, #tpu.memory_space<hbm>>
      %dma_wait3A_360 = arith.constant 0 : i32
      %dma_wait3A_361 = tpu.memref_slice %arg7[%run_scoped3A, %dma_wait3A_360] : memref<3x128xi32, #tpu.memory_space<vmem>> -> memref<1x128xi32, #tpu.memory_space<vmem>>
      %dma_wait3A_362 = tpu.memref_squeeze %dma_wait3A_361 : memref<1x128xi32, #tpu.memory_space<vmem>> -> memref<128xi32, #tpu.memory_space<vmem>>
      %dma_wait3A_363 = tpu.memref_slice %arg3[%mul3A_6] : memref<331776xi32, #tpu.memory_space<hbm>> -> memref<128xi32, #tpu.memory_space<hbm>>
      tpu.wait_dma2 semaphore(%run_scoped3A_347 : memref<!tpu.dma_semaphore, #tpu.memory_space<semaphore_mem>>) src(%dma_wait3A_363 : memref<128xi32, #tpu.memory_space<hbm>>) dst(%dma_wait3A_362 : memref<128xi32, #tpu.memory_space<vmem>>)
      tpu.yield
    }) : () -> ()
    %add3A_7 = arith.constant 0 : i32
    %add3A_8 = arith.addi %mul3A_2, %add3A_7 : i32
    %mul3A_9 = arith.constant 128 : i32
    %mul3A_10 = arith.muli %add3A_8, %mul3A_9 : i32
    %run_scoped3A_11 = arith.constant 0 : i32
    "tpu.region"() ({
      %run_scoped3A_347 = tpu.sem_alloc : memref<!tpu.dma_semaphore, #tpu.memory_space<semaphore_mem>>
      %dma_start3A_348 = arith.constant 0 : i32
      %dma_start3A_349 = tpu.memref_slice %arg8[%run_scoped3A_11, %dma_start3A_348] : memref<3x128xi32, #tpu.memory_space<vmem>> -> memref<1x128xi32, #tpu.memory_space<vmem>>
      %dma_start3A_350 = tpu.memref_squeeze %dma_start3A_349 : memref<1x128xi32, #tpu.memory_space<vmem>> -> memref<128xi32, #tpu.memory_space<vmem>>
      %dma_start3A_351 = tpu.memref_slice %arg4[%mul3A_10] : memref<331776xi32, #tpu.memory_space<hbm>> -> memref<128xi32, #tpu.memory_space<hbm>>
      %dma_start3A_352 = arith.constant 0 : i32
      %dma_start3A_353 = tpu.memref_slice %arg8[%run_scoped3A_11, %dma_start3A_352] : memref<3x128xi32, #tpu.memory_space<vmem>> -> memref<1x128xi32, #tpu.memory_space<vmem>>
      %dma_start3A_354 = tpu.memref_squeeze %dma_start3A_353 : memref<1x128xi32, #tpu.memory_space<vmem>> -> memref<128xi32, #tpu.memory_space<vmem>>
      %dma_start3A_355 = tpu.memref_slice %arg4[%mul3A_10] : memref<331776xi32, #tpu.memory_space<hbm>> -> memref<128xi32, #tpu.memory_space<hbm>>
      tpu.enqueue_dma source(%dma_start3A_355 : memref<128xi32, #tpu.memory_space<hbm>>) target(%dma_start3A_354 : memref<128xi32, #tpu.memory_space<vmem>>) target_semaphore(%run_scoped3A_347 : memref<!tpu.dma_semaphore, #tpu.memory_space<semaphore_mem>>)
      %dma_wait3A_356 = arith.constant 0 : i32
      %dma_wait3A_357 = tpu.memref_slice %arg8[%run_scoped3A_11, %dma_wait3A_356] : memref<3x128xi32, #tpu.memory_space<vmem>> -> memref<1x128xi32, #tpu.memory_space<vmem>>
      %dma_wait3A_358 = tpu.memref_squeeze %dma_wait3A_357 : memref<1x128xi32, #tpu.memory_space<vmem>> -> memref<128xi32, #tpu.memory_space<vmem>>
      %dma_wait3A_359 = tpu.memref_slice %arg4[%mul3A_10] : memref<331776xi32, #tpu.memory_space<hbm>> -> memref<128xi32, #tpu.memory_space<hbm>>
      %dma_wait3A_360 = arith.constant 0 : i32
      %dma_wait3A_361 = tpu.memref_slice %arg8[%run_scoped3A_11, %dma_wait3A_360] : memref<3x128xi32, #tpu.memory_space<vmem>> -> memref<1x128xi32, #tpu.memory_space<vmem>>
      %dma_wait3A_362 = tpu.memref_squeeze %dma_wait3A_361 : memref<1x128xi32, #tpu.memory_space<vmem>> -> memref<128xi32, #tpu.memory_space<vmem>>
      %dma_wait3A_363 = tpu.memref_slice %arg4[%mul3A_10] : memref<331776xi32, #tpu.memory_space<hbm>> -> memref<128xi32, #tpu.memory_space<hbm>>
      tpu.wait_dma2 semaphore(%run_scoped3A_347 : memref<!tpu.dma_semaphore, #tpu.memory_space<semaphore_mem>>) src(%dma_wait3A_363 : memref<128xi32, #tpu.memory_space<hbm>>) dst(%dma_wait3A_362 : memref<128xi32, #tpu.memory_space<vmem>>)
      tpu.yield
    }) : () -> ()
    %add3A_12 = arith.constant 1 : i32
    %add3A_13 = arith.addi %mul3A_2, %add3A_12 : i32
    %mul3A_14 = arith.constant 128 : i32
    %mul3A_15 = arith.muli %add3A_13, %mul3A_14 : i32
    %run_scoped3A_16 = arith.constant 1 : i32
    "tpu.region"() ({
      %run_scoped3A_347 = tpu.sem_alloc : memref<!tpu.dma_semaphore, #tpu.memory_space<semaphore_mem>>
      %dma_start3A_348 = arith.constant 0 : i32
      %dma_start3A_349 = tpu.memref_slice %arg7[%run_scoped3A_16, %dma_start3A_348] : memref<3x128xi32, #tpu.memory_space<vmem>> -> memref<1x128xi32, #tpu.memory_space<vmem>>
      %dma_start3A_350 = tpu.memref_squeeze %dma_start3A_349 : memref<1x128xi32, #tpu.memory_space<vmem>> -> memref<128xi32, #tpu.memory_space<vmem>>
      %dma_start3A_351 = tpu.memref_slice %arg3[%mul3A_15] : memref<331776xi32, #tpu.memory_space<hbm>> -> memref<128xi32, #tpu.memory_space<hbm>>
      %dma_start3A_352 = arith.constant 0 : i32
      %dma_start3A_353 = tpu.memref_slice %arg7[%run_scoped3A_16, %dma_start3A_352] : memref<3x128xi32, #tpu.memory_space<vmem>> -> memref<1x128xi32, #tpu.memory_space<vmem>>
      %dma_start3A_354 = tpu.memref_squeeze %dma_start3A_353 : memref<1x128xi32, #tpu.memory_space<vmem>> -> memref<128xi32, #tpu.memory_space<vmem>>
      %dma_start3A_355 = tpu.memref_slice %arg3[%mul3A_15] : memref<331776xi32, #tpu.memory_space<hbm>> -> memref<128xi32, #tpu.memory_space<hbm>>
      tpu.enqueue_dma source(%dma_start3A_355 : memref<128xi32, #tpu.memory_space<hbm>>) target(%dma_start3A_354 : memref<128xi32, #tpu.memory_space<vmem>>) target_semaphore(%run_scoped3A_347 : memref<!tpu.dma_semaphore, #tpu.memory_space<semaphore_mem>>)
      %dma_wait3A_356 = arith.constant 0 : i32
      %dma_wait3A_357 = tpu.memref_slice %arg7[%run_scoped3A_16, %dma_wait3A_356] : memref<3x128xi32, #tpu.memory_space<vmem>> -> memref<1x128xi32, #tpu.memory_space<vmem>>
      %dma_wait3A_358 = tpu.memref_squeeze %dma_wait3A_357 : memref<1x128xi32, #tpu.memory_space<vmem>> -> memref<128xi32, #tpu.memory_space<vmem>>
      %dma_wait3A_359 = tpu.memref_slice %arg3[%mul3A_15] : memref<331776xi32, #tpu.memory_space<hbm>> -> memref<128xi32, #tpu.memory_space<hbm>>
      %dma_wait3A_360 = arith.constant 0 : i32
      %dma_wait3A_361 = tpu.memref_slice %arg7[%run_scoped3A_16, %dma_wait3A_360] : memref<3x128xi32, #tpu.memory_space<vmem>> -> memref<1x128xi32, #tpu.memory_space<vmem>>
      %dma_wait3A_362 = tpu.memref_squeeze %dma_wait3A_361 : memref<1x128xi32, #tpu.memory_space<vmem>> -> memref<128xi32, #tpu.memory_space<vmem>>
      %dma_wait3A_363 = tpu.memref_slice %arg3[%mul3A_15] : memref<331776xi32, #tpu.memory_space<hbm>> -> memref<128xi32, #tpu.memory_space<hbm>>
      tpu.wait_dma2 semaphore(%run_scoped3A_347 : memref<!tpu.dma_semaphore, #tpu.memory_space<semaphore_mem>>) src(%dma_wait3A_363 : memref<128xi32, #tpu.memory_space<hbm>>) dst(%dma_wait3A_362 : memref<128xi32, #tpu.memory_space<vmem>>)
      tpu.yield
    }) : () -> ()
    %add3A_17 = arith.constant 1 : i32
    %add3A_18 = arith.addi %mul3A_2, %add3A_17 : i32
    %mul3A_19 = arith.constant 128 : i32
    %mul3A_20 = arith.muli %add3A_18, %mul3A_19 : i32
    %run_scoped3A_21 = arith.constant 1 : i32
    "tpu.region"() ({
      %run_scoped3A_347 = tpu.sem_alloc : memref<!tpu.dma_semaphore, #tpu.memory_space<semaphore_mem>>
      %dma_start3A_348 = arith.constant 0 : i32
      %dma_start3A_349 = tpu.memref_slice %arg8[%run_scoped3A_21, %dma_start3A_348] : memref<3x128xi32, #tpu.memory_space<vmem>> -> memref<1x128xi32, #tpu.memory_space<vmem>>
      %dma_start3A_350 = tpu.memref_squeeze %dma_start3A_349 : memref<1x128xi32, #tpu.memory_space<vmem>> -> memref<128xi32, #tpu.memory_space<vmem>>
      %dma_start3A_351 = tpu.memref_slice %arg4[%mul3A_20] : memref<331776xi32, #tpu.memory_space<hbm>> -> memref<128xi32, #tpu.memory_space<hbm>>
      %dma_start3A_352 = arith.constant 0 : i32
      %dma_start3A_353 = tpu.memref_slice %arg8[%run_scoped3A_21, %dma_start3A_352] : memref<3x128xi32, #tpu.memory_space<vmem>> -> memref<1x128xi32, #tpu.memory_space<vmem>>
      %dma_start3A_354 = tpu.memref_squeeze %dma_start3A_353 : memref<1x128xi32, #tpu.memory_space<vmem>> -> memref<128xi32, #tpu.memory_space<vmem>>
      %dma_start3A_355 = tpu.memref_slice %arg4[%mul3A_20] : memref<331776xi32, #tpu.memory_space<hbm>> -> memref<128xi32, #tpu.memory_space<hbm>>
      tpu.enqueue_dma source(%dma_start3A_355 : memref<128xi32, #tpu.memory_space<hbm>>) target(%dma_start3A_354 : memref<128xi32, #tpu.memory_space<vmem>>) target_semaphore(%run_scoped3A_347 : memref<!tpu.dma_semaphore, #tpu.memory_space<semaphore_mem>>)
      %dma_wait3A_356 = arith.constant 0 : i32
      %dma_wait3A_357 = tpu.memref_slice %arg8[%run_scoped3A_21, %dma_wait3A_356] : memref<3x128xi32, #tpu.memory_space<vmem>> -> memref<1x128xi32, #tpu.memory_space<vmem>>
      %dma_wait3A_358 = tpu.memref_squeeze %dma_wait3A_357 : memref<1x128xi32, #tpu.memory_space<vmem>> -> memref<128xi32, #tpu.memory_space<vmem>>
      %dma_wait3A_359 = tpu.memref_slice %arg4[%mul3A_20] : memref<331776xi32, #tpu.memory_space<hbm>> -> memref<128xi32, #tpu.memory_space<hbm>>
      %dma_wait3A_360 = arith.constant 0 : i32
      %dma_wait3A_361 = tpu.memref_slice %arg8[%run_scoped3A_21, %dma_wait3A_360] : memref<3x128xi32, #tpu.memory_space<vmem>> -> memref<1x128xi32, #tpu.memory_space<vmem>>
      %dma_wait3A_362 = tpu.memref_squeeze %dma_wait3A_361 : memref<1x128xi32, #tpu.memory_space<vmem>> -> memref<128xi32, #tpu.memory_space<vmem>>
      %dma_wait3A_363 = tpu.memref_slice %arg4[%mul3A_20] : memref<331776xi32, #tpu.memory_space<hbm>> -> memref<128xi32, #tpu.memory_space<hbm>>
      tpu.wait_dma2 semaphore(%run_scoped3A_347 : memref<!tpu.dma_semaphore, #tpu.memory_space<semaphore_mem>>) src(%dma_wait3A_363 : memref<128xi32, #tpu.memory_space<hbm>>) dst(%dma_wait3A_362 : memref<128xi32, #tpu.memory_space<vmem>>)
      tpu.yield
    }) : () -> ()
    %dma_start3A = arith.constant 0 : i32
    %dma_start3A_22 = arith.constant 0 : i32
    %dma_start3A_23 = arith.constant 0 : i32
    %dma_start3A_24 = tpu.memref_slice %arg9[%dma_start3A_22, %dma_start3A_23] : memref<384x128xf32, #tpu.memory_space<vmem>> -> memref<128x128xf32, #tpu.memory_space<vmem>>
    %dma_start3A_25 = arith.constant 0 : i32
    %dma_start3A_26 = tpu.memref_slice %arg7[%dma_start3A, %dma_start3A_25] : memref<3x128xi32, #tpu.memory_space<vmem>> -> memref<1x128xi32, #tpu.memory_space<vmem>>
    %dma_start3A_27 = tpu.memref_squeeze %dma_start3A_26 : memref<1x128xi32, #tpu.memory_space<vmem>> -> memref<128xi32, #tpu.memory_space<vmem>>
    %dma_start3A_28 = arith.constant 0 : i32
    %dma_start3A_29 = arith.constant 0 : i32
    %dma_start3A_30 = tpu.memref_slice %arg2[%dma_start3A_28, %dma_start3A_29] : memref<10000x128xf32, #tpu.memory_space<hbm>> -> memref<10000x128xf32, #tpu.memory_space<hbm>>
    tpu.enqueue_indirect_dma source(%dma_start3A_30 : memref<10000x128xf32, #tpu.memory_space<hbm>>) target(%dma_start3A_24 : memref<128x128xf32, #tpu.memory_space<vmem>>) offsets(%dma_start3A_27 : memref<128xi32, #tpu.memory_space<vmem>>) semaphore(%arg11 : memref<!tpu.dma_semaphore, #tpu.memory_space<semaphore_mem>>)
    %dma_start3A_31 = arith.constant 1 : i32
    %dma_start3A_32 = arith.constant 128 : i32
    %dma_start3A_33 = arith.constant 0 : i32
    %dma_start3A_34 = tpu.memref_slice %arg9[%dma_start3A_32, %dma_start3A_33] : memref<384x128xf32, #tpu.memory_space<vmem>> -> memref<128x128xf32, #tpu.memory_space<vmem>>
    %dma_start3A_35 = arith.constant 0 : i32
    %dma_start3A_36 = tpu.memref_slice %arg7[%dma_start3A_31, %dma_start3A_35] : memref<3x128xi32, #tpu.memory_space<vmem>> -> memref<1x128xi32, #tpu.memory_space<vmem>>
    %dma_start3A_37 = tpu.memref_squeeze %dma_start3A_36 : memref<1x128xi32, #tpu.memory_space<vmem>> -> memref<128xi32, #tpu.memory_space<vmem>>
    %dma_start3A_38 = arith.constant 0 : i32
    %dma_start3A_39 = arith.constant 0 : i32
    %dma_start3A_40 = tpu.memref_slice %arg2[%dma_start3A_38, %dma_start3A_39] : memref<10000x128xf32, #tpu.memory_space<hbm>> -> memref<10000x128xf32, #tpu.memory_space<hbm>>
    tpu.enqueue_indirect_dma source(%dma_start3A_40 : memref<10000x128xf32, #tpu.memory_space<hbm>>) target(%dma_start3A_34 : memref<128x128xf32, #tpu.memory_space<vmem>>) offsets(%dma_start3A_37 : memref<128xi32, #tpu.memory_space<vmem>>) semaphore(%arg12 : memref<!tpu.dma_semaphore, #tpu.memory_space<semaphore_mem>>)
    "tpu.region"() ({
      %run_scoped3A_347 = tpu.sem_alloc : memref<!tpu.dma_semaphore, #tpu.memory_space<semaphore_mem>>
      %dma_start3A_348 = arith.constant 256 : i32
      %dma_start3A_349 = arith.constant 0 : i32
      %dma_start3A_350 = tpu.memref_slice %arg9[%dma_start3A_348, %dma_start3A_349] : memref<384x128xf32, #tpu.memory_space<vmem>> -> memref<128x128xf32, #tpu.memory_space<vmem>>
      %dma_start3A_351 = arith.constant 256 : i32
      %dma_start3A_352 = arith.constant 0 : i32
      %dma_start3A_353 = tpu.memref_slice %arg9[%dma_start3A_351, %dma_start3A_352] : memref<384x128xf32, #tpu.memory_space<vmem>> -> memref<128x128xf32, #tpu.memory_space<vmem>>
      tpu.enqueue_dma source(%arg5 : memref<128x128xf32, #tpu.memory_space<hbm>>) target(%dma_start3A_353 : memref<128x128xf32, #tpu.memory_space<vmem>>) target_semaphore(%run_scoped3A_347 : memref<!tpu.dma_semaphore, #tpu.memory_space<semaphore_mem>>)
      %dma_wait3A_354 = arith.constant 256 : i32
      %dma_wait3A_355 = arith.constant 0 : i32
      %dma_wait3A_356 = tpu.memref_slice %arg9[%dma_wait3A_354, %dma_wait3A_355] : memref<384x128xf32, #tpu.memory_space<vmem>> -> memref<128x128xf32, #tpu.memory_space<vmem>>
      %dma_wait3A_357 = arith.constant 256 : i32
      %dma_wait3A_358 = arith.constant 0 : i32
      %dma_wait3A_359 = tpu.memref_slice %arg9[%dma_wait3A_357, %dma_wait3A_358] : memref<384x128xf32, #tpu.memory_space<vmem>> -> memref<128x128xf32, #tpu.memory_space<vmem>>
      tpu.wait_dma2 semaphore(%run_scoped3A_347 : memref<!tpu.dma_semaphore, #tpu.memory_space<semaphore_mem>>) src(%arg5 : memref<128x128xf32, #tpu.memory_space<hbm>>) dst(%dma_wait3A_359 : memref<128x128xf32, #tpu.memory_space<vmem>>)
      tpu.yield
    }) : () -> ()
    %mul3A_41 = arith.constant 632 : i32
    %mul3A_42 = arith.muli %arg1, %mul3A_41 : i32
    %add3A_43 = arith.constant 0 : i32
    %add3A_44 = arith.addi %mul3A_42, %add3A_43 : i32
    "tpu.region"() ({
      %run_scoped3A_347 = tpu.sem_alloc : memref<!tpu.dma_semaphore, #tpu.memory_space<semaphore_mem>>
      %dma_start3A_348 = arith.constant 256 : i32
      %dma_start3A_349 = arith.constant 0 : i32
      %dma_start3A_350 = tpu.memref_slice %arg9[%dma_start3A_348, %dma_start3A_349] : memref<384x128xf32, #tpu.memory_space<vmem>> -> memref<128x128xf32, #tpu.memory_space<vmem>>
      %dma_start3A_351 = arith.constant 0 : i32
      %dma_start3A_352 = tpu.memref_slice %arg10[%add3A_44, %dma_start3A_351] : memref<10112x128xf32, #tpu.memory_space<vmem_shared>> -> memref<128x128xf32, #tpu.memory_space<vmem_shared>>
      %dma_start3A_353 = arith.constant 0 : i32
      %dma_start3A_354 = tpu.memref_slice %arg10[%add3A_44, %dma_start3A_353] : memref<10112x128xf32, #tpu.memory_space<vmem_shared>> -> memref<128x128xf32, #tpu.memory_space<vmem_shared>>
      %dma_start3A_355 = arith.constant 256 : i32
      %dma_start3A_356 = arith.constant 0 : i32
      %dma_start3A_357 = tpu.memref_slice %arg9[%dma_start3A_355, %dma_start3A_356] : memref<384x128xf32, #tpu.memory_space<vmem>> -> memref<128x128xf32, #tpu.memory_space<vmem>>
      tpu.enqueue_dma source(%dma_start3A_357 : memref<128x128xf32, #tpu.memory_space<vmem>>) target(%dma_start3A_354 : memref<128x128xf32, #tpu.memory_space<vmem_shared>>) target_semaphore(%run_scoped3A_347 : memref<!tpu.dma_semaphore, #tpu.memory_space<semaphore_mem>>)
      %dma_wait3A_358 = arith.constant 256 : i32
      %dma_wait3A_359 = arith.constant 0 : i32
      %dma_wait3A_360 = tpu.memref_slice %arg9[%dma_wait3A_358, %dma_wait3A_359] : memref<384x128xf32, #tpu.memory_space<vmem>> -> memref<128x128xf32, #tpu.memory_space<vmem>>
      %dma_wait3A_361 = arith.constant 0 : i32
      %dma_wait3A_362 = tpu.memref_slice %arg10[%add3A_44, %dma_wait3A_361] : memref<10112x128xf32, #tpu.memory_space<vmem_shared>> -> memref<128x128xf32, #tpu.memory_space<vmem_shared>>
      %dma_wait3A_363 = arith.constant 0 : i32
      %dma_wait3A_364 = tpu.memref_slice %arg10[%add3A_44, %dma_wait3A_363] : memref<10112x128xf32, #tpu.memory_space<vmem_shared>> -> memref<128x128xf32, #tpu.memory_space<vmem_shared>>
      %dma_wait3A_365 = arith.constant 256 : i32
      %dma_wait3A_366 = arith.constant 0 : i32
      %dma_wait3A_367 = tpu.memref_slice %arg9[%dma_wait3A_365, %dma_wait3A_366] : memref<384x128xf32, #tpu.memory_space<vmem>> -> memref<128x128xf32, #tpu.memory_space<vmem>>
      tpu.wait_dma2 semaphore(%run_scoped3A_347 : memref<!tpu.dma_semaphore, #tpu.memory_space<semaphore_mem>>) src(%dma_wait3A_367 : memref<128x128xf32, #tpu.memory_space<vmem>>) dst(%dma_wait3A_364 : memref<128x128xf32, #tpu.memory_space<vmem_shared>>)
      tpu.yield
    }) : () -> ()
    %mul3A_45 = arith.constant 632 : i32
    %mul3A_46 = arith.muli %arg1, %mul3A_45 : i32
    %add3A_47 = arith.constant 128 : i32
    %add3A_48 = arith.addi %mul3A_46, %add3A_47 : i32
    "tpu.region"() ({
      %run_scoped3A_347 = tpu.sem_alloc : memref<!tpu.dma_semaphore, #tpu.memory_space<semaphore_mem>>
      %dma_start3A_348 = arith.constant 256 : i32
      %dma_start3A_349 = arith.constant 0 : i32
      %dma_start3A_350 = tpu.memref_slice %arg9[%dma_start3A_348, %dma_start3A_349] : memref<384x128xf32, #tpu.memory_space<vmem>> -> memref<128x128xf32, #tpu.memory_space<vmem>>
      %dma_start3A_351 = arith.constant 0 : i32
      %dma_start3A_352 = tpu.memref_slice %arg10[%add3A_48, %dma_start3A_351] : memref<10112x128xf32, #tpu.memory_space<vmem_shared>> -> memref<128x128xf32, #tpu.memory_space<vmem_shared>>
      %dma_start3A_353 = arith.constant 0 : i32
      %dma_start3A_354 = tpu.memref_slice %arg10[%add3A_48, %dma_start3A_353] : memref<10112x128xf32, #tpu.memory_space<vmem_shared>> -> memref<128x128xf32, #tpu.memory_space<vmem_shared>>
      %dma_start3A_355 = arith.constant 256 : i32
      %dma_start3A_356 = arith.constant 0 : i32
      %dma_start3A_357 = tpu.memref_slice %arg9[%dma_start3A_355, %dma_start3A_356] : memref<384x128xf32, #tpu.memory_space<vmem>> -> memref<128x128xf32, #tpu.memory_space<vmem>>
      tpu.enqueue_dma source(%dma_start3A_357 : memref<128x128xf32, #tpu.memory_space<vmem>>) target(%dma_start3A_354 : memref<128x128xf32, #tpu.memory_space<vmem_shared>>) target_semaphore(%run_scoped3A_347 : memref<!tpu.dma_semaphore, #tpu.memory_space<semaphore_mem>>)
      %dma_wait3A_358 = arith.constant 256 : i32
      %dma_wait3A_359 = arith.constant 0 : i32
      %dma_wait3A_360 = tpu.memref_slice %arg9[%dma_wait3A_358, %dma_wait3A_359] : memref<384x128xf32, #tpu.memory_space<vmem>> -> memref<128x128xf32, #tpu.memory_space<vmem>>
      %dma_wait3A_361 = arith.constant 0 : i32
      %dma_wait3A_362 = tpu.memref_slice %arg10[%add3A_48, %dma_wait3A_361] : memref<10112x128xf32, #tpu.memory_space<vmem_shared>> -> memref<128x128xf32, #tpu.memory_space<vmem_shared>>
      %dma_wait3A_363 = arith.constant 0 : i32
      %dma_wait3A_364 = tpu.memref_slice %arg10[%add3A_48, %dma_wait3A_363] : memref<10112x128xf32, #tpu.memory_space<vmem_shared>> -> memref<128x128xf32, #tpu.memory_space<vmem_shared>>
      %dma_wait3A_365 = arith.constant 256 : i32
      %dma_wait3A_366 = arith.constant 0 : i32
      %dma_wait3A_367 = tpu.memref_slice %arg9[%dma_wait3A_365, %dma_wait3A_366] : memref<384x128xf32, #tpu.memory_space<vmem>> -> memref<128x128xf32, #tpu.memory_space<vmem>>
      tpu.wait_dma2 semaphore(%run_scoped3A_347 : memref<!tpu.dma_semaphore, #tpu.memory_space<semaphore_mem>>) src(%dma_wait3A_367 : memref<128x128xf32, #tpu.memory_space<vmem>>) dst(%dma_wait3A_364 : memref<128x128xf32, #tpu.memory_space<vmem_shared>>)
      tpu.yield
    }) : () -> ()
    %mul3A_49 = arith.constant 632 : i32
    %mul3A_50 = arith.muli %arg1, %mul3A_49 : i32
    %add3A_51 = arith.constant 256 : i32
    %add3A_52 = arith.addi %mul3A_50, %add3A_51 : i32
    "tpu.region"() ({
      %run_scoped3A_347 = tpu.sem_alloc : memref<!tpu.dma_semaphore, #tpu.memory_space<semaphore_mem>>
      %dma_start3A_348 = arith.constant 256 : i32
      %dma_start3A_349 = arith.constant 0 : i32
      %dma_start3A_350 = tpu.memref_slice %arg9[%dma_start3A_348, %dma_start3A_349] : memref<384x128xf32, #tpu.memory_space<vmem>> -> memref<128x128xf32, #tpu.memory_space<vmem>>
      %dma_start3A_351 = arith.constant 0 : i32
      %dma_start3A_352 = tpu.memref_slice %arg10[%add3A_52, %dma_start3A_351] : memref<10112x128xf32, #tpu.memory_space<vmem_shared>> -> memref<128x128xf32, #tpu.memory_space<vmem_shared>>
      %dma_start3A_353 = arith.constant 0 : i32
      %dma_start3A_354 = tpu.memref_slice %arg10[%add3A_52, %dma_start3A_353] : memref<10112x128xf32, #tpu.memory_space<vmem_shared>> -> memref<128x128xf32, #tpu.memory_space<vmem_shared>>
      %dma_start3A_355 = arith.constant 256 : i32
      %dma_start3A_356 = arith.constant 0 : i32
      %dma_start3A_357 = tpu.memref_slice %arg9[%dma_start3A_355, %dma_start3A_356] : memref<384x128xf32, #tpu.memory_space<vmem>> -> memref<128x128xf32, #tpu.memory_space<vmem>>
      tpu.enqueue_dma source(%dma_start3A_357 : memref<128x128xf32, #tpu.memory_space<vmem>>) target(%dma_start3A_354 : memref<128x128xf32, #tpu.memory_space<vmem_shared>>) target_semaphore(%run_scoped3A_347 : memref<!tpu.dma_semaphore, #tpu.memory_space<semaphore_mem>>)
      %dma_wait3A_358 = arith.constant 256 : i32
      %dma_wait3A_359 = arith.constant 0 : i32
      %dma_wait3A_360 = tpu.memref_slice %arg9[%dma_wait3A_358, %dma_wait3A_359] : memref<384x128xf32, #tpu.memory_space<vmem>> -> memref<128x128xf32, #tpu.memory_space<vmem>>
      %dma_wait3A_361 = arith.constant 0 : i32
      %dma_wait3A_362 = tpu.memref_slice %arg10[%add3A_52, %dma_wait3A_361] : memref<10112x128xf32, #tpu.memory_space<vmem_shared>> -> memref<128x128xf32, #tpu.memory_space<vmem_shared>>
      %dma_wait3A_363 = arith.constant 0 : i32
      %dma_wait3A_364 = tpu.memref_slice %arg10[%add3A_52, %dma_wait3A_363] : memref<10112x128xf32, #tpu.memory_space<vmem_shared>> -> memref<128x128xf32, #tpu.memory_space<vmem_shared>>
      %dma_wait3A_365 = arith.constant 256 : i32
      %dma_wait3A_366 = arith.constant 0 : i32
      %dma_wait3A_367 = tpu.memref_slice %arg9[%dma_wait3A_365, %dma_wait3A_366] : memref<384x128xf32, #tpu.memory_space<vmem>> -> memref<128x128xf32, #tpu.memory_space<vmem>>
      tpu.wait_dma2 semaphore(%run_scoped3A_347 : memref<!tpu.dma_semaphore, #tpu.memory_space<semaphore_mem>>) src(%dma_wait3A_367 : memref<128x128xf32, #tpu.memory_space<vmem>>) dst(%dma_wait3A_364 : memref<128x128xf32, #tpu.memory_space<vmem_shared>>)
      tpu.yield
    }) : () -> ()
    %mul3A_53 = arith.constant 632 : i32
    %mul3A_54 = arith.muli %arg1, %mul3A_53 : i32
    %add3A_55 = arith.constant 384 : i32
    %add3A_56 = arith.addi %mul3A_54, %add3A_55 : i32
    "tpu.region"() ({
      %run_scoped3A_347 = tpu.sem_alloc : memref<!tpu.dma_semaphore, #tpu.memory_space<semaphore_mem>>
      %dma_start3A_348 = arith.constant 256 : i32
      %dma_start3A_349 = arith.constant 0 : i32
      %dma_start3A_350 = tpu.memref_slice %arg9[%dma_start3A_348, %dma_start3A_349] : memref<384x128xf32, #tpu.memory_space<vmem>> -> memref<128x128xf32, #tpu.memory_space<vmem>>
      %dma_start3A_351 = arith.constant 0 : i32
      %dma_start3A_352 = tpu.memref_slice %arg10[%add3A_56, %dma_start3A_351] : memref<10112x128xf32, #tpu.memory_space<vmem_shared>> -> memref<128x128xf32, #tpu.memory_space<vmem_shared>>
      %dma_start3A_353 = arith.constant 0 : i32
      %dma_start3A_354 = tpu.memref_slice %arg10[%add3A_56, %dma_start3A_353] : memref<10112x128xf32, #tpu.memory_space<vmem_shared>> -> memref<128x128xf32, #tpu.memory_space<vmem_shared>>
      %dma_start3A_355 = arith.constant 256 : i32
      %dma_start3A_356 = arith.constant 0 : i32
      %dma_start3A_357 = tpu.memref_slice %arg9[%dma_start3A_355, %dma_start3A_356] : memref<384x128xf32, #tpu.memory_space<vmem>> -> memref<128x128xf32, #tpu.memory_space<vmem>>
      tpu.enqueue_dma source(%dma_start3A_357 : memref<128x128xf32, #tpu.memory_space<vmem>>) target(%dma_start3A_354 : memref<128x128xf32, #tpu.memory_space<vmem_shared>>) target_semaphore(%run_scoped3A_347 : memref<!tpu.dma_semaphore, #tpu.memory_space<semaphore_mem>>)
      %dma_wait3A_358 = arith.constant 256 : i32
      %dma_wait3A_359 = arith.constant 0 : i32
      %dma_wait3A_360 = tpu.memref_slice %arg9[%dma_wait3A_358, %dma_wait3A_359] : memref<384x128xf32, #tpu.memory_space<vmem>> -> memref<128x128xf32, #tpu.memory_space<vmem>>
      %dma_wait3A_361 = arith.constant 0 : i32
      %dma_wait3A_362 = tpu.memref_slice %arg10[%add3A_56, %dma_wait3A_361] : memref<10112x128xf32, #tpu.memory_space<vmem_shared>> -> memref<128x128xf32, #tpu.memory_space<vmem_shared>>
      %dma_wait3A_363 = arith.constant 0 : i32
      %dma_wait3A_364 = tpu.memref_slice %arg10[%add3A_56, %dma_wait3A_363] : memref<10112x128xf32, #tpu.memory_space<vmem_shared>> -> memref<128x128xf32, #tpu.memory_space<vmem_shared>>
      %dma_wait3A_365 = arith.constant 256 : i32
      %dma_wait3A_366 = arith.constant 0 : i32
      %dma_wait3A_367 = tpu.memref_slice %arg9[%dma_wait3A_365, %dma_wait3A_366] : memref<384x128xf32, #tpu.memory_space<vmem>> -> memref<128x128xf32, #tpu.memory_space<vmem>>
      tpu.wait_dma2 semaphore(%run_scoped3A_347 : memref<!tpu.dma_semaphore, #tpu.memory_space<semaphore_mem>>) src(%dma_wait3A_367 : memref<128x128xf32, #tpu.memory_space<vmem>>) dst(%dma_wait3A_364 : memref<128x128xf32, #tpu.memory_space<vmem_shared>>)
      tpu.yield
    }) : () -> ()
    %mul3A_57 = arith.constant 632 : i32
    %mul3A_58 = arith.muli %arg1, %mul3A_57 : i32
    %add3A_59 = arith.constant 512 : i32
    %add3A_60 = arith.addi %mul3A_58, %add3A_59 : i32
    "tpu.region"() ({
      %run_scoped3A_347 = tpu.sem_alloc : memref<!tpu.dma_semaphore, #tpu.memory_space<semaphore_mem>>
      %dma_start3A_348 = arith.constant 256 : i32
      %dma_start3A_349 = arith.constant 0 : i32
      %dma_start3A_350 = tpu.memref_slice %arg9[%dma_start3A_348, %dma_start3A_349] : memref<384x128xf32, #tpu.memory_space<vmem>> -> memref<120x128xf32, #tpu.memory_space<vmem>>
      %dma_start3A_351 = arith.constant 0 : i32
      %dma_start3A_352 = tpu.memref_slice %arg10[%add3A_60, %dma_start3A_351] : memref<10112x128xf32, #tpu.memory_space<vmem_shared>> -> memref<120x128xf32, #tpu.memory_space<vmem_shared>>
      %dma_start3A_353 = arith.constant 0 : i32
      %dma_start3A_354 = tpu.memref_slice %arg10[%add3A_60, %dma_start3A_353] : memref<10112x128xf32, #tpu.memory_space<vmem_shared>> -> memref<120x128xf32, #tpu.memory_space<vmem_shared>>
      %dma_start3A_355 = arith.constant 256 : i32
      %dma_start3A_356 = arith.constant 0 : i32
      %dma_start3A_357 = tpu.memref_slice %arg9[%dma_start3A_355, %dma_start3A_356] : memref<384x128xf32, #tpu.memory_space<vmem>> -> memref<120x128xf32, #tpu.memory_space<vmem>>
      tpu.enqueue_dma source(%dma_start3A_357 : memref<120x128xf32, #tpu.memory_space<vmem>>) target(%dma_start3A_354 : memref<120x128xf32, #tpu.memory_space<vmem_shared>>) target_semaphore(%run_scoped3A_347 : memref<!tpu.dma_semaphore, #tpu.memory_space<semaphore_mem>>)
      %dma_wait3A_358 = arith.constant 256 : i32
      %dma_wait3A_359 = arith.constant 0 : i32
      %dma_wait3A_360 = tpu.memref_slice %arg9[%dma_wait3A_358, %dma_wait3A_359] : memref<384x128xf32, #tpu.memory_space<vmem>> -> memref<120x128xf32, #tpu.memory_space<vmem>>
      %dma_wait3A_361 = arith.constant 0 : i32
      %dma_wait3A_362 = tpu.memref_slice %arg10[%add3A_60, %dma_wait3A_361] : memref<10112x128xf32, #tpu.memory_space<vmem_shared>> -> memref<120x128xf32, #tpu.memory_space<vmem_shared>>
      %dma_wait3A_363 = arith.constant 0 : i32
      %dma_wait3A_364 = tpu.memref_slice %arg10[%add3A_60, %dma_wait3A_363] : memref<10112x128xf32, #tpu.memory_space<vmem_shared>> -> memref<120x128xf32, #tpu.memory_space<vmem_shared>>
      %dma_wait3A_365 = arith.constant 256 : i32
      %dma_wait3A_366 = arith.constant 0 : i32
      %dma_wait3A_367 = tpu.memref_slice %arg9[%dma_wait3A_365, %dma_wait3A_366] : memref<384x128xf32, #tpu.memory_space<vmem>> -> memref<120x128xf32, #tpu.memory_space<vmem>>
      tpu.wait_dma2 semaphore(%run_scoped3A_347 : memref<!tpu.dma_semaphore, #tpu.memory_space<semaphore_mem>>) src(%dma_wait3A_367 : memref<120x128xf32, #tpu.memory_space<vmem>>) dst(%dma_wait3A_364 : memref<120x128xf32, #tpu.memory_space<vmem_shared>>)
      tpu.yield
    }) : () -> ()
    %barrier3A = arith.constant 0 : index
    tpu.barrier barrier_id(%barrier3A)
    %scan3A = arith.constant 0 : i32
    %scan3A_61 = arith.constant 0 : i32
    %scan3A_62 = arith.constant 27 : i32
    %scan3A_63 = arith.addi %scan3A_61, %scan3A_62 : i32
    %scan3A_64 = arith.constant 1 : i32
    scf.for %scan3A_347 = %scan3A_61 to %scan3A_63 step %scan3A_64  : i32 {
      %mul3A_348 = arith.constant 3 : i32
      %mul3A_349 = arith.muli %scan3A_347, %mul3A_348 : i32
      %add3A_350 = arith.constant 0 : i32
      %add3A_351 = arith.addi %mul3A_349, %add3A_350 : i32
      %dma_wait3A_352 = arith.constant 0 : i32
      %dma_wait3A_353 = arith.constant 0 : i32
      %dma_wait3A_354 = tpu.memref_slice %arg9[%dma_wait3A_352, %dma_wait3A_353] : memref<384x128xf32, #tpu.memory_space<vmem>> -> memref<128x128xf32, #tpu.memory_space<vmem>>
      %dma_wait3A_355 = arith.constant 0 : i32
      %dma_wait3A_356 = arith.constant 0 : i32
      %dma_wait3A_357 = tpu.memref_slice %arg9[%dma_wait3A_355, %dma_wait3A_356] : memref<384x128xf32, #tpu.memory_space<vmem>> -> memref<128x128xf32, #tpu.memory_space<vmem>>
      tpu.wait_dma2 semaphore(%arg11 : memref<!tpu.dma_semaphore, #tpu.memory_space<semaphore_mem>>) src(%arg5 : memref<128x128xf32, #tpu.memory_space<hbm>>) dst(%dma_wait3A_357 : memref<128x128xf32, #tpu.memory_space<vmem>>)
      %dma_start3A_358 = arith.constant 0 : i32
      %dma_start3A_359 = arith.constant 0 : i32
      %dma_start3A_360 = arith.constant 0 : i32
      %dma_start3A_361 = tpu.memref_slice %arg9[%dma_start3A_359, %dma_start3A_360] : memref<384x128xf32, #tpu.memory_space<vmem>> -> memref<128x128xf32, #tpu.memory_space<vmem>>
      %dma_start3A_362 = arith.constant 0 : i32
      %dma_start3A_363 = tpu.memref_slice %arg8[%dma_start3A_358, %dma_start3A_362] : memref<3x128xi32, #tpu.memory_space<vmem>> -> memref<1x128xi32, #tpu.memory_space<vmem>>
      %dma_start3A_364 = tpu.memref_squeeze %dma_start3A_363 : memref<1x128xi32, #tpu.memory_space<vmem>> -> memref<128xi32, #tpu.memory_space<vmem>>
      %dma_start3A_365 = arith.constant 0 : i32
      %dma_start3A_366 = arith.constant 0 : i32
      %dma_start3A_367 = tpu.memref_slice %arg10[%dma_start3A_365, %dma_start3A_366] : memref<10112x128xf32, #tpu.memory_space<vmem_shared>> -> memref<10112x128xf32, #tpu.memory_space<vmem_shared>>
      tpu.enqueue_indirect_dma source(%dma_start3A_361 : memref<128x128xf32, #tpu.memory_space<vmem>>) target(%dma_start3A_367 : memref<10112x128xf32, #tpu.memory_space<vmem_shared>>) offsets(%dma_start3A_364 : memref<128xi32, #tpu.memory_space<vmem>>) semaphore(%arg14 : memref<!tpu.dma_semaphore, #tpu.memory_space<semaphore_mem>>) {add = true}
      %gt3A = arith.constant 0 : i32
      %gt3A_368 = arith.cmpi sgt, %scan3A_347, %gt3A : i32
      %convert_element_type3A = arith.extui %gt3A_368 : i1 to i32
      %cond3A = arith.constant 0 : i32
      %cond3A_369 = arith.cmpi ne, %convert_element_type3A, %cond3A : i32
      scf.if %cond3A_369 {
        %dma_wait3A_451 = arith.constant 256 : i32
        %dma_wait3A_452 = arith.constant 0 : i32
        %dma_wait3A_453 = tpu.memref_slice %arg9[%dma_wait3A_451, %dma_wait3A_452] : memref<384x128xf32, #tpu.memory_space<vmem>> -> memref<128x128xf32, #tpu.memory_space<vmem>>
        %dma_wait3A_454 = arith.constant 256 : i32
        %dma_wait3A_455 = arith.constant 0 : i32
        %dma_wait3A_456 = tpu.memref_slice %arg9[%dma_wait3A_454, %dma_wait3A_455] : memref<384x128xf32, #tpu.memory_space<vmem>> -> memref<128x128xf32, #tpu.memory_space<vmem>>
        tpu.wait_dma2 semaphore(%arg16 : memref<!tpu.dma_semaphore, #tpu.memory_space<semaphore_mem>>) src(%arg5 : memref<128x128xf32, #tpu.memory_space<hbm>>) dst(%dma_wait3A_456 : memref<128x128xf32, #tpu.memory_space<vmem>>)
      } else {
      }
      %add3A_370 = arith.constant 2 : i32
      %add3A_371 = arith.addi %add3A_351, %add3A_370 : i32
      %add3A_372 = arith.addi %mul3A_2, %add3A_371 : i32
      %mul3A_373 = arith.constant 128 : i32
      %mul3A_374 = arith.muli %add3A_372, %mul3A_373 : i32
      %run_scoped3A_375 = arith.constant 2 : i32
      "tpu.region"() ({
        %run_scoped3A_451 = tpu.sem_alloc : memref<!tpu.dma_semaphore, #tpu.memory_space<semaphore_mem>>
        %dma_start3A_452 = arith.constant 0 : i32
        %dma_start3A_453 = tpu.memref_slice %arg7[%run_scoped3A_375, %dma_start3A_452] : memref<3x128xi32, #tpu.memory_space<vmem>> -> memref<1x128xi32, #tpu.memory_space<vmem>>
        %dma_start3A_454 = tpu.memref_squeeze %dma_start3A_453 : memref<1x128xi32, #tpu.memory_space<vmem>> -> memref<128xi32, #tpu.memory_space<vmem>>
        %dma_start3A_455 = tpu.memref_slice %arg3[%mul3A_374] : memref<331776xi32, #tpu.memory_space<hbm>> -> memref<128xi32, #tpu.memory_space<hbm>>
        %dma_start3A_456 = arith.constant 0 : i32
        %dma_start3A_457 = tpu.memref_slice %arg7[%run_scoped3A_375, %dma_start3A_456] : memref<3x128xi32, #tpu.memory_space<vmem>> -> memref<1x128xi32, #tpu.memory_space<vmem>>
        %dma_start3A_458 = tpu.memref_squeeze %dma_start3A_457 : memref<1x128xi32, #tpu.memory_space<vmem>> -> memref<128xi32, #tpu.memory_space<vmem>>
        %dma_start3A_459 = tpu.memref_slice %arg3[%mul3A_374] : memref<331776xi32, #tpu.memory_space<hbm>> -> memref<128xi32, #tpu.memory_space<hbm>>
        tpu.enqueue_dma source(%dma_start3A_459 : memref<128xi32, #tpu.memory_space<hbm>>) target(%dma_start3A_458 : memref<128xi32, #tpu.memory_space<vmem>>) target_semaphore(%run_scoped3A_451 : memref<!tpu.dma_semaphore, #tpu.memory_space<semaphore_mem>>)
        %dma_wait3A_460 = arith.constant 0 : i32
        %dma_wait3A_461 = tpu.memref_slice %arg7[%run_scoped3A_375, %dma_wait3A_460] : memref<3x128xi32, #tpu.memory_space<vmem>> -> memref<1x128xi32, #tpu.memory_space<vmem>>
        %dma_wait3A_462 = tpu.memref_squeeze %dma_wait3A_461 : memref<1x128xi32, #tpu.memory_space<vmem>> -> memref<128xi32, #tpu.memory_space<vmem>>
        %dma_wait3A_463 = tpu.memref_slice %arg3[%mul3A_374] : memref<331776xi32, #tpu.memory_space<hbm>> -> memref<128xi32, #tpu.memory_space<hbm>>
        %dma_wait3A_464 = arith.constant 0 : i32
        %dma_wait3A_465 = tpu.memref_slice %arg7[%run_scoped3A_375, %dma_wait3A_464] : memref<3x128xi32, #tpu.memory_space<vmem>> -> memref<1x128xi32, #tpu.memory_space<vmem>>
        %dma_wait3A_466 = tpu.memref_squeeze %dma_wait3A_465 : memref<1x128xi32, #tpu.memory_space<vmem>> -> memref<128xi32, #tpu.memory_space<vmem>>
        %dma_wait3A_467 = tpu.memref_slice %arg3[%mul3A_374] : memref<331776xi32, #tpu.memory_space<hbm>> -> memref<128xi32, #tpu.memory_space<hbm>>
        tpu.wait_dma2 semaphore(%run_scoped3A_451 : memref<!tpu.dma_semaphore, #tpu.memory_space<semaphore_mem>>) src(%dma_wait3A_467 : memref<128xi32, #tpu.memory_space<hbm>>) dst(%dma_wait3A_466 : memref<128xi32, #tpu.memory_space<vmem>>)
        tpu.yield
      }) : () -> ()
      %add3A_376 = arith.addi %mul3A_2, %add3A_371 : i32
      %mul3A_377 = arith.constant 128 : i32
      %mul3A_378 = arith.muli %add3A_376, %mul3A_377 : i32
      %run_scoped3A_379 = arith.constant 2 : i32
      "tpu.region"() ({
        %run_scoped3A_451 = tpu.sem_alloc : memref<!tpu.dma_semaphore, #tpu.memory_space<semaphore_mem>>
        %dma_start3A_452 = arith.constant 0 : i32
        %dma_start3A_453 = tpu.memref_slice %arg8[%run_scoped3A_379, %dma_start3A_452] : memref<3x128xi32, #tpu.memory_space<vmem>> -> memref<1x128xi32, #tpu.memory_space<vmem>>
        %dma_start3A_454 = tpu.memref_squeeze %dma_start3A_453 : memref<1x128xi32, #tpu.memory_space<vmem>> -> memref<128xi32, #tpu.memory_space<vmem>>
        %dma_start3A_455 = tpu.memref_slice %arg4[%mul3A_378] : memref<331776xi32, #tpu.memory_space<hbm>> -> memref<128xi32, #tpu.memory_space<hbm>>
        %dma_start3A_456 = arith.constant 0 : i32
        %dma_start3A_457 = tpu.memref_slice %arg8[%run_scoped3A_379, %dma_start3A_456] : memref<3x128xi32, #tpu.memory_space<vmem>> -> memref<1x128xi32, #tpu.memory_space<vmem>>
        %dma_start3A_458 = tpu.memref_squeeze %dma_start3A_457 : memref<1x128xi32, #tpu.memory_space<vmem>> -> memref<128xi32, #tpu.memory_space<vmem>>
        %dma_start3A_459 = tpu.memref_slice %arg4[%mul3A_378] : memref<331776xi32, #tpu.memory_space<hbm>> -> memref<128xi32, #tpu.memory_space<hbm>>
        tpu.enqueue_dma source(%dma_start3A_459 : memref<128xi32, #tpu.memory_space<hbm>>) target(%dma_start3A_458 : memref<128xi32, #tpu.memory_space<vmem>>) target_semaphore(%run_scoped3A_451 : memref<!tpu.dma_semaphore, #tpu.memory_space<semaphore_mem>>)
        %dma_wait3A_460 = arith.constant 0 : i32
        %dma_wait3A_461 = tpu.memref_slice %arg8[%run_scoped3A_379, %dma_wait3A_460] : memref<3x128xi32, #tpu.memory_space<vmem>> -> memref<1x128xi32, #tpu.memory_space<vmem>>
        %dma_wait3A_462 = tpu.memref_squeeze %dma_wait3A_461 : memref<1x128xi32, #tpu.memory_space<vmem>> -> memref<128xi32, #tpu.memory_space<vmem>>
        %dma_wait3A_463 = tpu.memref_slice %arg4[%mul3A_378] : memref<331776xi32, #tpu.memory_space<hbm>> -> memref<128xi32, #tpu.memory_space<hbm>>
        %dma_wait3A_464 = arith.constant 0 : i32
        %dma_wait3A_465 = tpu.memref_slice %arg8[%run_scoped3A_379, %dma_wait3A_464] : memref<3x128xi32, #tpu.memory_space<vmem>> -> memref<1x128xi32, #tpu.memory_space<vmem>>
        %dma_wait3A_466 = tpu.memref_squeeze %dma_wait3A_465 : memref<1x128xi32, #tpu.memory_space<vmem>> -> memref<128xi32, #tpu.memory_space<vmem>>
        %dma_wait3A_467 = tpu.memref_slice %arg4[%mul3A_378] : memref<331776xi32, #tpu.memory_space<hbm>> -> memref<128xi32, #tpu.memory_space<hbm>>
        tpu.wait_dma2 semaphore(%run_scoped3A_451 : memref<!tpu.dma_semaphore, #tpu.memory_space<semaphore_mem>>) src(%dma_wait3A_467 : memref<128xi32, #tpu.memory_space<hbm>>) dst(%dma_wait3A_466 : memref<128xi32, #tpu.memory_space<vmem>>)
        tpu.yield
      }) : () -> ()
      %dma_start3A_380 = arith.constant 2 : i32
      %dma_start3A_381 = arith.constant 256 : i32
      %dma_start3A_382 = arith.constant 0 : i32
      %dma_start3A_383 = tpu.memref_slice %arg9[%dma_start3A_381, %dma_start3A_382] : memref<384x128xf32, #tpu.memory_space<vmem>> -> memref<128x128xf32, #tpu.memory_space<vmem>>
      %dma_start3A_384 = arith.constant 0 : i32
      %dma_start3A_385 = tpu.memref_slice %arg7[%dma_start3A_380, %dma_start3A_384] : memref<3x128xi32, #tpu.memory_space<vmem>> -> memref<1x128xi32, #tpu.memory_space<vmem>>
      %dma_start3A_386 = tpu.memref_squeeze %dma_start3A_385 : memref<1x128xi32, #tpu.memory_space<vmem>> -> memref<128xi32, #tpu.memory_space<vmem>>
      %dma_start3A_387 = arith.constant 0 : i32
      %dma_start3A_388 = arith.constant 0 : i32
      %dma_start3A_389 = tpu.memref_slice %arg2[%dma_start3A_387, %dma_start3A_388] : memref<10000x128xf32, #tpu.memory_space<hbm>> -> memref<10000x128xf32, #tpu.memory_space<hbm>>
      tpu.enqueue_indirect_dma source(%dma_start3A_389 : memref<10000x128xf32, #tpu.memory_space<hbm>>) target(%dma_start3A_383 : memref<128x128xf32, #tpu.memory_space<vmem>>) offsets(%dma_start3A_386 : memref<128xi32, #tpu.memory_space<vmem>>) semaphore(%arg13 : memref<!tpu.dma_semaphore, #tpu.memory_space<semaphore_mem>>)
      %mul3A_390 = arith.constant 3 : i32
      %mul3A_391 = arith.muli %scan3A_347, %mul3A_390 : i32
      %add3A_392 = arith.constant 1 : i32
      %add3A_393 = arith.addi %mul3A_391, %add3A_392 : i32
      %dma_wait3A_394 = arith.constant 128 : i32
      %dma_wait3A_395 = arith.constant 0 : i32
      %dma_wait3A_396 = tpu.memref_slice %arg9[%dma_wait3A_394, %dma_wait3A_395] : memref<384x128xf32, #tpu.memory_space<vmem>> -> memref<128x128xf32, #tpu.memory_space<vmem>>
      %dma_wait3A_397 = arith.constant 128 : i32
      %dma_wait3A_398 = arith.constant 0 : i32
      %dma_wait3A_399 = tpu.memref_slice %arg9[%dma_wait3A_397, %dma_wait3A_398] : memref<384x128xf32, #tpu.memory_space<vmem>> -> memref<128x128xf32, #tpu.memory_space<vmem>>
      tpu.wait_dma2 semaphore(%arg12 : memref<!tpu.dma_semaphore, #tpu.memory_space<semaphore_mem>>) src(%arg5 : memref<128x128xf32, #tpu.memory_space<hbm>>) dst(%dma_wait3A_399 : memref<128x128xf32, #tpu.memory_space<vmem>>)
      %dma_start3A_400 = arith.constant 1 : i32
      %dma_start3A_401 = arith.constant 128 : i32
      %dma_start3A_402 = arith.constant 0 : i32
      %dma_start3A_403 = tpu.memref_slice %arg9[%dma_start3A_401, %dma_start3A_402] : memref<384x128xf32, #tpu.memory_space<vmem>> -> memref<128x128xf32, #tpu.memory_space<vmem>>
      %dma_start3A_404 = arith.constant 0 : i32
      %dma_start3A_405 = tpu.memref_slice %arg8[%dma_start3A_400, %dma_start3A_404] : memref<3x128xi32, #tpu.memory_space<vmem>> -> memref<1x128xi32, #tpu.memory_space<vmem>>
      %dma_start3A_406 = tpu.memref_squeeze %dma_start3A_405 : memref<1x128xi32, #tpu.memory_space<vmem>> -> memref<128xi32, #tpu.memory_space<vmem>>
      %dma_start3A_407 = arith.constant 0 : i32
      %dma_start3A_408 = arith.constant 0 : i32
      %dma_start3A_409 = tpu.memref_slice %arg10[%dma_start3A_407, %dma_start3A_408] : memref<10112x128xf32, #tpu.memory_space<vmem_shared>> -> memref<10112x128xf32, #tpu.memory_space<vmem_shared>>
      tpu.enqueue_indirect_dma source(%dma_start3A_403 : memref<128x128xf32, #tpu.memory_space<vmem>>) target(%dma_start3A_409 : memref<10112x128xf32, #tpu.memory_space<vmem_shared>>) offsets(%dma_start3A_406 : memref<128xi32, #tpu.memory_space<vmem>>) semaphore(%arg15 : memref<!tpu.dma_semaphore, #tpu.memory_space<semaphore_mem>>) {add = true}
      %dma_wait3A_410 = arith.constant 0 : i32
      %dma_wait3A_411 = arith.constant 0 : i32
      %dma_wait3A_412 = tpu.memref_slice %arg9[%dma_wait3A_410, %dma_wait3A_411] : memref<384x128xf32, #tpu.memory_space<vmem>> -> memref<128x128xf32, #tpu.memory_space<vmem>>
      %dma_wait3A_413 = arith.constant 0 : i32
      %dma_wait3A_414 = arith.constant 0 : i32
      %dma_wait3A_415 = tpu.memref_slice %arg9[%dma_wait3A_413, %dma_wait3A_414] : memref<384x128xf32, #tpu.memory_space<vmem>> -> memref<128x128xf32, #tpu.memory_space<vmem>>
      tpu.wait_dma2 semaphore(%arg14 : memref<!tpu.dma_semaphore, #tpu.memory_space<semaphore_mem>>) src(%arg5 : memref<128x128xf32, #tpu.memory_space<hbm>>) dst(%dma_wait3A_415 : memref<128x128xf32, #tpu.memory_space<vmem>>)
      %lt3A = arith.constant 26 : i32
      %lt3A_416 = arith.cmpi slt, %scan3A_347, %lt3A : i32
      %convert_element_type3A_417 = arith.extui %lt3A_416 : i1 to i32
      %cond3A_418 = arith.constant 0 : i32
      %cond3A_419 = arith.cmpi ne, %convert_element_type3A_417, %cond3A_418 : i32
      scf.if %cond3A_419 {
        %add3A_451 = arith.constant 2 : i32
        %add3A_452 = arith.addi %add3A_393, %add3A_451 : i32
        %add3A_453 = arith.addi %mul3A_2, %add3A_452 : i32
        %mul3A_454 = arith.constant 128 : i32
        %mul3A_455 = arith.muli %add3A_453, %mul3A_454 : i32
        %run_scoped3A_456 = arith.constant 0 : i32
        "tpu.region"() ({
          %run_scoped3A_471 = tpu.sem_alloc : memref<!tpu.dma_semaphore, #tpu.memory_space<semaphore_mem>>
          %dma_start3A_472 = arith.constant 0 : i32
          %dma_start3A_473 = tpu.memref_slice %arg7[%run_scoped3A_456, %dma_start3A_472] : memref<3x128xi32, #tpu.memory_space<vmem>> -> memref<1x128xi32, #tpu.memory_space<vmem>>
          %dma_start3A_474 = tpu.memref_squeeze %dma_start3A_473 : memref<1x128xi32, #tpu.memory_space<vmem>> -> memref<128xi32, #tpu.memory_space<vmem>>
          %dma_start3A_475 = tpu.memref_slice %arg3[%mul3A_455] : memref<331776xi32, #tpu.memory_space<hbm>> -> memref<128xi32, #tpu.memory_space<hbm>>
          %dma_start3A_476 = arith.constant 0 : i32
          %dma_start3A_477 = tpu.memref_slice %arg7[%run_scoped3A_456, %dma_start3A_476] : memref<3x128xi32, #tpu.memory_space<vmem>> -> memref<1x128xi32, #tpu.memory_space<vmem>>
          %dma_start3A_478 = tpu.memref_squeeze %dma_start3A_477 : memref<1x128xi32, #tpu.memory_space<vmem>> -> memref<128xi32, #tpu.memory_space<vmem>>
          %dma_start3A_479 = tpu.memref_slice %arg3[%mul3A_455] : memref<331776xi32, #tpu.memory_space<hbm>> -> memref<128xi32, #tpu.memory_space<hbm>>
          tpu.enqueue_dma source(%dma_start3A_479 : memref<128xi32, #tpu.memory_space<hbm>>) target(%dma_start3A_478 : memref<128xi32, #tpu.memory_space<vmem>>) target_semaphore(%run_scoped3A_471 : memref<!tpu.dma_semaphore, #tpu.memory_space<semaphore_mem>>)
          %dma_wait3A_480 = arith.constant 0 : i32
          %dma_wait3A_481 = tpu.memref_slice %arg7[%run_scoped3A_456, %dma_wait3A_480] : memref<3x128xi32, #tpu.memory_space<vmem>> -> memref<1x128xi32, #tpu.memory_space<vmem>>
          %dma_wait3A_482 = tpu.memref_squeeze %dma_wait3A_481 : memref<1x128xi32, #tpu.memory_space<vmem>> -> memref<128xi32, #tpu.memory_space<vmem>>
          %dma_wait3A_483 = tpu.memref_slice %arg3[%mul3A_455] : memref<331776xi32, #tpu.memory_space<hbm>> -> memref<128xi32, #tpu.memory_space<hbm>>
          %dma_wait3A_484 = arith.constant 0 : i32
          %dma_wait3A_485 = tpu.memref_slice %arg7[%run_scoped3A_456, %dma_wait3A_484] : memref<3x128xi32, #tpu.memory_space<vmem>> -> memref<1x128xi32, #tpu.memory_space<vmem>>
          %dma_wait3A_486 = tpu.memref_squeeze %dma_wait3A_485 : memref<1x128xi32, #tpu.memory_space<vmem>> -> memref<128xi32, #tpu.memory_space<vmem>>
          %dma_wait3A_487 = tpu.memref_slice %arg3[%mul3A_455] : memref<331776xi32, #tpu.memory_space<hbm>> -> memref<128xi32, #tpu.memory_space<hbm>>
          tpu.wait_dma2 semaphore(%run_scoped3A_471 : memref<!tpu.dma_semaphore, #tpu.memory_space<semaphore_mem>>) src(%dma_wait3A_487 : memref<128xi32, #tpu.memory_space<hbm>>) dst(%dma_wait3A_486 : memref<128xi32, #tpu.memory_space<vmem>>)
          tpu.yield
        }) : () -> ()
        %add3A_457 = arith.addi %mul3A_2, %add3A_452 : i32
        %mul3A_458 = arith.constant 128 : i32
        %mul3A_459 = arith.muli %add3A_457, %mul3A_458 : i32
        %run_scoped3A_460 = arith.constant 0 : i32
        "tpu.region"() ({
          %run_scoped3A_471 = tpu.sem_alloc : memref<!tpu.dma_semaphore, #tpu.memory_space<semaphore_mem>>
          %dma_start3A_472 = arith.constant 0 : i32
          %dma_start3A_473 = tpu.memref_slice %arg8[%run_scoped3A_460, %dma_start3A_472] : memref<3x128xi32, #tpu.memory_space<vmem>> -> memref<1x128xi32, #tpu.memory_space<vmem>>
          %dma_start3A_474 = tpu.memref_squeeze %dma_start3A_473 : memref<1x128xi32, #tpu.memory_space<vmem>> -> memref<128xi32, #tpu.memory_space<vmem>>
          %dma_start3A_475 = tpu.memref_slice %arg4[%mul3A_459] : memref<331776xi32, #tpu.memory_space<hbm>> -> memref<128xi32, #tpu.memory_space<hbm>>
          %dma_start3A_476 = arith.constant 0 : i32
          %dma_start3A_477 = tpu.memref_slice %arg8[%run_scoped3A_460, %dma_start3A_476] : memref<3x128xi32, #tpu.memory_space<vmem>> -> memref<1x128xi32, #tpu.memory_space<vmem>>
          %dma_start3A_478 = tpu.memref_squeeze %dma_start3A_477 : memref<1x128xi32, #tpu.memory_space<vmem>> -> memref<128xi32, #tpu.memory_space<vmem>>
          %dma_start3A_479 = tpu.memref_slice %arg4[%mul3A_459] : memref<331776xi32, #tpu.memory_space<hbm>> -> memref<128xi32, #tpu.memory_space<hbm>>
          tpu.enqueue_dma source(%dma_start3A_479 : memref<128xi32, #tpu.memory_space<hbm>>) target(%dma_start3A_478 : memref<128xi32, #tpu.memory_space<vmem>>) target_semaphore(%run_scoped3A_471 : memref<!tpu.dma_semaphore, #tpu.memory_space<semaphore_mem>>)
          %dma_wait3A_480 = arith.constant 0 : i32
          %dma_wait3A_481 = tpu.memref_slice %arg8[%run_scoped3A_460, %dma_wait3A_480] : memref<3x128xi32, #tpu.memory_space<vmem>> -> memref<1x128xi32, #tpu.memory_space<vmem>>
          %dma_wait3A_482 = tpu.memref_squeeze %dma_wait3A_481 : memref<1x128xi32, #tpu.memory_space<vmem>> -> memref<128xi32, #tpu.memory_space<vmem>>
          %dma_wait3A_483 = tpu.memref_slice %arg4[%mul3A_459] : memref<331776xi32, #tpu.memory_space<hbm>> -> memref<128xi32, #tpu.memory_space<hbm>>
          %dma_wait3A_484 = arith.constant 0 : i32
          %dma_wait3A_485 = tpu.memref_slice %arg8[%run_scoped3A_460, %dma_wait3A_484] : memref<3x128xi32, #tpu.memory_space<vmem>> -> memref<1x128xi32, #tpu.memory_space<vmem>>
          %dma_wait3A_486 = tpu.memref_squeeze %dma_wait3A_485 : memref<1x128xi32, #tpu.memory_space<vmem>> -> memref<128xi32, #tpu.memory_space<vmem>>
          %dma_wait3A_487 = tpu.memref_slice %arg4[%mul3A_459] : memref<331776xi32, #tpu.memory_space<hbm>> -> memref<128xi32, #tpu.memory_space<hbm>>
          tpu.wait_dma2 semaphore(%run_scoped3A_471 : memref<!tpu.dma_semaphore, #tpu.memory_space<semaphore_mem>>) src(%dma_wait3A_487 : memref<128xi32, #tpu.memory_space<hbm>>) dst(%dma_wait3A_486 : memref<128xi32, #tpu.memory_space<vmem>>)
          tpu.yield
        }) : () -> ()
        %dma_start3A_461 = arith.constant 0 : i32
        %dma_start3A_462 = arith.constant 0 : i32
        %dma_start3A_463 = arith.constant 0 : i32
        %dma_start3A_464 = tpu.memref_slice %arg9[%dma_start3A_462, %dma_start3A_463] : memref<384x128xf32, #tpu.memory_space<vmem>> -> memref<128x128xf32, #tpu.memory_space<vmem>>
        %dma_start3A_465 = arith.constant 0 : i32
        %dma_start3A_466 = tpu.memref_slice %arg7[%dma_start3A_461, %dma_start3A_465] : memref<3x128xi32, #tpu.memory_space<vmem>> -> memref<1x128xi32, #tpu.memory_space<vmem>>
        %dma_start3A_467 = tpu.memref_squeeze %dma_start3A_466 : memref<1x128xi32, #tpu.memory_space<vmem>> -> memref<128xi32, #tpu.memory_space<vmem>>
        %dma_start3A_468 = arith.constant 0 : i32
        %dma_start3A_469 = arith.constant 0 : i32
        %dma_start3A_470 = tpu.memref_slice %arg2[%dma_start3A_468, %dma_start3A_469] : memref<10000x128xf32, #tpu.memory_space<hbm>> -> memref<10000x128xf32, #tpu.memory_space<hbm>>
        tpu.enqueue_indirect_dma source(%dma_start3A_470 : memref<10000x128xf32, #tpu.memory_space<hbm>>) target(%dma_start3A_464 : memref<128x128xf32, #tpu.memory_space<vmem>>) offsets(%dma_start3A_467 : memref<128xi32, #tpu.memory_space<vmem>>) semaphore(%arg11 : memref<!tpu.dma_semaphore, #tpu.memory_space<semaphore_mem>>)
      } else {
      }
      %mul3A_420 = arith.constant 3 : i32
      %mul3A_421 = arith.muli %scan3A_347, %mul3A_420 : i32
      %add3A_422 = arith.constant 2 : i32
      %add3A_423 = arith.addi %mul3A_421, %add3A_422 : i32
      %dma_wait3A_424 = arith.constant 256 : i32
      %dma_wait3A_425 = arith.constant 0 : i32
      %dma_wait3A_426 = tpu.memref_slice %arg9[%dma_wait3A_424, %dma_wait3A_425] : memref<384x128xf32, #tpu.memory_space<vmem>> -> memref<128x128xf32, #tpu.memory_space<vmem>>
      %dma_wait3A_427 = arith.constant 256 : i32
      %dma_wait3A_428 = arith.constant 0 : i32
      %dma_wait3A_429 = tpu.memref_slice %arg9[%dma_wait3A_427, %dma_wait3A_428] : memref<384x128xf32, #tpu.memory_space<vmem>> -> memref<128x128xf32, #tpu.memory_space<vmem>>
      tpu.wait_dma2 semaphore(%arg13 : memref<!tpu.dma_semaphore, #tpu.memory_space<semaphore_mem>>) src(%arg5 : memref<128x128xf32, #tpu.memory_space<hbm>>) dst(%dma_wait3A_429 : memref<128x128xf32, #tpu.memory_space<vmem>>)
      %dma_start3A_430 = arith.constant 2 : i32
      %dma_start3A_431 = arith.constant 256 : i32
      %dma_start3A_432 = arith.constant 0 : i32
      %dma_start3A_433 = tpu.memref_slice %arg9[%dma_start3A_431, %dma_start3A_432] : memref<384x128xf32, #tpu.memory_space<vmem>> -> memref<128x128xf32, #tpu.memory_space<vmem>>
      %dma_start3A_434 = arith.constant 0 : i32
      %dma_start3A_435 = tpu.memref_slice %arg8[%dma_start3A_430, %dma_start3A_434] : memref<3x128xi32, #tpu.memory_space<vmem>> -> memref<1x128xi32, #tpu.memory_space<vmem>>
      %dma_start3A_436 = tpu.memref_squeeze %dma_start3A_435 : memref<1x128xi32, #tpu.memory_space<vmem>> -> memref<128xi32, #tpu.memory_space<vmem>>
      %dma_start3A_437 = arith.constant 0 : i32
      %dma_start3A_438 = arith.constant 0 : i32
      %dma_start3A_439 = tpu.memref_slice %arg10[%dma_start3A_437, %dma_start3A_438] : memref<10112x128xf32, #tpu.memory_space<vmem_shared>> -> memref<10112x128xf32, #tpu.memory_space<vmem_shared>>
      tpu.enqueue_indirect_dma source(%dma_start3A_433 : memref<128x128xf32, #tpu.memory_space<vmem>>) target(%dma_start3A_439 : memref<10112x128xf32, #tpu.memory_space<vmem_shared>>) offsets(%dma_start3A_436 : memref<128xi32, #tpu.memory_space<vmem>>) semaphore(%arg16 : memref<!tpu.dma_semaphore, #tpu.memory_space<semaphore_mem>>) {add = true}
      %dma_wait3A_440 = arith.constant 128 : i32
      %dma_wait3A_441 = arith.constant 0 : i32
      %dma_wait3A_442 = tpu.memref_slice %arg9[%dma_wait3A_440, %dma_wait3A_441] : memref<384x128xf32, #tpu.memory_space<vmem>> -> memref<128x128xf32, #tpu.memory_space<vmem>>
      %dma_wait3A_443 = arith.constant 128 : i32
      %dma_wait3A_444 = arith.constant 0 : i32
      %dma_wait3A_445 = tpu.memref_slice %arg9[%dma_wait3A_443, %dma_wait3A_444] : memref<384x128xf32, #tpu.memory_space<vmem>> -> memref<128x128xf32, #tpu.memory_space<vmem>>
      tpu.wait_dma2 semaphore(%arg15 : memref<!tpu.dma_semaphore, #tpu.memory_space<semaphore_mem>>) src(%arg5 : memref<128x128xf32, #tpu.memory_space<hbm>>) dst(%dma_wait3A_445 : memref<128x128xf32, #tpu.memory_space<vmem>>)
      %lt3A_446 = arith.constant 26 : i32
      %lt3A_447 = arith.cmpi slt, %scan3A_347, %lt3A_446 : i32
      %convert_element_type3A_448 = arith.extui %lt3A_447 : i1 to i32
      %cond3A_449 = arith.constant 0 : i32
      %cond3A_450 = arith.cmpi ne, %convert_element_type3A_448, %cond3A_449 : i32
      scf.if %cond3A_450 {
        %add3A_451 = arith.constant 2 : i32
        %add3A_452 = arith.addi %add3A_423, %add3A_451 : i32
        %add3A_453 = arith.addi %mul3A_2, %add3A_452 : i32
        %mul3A_454 = arith.constant 128 : i32
        %mul3A_455 = arith.muli %add3A_453, %mul3A_454 : i32
        %run_scoped3A_456 = arith.constant 1 : i32
        "tpu.region"() ({
          %run_scoped3A_471 = tpu.sem_alloc : memref<!tpu.dma_semaphore, #tpu.memory_space<semaphore_mem>>
          %dma_start3A_472 = arith.constant 0 : i32
          %dma_start3A_473 = tpu.memref_slice %arg7[%run_scoped3A_456, %dma_start3A_472] : memref<3x128xi32, #tpu.memory_space<vmem>> -> memref<1x128xi32, #tpu.memory_space<vmem>>
          %dma_start3A_474 = tpu.memref_squeeze %dma_start3A_473 : memref<1x128xi32, #tpu.memory_space<vmem>> -> memref<128xi32, #tpu.memory_space<vmem>>
          %dma_start3A_475 = tpu.memref_slice %arg3[%mul3A_455] : memref<331776xi32, #tpu.memory_space<hbm>> -> memref<128xi32, #tpu.memory_space<hbm>>
          %dma_start3A_476 = arith.constant 0 : i32
          %dma_start3A_477 = tpu.memref_slice %arg7[%run_scoped3A_456, %dma_start3A_476] : memref<3x128xi32, #tpu.memory_space<vmem>> -> memref<1x128xi32, #tpu.memory_space<vmem>>
          %dma_start3A_478 = tpu.memref_squeeze %dma_start3A_477 : memref<1x128xi32, #tpu.memory_space<vmem>> -> memref<128xi32, #tpu.memory_space<vmem>>
          %dma_start3A_479 = tpu.memref_slice %arg3[%mul3A_455] : memref<331776xi32, #tpu.memory_space<hbm>> -> memref<128xi32, #tpu.memory_space<hbm>>
          tpu.enqueue_dma source(%dma_start3A_479 : memref<128xi32, #tpu.memory_space<hbm>>) target(%dma_start3A_478 : memref<128xi32, #tpu.memory_space<vmem>>) target_semaphore(%run_scoped3A_471 : memref<!tpu.dma_semaphore, #tpu.memory_space<semaphore_mem>>)
          %dma_wait3A_480 = arith.constant 0 : i32
          %dma_wait3A_481 = tpu.memref_slice %arg7[%run_scoped3A_456, %dma_wait3A_480] : memref<3x128xi32, #tpu.memory_space<vmem>> -> memref<1x128xi32, #tpu.memory_space<vmem>>
          %dma_wait3A_482 = tpu.memref_squeeze %dma_wait3A_481 : memref<1x128xi32, #tpu.memory_space<vmem>> -> memref<128xi32, #tpu.memory_space<vmem>>
          %dma_wait3A_483 = tpu.memref_slice %arg3[%mul3A_455] : memref<331776xi32, #tpu.memory_space<hbm>> -> memref<128xi32, #tpu.memory_space<hbm>>
          %dma_wait3A_484 = arith.constant 0 : i32
          %dma_wait3A_485 = tpu.memref_slice %arg7[%run_scoped3A_456, %dma_wait3A_484] : memref<3x128xi32, #tpu.memory_space<vmem>> -> memref<1x128xi32, #tpu.memory_space<vmem>>
          %dma_wait3A_486 = tpu.memref_squeeze %dma_wait3A_485 : memref<1x128xi32, #tpu.memory_space<vmem>> -> memref<128xi32, #tpu.memory_space<vmem>>
          %dma_wait3A_487 = tpu.memref_slice %arg3[%mul3A_455] : memref<331776xi32, #tpu.memory_space<hbm>> -> memref<128xi32, #tpu.memory_space<hbm>>
          tpu.wait_dma2 semaphore(%run_scoped3A_471 : memref<!tpu.dma_semaphore, #tpu.memory_space<semaphore_mem>>) src(%dma_wait3A_487 : memref<128xi32, #tpu.memory_space<hbm>>) dst(%dma_wait3A_486 : memref<128xi32, #tpu.memory_space<vmem>>)
          tpu.yield
        }) : () -> ()
        %add3A_457 = arith.addi %mul3A_2, %add3A_452 : i32
        %mul3A_458 = arith.constant 128 : i32
        %mul3A_459 = arith.muli %add3A_457, %mul3A_458 : i32
        %run_scoped3A_460 = arith.constant 1 : i32
        "tpu.region"() ({
          %run_scoped3A_471 = tpu.sem_alloc : memref<!tpu.dma_semaphore, #tpu.memory_space<semaphore_mem>>
          %dma_start3A_472 = arith.constant 0 : i32
          %dma_start3A_473 = tpu.memref_slice %arg8[%run_scoped3A_460, %dma_start3A_472] : memref<3x128xi32, #tpu.memory_space<vmem>> -> memref<1x128xi32, #tpu.memory_space<vmem>>
          %dma_start3A_474 = tpu.memref_squeeze %dma_start3A_473 : memref<1x128xi32, #tpu.memory_space<vmem>> -> memref<128xi32, #tpu.memory_space<vmem>>
          %dma_start3A_475 = tpu.memref_slice %arg4[%mul3A_459] : memref<331776xi32, #tpu.memory_space<hbm>> -> memref<128xi32, #tpu.memory_space<hbm>>
          %dma_start3A_476 = arith.constant 0 : i32
          %dma_start3A_477 = tpu.memref_slice %arg8[%run_scoped3A_460, %dma_start3A_476] : memref<3x128xi32, #tpu.memory_space<vmem>> -> memref<1x128xi32, #tpu.memory_space<vmem>>
          %dma_start3A_478 = tpu.memref_squeeze %dma_start3A_477 : memref<1x128xi32, #tpu.memory_space<vmem>> -> memref<128xi32, #tpu.memory_space<vmem>>
          %dma_start3A_479 = tpu.memref_slice %arg4[%mul3A_459] : memref<331776xi32, #tpu.memory_space<hbm>> -> memref<128xi32, #tpu.memory_space<hbm>>
          tpu.enqueue_dma source(%dma_start3A_479 : memref<128xi32, #tpu.memory_space<hbm>>) target(%dma_start3A_478 : memref<128xi32, #tpu.memory_space<vmem>>) target_semaphore(%run_scoped3A_471 : memref<!tpu.dma_semaphore, #tpu.memory_space<semaphore_mem>>)
          %dma_wait3A_480 = arith.constant 0 : i32
          %dma_wait3A_481 = tpu.memref_slice %arg8[%run_scoped3A_460, %dma_wait3A_480] : memref<3x128xi32, #tpu.memory_space<vmem>> -> memref<1x128xi32, #tpu.memory_space<vmem>>
          %dma_wait3A_482 = tpu.memref_squeeze %dma_wait3A_481 : memref<1x128xi32, #tpu.memory_space<vmem>> -> memref<128xi32, #tpu.memory_space<vmem>>
          %dma_wait3A_483 = tpu.memref_slice %arg4[%mul3A_459] : memref<331776xi32, #tpu.memory_space<hbm>> -> memref<128xi32, #tpu.memory_space<hbm>>
          %dma_wait3A_484 = arith.constant 0 : i32
          %dma_wait3A_485 = tpu.memref_slice %arg8[%run_scoped3A_460, %dma_wait3A_484] : memref<3x128xi32, #tpu.memory_space<vmem>> -> memref<1x128xi32, #tpu.memory_space<vmem>>
          %dma_wait3A_486 = tpu.memref_squeeze %dma_wait3A_485 : memref<1x128xi32, #tpu.memory_space<vmem>> -> memref<128xi32, #tpu.memory_space<vmem>>
          %dma_wait3A_487 = tpu.memref_slice %arg4[%mul3A_459] : memref<331776xi32, #tpu.memory_space<hbm>> -> memref<128xi32, #tpu.memory_space<hbm>>
          tpu.wait_dma2 semaphore(%run_scoped3A_471 : memref<!tpu.dma_semaphore, #tpu.memory_space<semaphore_mem>>) src(%dma_wait3A_487 : memref<128xi32, #tpu.memory_space<hbm>>) dst(%dma_wait3A_486 : memref<128xi32, #tpu.memory_space<vmem>>)
          tpu.yield
        }) : () -> ()
        %dma_start3A_461 = arith.constant 1 : i32
        %dma_start3A_462 = arith.constant 128 : i32
        %dma_start3A_463 = arith.constant 0 : i32
        %dma_start3A_464 = tpu.memref_slice %arg9[%dma_start3A_462, %dma_start3A_463] : memref<384x128xf32, #tpu.memory_space<vmem>> -> memref<128x128xf32, #tpu.memory_space<vmem>>
        %dma_start3A_465 = arith.constant 0 : i32
        %dma_start3A_466 = tpu.memref_slice %arg7[%dma_start3A_461, %dma_start3A_465] : memref<3x128xi32, #tpu.memory_space<vmem>> -> memref<1x128xi32, #tpu.memory_space<vmem>>
        %dma_start3A_467 = tpu.memref_squeeze %dma_start3A_466 : memref<1x128xi32, #tpu.memory_space<vmem>> -> memref<128xi32, #tpu.memory_space<vmem>>
        %dma_start3A_468 = arith.constant 0 : i32
        %dma_start3A_469 = arith.constant 0 : i32
        %dma_start3A_470 = tpu.memref_slice %arg2[%dma_start3A_468, %dma_start3A_469] : memref<10000x128xf32, #tpu.memory_space<hbm>> -> memref<10000x128xf32, #tpu.memory_space<hbm>>
        tpu.enqueue_indirect_dma source(%dma_start3A_470 : memref<10000x128xf32, #tpu.memory_space<hbm>>) target(%dma_start3A_464 : memref<128x128xf32, #tpu.memory_space<vmem>>) offsets(%dma_start3A_467 : memref<128xi32, #tpu.memory_space<vmem>>) semaphore(%arg12 : memref<!tpu.dma_semaphore, #tpu.memory_space<semaphore_mem>>)
      } else {
      }
    }
    %scan3A_65 = arith.constant 27 : i32
    %dma_wait3A = arith.constant 256 : i32
    %dma_wait3A_66 = arith.constant 0 : i32
    %dma_wait3A_67 = tpu.memref_slice %arg9[%dma_wait3A, %dma_wait3A_66] : memref<384x128xf32, #tpu.memory_space<vmem>> -> memref<128x128xf32, #tpu.memory_space<vmem>>
    %dma_wait3A_68 = arith.constant 256 : i32
    %dma_wait3A_69 = arith.constant 0 : i32
    %dma_wait3A_70 = tpu.memref_slice %arg9[%dma_wait3A_68, %dma_wait3A_69] : memref<384x128xf32, #tpu.memory_space<vmem>> -> memref<128x128xf32, #tpu.memory_space<vmem>>
    tpu.wait_dma2 semaphore(%arg16 : memref<!tpu.dma_semaphore, #tpu.memory_space<semaphore_mem>>) src(%arg5 : memref<128x128xf32, #tpu.memory_space<hbm>>) dst(%dma_wait3A_70 : memref<128x128xf32, #tpu.memory_space<vmem>>)
    %barrier3A_71 = arith.constant 0 : index
    tpu.barrier barrier_id(%barrier3A_71)
    %mul3A_72 = arith.constant 632 : i32
    %mul3A_73 = arith.muli %arg1, %mul3A_72 : i32
    %add3A_74 = arith.constant 0 : i32
    %add3A_75 = arith.addi %mul3A_73, %add3A_74 : i32
    %dma_start3A_76 = arith.constant 0 : i32
    %dma_start3A_77 = arith.constant 0 : i32
    %dma_start3A_78 = tpu.memref_slice %arg9[%dma_start3A_76, %dma_start3A_77] : memref<384x128xf32, #tpu.memory_space<vmem>> -> memref<128x128xf32, #tpu.memory_space<vmem>>
    %dma_start3A_79 = arith.constant 0 : i32
    %dma_start3A_80 = tpu.memref_slice %arg10[%add3A_75, %dma_start3A_79] : memref<10112x128xf32, #tpu.memory_space<vmem_shared>> -> memref<128x128xf32, #tpu.memory_space<vmem_shared>>
    %dma_start3A_81 = arith.constant 0 : i32
    %dma_start3A_82 = arith.constant 0 : i32
    %dma_start3A_83 = tpu.memref_slice %arg9[%dma_start3A_81, %dma_start3A_82] : memref<384x128xf32, #tpu.memory_space<vmem>> -> memref<128x128xf32, #tpu.memory_space<vmem>>
    %dma_start3A_84 = arith.constant 0 : i32
    %dma_start3A_85 = tpu.memref_slice %arg10[%add3A_75, %dma_start3A_84] : memref<10112x128xf32, #tpu.memory_space<vmem_shared>> -> memref<128x128xf32, #tpu.memory_space<vmem_shared>>
    tpu.enqueue_dma source(%dma_start3A_85 : memref<128x128xf32, #tpu.memory_space<vmem_shared>>) target(%dma_start3A_83 : memref<128x128xf32, #tpu.memory_space<vmem>>) target_semaphore(%arg11 : memref<!tpu.dma_semaphore, #tpu.memory_space<semaphore_mem>>)
    %mul3A_86 = arith.constant 632 : i32
    %mul3A_87 = arith.muli %arg1, %mul3A_86 : i32
    %add3A_88 = arith.constant 128 : i32
    %add3A_89 = arith.addi %mul3A_87, %add3A_88 : i32
    %dma_start3A_90 = arith.constant 128 : i32
    %dma_start3A_91 = arith.constant 0 : i32
    %dma_start3A_92 = tpu.memref_slice %arg9[%dma_start3A_90, %dma_start3A_91] : memref<384x128xf32, #tpu.memory_space<vmem>> -> memref<128x128xf32, #tpu.memory_space<vmem>>
    %dma_start3A_93 = arith.constant 0 : i32
    %dma_start3A_94 = tpu.memref_slice %arg10[%add3A_89, %dma_start3A_93] : memref<10112x128xf32, #tpu.memory_space<vmem_shared>> -> memref<128x128xf32, #tpu.memory_space<vmem_shared>>
    %dma_start3A_95 = arith.constant 128 : i32
    %dma_start3A_96 = arith.constant 0 : i32
    %dma_start3A_97 = tpu.memref_slice %arg9[%dma_start3A_95, %dma_start3A_96] : memref<384x128xf32, #tpu.memory_space<vmem>> -> memref<128x128xf32, #tpu.memory_space<vmem>>
    %dma_start3A_98 = arith.constant 0 : i32
    %dma_start3A_99 = tpu.memref_slice %arg10[%add3A_89, %dma_start3A_98] : memref<10112x128xf32, #tpu.memory_space<vmem_shared>> -> memref<128x128xf32, #tpu.memory_space<vmem_shared>>
    tpu.enqueue_dma source(%dma_start3A_99 : memref<128x128xf32, #tpu.memory_space<vmem_shared>>) target(%dma_start3A_97 : memref<128x128xf32, #tpu.memory_space<vmem>>) target_semaphore(%arg12 : memref<!tpu.dma_semaphore, #tpu.memory_space<semaphore_mem>>)
    %dma_wait3A_100 = arith.constant 0 : i32
    %dma_wait3A_101 = arith.constant 0 : i32
    %dma_wait3A_102 = tpu.memref_slice %arg9[%dma_wait3A_100, %dma_wait3A_101] : memref<384x128xf32, #tpu.memory_space<vmem>> -> memref<128x128xf32, #tpu.memory_space<vmem>>
    %dma_wait3A_103 = arith.constant 0 : i32
    %dma_wait3A_104 = arith.constant 0 : i32
    %dma_wait3A_105 = tpu.memref_slice %arg5[%dma_wait3A_103, %dma_wait3A_104] : memref<128x128xf32, #tpu.memory_space<hbm>> -> memref<128x128xf32, #tpu.memory_space<hbm>>
    %dma_wait3A_106 = arith.constant 0 : i32
    %dma_wait3A_107 = arith.constant 0 : i32
    %dma_wait3A_108 = tpu.memref_slice %arg9[%dma_wait3A_106, %dma_wait3A_107] : memref<384x128xf32, #tpu.memory_space<vmem>> -> memref<128x128xf32, #tpu.memory_space<vmem>>
    %dma_wait3A_109 = arith.constant 0 : i32
    %dma_wait3A_110 = arith.constant 0 : i32
    %dma_wait3A_111 = tpu.memref_slice %arg5[%dma_wait3A_109, %dma_wait3A_110] : memref<128x128xf32, #tpu.memory_space<hbm>> -> memref<128x128xf32, #tpu.memory_space<hbm>>
    tpu.wait_dma2 semaphore(%arg11 : memref<!tpu.dma_semaphore, #tpu.memory_space<semaphore_mem>>) src(%dma_wait3A_111 : memref<128x128xf32, #tpu.memory_space<hbm>>) dst(%dma_wait3A_108 : memref<128x128xf32, #tpu.memory_space<vmem>>)
    %mul3A_112 = arith.constant 10112 : i32
    %mul3A_113 = arith.muli %arg0, %mul3A_112 : i32
    %mul3A_114 = arith.constant 632 : i32
    %mul3A_115 = arith.muli %arg1, %mul3A_114 : i32
    %add3A_116 = arith.addi %mul3A_113, %mul3A_115 : i32
    %add3A_117 = arith.constant 0 : i32
    %add3A_118 = arith.addi %add3A_116, %add3A_117 : i32
    %dma_start3A_119 = arith.constant 0 : i32
    %dma_start3A_120 = arith.constant 0 : i32
    %dma_start3A_121 = tpu.memref_slice %arg9[%dma_start3A_119, %dma_start3A_120] : memref<384x128xf32, #tpu.memory_space<vmem>> -> memref<128x128xf32, #tpu.memory_space<vmem>>
    %dma_start3A_122 = arith.constant 0 : i32
    %dma_start3A_123 = tpu.memref_slice %arg6[%add3A_118, %dma_start3A_122] : memref<20224x128xf32, #tpu.memory_space<hbm>> -> memref<128x128xf32, #tpu.memory_space<hbm>>
    %dma_start3A_124 = arith.constant 0 : i32
    %dma_start3A_125 = tpu.memref_slice %arg6[%add3A_118, %dma_start3A_124] : memref<20224x128xf32, #tpu.memory_space<hbm>> -> memref<128x128xf32, #tpu.memory_space<hbm>>
    %dma_start3A_126 = arith.constant 0 : i32
    %dma_start3A_127 = arith.constant 0 : i32
    %dma_start3A_128 = tpu.memref_slice %arg9[%dma_start3A_126, %dma_start3A_127] : memref<384x128xf32, #tpu.memory_space<vmem>> -> memref<128x128xf32, #tpu.memory_space<vmem>>
    tpu.enqueue_dma source(%dma_start3A_128 : memref<128x128xf32, #tpu.memory_space<vmem>>) target(%dma_start3A_125 : memref<128x128xf32, #tpu.memory_space<hbm>>) target_semaphore(%arg14 : memref<!tpu.dma_semaphore, #tpu.memory_space<semaphore_mem>>)
    %mul3A_129 = arith.constant 632 : i32
    %mul3A_130 = arith.muli %arg1, %mul3A_129 : i32
    %add3A_131 = arith.constant 256 : i32
    %add3A_132 = arith.addi %mul3A_130, %add3A_131 : i32
    %dma_start3A_133 = arith.constant 256 : i32
    %dma_start3A_134 = arith.constant 0 : i32
    %dma_start3A_135 = tpu.memref_slice %arg9[%dma_start3A_133, %dma_start3A_134] : memref<384x128xf32, #tpu.memory_space<vmem>> -> memref<128x128xf32, #tpu.memory_space<vmem>>
    %dma_start3A_136 = arith.constant 0 : i32
    %dma_start3A_137 = tpu.memref_slice %arg10[%add3A_132, %dma_start3A_136] : memref<10112x128xf32, #tpu.memory_space<vmem_shared>> -> memref<128x128xf32, #tpu.memory_space<vmem_shared>>
    %dma_start3A_138 = arith.constant 256 : i32
    %dma_start3A_139 = arith.constant 0 : i32
    %dma_start3A_140 = tpu.memref_slice %arg9[%dma_start3A_138, %dma_start3A_139] : memref<384x128xf32, #tpu.memory_space<vmem>> -> memref<128x128xf32, #tpu.memory_space<vmem>>
    %dma_start3A_141 = arith.constant 0 : i32
    %dma_start3A_142 = tpu.memref_slice %arg10[%add3A_132, %dma_start3A_141] : memref<10112x128xf32, #tpu.memory_space<vmem_shared>> -> memref<128x128xf32, #tpu.memory_space<vmem_shared>>
    tpu.enqueue_dma source(%dma_start3A_142 : memref<128x128xf32, #tpu.memory_space<vmem_shared>>) target(%dma_start3A_140 : memref<128x128xf32, #tpu.memory_space<vmem>>) target_semaphore(%arg13 : memref<!tpu.dma_semaphore, #tpu.memory_space<semaphore_mem>>)
    %dma_wait3A_143 = arith.constant 128 : i32
    %dma_wait3A_144 = arith.constant 0 : i32
    %dma_wait3A_145 = tpu.memref_slice %arg9[%dma_wait3A_143, %dma_wait3A_144] : memref<384x128xf32, #tpu.memory_space<vmem>> -> memref<128x128xf32, #tpu.memory_space<vmem>>
    %dma_wait3A_146 = arith.constant 0 : i32
    %dma_wait3A_147 = arith.constant 0 : i32
    %dma_wait3A_148 = tpu.memref_slice %arg5[%dma_wait3A_146, %dma_wait3A_147] : memref<128x128xf32, #tpu.memory_space<hbm>> -> memref<128x128xf32, #tpu.memory_space<hbm>>
    %dma_wait3A_149 = arith.constant 128 : i32
    %dma_wait3A_150 = arith.constant 0 : i32
    %dma_wait3A_151 = tpu.memref_slice %arg9[%dma_wait3A_149, %dma_wait3A_150] : memref<384x128xf32, #tpu.memory_space<vmem>> -> memref<128x128xf32, #tpu.memory_space<vmem>>
    %dma_wait3A_152 = arith.constant 0 : i32
    %dma_wait3A_153 = arith.constant 0 : i32
    %dma_wait3A_154 = tpu.memref_slice %arg5[%dma_wait3A_152, %dma_wait3A_153] : memref<128x128xf32, #tpu.memory_space<hbm>> -> memref<128x128xf32, #tpu.memory_space<hbm>>
    tpu.wait_dma2 semaphore(%arg12 : memref<!tpu.dma_semaphore, #tpu.memory_space<semaphore_mem>>) src(%dma_wait3A_154 : memref<128x128xf32, #tpu.memory_space<hbm>>) dst(%dma_wait3A_151 : memref<128x128xf32, #tpu.memory_space<vmem>>)
    %mul3A_155 = arith.constant 10112 : i32
    %mul3A_156 = arith.muli %arg0, %mul3A_155 : i32
    %mul3A_157 = arith.constant 632 : i32
    %mul3A_158 = arith.muli %arg1, %mul3A_157 : i32
    %add3A_159 = arith.addi %mul3A_156, %mul3A_158 : i32
    %add3A_160 = arith.constant 128 : i32
    %add3A_161 = arith.addi %add3A_159, %add3A_160 : i32
    %dma_start3A_162 = arith.constant 128 : i32
    %dma_start3A_163 = arith.constant 0 : i32
    %dma_start3A_164 = tpu.memref_slice %arg9[%dma_start3A_162, %dma_start3A_163] : memref<384x128xf32, #tpu.memory_space<vmem>> -> memref<128x128xf32, #tpu.memory_space<vmem>>
    %dma_start3A_165 = arith.constant 0 : i32
    %dma_start3A_166 = tpu.memref_slice %arg6[%add3A_161, %dma_start3A_165] : memref<20224x128xf32, #tpu.memory_space<hbm>> -> memref<128x128xf32, #tpu.memory_space<hbm>>
    %dma_start3A_167 = arith.constant 0 : i32
    %dma_start3A_168 = tpu.memref_slice %arg6[%add3A_161, %dma_start3A_167] : memref<20224x128xf32, #tpu.memory_space<hbm>> -> memref<128x128xf32, #tpu.memory_space<hbm>>
    %dma_start3A_169 = arith.constant 128 : i32
    %dma_start3A_170 = arith.constant 0 : i32
    %dma_start3A_171 = tpu.memref_slice %arg9[%dma_start3A_169, %dma_start3A_170] : memref<384x128xf32, #tpu.memory_space<vmem>> -> memref<128x128xf32, #tpu.memory_space<vmem>>
    tpu.enqueue_dma source(%dma_start3A_171 : memref<128x128xf32, #tpu.memory_space<vmem>>) target(%dma_start3A_168 : memref<128x128xf32, #tpu.memory_space<hbm>>) target_semaphore(%arg15 : memref<!tpu.dma_semaphore, #tpu.memory_space<semaphore_mem>>)
    %dma_wait3A_172 = arith.constant 0 : i32
    %dma_wait3A_173 = arith.constant 0 : i32
    %dma_wait3A_174 = tpu.memref_slice %arg9[%dma_wait3A_172, %dma_wait3A_173] : memref<384x128xf32, #tpu.memory_space<vmem>> -> memref<128x128xf32, #tpu.memory_space<vmem>>
    %dma_wait3A_175 = arith.constant 0 : i32
    %dma_wait3A_176 = arith.constant 0 : i32
    %dma_wait3A_177 = tpu.memref_slice %arg5[%dma_wait3A_175, %dma_wait3A_176] : memref<128x128xf32, #tpu.memory_space<hbm>> -> memref<128x128xf32, #tpu.memory_space<hbm>>
    %dma_wait3A_178 = arith.constant 0 : i32
    %dma_wait3A_179 = arith.constant 0 : i32
    %dma_wait3A_180 = tpu.memref_slice %arg9[%dma_wait3A_178, %dma_wait3A_179] : memref<384x128xf32, #tpu.memory_space<vmem>> -> memref<128x128xf32, #tpu.memory_space<vmem>>
    %dma_wait3A_181 = arith.constant 0 : i32
    %dma_wait3A_182 = arith.constant 0 : i32
    %dma_wait3A_183 = tpu.memref_slice %arg5[%dma_wait3A_181, %dma_wait3A_182] : memref<128x128xf32, #tpu.memory_space<hbm>> -> memref<128x128xf32, #tpu.memory_space<hbm>>
    tpu.wait_dma2 semaphore(%arg14 : memref<!tpu.dma_semaphore, #tpu.memory_space<semaphore_mem>>) src(%dma_wait3A_183 : memref<128x128xf32, #tpu.memory_space<hbm>>) dst(%dma_wait3A_180 : memref<128x128xf32, #tpu.memory_space<vmem>>)
    %mul3A_184 = arith.constant 632 : i32
    %mul3A_185 = arith.muli %arg1, %mul3A_184 : i32
    %add3A_186 = arith.constant 384 : i32
    %add3A_187 = arith.addi %mul3A_185, %add3A_186 : i32
    %dma_start3A_188 = arith.constant 0 : i32
    %dma_start3A_189 = arith.constant 0 : i32
    %dma_start3A_190 = tpu.memref_slice %arg9[%dma_start3A_188, %dma_start3A_189] : memref<384x128xf32, #tpu.memory_space<vmem>> -> memref<128x128xf32, #tpu.memory_space<vmem>>
    %dma_start3A_191 = arith.constant 0 : i32
    %dma_start3A_192 = tpu.memref_slice %arg10[%add3A_187, %dma_start3A_191] : memref<10112x128xf32, #tpu.memory_space<vmem_shared>> -> memref<128x128xf32, #tpu.memory_space<vmem_shared>>
    %dma_start3A_193 = arith.constant 0 : i32
    %dma_start3A_194 = arith.constant 0 : i32
    %dma_start3A_195 = tpu.memref_slice %arg9[%dma_start3A_193, %dma_start3A_194] : memref<384x128xf32, #tpu.memory_space<vmem>> -> memref<128x128xf32, #tpu.memory_space<vmem>>
    %dma_start3A_196 = arith.constant 0 : i32
    %dma_start3A_197 = tpu.memref_slice %arg10[%add3A_187, %dma_start3A_196] : memref<10112x128xf32, #tpu.memory_space<vmem_shared>> -> memref<128x128xf32, #tpu.memory_space<vmem_shared>>
    tpu.enqueue_dma source(%dma_start3A_197 : memref<128x128xf32, #tpu.memory_space<vmem_shared>>) target(%dma_start3A_195 : memref<128x128xf32, #tpu.memory_space<vmem>>) target_semaphore(%arg11 : memref<!tpu.dma_semaphore, #tpu.memory_space<semaphore_mem>>)
    %dma_wait3A_198 = arith.constant 256 : i32
    %dma_wait3A_199 = arith.constant 0 : i32
    %dma_wait3A_200 = tpu.memref_slice %arg9[%dma_wait3A_198, %dma_wait3A_199] : memref<384x128xf32, #tpu.memory_space<vmem>> -> memref<128x128xf32, #tpu.memory_space<vmem>>
    %dma_wait3A_201 = arith.constant 0 : i32
    %dma_wait3A_202 = arith.constant 0 : i32
    %dma_wait3A_203 = tpu.memref_slice %arg5[%dma_wait3A_201, %dma_wait3A_202] : memref<128x128xf32, #tpu.memory_space<hbm>> -> memref<128x128xf32, #tpu.memory_space<hbm>>
    %dma_wait3A_204 = arith.constant 256 : i32
    %dma_wait3A_205 = arith.constant 0 : i32
    %dma_wait3A_206 = tpu.memref_slice %arg9[%dma_wait3A_204, %dma_wait3A_205] : memref<384x128xf32, #tpu.memory_space<vmem>> -> memref<128x128xf32, #tpu.memory_space<vmem>>
    %dma_wait3A_207 = arith.constant 0 : i32
    %dma_wait3A_208 = arith.constant 0 : i32
    %dma_wait3A_209 = tpu.memref_slice %arg5[%dma_wait3A_207, %dma_wait3A_208] : memref<128x128xf32, #tpu.memory_space<hbm>> -> memref<128x128xf32, #tpu.memory_space<hbm>>
    tpu.wait_dma2 semaphore(%arg13 : memref<!tpu.dma_semaphore, #tpu.memory_space<semaphore_mem>>) src(%dma_wait3A_209 : memref<128x128xf32, #tpu.memory_space<hbm>>) dst(%dma_wait3A_206 : memref<128x128xf32, #tpu.memory_space<vmem>>)
    %mul3A_210 = arith.constant 10112 : i32
    %mul3A_211 = arith.muli %arg0, %mul3A_210 : i32
    %mul3A_212 = arith.constant 632 : i32
    %mul3A_213 = arith.muli %arg1, %mul3A_212 : i32
    %add3A_214 = arith.addi %mul3A_211, %mul3A_213 : i32
    %add3A_215 = arith.constant 256 : i32
    %add3A_216 = arith.addi %add3A_214, %add3A_215 : i32
    %dma_start3A_217 = arith.constant 256 : i32
    %dma_start3A_218 = arith.constant 0 : i32
    %dma_start3A_219 = tpu.memref_slice %arg9[%dma_start3A_217, %dma_start3A_218] : memref<384x128xf32, #tpu.memory_space<vmem>> -> memref<128x128xf32, #tpu.memory_space<vmem>>
    %dma_start3A_220 = arith.constant 0 : i32
    %dma_start3A_221 = tpu.memref_slice %arg6[%add3A_216, %dma_start3A_220] : memref<20224x128xf32, #tpu.memory_space<hbm>> -> memref<128x128xf32, #tpu.memory_space<hbm>>
    %dma_start3A_222 = arith.constant 0 : i32
    %dma_start3A_223 = tpu.memref_slice %arg6[%add3A_216, %dma_start3A_222] : memref<20224x128xf32, #tpu.memory_space<hbm>> -> memref<128x128xf32, #tpu.memory_space<hbm>>
    %dma_start3A_224 = arith.constant 256 : i32
    %dma_start3A_225 = arith.constant 0 : i32
    %dma_start3A_226 = tpu.memref_slice %arg9[%dma_start3A_224, %dma_start3A_225] : memref<384x128xf32, #tpu.memory_space<vmem>> -> memref<128x128xf32, #tpu.memory_space<vmem>>
    tpu.enqueue_dma source(%dma_start3A_226 : memref<128x128xf32, #tpu.memory_space<vmem>>) target(%dma_start3A_223 : memref<128x128xf32, #tpu.memory_space<hbm>>) target_semaphore(%arg16 : memref<!tpu.dma_semaphore, #tpu.memory_space<semaphore_mem>>)
    %dma_wait3A_227 = arith.constant 128 : i32
    %dma_wait3A_228 = arith.constant 0 : i32
    %dma_wait3A_229 = tpu.memref_slice %arg9[%dma_wait3A_227, %dma_wait3A_228] : memref<384x128xf32, #tpu.memory_space<vmem>> -> memref<128x128xf32, #tpu.memory_space<vmem>>
    %dma_wait3A_230 = arith.constant 0 : i32
    %dma_wait3A_231 = arith.constant 0 : i32
    %dma_wait3A_232 = tpu.memref_slice %arg5[%dma_wait3A_230, %dma_wait3A_231] : memref<128x128xf32, #tpu.memory_space<hbm>> -> memref<128x128xf32, #tpu.memory_space<hbm>>
    %dma_wait3A_233 = arith.constant 128 : i32
    %dma_wait3A_234 = arith.constant 0 : i32
    %dma_wait3A_235 = tpu.memref_slice %arg9[%dma_wait3A_233, %dma_wait3A_234] : memref<384x128xf32, #tpu.memory_space<vmem>> -> memref<128x128xf32, #tpu.memory_space<vmem>>
    %dma_wait3A_236 = arith.constant 0 : i32
    %dma_wait3A_237 = arith.constant 0 : i32
    %dma_wait3A_238 = tpu.memref_slice %arg5[%dma_wait3A_236, %dma_wait3A_237] : memref<128x128xf32, #tpu.memory_space<hbm>> -> memref<128x128xf32, #tpu.memory_space<hbm>>
    tpu.wait_dma2 semaphore(%arg15 : memref<!tpu.dma_semaphore, #tpu.memory_space<semaphore_mem>>) src(%dma_wait3A_238 : memref<128x128xf32, #tpu.memory_space<hbm>>) dst(%dma_wait3A_235 : memref<128x128xf32, #tpu.memory_space<vmem>>)
    %mul3A_239 = arith.constant 632 : i32
    %mul3A_240 = arith.muli %arg1, %mul3A_239 : i32
    %add3A_241 = arith.constant 512 : i32
    %add3A_242 = arith.addi %mul3A_240, %add3A_241 : i32
    %dma_start3A_243 = arith.constant 128 : i32
    %dma_start3A_244 = arith.constant 0 : i32
    %dma_start3A_245 = tpu.memref_slice %arg9[%dma_start3A_243, %dma_start3A_244] : memref<384x128xf32, #tpu.memory_space<vmem>> -> memref<120x128xf32, #tpu.memory_space<vmem>>
    %dma_start3A_246 = arith.constant 0 : i32
    %dma_start3A_247 = tpu.memref_slice %arg10[%add3A_242, %dma_start3A_246] : memref<10112x128xf32, #tpu.memory_space<vmem_shared>> -> memref<120x128xf32, #tpu.memory_space<vmem_shared>>
    %dma_start3A_248 = arith.constant 128 : i32
    %dma_start3A_249 = arith.constant 0 : i32
    %dma_start3A_250 = tpu.memref_slice %arg9[%dma_start3A_248, %dma_start3A_249] : memref<384x128xf32, #tpu.memory_space<vmem>> -> memref<120x128xf32, #tpu.memory_space<vmem>>
    %dma_start3A_251 = arith.constant 0 : i32
    %dma_start3A_252 = tpu.memref_slice %arg10[%add3A_242, %dma_start3A_251] : memref<10112x128xf32, #tpu.memory_space<vmem_shared>> -> memref<120x128xf32, #tpu.memory_space<vmem_shared>>
    tpu.enqueue_dma source(%dma_start3A_252 : memref<120x128xf32, #tpu.memory_space<vmem_shared>>) target(%dma_start3A_250 : memref<120x128xf32, #tpu.memory_space<vmem>>) target_semaphore(%arg12 : memref<!tpu.dma_semaphore, #tpu.memory_space<semaphore_mem>>)
    %dma_wait3A_253 = arith.constant 0 : i32
    %dma_wait3A_254 = arith.constant 0 : i32
    %dma_wait3A_255 = tpu.memref_slice %arg9[%dma_wait3A_253, %dma_wait3A_254] : memref<384x128xf32, #tpu.memory_space<vmem>> -> memref<128x128xf32, #tpu.memory_space<vmem>>
    %dma_wait3A_256 = arith.constant 0 : i32
    %dma_wait3A_257 = arith.constant 0 : i32
    %dma_wait3A_258 = tpu.memref_slice %arg5[%dma_wait3A_256, %dma_wait3A_257] : memref<128x128xf32, #tpu.memory_space<hbm>> -> memref<128x128xf32, #tpu.memory_space<hbm>>
    %dma_wait3A_259 = arith.constant 0 : i32
    %dma_wait3A_260 = arith.constant 0 : i32
    %dma_wait3A_261 = tpu.memref_slice %arg9[%dma_wait3A_259, %dma_wait3A_260] : memref<384x128xf32, #tpu.memory_space<vmem>> -> memref<128x128xf32, #tpu.memory_space<vmem>>
    %dma_wait3A_262 = arith.constant 0 : i32
    %dma_wait3A_263 = arith.constant 0 : i32
    %dma_wait3A_264 = tpu.memref_slice %arg5[%dma_wait3A_262, %dma_wait3A_263] : memref<128x128xf32, #tpu.memory_space<hbm>> -> memref<128x128xf32, #tpu.memory_space<hbm>>
    tpu.wait_dma2 semaphore(%arg11 : memref<!tpu.dma_semaphore, #tpu.memory_space<semaphore_mem>>) src(%dma_wait3A_264 : memref<128x128xf32, #tpu.memory_space<hbm>>) dst(%dma_wait3A_261 : memref<128x128xf32, #tpu.memory_space<vmem>>)
    %mul3A_265 = arith.constant 10112 : i32
    %mul3A_266 = arith.muli %arg0, %mul3A_265 : i32
    %mul3A_267 = arith.constant 632 : i32
    %mul3A_268 = arith.muli %arg1, %mul3A_267 : i32
    %add3A_269 = arith.addi %mul3A_266, %mul3A_268 : i32
    %add3A_270 = arith.constant 384 : i32
    %add3A_271 = arith.addi %add3A_269, %add3A_270 : i32
    %dma_start3A_272 = arith.constant 0 : i32
    %dma_start3A_273 = arith.constant 0 : i32
    %dma_start3A_274 = tpu.memref_slice %arg9[%dma_start3A_272, %dma_start3A_273] : memref<384x128xf32, #tpu.memory_space<vmem>> -> memref<128x128xf32, #tpu.memory_space<vmem>>
    %dma_start3A_275 = arith.constant 0 : i32
    %dma_start3A_276 = tpu.memref_slice %arg6[%add3A_271, %dma_start3A_275] : memref<20224x128xf32, #tpu.memory_space<hbm>> -> memref<128x128xf32, #tpu.memory_space<hbm>>
    %dma_start3A_277 = arith.constant 0 : i32
    %dma_start3A_278 = tpu.memref_slice %arg6[%add3A_271, %dma_start3A_277] : memref<20224x128xf32, #tpu.memory_space<hbm>> -> memref<128x128xf32, #tpu.memory_space<hbm>>
    %dma_start3A_279 = arith.constant 0 : i32
    %dma_start3A_280 = arith.constant 0 : i32
    %dma_start3A_281 = tpu.memref_slice %arg9[%dma_start3A_279, %dma_start3A_280] : memref<384x128xf32, #tpu.memory_space<vmem>> -> memref<128x128xf32, #tpu.memory_space<vmem>>
    tpu.enqueue_dma source(%dma_start3A_281 : memref<128x128xf32, #tpu.memory_space<vmem>>) target(%dma_start3A_278 : memref<128x128xf32, #tpu.memory_space<hbm>>) target_semaphore(%arg14 : memref<!tpu.dma_semaphore, #tpu.memory_space<semaphore_mem>>)
    %dma_wait3A_282 = arith.constant 128 : i32
    %dma_wait3A_283 = arith.constant 0 : i32
    %dma_wait3A_284 = tpu.memref_slice %arg9[%dma_wait3A_282, %dma_wait3A_283] : memref<384x128xf32, #tpu.memory_space<vmem>> -> memref<120x128xf32, #tpu.memory_space<vmem>>
    %dma_wait3A_285 = arith.constant 0 : i32
    %dma_wait3A_286 = arith.constant 0 : i32
    %dma_wait3A_287 = tpu.memref_slice %arg5[%dma_wait3A_285, %dma_wait3A_286] : memref<128x128xf32, #tpu.memory_space<hbm>> -> memref<120x128xf32, #tpu.memory_space<hbm>>
    %dma_wait3A_288 = arith.constant 128 : i32
    %dma_wait3A_289 = arith.constant 0 : i32
    %dma_wait3A_290 = tpu.memref_slice %arg9[%dma_wait3A_288, %dma_wait3A_289] : memref<384x128xf32, #tpu.memory_space<vmem>> -> memref<120x128xf32, #tpu.memory_space<vmem>>
    %dma_wait3A_291 = arith.constant 0 : i32
    %dma_wait3A_292 = arith.constant 0 : i32
    %dma_wait3A_293 = tpu.memref_slice %arg5[%dma_wait3A_291, %dma_wait3A_292] : memref<128x128xf32, #tpu.memory_space<hbm>> -> memref<120x128xf32, #tpu.memory_space<hbm>>
    tpu.wait_dma2 semaphore(%arg12 : memref<!tpu.dma_semaphore, #tpu.memory_space<semaphore_mem>>) src(%dma_wait3A_293 : memref<120x128xf32, #tpu.memory_space<hbm>>) dst(%dma_wait3A_290 : memref<120x128xf32, #tpu.memory_space<vmem>>)
    %mul3A_294 = arith.constant 10112 : i32
    %mul3A_295 = arith.muli %arg0, %mul3A_294 : i32
    %mul3A_296 = arith.constant 632 : i32
    %mul3A_297 = arith.muli %arg1, %mul3A_296 : i32
    %add3A_298 = arith.addi %mul3A_295, %mul3A_297 : i32
    %add3A_299 = arith.constant 512 : i32
    %add3A_300 = arith.addi %add3A_298, %add3A_299 : i32
    %dma_start3A_301 = arith.constant 128 : i32
    %dma_start3A_302 = arith.constant 0 : i32
    %dma_start3A_303 = tpu.memref_slice %arg9[%dma_start3A_301, %dma_start3A_302] : memref<384x128xf32, #tpu.memory_space<vmem>> -> memref<120x128xf32, #tpu.memory_space<vmem>>
    %dma_start3A_304 = arith.constant 0 : i32
    %dma_start3A_305 = tpu.memref_slice %arg6[%add3A_300, %dma_start3A_304] : memref<20224x128xf32, #tpu.memory_space<hbm>> -> memref<120x128xf32, #tpu.memory_space<hbm>>
    %dma_start3A_306 = arith.constant 0 : i32
    %dma_start3A_307 = tpu.memref_slice %arg6[%add3A_300, %dma_start3A_306] : memref<20224x128xf32, #tpu.memory_space<hbm>> -> memref<120x128xf32, #tpu.memory_space<hbm>>
    %dma_start3A_308 = arith.constant 128 : i32
    %dma_start3A_309 = arith.constant 0 : i32
    %dma_start3A_310 = tpu.memref_slice %arg9[%dma_start3A_308, %dma_start3A_309] : memref<384x128xf32, #tpu.memory_space<vmem>> -> memref<120x128xf32, #tpu.memory_space<vmem>>
    tpu.enqueue_dma source(%dma_start3A_310 : memref<120x128xf32, #tpu.memory_space<vmem>>) target(%dma_start3A_307 : memref<120x128xf32, #tpu.memory_space<hbm>>) target_semaphore(%arg15 : memref<!tpu.dma_semaphore, #tpu.memory_space<semaphore_mem>>)
    %dma_wait3A_311 = arith.constant 256 : i32
    %dma_wait3A_312 = arith.constant 0 : i32
    %dma_wait3A_313 = tpu.memref_slice %arg9[%dma_wait3A_311, %dma_wait3A_312] : memref<384x128xf32, #tpu.memory_space<vmem>> -> memref<128x128xf32, #tpu.memory_space<vmem>>
    %dma_wait3A_314 = arith.constant 0 : i32
    %dma_wait3A_315 = arith.constant 0 : i32
    %dma_wait3A_316 = tpu.memref_slice %arg5[%dma_wait3A_314, %dma_wait3A_315] : memref<128x128xf32, #tpu.memory_space<hbm>> -> memref<128x128xf32, #tpu.memory_space<hbm>>
    %dma_wait3A_317 = arith.constant 256 : i32
    %dma_wait3A_318 = arith.constant 0 : i32
    %dma_wait3A_319 = tpu.memref_slice %arg9[%dma_wait3A_317, %dma_wait3A_318] : memref<384x128xf32, #tpu.memory_space<vmem>> -> memref<128x128xf32, #tpu.memory_space<vmem>>
    %dma_wait3A_320 = arith.constant 0 : i32
    %dma_wait3A_321 = arith.constant 0 : i32
    %dma_wait3A_322 = tpu.memref_slice %arg5[%dma_wait3A_320, %dma_wait3A_321] : memref<128x128xf32, #tpu.memory_space<hbm>> -> memref<128x128xf32, #tpu.memory_space<hbm>>
    tpu.wait_dma2 semaphore(%arg16 : memref<!tpu.dma_semaphore, #tpu.memory_space<semaphore_mem>>) src(%dma_wait3A_322 : memref<128x128xf32, #tpu.memory_space<hbm>>) dst(%dma_wait3A_319 : memref<128x128xf32, #tpu.memory_space<vmem>>)
    %dma_wait3A_323 = arith.constant 0 : i32
    %dma_wait3A_324 = arith.constant 0 : i32
    %dma_wait3A_325 = tpu.memref_slice %arg9[%dma_wait3A_323, %dma_wait3A_324] : memref<384x128xf32, #tpu.memory_space<vmem>> -> memref<128x128xf32, #tpu.memory_space<vmem>>
    %dma_wait3A_326 = arith.constant 0 : i32
    %dma_wait3A_327 = arith.constant 0 : i32
    %dma_wait3A_328 = tpu.memref_slice %arg5[%dma_wait3A_326, %dma_wait3A_327] : memref<128x128xf32, #tpu.memory_space<hbm>> -> memref<128x128xf32, #tpu.memory_space<hbm>>
    %dma_wait3A_329 = arith.constant 0 : i32
    %dma_wait3A_330 = arith.constant 0 : i32
    %dma_wait3A_331 = tpu.memref_slice %arg9[%dma_wait3A_329, %dma_wait3A_330] : memref<384x128xf32, #tpu.memory_space<vmem>> -> memref<128x128xf32, #tpu.memory_space<vmem>>
    %dma_wait3A_332 = arith.constant 0 : i32
    %dma_wait3A_333 = arith.constant 0 : i32
    %dma_wait3A_334 = tpu.memref_slice %arg5[%dma_wait3A_332, %dma_wait3A_333] : memref<128x128xf32, #tpu.memory_space<hbm>> -> memref<128x128xf32, #tpu.memory_space<hbm>>
    tpu.wait_dma2 semaphore(%arg14 : memref<!tpu.dma_semaphore, #tpu.memory_space<semaphore_mem>>) src(%dma_wait3A_334 : memref<128x128xf32, #tpu.memory_space<hbm>>) dst(%dma_wait3A_331 : memref<128x128xf32, #tpu.memory_space<vmem>>)
    %dma_wait3A_335 = arith.constant 128 : i32
    %dma_wait3A_336 = arith.constant 0 : i32
    %dma_wait3A_337 = tpu.memref_slice %arg9[%dma_wait3A_335, %dma_wait3A_336] : memref<384x128xf32, #tpu.memory_space<vmem>> -> memref<120x128xf32, #tpu.memory_space<vmem>>
    %dma_wait3A_338 = arith.constant 0 : i32
    %dma_wait3A_339 = arith.constant 0 : i32
    %dma_wait3A_340 = tpu.memref_slice %arg5[%dma_wait3A_338, %dma_wait3A_339] : memref<128x128xf32, #tpu.memory_space<hbm>> -> memref<120x128xf32, #tpu.memory_space<hbm>>
    %dma_wait3A_341 = arith.constant 128 : i32
    %dma_wait3A_342 = arith.constant 0 : i32
    %dma_wait3A_343 = tpu.memref_slice %arg9[%dma_wait3A_341, %dma_wait3A_342] : memref<384x128xf32, #tpu.memory_space<vmem>> -> memref<120x128xf32, #tpu.memory_space<vmem>>
    %dma_wait3A_344 = arith.constant 0 : i32
    %dma_wait3A_345 = arith.constant 0 : i32
    %dma_wait3A_346 = tpu.memref_slice %arg5[%dma_wait3A_344, %dma_wait3A_345] : memref<128x128xf32, #tpu.memory_space<hbm>> -> memref<120x128xf32, #tpu.memory_space<hbm>>
    tpu.wait_dma2 semaphore(%arg15 : memref<!tpu.dma_semaphore, #tpu.memory_space<semaphore_mem>>) src(%dma_wait3A_346 : memref<120x128xf32, #tpu.memory_space<hbm>>) dst(%dma_wait3A_343 : memref<120x128xf32, #tpu.memory_space<vmem>>)
    return
  }
}

#map = affine_map<(d0, d1) -> (0)>
module attributes {stable_mosaic.version = 14 : i64} {
  func.func @_deg_kernel(%arg0: i32, %arg1: i32, %arg2: memref<331776xi32, #tpu.memory_space<hbm>>, %arg3: memref<128xf32, #tpu.memory_space<hbm>>, %arg4: memref<632xf32, #tpu.memory_space<hbm>>, %arg5: memref<20224xf32, #tpu.memory_space<hbm>>, %arg6: memref<3x128xi32, #tpu.memory_space<vmem>>, %arg7: memref<128xf32, #tpu.memory_space<vmem>>, %arg8: memref<632xf32, #tpu.memory_space<vmem>>, %arg9: memref<10112xf32, #tpu.memory_space<vmem_shared>>, %arg10: memref<!tpu.dma_semaphore, #tpu.memory_space<semaphore_mem>>, %arg11: memref<!tpu.dma_semaphore, #tpu.memory_space<semaphore_mem>>, %arg12: memref<!tpu.dma_semaphore, #tpu.memory_space<semaphore_mem>>, %arg13: memref<!tpu.dma_semaphore, #tpu.memory_space<semaphore_mem>>, %arg14: memref<!tpu.dma_semaphore, #tpu.memory_space<semaphore_mem>>, %arg15: memref<!tpu.dma_semaphore, #tpu.memory_space<semaphore_mem>>) attributes {dimension_semantics = [#tpu.dimension_semantics<core_parallel>, #tpu.dimension_semantics<subcore_parallel>], iteration_bounds = array<i64: 2, 16>, scalar_prefetch = 0 : i64, scratch_operands = 10 : i64, tpu.core_type = #tpu.core_type<sc_vector_subcore>, window_params = [{transform_indices = #map}, {transform_indices = #map}, {transform_indices = #map}, {transform_indices = #map}]} {
    %mul3A = arith.constant 16 : i32
    %mul3A_0 = arith.muli %arg0, %mul3A : i32
    %add3A = arith.addi %mul3A_0, %arg1 : i32
    %mul3A_1 = arith.constant 81 : i32
    %mul3A_2 = arith.muli %add3A, %mul3A_1 : i32
    %add3A_3 = arith.constant 0 : i32
    %add3A_4 = arith.addi %mul3A_2, %add3A_3 : i32
    %mul3A_5 = arith.constant 128 : i32
    %mul3A_6 = arith.muli %add3A_4, %mul3A_5 : i32
    %dma_start3A = arith.constant 0 : i32
    %dma_start3A_7 = arith.constant 0 : i32
    %dma_start3A_8 = tpu.memref_slice %arg6[%dma_start3A, %dma_start3A_7] : memref<3x128xi32, #tpu.memory_space<vmem>> -> memref<1x128xi32, #tpu.memory_space<vmem>>
    %dma_start3A_9 = tpu.memref_squeeze %dma_start3A_8 : memref<1x128xi32, #tpu.memory_space<vmem>> -> memref<128xi32, #tpu.memory_space<vmem>>
    %dma_start3A_10 = tpu.memref_slice %arg2[%mul3A_6] : memref<331776xi32, #tpu.memory_space<hbm>> -> memref<128xi32, #tpu.memory_space<hbm>>
    %dma_start3A_11 = arith.constant 0 : i32
    %dma_start3A_12 = tpu.memref_slice %arg6[%dma_start3A, %dma_start3A_11] : memref<3x128xi32, #tpu.memory_space<vmem>> -> memref<1x128xi32, #tpu.memory_space<vmem>>
    %dma_start3A_13 = tpu.memref_squeeze %dma_start3A_12 : memref<1x128xi32, #tpu.memory_space<vmem>> -> memref<128xi32, #tpu.memory_space<vmem>>
    %dma_start3A_14 = tpu.memref_slice %arg2[%mul3A_6] : memref<331776xi32, #tpu.memory_space<hbm>> -> memref<128xi32, #tpu.memory_space<hbm>>
    tpu.enqueue_dma source(%dma_start3A_14 : memref<128xi32, #tpu.memory_space<hbm>>) target(%dma_start3A_13 : memref<128xi32, #tpu.memory_space<vmem>>) target_semaphore(%arg10 : memref<!tpu.dma_semaphore, #tpu.memory_space<semaphore_mem>>)
    %add3A_15 = arith.constant 1 : i32
    %add3A_16 = arith.addi %mul3A_2, %add3A_15 : i32
    %mul3A_17 = arith.constant 128 : i32
    %mul3A_18 = arith.muli %add3A_16, %mul3A_17 : i32
    %dma_start3A_19 = arith.constant 1 : i32
    %dma_start3A_20 = arith.constant 0 : i32
    %dma_start3A_21 = tpu.memref_slice %arg6[%dma_start3A_19, %dma_start3A_20] : memref<3x128xi32, #tpu.memory_space<vmem>> -> memref<1x128xi32, #tpu.memory_space<vmem>>
    %dma_start3A_22 = tpu.memref_squeeze %dma_start3A_21 : memref<1x128xi32, #tpu.memory_space<vmem>> -> memref<128xi32, #tpu.memory_space<vmem>>
    %dma_start3A_23 = tpu.memref_slice %arg2[%mul3A_18] : memref<331776xi32, #tpu.memory_space<hbm>> -> memref<128xi32, #tpu.memory_space<hbm>>
    %dma_start3A_24 = arith.constant 0 : i32
    %dma_start3A_25 = tpu.memref_slice %arg6[%dma_start3A_19, %dma_start3A_24] : memref<3x128xi32, #tpu.memory_space<vmem>> -> memref<1x128xi32, #tpu.memory_space<vmem>>
    %dma_start3A_26 = tpu.memref_squeeze %dma_start3A_25 : memref<1x128xi32, #tpu.memory_space<vmem>> -> memref<128xi32, #tpu.memory_space<vmem>>
    %dma_start3A_27 = tpu.memref_slice %arg2[%mul3A_18] : memref<331776xi32, #tpu.memory_space<hbm>> -> memref<128xi32, #tpu.memory_space<hbm>>
    tpu.enqueue_dma source(%dma_start3A_27 : memref<128xi32, #tpu.memory_space<hbm>>) target(%dma_start3A_26 : memref<128xi32, #tpu.memory_space<vmem>>) target_semaphore(%arg11 : memref<!tpu.dma_semaphore, #tpu.memory_space<semaphore_mem>>)
    "tpu.region"() ({
      %run_scoped3A = tpu.sem_alloc : memref<!tpu.dma_semaphore, #tpu.memory_space<semaphore_mem>>
      tpu.enqueue_dma source(%arg3 : memref<128xf32, #tpu.memory_space<hbm>>) target(%arg7 : memref<128xf32, #tpu.memory_space<vmem>>) target_semaphore(%run_scoped3A : memref<!tpu.dma_semaphore, #tpu.memory_space<semaphore_mem>>)
      tpu.wait_dma2 semaphore(%run_scoped3A : memref<!tpu.dma_semaphore, #tpu.memory_space<semaphore_mem>>) src(%arg3 : memref<128xf32, #tpu.memory_space<hbm>>) dst(%arg7 : memref<128xf32, #tpu.memory_space<vmem>>)
      tpu.yield
    }) : () -> ()
    "tpu.region"() ({
      %run_scoped3A = tpu.sem_alloc : memref<!tpu.dma_semaphore, #tpu.memory_space<semaphore_mem>>
      tpu.enqueue_dma source(%arg4 : memref<632xf32, #tpu.memory_space<hbm>>) target(%arg8 : memref<632xf32, #tpu.memory_space<vmem>>) target_semaphore(%run_scoped3A : memref<!tpu.dma_semaphore, #tpu.memory_space<semaphore_mem>>)
      tpu.wait_dma2 semaphore(%run_scoped3A : memref<!tpu.dma_semaphore, #tpu.memory_space<semaphore_mem>>) src(%arg4 : memref<632xf32, #tpu.memory_space<hbm>>) dst(%arg8 : memref<632xf32, #tpu.memory_space<vmem>>)
      tpu.yield
    }) : () -> ()
    %mul3A_28 = arith.constant 632 : i32
    %mul3A_29 = arith.muli %arg1, %mul3A_28 : i32
    "tpu.region"() ({
      %run_scoped3A = tpu.sem_alloc : memref<!tpu.dma_semaphore, #tpu.memory_space<semaphore_mem>>
      %dma_start3A_43 = tpu.memref_slice %arg9[%mul3A_29] : memref<10112xf32, #tpu.memory_space<vmem_shared>> -> memref<632xf32, #tpu.memory_space<vmem_shared>>
      %dma_start3A_44 = tpu.memref_slice %arg9[%mul3A_29] : memref<10112xf32, #tpu.memory_space<vmem_shared>> -> memref<632xf32, #tpu.memory_space<vmem_shared>>
      tpu.enqueue_dma source(%arg8 : memref<632xf32, #tpu.memory_space<vmem>>) target(%dma_start3A_44 : memref<632xf32, #tpu.memory_space<vmem_shared>>) target_semaphore(%run_scoped3A : memref<!tpu.dma_semaphore, #tpu.memory_space<semaphore_mem>>)
      %dma_wait3A = tpu.memref_slice %arg9[%mul3A_29] : memref<10112xf32, #tpu.memory_space<vmem_shared>> -> memref<632xf32, #tpu.memory_space<vmem_shared>>
      %dma_wait3A_45 = tpu.memref_slice %arg9[%mul3A_29] : memref<10112xf32, #tpu.memory_space<vmem_shared>> -> memref<632xf32, #tpu.memory_space<vmem_shared>>
      tpu.wait_dma2 semaphore(%run_scoped3A : memref<!tpu.dma_semaphore, #tpu.memory_space<semaphore_mem>>) src(%arg8 : memref<632xf32, #tpu.memory_space<vmem>>) dst(%dma_wait3A_45 : memref<632xf32, #tpu.memory_space<vmem_shared>>)
      tpu.yield
    }) : () -> ()
    %barrier3A = arith.constant 0 : index
    tpu.barrier barrier_id(%barrier3A)
    %scan3A = arith.constant 0 : i32
    %scan3A_30 = arith.constant 0 : i32
    %scan3A_31 = arith.constant 27 : i32
    %scan3A_32 = arith.addi %scan3A_30, %scan3A_31 : i32
    %scan3A_33 = arith.constant 1 : i32
    scf.for %scan3A_43 = %scan3A_30 to %scan3A_32 step %scan3A_33  : i32 {
      %mul3A_44 = arith.constant 3 : i32
      %mul3A_45 = arith.muli %scan3A_43, %mul3A_44 : i32
      %add3A_46 = arith.constant 0 : i32
      %add3A_47 = arith.addi %mul3A_45, %add3A_46 : i32
      %dma_wait3A = arith.constant 0 : i32
      %dma_wait3A_48 = arith.constant 0 : i32
      %dma_wait3A_49 = tpu.memref_slice %arg6[%dma_wait3A, %dma_wait3A_48] : memref<3x128xi32, #tpu.memory_space<vmem>> -> memref<1x128xi32, #tpu.memory_space<vmem>>
      %dma_wait3A_50 = tpu.memref_squeeze %dma_wait3A_49 : memref<1x128xi32, #tpu.memory_space<vmem>> -> memref<128xi32, #tpu.memory_space<vmem>>
      %dma_wait3A_51 = arith.constant 0 : i32
      %dma_wait3A_52 = tpu.memref_slice %arg2[%dma_wait3A_51] : memref<331776xi32, #tpu.memory_space<hbm>> -> memref<128xi32, #tpu.memory_space<hbm>>
      %dma_wait3A_53 = arith.constant 0 : i32
      %dma_wait3A_54 = tpu.memref_slice %arg6[%dma_wait3A, %dma_wait3A_53] : memref<3x128xi32, #tpu.memory_space<vmem>> -> memref<1x128xi32, #tpu.memory_space<vmem>>
      %dma_wait3A_55 = tpu.memref_squeeze %dma_wait3A_54 : memref<1x128xi32, #tpu.memory_space<vmem>> -> memref<128xi32, #tpu.memory_space<vmem>>
      %dma_wait3A_56 = arith.constant 0 : i32
      %dma_wait3A_57 = tpu.memref_slice %arg2[%dma_wait3A_56] : memref<331776xi32, #tpu.memory_space<hbm>> -> memref<128xi32, #tpu.memory_space<hbm>>
      tpu.wait_dma2 semaphore(%arg10 : memref<!tpu.dma_semaphore, #tpu.memory_space<semaphore_mem>>) src(%dma_wait3A_57 : memref<128xi32, #tpu.memory_space<hbm>>) dst(%dma_wait3A_55 : memref<128xi32, #tpu.memory_space<vmem>>)
      %dma_start3A_58 = arith.constant 0 : i32
      %dma_start3A_59 = arith.constant 0 : i32
      %dma_start3A_60 = tpu.memref_slice %arg6[%dma_start3A_58, %dma_start3A_59] : memref<3x128xi32, #tpu.memory_space<vmem>> -> memref<1x128xi32, #tpu.memory_space<vmem>>
      %dma_start3A_61 = tpu.memref_squeeze %dma_start3A_60 : memref<1x128xi32, #tpu.memory_space<vmem>> -> memref<128xi32, #tpu.memory_space<vmem>>
      %dma_start3A_62 = arith.constant 0 : i32
      %dma_start3A_63 = tpu.memref_slice %arg9[%dma_start3A_62] : memref<10112xf32, #tpu.memory_space<vmem_shared>> -> memref<10112xf32, #tpu.memory_space<vmem_shared>>
      tpu.enqueue_indirect_dma source(%arg7 : memref<128xf32, #tpu.memory_space<vmem>>) target(%dma_start3A_63 : memref<10112xf32, #tpu.memory_space<vmem_shared>>) offsets(%dma_start3A_61 : memref<128xi32, #tpu.memory_space<vmem>>) semaphore(%arg13 : memref<!tpu.dma_semaphore, #tpu.memory_space<semaphore_mem>>) {add = true}
      %gt3A = arith.constant 0 : i32
      %gt3A_64 = arith.cmpi sgt, %scan3A_43, %gt3A : i32
      %convert_element_type3A = arith.extui %gt3A_64 : i1 to i32
      %cond3A = arith.constant 0 : i32
      %cond3A_65 = arith.cmpi ne, %convert_element_type3A, %cond3A : i32
      scf.if %cond3A_65 {
        tpu.wait_dma2 semaphore(%arg15 : memref<!tpu.dma_semaphore, #tpu.memory_space<semaphore_mem>>) src(%arg3 : memref<128xf32, #tpu.memory_space<hbm>>) dst(%arg7 : memref<128xf32, #tpu.memory_space<vmem>>)
      } else {
      }
      %add3A_66 = arith.constant 2 : i32
      %add3A_67 = arith.addi %add3A_47, %add3A_66 : i32
      %add3A_68 = arith.addi %mul3A_2, %add3A_67 : i32
      %mul3A_69 = arith.constant 128 : i32
      %mul3A_70 = arith.muli %add3A_68, %mul3A_69 : i32
      %dma_start3A_71 = arith.constant 2 : i32
      %dma_start3A_72 = arith.constant 0 : i32
      %dma_start3A_73 = tpu.memref_slice %arg6[%dma_start3A_71, %dma_start3A_72] : memref<3x128xi32, #tpu.memory_space<vmem>> -> memref<1x128xi32, #tpu.memory_space<vmem>>
      %dma_start3A_74 = tpu.memref_squeeze %dma_start3A_73 : memref<1x128xi32, #tpu.memory_space<vmem>> -> memref<128xi32, #tpu.memory_space<vmem>>
      %dma_start3A_75 = tpu.memref_slice %arg2[%mul3A_70] : memref<331776xi32, #tpu.memory_space<hbm>> -> memref<128xi32, #tpu.memory_space<hbm>>
      %dma_start3A_76 = arith.constant 0 : i32
      %dma_start3A_77 = tpu.memref_slice %arg6[%dma_start3A_71, %dma_start3A_76] : memref<3x128xi32, #tpu.memory_space<vmem>> -> memref<1x128xi32, #tpu.memory_space<vmem>>
      %dma_start3A_78 = tpu.memref_squeeze %dma_start3A_77 : memref<1x128xi32, #tpu.memory_space<vmem>> -> memref<128xi32, #tpu.memory_space<vmem>>
      %dma_start3A_79 = tpu.memref_slice %arg2[%mul3A_70] : memref<331776xi32, #tpu.memory_space<hbm>> -> memref<128xi32, #tpu.memory_space<hbm>>
      tpu.enqueue_dma source(%dma_start3A_79 : memref<128xi32, #tpu.memory_space<hbm>>) target(%dma_start3A_78 : memref<128xi32, #tpu.memory_space<vmem>>) target_semaphore(%arg12 : memref<!tpu.dma_semaphore, #tpu.memory_space<semaphore_mem>>)
      %mul3A_80 = arith.constant 3 : i32
      %mul3A_81 = arith.muli %scan3A_43, %mul3A_80 : i32
      %add3A_82 = arith.constant 1 : i32
      %add3A_83 = arith.addi %mul3A_81, %add3A_82 : i32
      %dma_wait3A_84 = arith.constant 1 : i32
      %dma_wait3A_85 = arith.constant 0 : i32
      %dma_wait3A_86 = tpu.memref_slice %arg6[%dma_wait3A_84, %dma_wait3A_85] : memref<3x128xi32, #tpu.memory_space<vmem>> -> memref<1x128xi32, #tpu.memory_space<vmem>>
      %dma_wait3A_87 = tpu.memref_squeeze %dma_wait3A_86 : memref<1x128xi32, #tpu.memory_space<vmem>> -> memref<128xi32, #tpu.memory_space<vmem>>
      %dma_wait3A_88 = arith.constant 0 : i32
      %dma_wait3A_89 = tpu.memref_slice %arg2[%dma_wait3A_88] : memref<331776xi32, #tpu.memory_space<hbm>> -> memref<128xi32, #tpu.memory_space<hbm>>
      %dma_wait3A_90 = arith.constant 0 : i32
      %dma_wait3A_91 = tpu.memref_slice %arg6[%dma_wait3A_84, %dma_wait3A_90] : memref<3x128xi32, #tpu.memory_space<vmem>> -> memref<1x128xi32, #tpu.memory_space<vmem>>
      %dma_wait3A_92 = tpu.memref_squeeze %dma_wait3A_91 : memref<1x128xi32, #tpu.memory_space<vmem>> -> memref<128xi32, #tpu.memory_space<vmem>>
      %dma_wait3A_93 = arith.constant 0 : i32
      %dma_wait3A_94 = tpu.memref_slice %arg2[%dma_wait3A_93] : memref<331776xi32, #tpu.memory_space<hbm>> -> memref<128xi32, #tpu.memory_space<hbm>>
      tpu.wait_dma2 semaphore(%arg11 : memref<!tpu.dma_semaphore, #tpu.memory_space<semaphore_mem>>) src(%dma_wait3A_94 : memref<128xi32, #tpu.memory_space<hbm>>) dst(%dma_wait3A_92 : memref<128xi32, #tpu.memory_space<vmem>>)
      %dma_start3A_95 = arith.constant 1 : i32
      %dma_start3A_96 = arith.constant 0 : i32
      %dma_start3A_97 = tpu.memref_slice %arg6[%dma_start3A_95, %dma_start3A_96] : memref<3x128xi32, #tpu.memory_space<vmem>> -> memref<1x128xi32, #tpu.memory_space<vmem>>
      %dma_start3A_98 = tpu.memref_squeeze %dma_start3A_97 : memref<1x128xi32, #tpu.memory_space<vmem>> -> memref<128xi32, #tpu.memory_space<vmem>>
      %dma_start3A_99 = arith.constant 0 : i32
      %dma_start3A_100 = tpu.memref_slice %arg9[%dma_start3A_99] : memref<10112xf32, #tpu.memory_space<vmem_shared>> -> memref<10112xf32, #tpu.memory_space<vmem_shared>>
      tpu.enqueue_indirect_dma source(%arg7 : memref<128xf32, #tpu.memory_space<vmem>>) target(%dma_start3A_100 : memref<10112xf32, #tpu.memory_space<vmem_shared>>) offsets(%dma_start3A_98 : memref<128xi32, #tpu.memory_space<vmem>>) semaphore(%arg14 : memref<!tpu.dma_semaphore, #tpu.memory_space<semaphore_mem>>) {add = true}
      tpu.wait_dma2 semaphore(%arg13 : memref<!tpu.dma_semaphore, #tpu.memory_space<semaphore_mem>>) src(%arg3 : memref<128xf32, #tpu.memory_space<hbm>>) dst(%arg7 : memref<128xf32, #tpu.memory_space<vmem>>)
      %lt3A = arith.constant 26 : i32
      %lt3A_101 = arith.cmpi slt, %scan3A_43, %lt3A : i32
      %convert_element_type3A_102 = arith.extui %lt3A_101 : i1 to i32
      %cond3A_103 = arith.constant 0 : i32
      %cond3A_104 = arith.cmpi ne, %convert_element_type3A_102, %cond3A_103 : i32
      scf.if %cond3A_104 {
        %add3A_131 = arith.constant 2 : i32
        %add3A_132 = arith.addi %add3A_83, %add3A_131 : i32
        %add3A_133 = arith.addi %mul3A_2, %add3A_132 : i32
        %mul3A_134 = arith.constant 128 : i32
        %mul3A_135 = arith.muli %add3A_133, %mul3A_134 : i32
        %dma_start3A_136 = arith.constant 0 : i32
        %dma_start3A_137 = arith.constant 0 : i32
        %dma_start3A_138 = tpu.memref_slice %arg6[%dma_start3A_136, %dma_start3A_137] : memref<3x128xi32, #tpu.memory_space<vmem>> -> memref<1x128xi32, #tpu.memory_space<vmem>>
        %dma_start3A_139 = tpu.memref_squeeze %dma_start3A_138 : memref<1x128xi32, #tpu.memory_space<vmem>> -> memref<128xi32, #tpu.memory_space<vmem>>
        %dma_start3A_140 = tpu.memref_slice %arg2[%mul3A_135] : memref<331776xi32, #tpu.memory_space<hbm>> -> memref<128xi32, #tpu.memory_space<hbm>>
        %dma_start3A_141 = arith.constant 0 : i32
        %dma_start3A_142 = tpu.memref_slice %arg6[%dma_start3A_136, %dma_start3A_141] : memref<3x128xi32, #tpu.memory_space<vmem>> -> memref<1x128xi32, #tpu.memory_space<vmem>>
        %dma_start3A_143 = tpu.memref_squeeze %dma_start3A_142 : memref<1x128xi32, #tpu.memory_space<vmem>> -> memref<128xi32, #tpu.memory_space<vmem>>
        %dma_start3A_144 = tpu.memref_slice %arg2[%mul3A_135] : memref<331776xi32, #tpu.memory_space<hbm>> -> memref<128xi32, #tpu.memory_space<hbm>>
        tpu.enqueue_dma source(%dma_start3A_144 : memref<128xi32, #tpu.memory_space<hbm>>) target(%dma_start3A_143 : memref<128xi32, #tpu.memory_space<vmem>>) target_semaphore(%arg10 : memref<!tpu.dma_semaphore, #tpu.memory_space<semaphore_mem>>)
      } else {
      }
      %mul3A_105 = arith.constant 3 : i32
      %mul3A_106 = arith.muli %scan3A_43, %mul3A_105 : i32
      %add3A_107 = arith.constant 2 : i32
      %add3A_108 = arith.addi %mul3A_106, %add3A_107 : i32
      %dma_wait3A_109 = arith.constant 2 : i32
      %dma_wait3A_110 = arith.constant 0 : i32
      %dma_wait3A_111 = tpu.memref_slice %arg6[%dma_wait3A_109, %dma_wait3A_110] : memref<3x128xi32, #tpu.memory_space<vmem>> -> memref<1x128xi32, #tpu.memory_space<vmem>>
      %dma_wait3A_112 = tpu.memref_squeeze %dma_wait3A_111 : memref<1x128xi32, #tpu.memory_space<vmem>> -> memref<128xi32, #tpu.memory_space<vmem>>
      %dma_wait3A_113 = arith.constant 0 : i32
      %dma_wait3A_114 = tpu.memref_slice %arg2[%dma_wait3A_113] : memref<331776xi32, #tpu.memory_space<hbm>> -> memref<128xi32, #tpu.memory_space<hbm>>
      %dma_wait3A_115 = arith.constant 0 : i32
      %dma_wait3A_116 = tpu.memref_slice %arg6[%dma_wait3A_109, %dma_wait3A_115] : memref<3x128xi32, #tpu.memory_space<vmem>> -> memref<1x128xi32, #tpu.memory_space<vmem>>
      %dma_wait3A_117 = tpu.memref_squeeze %dma_wait3A_116 : memref<1x128xi32, #tpu.memory_space<vmem>> -> memref<128xi32, #tpu.memory_space<vmem>>
      %dma_wait3A_118 = arith.constant 0 : i32
      %dma_wait3A_119 = tpu.memref_slice %arg2[%dma_wait3A_118] : memref<331776xi32, #tpu.memory_space<hbm>> -> memref<128xi32, #tpu.memory_space<hbm>>
      tpu.wait_dma2 semaphore(%arg12 : memref<!tpu.dma_semaphore, #tpu.memory_space<semaphore_mem>>) src(%dma_wait3A_119 : memref<128xi32, #tpu.memory_space<hbm>>) dst(%dma_wait3A_117 : memref<128xi32, #tpu.memory_space<vmem>>)
      %dma_start3A_120 = arith.constant 2 : i32
      %dma_start3A_121 = arith.constant 0 : i32
      %dma_start3A_122 = tpu.memref_slice %arg6[%dma_start3A_120, %dma_start3A_121] : memref<3x128xi32, #tpu.memory_space<vmem>> -> memref<1x128xi32, #tpu.memory_space<vmem>>
      %dma_start3A_123 = tpu.memref_squeeze %dma_start3A_122 : memref<1x128xi32, #tpu.memory_space<vmem>> -> memref<128xi32, #tpu.memory_space<vmem>>
      %dma_start3A_124 = arith.constant 0 : i32
      %dma_start3A_125 = tpu.memref_slice %arg9[%dma_start3A_124] : memref<10112xf32, #tpu.memory_space<vmem_shared>> -> memref<10112xf32, #tpu.memory_space<vmem_shared>>
      tpu.enqueue_indirect_dma source(%arg7 : memref<128xf32, #tpu.memory_space<vmem>>) target(%dma_start3A_125 : memref<10112xf32, #tpu.memory_space<vmem_shared>>) offsets(%dma_start3A_123 : memref<128xi32, #tpu.memory_space<vmem>>) semaphore(%arg15 : memref<!tpu.dma_semaphore, #tpu.memory_space<semaphore_mem>>) {add = true}
      tpu.wait_dma2 semaphore(%arg14 : memref<!tpu.dma_semaphore, #tpu.memory_space<semaphore_mem>>) src(%arg3 : memref<128xf32, #tpu.memory_space<hbm>>) dst(%arg7 : memref<128xf32, #tpu.memory_space<vmem>>)
      %lt3A_126 = arith.constant 26 : i32
      %lt3A_127 = arith.cmpi slt, %scan3A_43, %lt3A_126 : i32
      %convert_element_type3A_128 = arith.extui %lt3A_127 : i1 to i32
      %cond3A_129 = arith.constant 0 : i32
      %cond3A_130 = arith.cmpi ne, %convert_element_type3A_128, %cond3A_129 : i32
      scf.if %cond3A_130 {
        %add3A_131 = arith.constant 2 : i32
        %add3A_132 = arith.addi %add3A_108, %add3A_131 : i32
        %add3A_133 = arith.addi %mul3A_2, %add3A_132 : i32
        %mul3A_134 = arith.constant 128 : i32
        %mul3A_135 = arith.muli %add3A_133, %mul3A_134 : i32
        %dma_start3A_136 = arith.constant 1 : i32
        %dma_start3A_137 = arith.constant 0 : i32
        %dma_start3A_138 = tpu.memref_slice %arg6[%dma_start3A_136, %dma_start3A_137] : memref<3x128xi32, #tpu.memory_space<vmem>> -> memref<1x128xi32, #tpu.memory_space<vmem>>
        %dma_start3A_139 = tpu.memref_squeeze %dma_start3A_138 : memref<1x128xi32, #tpu.memory_space<vmem>> -> memref<128xi32, #tpu.memory_space<vmem>>
        %dma_start3A_140 = tpu.memref_slice %arg2[%mul3A_135] : memref<331776xi32, #tpu.memory_space<hbm>> -> memref<128xi32, #tpu.memory_space<hbm>>
        %dma_start3A_141 = arith.constant 0 : i32
        %dma_start3A_142 = tpu.memref_slice %arg6[%dma_start3A_136, %dma_start3A_141] : memref<3x128xi32, #tpu.memory_space<vmem>> -> memref<1x128xi32, #tpu.memory_space<vmem>>
        %dma_start3A_143 = tpu.memref_squeeze %dma_start3A_142 : memref<1x128xi32, #tpu.memory_space<vmem>> -> memref<128xi32, #tpu.memory_space<vmem>>
        %dma_start3A_144 = tpu.memref_slice %arg2[%mul3A_135] : memref<331776xi32, #tpu.memory_space<hbm>> -> memref<128xi32, #tpu.memory_space<hbm>>
        tpu.enqueue_dma source(%dma_start3A_144 : memref<128xi32, #tpu.memory_space<hbm>>) target(%dma_start3A_143 : memref<128xi32, #tpu.memory_space<vmem>>) target_semaphore(%arg11 : memref<!tpu.dma_semaphore, #tpu.memory_space<semaphore_mem>>)
      } else {
      }
    }
    %scan3A_34 = arith.constant 27 : i32
    tpu.wait_dma2 semaphore(%arg15 : memref<!tpu.dma_semaphore, #tpu.memory_space<semaphore_mem>>) src(%arg3 : memref<128xf32, #tpu.memory_space<hbm>>) dst(%arg7 : memref<128xf32, #tpu.memory_space<vmem>>)
    %barrier3A_35 = arith.constant 0 : index
    tpu.barrier barrier_id(%barrier3A_35)
    %mul3A_36 = arith.constant 632 : i32
    %mul3A_37 = arith.muli %arg1, %mul3A_36 : i32
    "tpu.region"() ({
      %run_scoped3A = tpu.sem_alloc : memref<!tpu.dma_semaphore, #tpu.memory_space<semaphore_mem>>
      %dma_start3A_43 = tpu.memref_slice %arg9[%mul3A_37] : memref<10112xf32, #tpu.memory_space<vmem_shared>> -> memref<632xf32, #tpu.memory_space<vmem_shared>>
      %dma_start3A_44 = tpu.memref_slice %arg9[%mul3A_37] : memref<10112xf32, #tpu.memory_space<vmem_shared>> -> memref<632xf32, #tpu.memory_space<vmem_shared>>
      tpu.enqueue_dma source(%dma_start3A_44 : memref<632xf32, #tpu.memory_space<vmem_shared>>) target(%arg8 : memref<632xf32, #tpu.memory_space<vmem>>) target_semaphore(%run_scoped3A : memref<!tpu.dma_semaphore, #tpu.memory_space<semaphore_mem>>)
      %dma_wait3A = tpu.memref_slice %arg9[%mul3A_37] : memref<10112xf32, #tpu.memory_space<vmem_shared>> -> memref<632xf32, #tpu.memory_space<vmem_shared>>
      %dma_wait3A_45 = tpu.memref_slice %arg9[%mul3A_37] : memref<10112xf32, #tpu.memory_space<vmem_shared>> -> memref<632xf32, #tpu.memory_space<vmem_shared>>
      tpu.wait_dma2 semaphore(%run_scoped3A : memref<!tpu.dma_semaphore, #tpu.memory_space<semaphore_mem>>) src(%dma_wait3A_45 : memref<632xf32, #tpu.memory_space<vmem_shared>>) dst(%arg8 : memref<632xf32, #tpu.memory_space<vmem>>)
      tpu.yield
    }) : () -> ()
    %mul3A_38 = arith.constant 10112 : i32
    %mul3A_39 = arith.muli %arg0, %mul3A_38 : i32
    %mul3A_40 = arith.constant 632 : i32
    %mul3A_41 = arith.muli %arg1, %mul3A_40 : i32
    %add3A_42 = arith.addi %mul3A_39, %mul3A_41 : i32
    "tpu.region"() ({
      %run_scoped3A = tpu.sem_alloc : memref<!tpu.dma_semaphore, #tpu.memory_space<semaphore_mem>>
      %dma_start3A_43 = tpu.memref_slice %arg5[%add3A_42] : memref<20224xf32, #tpu.memory_space<hbm>> -> memref<632xf32, #tpu.memory_space<hbm>>
      %dma_start3A_44 = tpu.memref_slice %arg5[%add3A_42] : memref<20224xf32, #tpu.memory_space<hbm>> -> memref<632xf32, #tpu.memory_space<hbm>>
      tpu.enqueue_dma source(%arg8 : memref<632xf32, #tpu.memory_space<vmem>>) target(%dma_start3A_44 : memref<632xf32, #tpu.memory_space<hbm>>) target_semaphore(%run_scoped3A : memref<!tpu.dma_semaphore, #tpu.memory_space<semaphore_mem>>)
      %dma_wait3A = tpu.memref_slice %arg5[%add3A_42] : memref<20224xf32, #tpu.memory_space<hbm>> -> memref<632xf32, #tpu.memory_space<hbm>>
      %dma_wait3A_45 = tpu.memref_slice %arg5[%add3A_42] : memref<20224xf32, #tpu.memory_space<hbm>> -> memref<632xf32, #tpu.memory_space<hbm>>
      tpu.wait_dma2 semaphore(%run_scoped3A : memref<!tpu.dma_semaphore, #tpu.memory_space<semaphore_mem>>) src(%arg8 : memref<632xf32, #tpu.memory_space<vmem>>) dst(%dma_wait3A_45 : memref<632xf32, #tpu.memory_space<hbm>>)
      tpu.yield
    }) : () -> ()
    return
  }
}

#map = affine_map<(d0, d1) -> (0, 0)>
#map1 = affine_map<(d0, d1) -> (0)>
module attributes {stable_mosaic.version = 14 : i64} {
  func.func @_agg_kernel(%arg0: i32, %arg1: i32, %arg2: memref<10000x128xf32, #tpu.memory_space<hbm>>, %arg3: memref<331776xi32, #tpu.memory_space<hbm>>, %arg4: memref<331776xi32, #tpu.memory_space<hbm>>, %arg5: memref<128x128xf32, #tpu.memory_space<hbm>>, %arg6: memref<20224x128xf32, #tpu.memory_space<hbm>>, %arg7: memref<3x128xi32, #tpu.memory_space<vmem>>, %arg8: memref<3x128xi32, #tpu.memory_space<vmem>>, %arg9: memref<384x128xf32, #tpu.memory_space<vmem>>, %arg10: memref<10112x128xf32, #tpu.memory_space<vmem_shared>>, %arg11: memref<!tpu.dma_semaphore, #tpu.memory_space<semaphore_mem>>, %arg12: memref<!tpu.dma_semaphore, #tpu.memory_space<semaphore_mem>>, %arg13: memref<!tpu.dma_semaphore, #tpu.memory_space<semaphore_mem>>, %arg14: memref<!tpu.dma_semaphore, #tpu.memory_space<semaphore_mem>>, %arg15: memref<!tpu.dma_semaphore, #tpu.memory_space<semaphore_mem>>, %arg16: memref<!tpu.dma_semaphore, #tpu.memory_space<semaphore_mem>>) attributes {dimension_semantics = [#tpu.dimension_semantics<core_parallel>, #tpu.dimension_semantics<subcore_parallel>], iteration_bounds = array<i64: 2, 16>, scalar_prefetch = 0 : i64, scratch_operands = 10 : i64, tpu.core_type = #tpu.core_type<sc_vector_subcore>, window_params = [{transform_indices = #map}, {transform_indices = #map1}, {transform_indices = #map1}, {transform_indices = #map}, {transform_indices = #map}]} {
    %mul3A = arith.constant 16 : i32
    %mul3A_0 = arith.muli %arg0, %mul3A : i32
    %add3A = arith.addi %mul3A_0, %arg1 : i32
    %mul3A_1 = arith.constant 81 : i32
    %mul3A_2 = arith.muli %add3A, %mul3A_1 : i32
    %add3A_3 = arith.constant 0 : i32
    %add3A_4 = arith.addi %mul3A_2, %add3A_3 : i32
    %mul3A_5 = arith.constant 128 : i32
    %mul3A_6 = arith.muli %add3A_4, %mul3A_5 : i32
    %run_scoped3A = arith.constant 0 : i32
    "tpu.region"() ({
      %run_scoped3A_347 = tpu.sem_alloc : memref<!tpu.dma_semaphore, #tpu.memory_space<semaphore_mem>>
      %dma_start3A_348 = arith.constant 0 : i32
      %dma_start3A_349 = tpu.memref_slice %arg7[%run_scoped3A, %dma_start3A_348] : memref<3x128xi32, #tpu.memory_space<vmem>> -> memref<1x128xi32, #tpu.memory_space<vmem>>
      %dma_start3A_350 = tpu.memref_squeeze %dma_start3A_349 : memref<1x128xi32, #tpu.memory_space<vmem>> -> memref<128xi32, #tpu.memory_space<vmem>>
      %dma_start3A_351 = tpu.memref_slice %arg3[%mul3A_6] : memref<331776xi32, #tpu.memory_space<hbm>> -> memref<128xi32, #tpu.memory_space<hbm>>
      %dma_start3A_352 = arith.constant 0 : i32
      %dma_start3A_353 = tpu.memref_slice %arg7[%run_scoped3A, %dma_start3A_352] : memref<3x128xi32, #tpu.memory_space<vmem>> -> memref<1x128xi32, #tpu.memory_space<vmem>>
      %dma_start3A_354 = tpu.memref_squeeze %dma_start3A_353 : memref<1x128xi32, #tpu.memory_space<vmem>> -> memref<128xi32, #tpu.memory_space<vmem>>
      %dma_start3A_355 = tpu.memref_slice %arg3[%mul3A_6] : memref<331776xi32, #tpu.memory_space<hbm>> -> memref<128xi32, #tpu.memory_space<hbm>>
      tpu.enqueue_dma source(%dma_start3A_355 : memref<128xi32, #tpu.memory_space<hbm>>) target(%dma_start3A_354 : memref<128xi32, #tpu.memory_space<vmem>>) target_semaphore(%run_scoped3A_347 : memref<!tpu.dma_semaphore, #tpu.memory_space<semaphore_mem>>)
      %dma_wait3A_356 = arith.constant 0 : i32
      %dma_wait3A_357 = tpu.memref_slice %arg7[%run_scoped3A, %dma_wait3A_356] : memref<3x128xi32, #tpu.memory_space<vmem>> -> memref<1x128xi32, #tpu.memory_space<vmem>>
      %dma_wait3A_358 = tpu.memref_squeeze %dma_wait3A_357 : memref<1x128xi32, #tpu.memory_space<vmem>> -> memref<128xi32, #tpu.memory_space<vmem>>
      %dma_wait3A_359 = tpu.memref_slice %arg3[%mul3A_6] : memref<331776xi32, #tpu.memory_space<hbm>> -> memref<128xi32, #tpu.memory_space<hbm>>
      %dma_wait3A_360 = arith.constant 0 : i32
      %dma_wait3A_361 = tpu.memref_slice %arg7[%run_scoped3A, %dma_wait3A_360] : memref<3x128xi32, #tpu.memory_space<vmem>> -> memref<1x128xi32, #tpu.memory_space<vmem>>
      %dma_wait3A_362 = tpu.memref_squeeze %dma_wait3A_361 : memref<1x128xi32, #tpu.memory_space<vmem>> -> memref<128xi32, #tpu.memory_space<vmem>>
      %dma_wait3A_363 = tpu.memref_slice %arg3[%mul3A_6] : memref<331776xi32, #tpu.memory_space<hbm>> -> memref<128xi32, #tpu.memory_space<hbm>>
      tpu.wait_dma2 semaphore(%run_scoped3A_347 : memref<!tpu.dma_semaphore, #tpu.memory_space<semaphore_mem>>) src(%dma_wait3A_363 : memref<128xi32, #tpu.memory_space<hbm>>) dst(%dma_wait3A_362 : memref<128xi32, #tpu.memory_space<vmem>>)
      tpu.yield
    }) : () -> ()
    %add3A_7 = arith.constant 0 : i32
    %add3A_8 = arith.addi %mul3A_2, %add3A_7 : i32
    %mul3A_9 = arith.constant 128 : i32
    %mul3A_10 = arith.muli %add3A_8, %mul3A_9 : i32
    %run_scoped3A_11 = arith.constant 0 : i32
    "tpu.region"() ({
      %run_scoped3A_347 = tpu.sem_alloc : memref<!tpu.dma_semaphore, #tpu.memory_space<semaphore_mem>>
      %dma_start3A_348 = arith.constant 0 : i32
      %dma_start3A_349 = tpu.memref_slice %arg8[%run_scoped3A_11, %dma_start3A_348] : memref<3x128xi32, #tpu.memory_space<vmem>> -> memref<1x128xi32, #tpu.memory_space<vmem>>
      %dma_start3A_350 = tpu.memref_squeeze %dma_start3A_349 : memref<1x128xi32, #tpu.memory_space<vmem>> -> memref<128xi32, #tpu.memory_space<vmem>>
      %dma_start3A_351 = tpu.memref_slice %arg4[%mul3A_10] : memref<331776xi32, #tpu.memory_space<hbm>> -> memref<128xi32, #tpu.memory_space<hbm>>
      %dma_start3A_352 = arith.constant 0 : i32
      %dma_start3A_353 = tpu.memref_slice %arg8[%run_scoped3A_11, %dma_start3A_352] : memref<3x128xi32, #tpu.memory_space<vmem>> -> memref<1x128xi32, #tpu.memory_space<vmem>>
      %dma_start3A_354 = tpu.memref_squeeze %dma_start3A_353 : memref<1x128xi32, #tpu.memory_space<vmem>> -> memref<128xi32, #tpu.memory_space<vmem>>
      %dma_start3A_355 = tpu.memref_slice %arg4[%mul3A_10] : memref<331776xi32, #tpu.memory_space<hbm>> -> memref<128xi32, #tpu.memory_space<hbm>>
      tpu.enqueue_dma source(%dma_start3A_355 : memref<128xi32, #tpu.memory_space<hbm>>) target(%dma_start3A_354 : memref<128xi32, #tpu.memory_space<vmem>>) target_semaphore(%run_scoped3A_347 : memref<!tpu.dma_semaphore, #tpu.memory_space<semaphore_mem>>)
      %dma_wait3A_356 = arith.constant 0 : i32
      %dma_wait3A_357 = tpu.memref_slice %arg8[%run_scoped3A_11, %dma_wait3A_356] : memref<3x128xi32, #tpu.memory_space<vmem>> -> memref<1x128xi32, #tpu.memory_space<vmem>>
      %dma_wait3A_358 = tpu.memref_squeeze %dma_wait3A_357 : memref<1x128xi32, #tpu.memory_space<vmem>> -> memref<128xi32, #tpu.memory_space<vmem>>
      %dma_wait3A_359 = tpu.memref_slice %arg4[%mul3A_10] : memref<331776xi32, #tpu.memory_space<hbm>> -> memref<128xi32, #tpu.memory_space<hbm>>
      %dma_wait3A_360 = arith.constant 0 : i32
      %dma_wait3A_361 = tpu.memref_slice %arg8[%run_scoped3A_11, %dma_wait3A_360] : memref<3x128xi32, #tpu.memory_space<vmem>> -> memref<1x128xi32, #tpu.memory_space<vmem>>
      %dma_wait3A_362 = tpu.memref_squeeze %dma_wait3A_361 : memref<1x128xi32, #tpu.memory_space<vmem>> -> memref<128xi32, #tpu.memory_space<vmem>>
      %dma_wait3A_363 = tpu.memref_slice %arg4[%mul3A_10] : memref<331776xi32, #tpu.memory_space<hbm>> -> memref<128xi32, #tpu.memory_space<hbm>>
      tpu.wait_dma2 semaphore(%run_scoped3A_347 : memref<!tpu.dma_semaphore, #tpu.memory_space<semaphore_mem>>) src(%dma_wait3A_363 : memref<128xi32, #tpu.memory_space<hbm>>) dst(%dma_wait3A_362 : memref<128xi32, #tpu.memory_space<vmem>>)
      tpu.yield
    }) : () -> ()
    %add3A_12 = arith.constant 1 : i32
    %add3A_13 = arith.addi %mul3A_2, %add3A_12 : i32
    %mul3A_14 = arith.constant 128 : i32
    %mul3A_15 = arith.muli %add3A_13, %mul3A_14 : i32
    %run_scoped3A_16 = arith.constant 1 : i32
    "tpu.region"() ({
      %run_scoped3A_347 = tpu.sem_alloc : memref<!tpu.dma_semaphore, #tpu.memory_space<semaphore_mem>>
      %dma_start3A_348 = arith.constant 0 : i32
      %dma_start3A_349 = tpu.memref_slice %arg7[%run_scoped3A_16, %dma_start3A_348] : memref<3x128xi32, #tpu.memory_space<vmem>> -> memref<1x128xi32, #tpu.memory_space<vmem>>
      %dma_start3A_350 = tpu.memref_squeeze %dma_start3A_349 : memref<1x128xi32, #tpu.memory_space<vmem>> -> memref<128xi32, #tpu.memory_space<vmem>>
      %dma_start3A_351 = tpu.memref_slice %arg3[%mul3A_15] : memref<331776xi32, #tpu.memory_space<hbm>> -> memref<128xi32, #tpu.memory_space<hbm>>
      %dma_start3A_352 = arith.constant 0 : i32
      %dma_start3A_353 = tpu.memref_slice %arg7[%run_scoped3A_16, %dma_start3A_352] : memref<3x128xi32, #tpu.memory_space<vmem>> -> memref<1x128xi32, #tpu.memory_space<vmem>>
      %dma_start3A_354 = tpu.memref_squeeze %dma_start3A_353 : memref<1x128xi32, #tpu.memory_space<vmem>> -> memref<128xi32, #tpu.memory_space<vmem>>
      %dma_start3A_355 = tpu.memref_slice %arg3[%mul3A_15] : memref<331776xi32, #tpu.memory_space<hbm>> -> memref<128xi32, #tpu.memory_space<hbm>>
      tpu.enqueue_dma source(%dma_start3A_355 : memref<128xi32, #tpu.memory_space<hbm>>) target(%dma_start3A_354 : memref<128xi32, #tpu.memory_space<vmem>>) target_semaphore(%run_scoped3A_347 : memref<!tpu.dma_semaphore, #tpu.memory_space<semaphore_mem>>)
      %dma_wait3A_356 = arith.constant 0 : i32
      %dma_wait3A_357 = tpu.memref_slice %arg7[%run_scoped3A_16, %dma_wait3A_356] : memref<3x128xi32, #tpu.memory_space<vmem>> -> memref<1x128xi32, #tpu.memory_space<vmem>>
      %dma_wait3A_358 = tpu.memref_squeeze %dma_wait3A_357 : memref<1x128xi32, #tpu.memory_space<vmem>> -> memref<128xi32, #tpu.memory_space<vmem>>
      %dma_wait3A_359 = tpu.memref_slice %arg3[%mul3A_15] : memref<331776xi32, #tpu.memory_space<hbm>> -> memref<128xi32, #tpu.memory_space<hbm>>
      %dma_wait3A_360 = arith.constant 0 : i32
      %dma_wait3A_361 = tpu.memref_slice %arg7[%run_scoped3A_16, %dma_wait3A_360] : memref<3x128xi32, #tpu.memory_space<vmem>> -> memref<1x128xi32, #tpu.memory_space<vmem>>
      %dma_wait3A_362 = tpu.memref_squeeze %dma_wait3A_361 : memref<1x128xi32, #tpu.memory_space<vmem>> -> memref<128xi32, #tpu.memory_space<vmem>>
      %dma_wait3A_363 = tpu.memref_slice %arg3[%mul3A_15] : memref<331776xi32, #tpu.memory_space<hbm>> -> memref<128xi32, #tpu.memory_space<hbm>>
      tpu.wait_dma2 semaphore(%run_scoped3A_347 : memref<!tpu.dma_semaphore, #tpu.memory_space<semaphore_mem>>) src(%dma_wait3A_363 : memref<128xi32, #tpu.memory_space<hbm>>) dst(%dma_wait3A_362 : memref<128xi32, #tpu.memory_space<vmem>>)
      tpu.yield
    }) : () -> ()
    %add3A_17 = arith.constant 1 : i32
    %add3A_18 = arith.addi %mul3A_2, %add3A_17 : i32
    %mul3A_19 = arith.constant 128 : i32
    %mul3A_20 = arith.muli %add3A_18, %mul3A_19 : i32
    %run_scoped3A_21 = arith.constant 1 : i32
    "tpu.region"() ({
      %run_scoped3A_347 = tpu.sem_alloc : memref<!tpu.dma_semaphore, #tpu.memory_space<semaphore_mem>>
      %dma_start3A_348 = arith.constant 0 : i32
      %dma_start3A_349 = tpu.memref_slice %arg8[%run_scoped3A_21, %dma_start3A_348] : memref<3x128xi32, #tpu.memory_space<vmem>> -> memref<1x128xi32, #tpu.memory_space<vmem>>
      %dma_start3A_350 = tpu.memref_squeeze %dma_start3A_349 : memref<1x128xi32, #tpu.memory_space<vmem>> -> memref<128xi32, #tpu.memory_space<vmem>>
      %dma_start3A_351 = tpu.memref_slice %arg4[%mul3A_20] : memref<331776xi32, #tpu.memory_space<hbm>> -> memref<128xi32, #tpu.memory_space<hbm>>
      %dma_start3A_352 = arith.constant 0 : i32
      %dma_start3A_353 = tpu.memref_slice %arg8[%run_scoped3A_21, %dma_start3A_352] : memref<3x128xi32, #tpu.memory_space<vmem>> -> memref<1x128xi32, #tpu.memory_space<vmem>>
      %dma_start3A_354 = tpu.memref_squeeze %dma_start3A_353 : memref<1x128xi32, #tpu.memory_space<vmem>> -> memref<128xi32, #tpu.memory_space<vmem>>
      %dma_start3A_355 = tpu.memref_slice %arg4[%mul3A_20] : memref<331776xi32, #tpu.memory_space<hbm>> -> memref<128xi32, #tpu.memory_space<hbm>>
      tpu.enqueue_dma source(%dma_start3A_355 : memref<128xi32, #tpu.memory_space<hbm>>) target(%dma_start3A_354 : memref<128xi32, #tpu.memory_space<vmem>>) target_semaphore(%run_scoped3A_347 : memref<!tpu.dma_semaphore, #tpu.memory_space<semaphore_mem>>)
      %dma_wait3A_356 = arith.constant 0 : i32
      %dma_wait3A_357 = tpu.memref_slice %arg8[%run_scoped3A_21, %dma_wait3A_356] : memref<3x128xi32, #tpu.memory_space<vmem>> -> memref<1x128xi32, #tpu.memory_space<vmem>>
      %dma_wait3A_358 = tpu.memref_squeeze %dma_wait3A_357 : memref<1x128xi32, #tpu.memory_space<vmem>> -> memref<128xi32, #tpu.memory_space<vmem>>
      %dma_wait3A_359 = tpu.memref_slice %arg4[%mul3A_20] : memref<331776xi32, #tpu.memory_space<hbm>> -> memref<128xi32, #tpu.memory_space<hbm>>
      %dma_wait3A_360 = arith.constant 0 : i32
      %dma_wait3A_361 = tpu.memref_slice %arg8[%run_scoped3A_21, %dma_wait3A_360] : memref<3x128xi32, #tpu.memory_space<vmem>> -> memref<1x128xi32, #tpu.memory_space<vmem>>
      %dma_wait3A_362 = tpu.memref_squeeze %dma_wait3A_361 : memref<1x128xi32, #tpu.memory_space<vmem>> -> memref<128xi32, #tpu.memory_space<vmem>>
      %dma_wait3A_363 = tpu.memref_slice %arg4[%mul3A_20] : memref<331776xi32, #tpu.memory_space<hbm>> -> memref<128xi32, #tpu.memory_space<hbm>>
      tpu.wait_dma2 semaphore(%run_scoped3A_347 : memref<!tpu.dma_semaphore, #tpu.memory_space<semaphore_mem>>) src(%dma_wait3A_363 : memref<128xi32, #tpu.memory_space<hbm>>) dst(%dma_wait3A_362 : memref<128xi32, #tpu.memory_space<vmem>>)
      tpu.yield
    }) : () -> ()
    %dma_start3A = arith.constant 0 : i32
    %dma_start3A_22 = arith.constant 0 : i32
    %dma_start3A_23 = arith.constant 0 : i32
    %dma_start3A_24 = tpu.memref_slice %arg9[%dma_start3A_22, %dma_start3A_23] : memref<384x128xf32, #tpu.memory_space<vmem>> -> memref<128x128xf32, #tpu.memory_space<vmem>>
    %dma_start3A_25 = arith.constant 0 : i32
    %dma_start3A_26 = tpu.memref_slice %arg7[%dma_start3A, %dma_start3A_25] : memref<3x128xi32, #tpu.memory_space<vmem>> -> memref<1x128xi32, #tpu.memory_space<vmem>>
    %dma_start3A_27 = tpu.memref_squeeze %dma_start3A_26 : memref<1x128xi32, #tpu.memory_space<vmem>> -> memref<128xi32, #tpu.memory_space<vmem>>
    %dma_start3A_28 = arith.constant 0 : i32
    %dma_start3A_29 = arith.constant 0 : i32
    %dma_start3A_30 = tpu.memref_slice %arg2[%dma_start3A_28, %dma_start3A_29] : memref<10000x128xf32, #tpu.memory_space<hbm>> -> memref<10000x128xf32, #tpu.memory_space<hbm>>
    tpu.enqueue_indirect_dma source(%dma_start3A_30 : memref<10000x128xf32, #tpu.memory_space<hbm>>) target(%dma_start3A_24 : memref<128x128xf32, #tpu.memory_space<vmem>>) offsets(%dma_start3A_27 : memref<128xi32, #tpu.memory_space<vmem>>) semaphore(%arg11 : memref<!tpu.dma_semaphore, #tpu.memory_space<semaphore_mem>>)
    %dma_start3A_31 = arith.constant 1 : i32
    %dma_start3A_32 = arith.constant 128 : i32
    %dma_start3A_33 = arith.constant 0 : i32
    %dma_start3A_34 = tpu.memref_slice %arg9[%dma_start3A_32, %dma_start3A_33] : memref<384x128xf32, #tpu.memory_space<vmem>> -> memref<128x128xf32, #tpu.memory_space<vmem>>
    %dma_start3A_35 = arith.constant 0 : i32
    %dma_start3A_36 = tpu.memref_slice %arg7[%dma_start3A_31, %dma_start3A_35] : memref<3x128xi32, #tpu.memory_space<vmem>> -> memref<1x128xi32, #tpu.memory_space<vmem>>
    %dma_start3A_37 = tpu.memref_squeeze %dma_start3A_36 : memref<1x128xi32, #tpu.memory_space<vmem>> -> memref<128xi32, #tpu.memory_space<vmem>>
    %dma_start3A_38 = arith.constant 0 : i32
    %dma_start3A_39 = arith.constant 0 : i32
    %dma_start3A_40 = tpu.memref_slice %arg2[%dma_start3A_38, %dma_start3A_39] : memref<10000x128xf32, #tpu.memory_space<hbm>> -> memref<10000x128xf32, #tpu.memory_space<hbm>>
    tpu.enqueue_indirect_dma source(%dma_start3A_40 : memref<10000x128xf32, #tpu.memory_space<hbm>>) target(%dma_start3A_34 : memref<128x128xf32, #tpu.memory_space<vmem>>) offsets(%dma_start3A_37 : memref<128xi32, #tpu.memory_space<vmem>>) semaphore(%arg12 : memref<!tpu.dma_semaphore, #tpu.memory_space<semaphore_mem>>)
    "tpu.region"() ({
      %run_scoped3A_347 = tpu.sem_alloc : memref<!tpu.dma_semaphore, #tpu.memory_space<semaphore_mem>>
      %dma_start3A_348 = arith.constant 256 : i32
      %dma_start3A_349 = arith.constant 0 : i32
      %dma_start3A_350 = tpu.memref_slice %arg9[%dma_start3A_348, %dma_start3A_349] : memref<384x128xf32, #tpu.memory_space<vmem>> -> memref<128x128xf32, #tpu.memory_space<vmem>>
      %dma_start3A_351 = arith.constant 256 : i32
      %dma_start3A_352 = arith.constant 0 : i32
      %dma_start3A_353 = tpu.memref_slice %arg9[%dma_start3A_351, %dma_start3A_352] : memref<384x128xf32, #tpu.memory_space<vmem>> -> memref<128x128xf32, #tpu.memory_space<vmem>>
      tpu.enqueue_dma source(%arg5 : memref<128x128xf32, #tpu.memory_space<hbm>>) target(%dma_start3A_353 : memref<128x128xf32, #tpu.memory_space<vmem>>) target_semaphore(%run_scoped3A_347 : memref<!tpu.dma_semaphore, #tpu.memory_space<semaphore_mem>>)
      %dma_wait3A_354 = arith.constant 256 : i32
      %dma_wait3A_355 = arith.constant 0 : i32
      %dma_wait3A_356 = tpu.memref_slice %arg9[%dma_wait3A_354, %dma_wait3A_355] : memref<384x128xf32, #tpu.memory_space<vmem>> -> memref<128x128xf32, #tpu.memory_space<vmem>>
      %dma_wait3A_357 = arith.constant 256 : i32
      %dma_wait3A_358 = arith.constant 0 : i32
      %dma_wait3A_359 = tpu.memref_slice %arg9[%dma_wait3A_357, %dma_wait3A_358] : memref<384x128xf32, #tpu.memory_space<vmem>> -> memref<128x128xf32, #tpu.memory_space<vmem>>
      tpu.wait_dma2 semaphore(%run_scoped3A_347 : memref<!tpu.dma_semaphore, #tpu.memory_space<semaphore_mem>>) src(%arg5 : memref<128x128xf32, #tpu.memory_space<hbm>>) dst(%dma_wait3A_359 : memref<128x128xf32, #tpu.memory_space<vmem>>)
      tpu.yield
    }) : () -> ()
    %mul3A_41 = arith.constant 632 : i32
    %mul3A_42 = arith.muli %arg1, %mul3A_41 : i32
    %add3A_43 = arith.constant 0 : i32
    %add3A_44 = arith.addi %mul3A_42, %add3A_43 : i32
    "tpu.region"() ({
      %run_scoped3A_347 = tpu.sem_alloc : memref<!tpu.dma_semaphore, #tpu.memory_space<semaphore_mem>>
      %dma_start3A_348 = arith.constant 256 : i32
      %dma_start3A_349 = arith.constant 0 : i32
      %dma_start3A_350 = tpu.memref_slice %arg9[%dma_start3A_348, %dma_start3A_349] : memref<384x128xf32, #tpu.memory_space<vmem>> -> memref<128x128xf32, #tpu.memory_space<vmem>>
      %dma_start3A_351 = arith.constant 0 : i32
      %dma_start3A_352 = tpu.memref_slice %arg10[%add3A_44, %dma_start3A_351] : memref<10112x128xf32, #tpu.memory_space<vmem_shared>> -> memref<128x128xf32, #tpu.memory_space<vmem_shared>>
      %dma_start3A_353 = arith.constant 0 : i32
      %dma_start3A_354 = tpu.memref_slice %arg10[%add3A_44, %dma_start3A_353] : memref<10112x128xf32, #tpu.memory_space<vmem_shared>> -> memref<128x128xf32, #tpu.memory_space<vmem_shared>>
      %dma_start3A_355 = arith.constant 256 : i32
      %dma_start3A_356 = arith.constant 0 : i32
      %dma_start3A_357 = tpu.memref_slice %arg9[%dma_start3A_355, %dma_start3A_356] : memref<384x128xf32, #tpu.memory_space<vmem>> -> memref<128x128xf32, #tpu.memory_space<vmem>>
      tpu.enqueue_dma source(%dma_start3A_357 : memref<128x128xf32, #tpu.memory_space<vmem>>) target(%dma_start3A_354 : memref<128x128xf32, #tpu.memory_space<vmem_shared>>) target_semaphore(%run_scoped3A_347 : memref<!tpu.dma_semaphore, #tpu.memory_space<semaphore_mem>>)
      %dma_wait3A_358 = arith.constant 256 : i32
      %dma_wait3A_359 = arith.constant 0 : i32
      %dma_wait3A_360 = tpu.memref_slice %arg9[%dma_wait3A_358, %dma_wait3A_359] : memref<384x128xf32, #tpu.memory_space<vmem>> -> memref<128x128xf32, #tpu.memory_space<vmem>>
      %dma_wait3A_361 = arith.constant 0 : i32
      %dma_wait3A_362 = tpu.memref_slice %arg10[%add3A_44, %dma_wait3A_361] : memref<10112x128xf32, #tpu.memory_space<vmem_shared>> -> memref<128x128xf32, #tpu.memory_space<vmem_shared>>
      %dma_wait3A_363 = arith.constant 0 : i32
      %dma_wait3A_364 = tpu.memref_slice %arg10[%add3A_44, %dma_wait3A_363] : memref<10112x128xf32, #tpu.memory_space<vmem_shared>> -> memref<128x128xf32, #tpu.memory_space<vmem_shared>>
      %dma_wait3A_365 = arith.constant 256 : i32
      %dma_wait3A_366 = arith.constant 0 : i32
      %dma_wait3A_367 = tpu.memref_slice %arg9[%dma_wait3A_365, %dma_wait3A_366] : memref<384x128xf32, #tpu.memory_space<vmem>> -> memref<128x128xf32, #tpu.memory_space<vmem>>
      tpu.wait_dma2 semaphore(%run_scoped3A_347 : memref<!tpu.dma_semaphore, #tpu.memory_space<semaphore_mem>>) src(%dma_wait3A_367 : memref<128x128xf32, #tpu.memory_space<vmem>>) dst(%dma_wait3A_364 : memref<128x128xf32, #tpu.memory_space<vmem_shared>>)
      tpu.yield
    }) : () -> ()
    %mul3A_45 = arith.constant 632 : i32
    %mul3A_46 = arith.muli %arg1, %mul3A_45 : i32
    %add3A_47 = arith.constant 128 : i32
    %add3A_48 = arith.addi %mul3A_46, %add3A_47 : i32
    "tpu.region"() ({
      %run_scoped3A_347 = tpu.sem_alloc : memref<!tpu.dma_semaphore, #tpu.memory_space<semaphore_mem>>
      %dma_start3A_348 = arith.constant 256 : i32
      %dma_start3A_349 = arith.constant 0 : i32
      %dma_start3A_350 = tpu.memref_slice %arg9[%dma_start3A_348, %dma_start3A_349] : memref<384x128xf32, #tpu.memory_space<vmem>> -> memref<128x128xf32, #tpu.memory_space<vmem>>
      %dma_start3A_351 = arith.constant 0 : i32
      %dma_start3A_352 = tpu.memref_slice %arg10[%add3A_48, %dma_start3A_351] : memref<10112x128xf32, #tpu.memory_space<vmem_shared>> -> memref<128x128xf32, #tpu.memory_space<vmem_shared>>
      %dma_start3A_353 = arith.constant 0 : i32
      %dma_start3A_354 = tpu.memref_slice %arg10[%add3A_48, %dma_start3A_353] : memref<10112x128xf32, #tpu.memory_space<vmem_shared>> -> memref<128x128xf32, #tpu.memory_space<vmem_shared>>
      %dma_start3A_355 = arith.constant 256 : i32
      %dma_start3A_356 = arith.constant 0 : i32
      %dma_start3A_357 = tpu.memref_slice %arg9[%dma_start3A_355, %dma_start3A_356] : memref<384x128xf32, #tpu.memory_space<vmem>> -> memref<128x128xf32, #tpu.memory_space<vmem>>
      tpu.enqueue_dma source(%dma_start3A_357 : memref<128x128xf32, #tpu.memory_space<vmem>>) target(%dma_start3A_354 : memref<128x128xf32, #tpu.memory_space<vmem_shared>>) target_semaphore(%run_scoped3A_347 : memref<!tpu.dma_semaphore, #tpu.memory_space<semaphore_mem>>)
      %dma_wait3A_358 = arith.constant 256 : i32
      %dma_wait3A_359 = arith.constant 0 : i32
      %dma_wait3A_360 = tpu.memref_slice %arg9[%dma_wait3A_358, %dma_wait3A_359] : memref<384x128xf32, #tpu.memory_space<vmem>> -> memref<128x128xf32, #tpu.memory_space<vmem>>
      %dma_wait3A_361 = arith.constant 0 : i32
      %dma_wait3A_362 = tpu.memref_slice %arg10[%add3A_48, %dma_wait3A_361] : memref<10112x128xf32, #tpu.memory_space<vmem_shared>> -> memref<128x128xf32, #tpu.memory_space<vmem_shared>>
      %dma_wait3A_363 = arith.constant 0 : i32
      %dma_wait3A_364 = tpu.memref_slice %arg10[%add3A_48, %dma_wait3A_363] : memref<10112x128xf32, #tpu.memory_space<vmem_shared>> -> memref<128x128xf32, #tpu.memory_space<vmem_shared>>
      %dma_wait3A_365 = arith.constant 256 : i32
      %dma_wait3A_366 = arith.constant 0 : i32
      %dma_wait3A_367 = tpu.memref_slice %arg9[%dma_wait3A_365, %dma_wait3A_366] : memref<384x128xf32, #tpu.memory_space<vmem>> -> memref<128x128xf32, #tpu.memory_space<vmem>>
      tpu.wait_dma2 semaphore(%run_scoped3A_347 : memref<!tpu.dma_semaphore, #tpu.memory_space<semaphore_mem>>) src(%dma_wait3A_367 : memref<128x128xf32, #tpu.memory_space<vmem>>) dst(%dma_wait3A_364 : memref<128x128xf32, #tpu.memory_space<vmem_shared>>)
      tpu.yield
    }) : () -> ()
    %mul3A_49 = arith.constant 632 : i32
    %mul3A_50 = arith.muli %arg1, %mul3A_49 : i32
    %add3A_51 = arith.constant 256 : i32
    %add3A_52 = arith.addi %mul3A_50, %add3A_51 : i32
    "tpu.region"() ({
      %run_scoped3A_347 = tpu.sem_alloc : memref<!tpu.dma_semaphore, #tpu.memory_space<semaphore_mem>>
      %dma_start3A_348 = arith.constant 256 : i32
      %dma_start3A_349 = arith.constant 0 : i32
      %dma_start3A_350 = tpu.memref_slice %arg9[%dma_start3A_348, %dma_start3A_349] : memref<384x128xf32, #tpu.memory_space<vmem>> -> memref<128x128xf32, #tpu.memory_space<vmem>>
      %dma_start3A_351 = arith.constant 0 : i32
      %dma_start3A_352 = tpu.memref_slice %arg10[%add3A_52, %dma_start3A_351] : memref<10112x128xf32, #tpu.memory_space<vmem_shared>> -> memref<128x128xf32, #tpu.memory_space<vmem_shared>>
      %dma_start3A_353 = arith.constant 0 : i32
      %dma_start3A_354 = tpu.memref_slice %arg10[%add3A_52, %dma_start3A_353] : memref<10112x128xf32, #tpu.memory_space<vmem_shared>> -> memref<128x128xf32, #tpu.memory_space<vmem_shared>>
      %dma_start3A_355 = arith.constant 256 : i32
      %dma_start3A_356 = arith.constant 0 : i32
      %dma_start3A_357 = tpu.memref_slice %arg9[%dma_start3A_355, %dma_start3A_356] : memref<384x128xf32, #tpu.memory_space<vmem>> -> memref<128x128xf32, #tpu.memory_space<vmem>>
      tpu.enqueue_dma source(%dma_start3A_357 : memref<128x128xf32, #tpu.memory_space<vmem>>) target(%dma_start3A_354 : memref<128x128xf32, #tpu.memory_space<vmem_shared>>) target_semaphore(%run_scoped3A_347 : memref<!tpu.dma_semaphore, #tpu.memory_space<semaphore_mem>>)
      %dma_wait3A_358 = arith.constant 256 : i32
      %dma_wait3A_359 = arith.constant 0 : i32
      %dma_wait3A_360 = tpu.memref_slice %arg9[%dma_wait3A_358, %dma_wait3A_359] : memref<384x128xf32, #tpu.memory_space<vmem>> -> memref<128x128xf32, #tpu.memory_space<vmem>>
      %dma_wait3A_361 = arith.constant 0 : i32
      %dma_wait3A_362 = tpu.memref_slice %arg10[%add3A_52, %dma_wait3A_361] : memref<10112x128xf32, #tpu.memory_space<vmem_shared>> -> memref<128x128xf32, #tpu.memory_space<vmem_shared>>
      %dma_wait3A_363 = arith.constant 0 : i32
      %dma_wait3A_364 = tpu.memref_slice %arg10[%add3A_52, %dma_wait3A_363] : memref<10112x128xf32, #tpu.memory_space<vmem_shared>> -> memref<128x128xf32, #tpu.memory_space<vmem_shared>>
      %dma_wait3A_365 = arith.constant 256 : i32
      %dma_wait3A_366 = arith.constant 0 : i32
      %dma_wait3A_367 = tpu.memref_slice %arg9[%dma_wait3A_365, %dma_wait3A_366] : memref<384x128xf32, #tpu.memory_space<vmem>> -> memref<128x128xf32, #tpu.memory_space<vmem>>
      tpu.wait_dma2 semaphore(%run_scoped3A_347 : memref<!tpu.dma_semaphore, #tpu.memory_space<semaphore_mem>>) src(%dma_wait3A_367 : memref<128x128xf32, #tpu.memory_space<vmem>>) dst(%dma_wait3A_364 : memref<128x128xf32, #tpu.memory_space<vmem_shared>>)
      tpu.yield
    }) : () -> ()
    %mul3A_53 = arith.constant 632 : i32
    %mul3A_54 = arith.muli %arg1, %mul3A_53 : i32
    %add3A_55 = arith.constant 384 : i32
    %add3A_56 = arith.addi %mul3A_54, %add3A_55 : i32
    "tpu.region"() ({
      %run_scoped3A_347 = tpu.sem_alloc : memref<!tpu.dma_semaphore, #tpu.memory_space<semaphore_mem>>
      %dma_start3A_348 = arith.constant 256 : i32
      %dma_start3A_349 = arith.constant 0 : i32
      %dma_start3A_350 = tpu.memref_slice %arg9[%dma_start3A_348, %dma_start3A_349] : memref<384x128xf32, #tpu.memory_space<vmem>> -> memref<128x128xf32, #tpu.memory_space<vmem>>
      %dma_start3A_351 = arith.constant 0 : i32
      %dma_start3A_352 = tpu.memref_slice %arg10[%add3A_56, %dma_start3A_351] : memref<10112x128xf32, #tpu.memory_space<vmem_shared>> -> memref<128x128xf32, #tpu.memory_space<vmem_shared>>
      %dma_start3A_353 = arith.constant 0 : i32
      %dma_start3A_354 = tpu.memref_slice %arg10[%add3A_56, %dma_start3A_353] : memref<10112x128xf32, #tpu.memory_space<vmem_shared>> -> memref<128x128xf32, #tpu.memory_space<vmem_shared>>
      %dma_start3A_355 = arith.constant 256 : i32
      %dma_start3A_356 = arith.constant 0 : i32
      %dma_start3A_357 = tpu.memref_slice %arg9[%dma_start3A_355, %dma_start3A_356] : memref<384x128xf32, #tpu.memory_space<vmem>> -> memref<128x128xf32, #tpu.memory_space<vmem>>
      tpu.enqueue_dma source(%dma_start3A_357 : memref<128x128xf32, #tpu.memory_space<vmem>>) target(%dma_start3A_354 : memref<128x128xf32, #tpu.memory_space<vmem_shared>>) target_semaphore(%run_scoped3A_347 : memref<!tpu.dma_semaphore, #tpu.memory_space<semaphore_mem>>)
      %dma_wait3A_358 = arith.constant 256 : i32
      %dma_wait3A_359 = arith.constant 0 : i32
      %dma_wait3A_360 = tpu.memref_slice %arg9[%dma_wait3A_358, %dma_wait3A_359] : memref<384x128xf32, #tpu.memory_space<vmem>> -> memref<128x128xf32, #tpu.memory_space<vmem>>
      %dma_wait3A_361 = arith.constant 0 : i32
      %dma_wait3A_362 = tpu.memref_slice %arg10[%add3A_56, %dma_wait3A_361] : memref<10112x128xf32, #tpu.memory_space<vmem_shared>> -> memref<128x128xf32, #tpu.memory_space<vmem_shared>>
      %dma_wait3A_363 = arith.constant 0 : i32
      %dma_wait3A_364 = tpu.memref_slice %arg10[%add3A_56, %dma_wait3A_363] : memref<10112x128xf32, #tpu.memory_space<vmem_shared>> -> memref<128x128xf32, #tpu.memory_space<vmem_shared>>
      %dma_wait3A_365 = arith.constant 256 : i32
      %dma_wait3A_366 = arith.constant 0 : i32
      %dma_wait3A_367 = tpu.memref_slice %arg9[%dma_wait3A_365, %dma_wait3A_366] : memref<384x128xf32, #tpu.memory_space<vmem>> -> memref<128x128xf32, #tpu.memory_space<vmem>>
      tpu.wait_dma2 semaphore(%run_scoped3A_347 : memref<!tpu.dma_semaphore, #tpu.memory_space<semaphore_mem>>) src(%dma_wait3A_367 : memref<128x128xf32, #tpu.memory_space<vmem>>) dst(%dma_wait3A_364 : memref<128x128xf32, #tpu.memory_space<vmem_shared>>)
      tpu.yield
    }) : () -> ()
    %mul3A_57 = arith.constant 632 : i32
    %mul3A_58 = arith.muli %arg1, %mul3A_57 : i32
    %add3A_59 = arith.constant 512 : i32
    %add3A_60 = arith.addi %mul3A_58, %add3A_59 : i32
    "tpu.region"() ({
      %run_scoped3A_347 = tpu.sem_alloc : memref<!tpu.dma_semaphore, #tpu.memory_space<semaphore_mem>>
      %dma_start3A_348 = arith.constant 256 : i32
      %dma_start3A_349 = arith.constant 0 : i32
      %dma_start3A_350 = tpu.memref_slice %arg9[%dma_start3A_348, %dma_start3A_349] : memref<384x128xf32, #tpu.memory_space<vmem>> -> memref<120x128xf32, #tpu.memory_space<vmem>>
      %dma_start3A_351 = arith.constant 0 : i32
      %dma_start3A_352 = tpu.memref_slice %arg10[%add3A_60, %dma_start3A_351] : memref<10112x128xf32, #tpu.memory_space<vmem_shared>> -> memref<120x128xf32, #tpu.memory_space<vmem_shared>>
      %dma_start3A_353 = arith.constant 0 : i32
      %dma_start3A_354 = tpu.memref_slice %arg10[%add3A_60, %dma_start3A_353] : memref<10112x128xf32, #tpu.memory_space<vmem_shared>> -> memref<120x128xf32, #tpu.memory_space<vmem_shared>>
      %dma_start3A_355 = arith.constant 256 : i32
      %dma_start3A_356 = arith.constant 0 : i32
      %dma_start3A_357 = tpu.memref_slice %arg9[%dma_start3A_355, %dma_start3A_356] : memref<384x128xf32, #tpu.memory_space<vmem>> -> memref<120x128xf32, #tpu.memory_space<vmem>>
      tpu.enqueue_dma source(%dma_start3A_357 : memref<120x128xf32, #tpu.memory_space<vmem>>) target(%dma_start3A_354 : memref<120x128xf32, #tpu.memory_space<vmem_shared>>) target_semaphore(%run_scoped3A_347 : memref<!tpu.dma_semaphore, #tpu.memory_space<semaphore_mem>>)
      %dma_wait3A_358 = arith.constant 256 : i32
      %dma_wait3A_359 = arith.constant 0 : i32
      %dma_wait3A_360 = tpu.memref_slice %arg9[%dma_wait3A_358, %dma_wait3A_359] : memref<384x128xf32, #tpu.memory_space<vmem>> -> memref<120x128xf32, #tpu.memory_space<vmem>>
      %dma_wait3A_361 = arith.constant 0 : i32
      %dma_wait3A_362 = tpu.memref_slice %arg10[%add3A_60, %dma_wait3A_361] : memref<10112x128xf32, #tpu.memory_space<vmem_shared>> -> memref<120x128xf32, #tpu.memory_space<vmem_shared>>
      %dma_wait3A_363 = arith.constant 0 : i32
      %dma_wait3A_364 = tpu.memref_slice %arg10[%add3A_60, %dma_wait3A_363] : memref<10112x128xf32, #tpu.memory_space<vmem_shared>> -> memref<120x128xf32, #tpu.memory_space<vmem_shared>>
      %dma_wait3A_365 = arith.constant 256 : i32
      %dma_wait3A_366 = arith.constant 0 : i32
      %dma_wait3A_367 = tpu.memref_slice %arg9[%dma_wait3A_365, %dma_wait3A_366] : memref<384x128xf32, #tpu.memory_space<vmem>> -> memref<120x128xf32, #tpu.memory_space<vmem>>
      tpu.wait_dma2 semaphore(%run_scoped3A_347 : memref<!tpu.dma_semaphore, #tpu.memory_space<semaphore_mem>>) src(%dma_wait3A_367 : memref<120x128xf32, #tpu.memory_space<vmem>>) dst(%dma_wait3A_364 : memref<120x128xf32, #tpu.memory_space<vmem_shared>>)
      tpu.yield
    }) : () -> ()
    %barrier3A = arith.constant 0 : index
    tpu.barrier barrier_id(%barrier3A)
    %scan3A = arith.constant 0 : i32
    %scan3A_61 = arith.constant 0 : i32
    %scan3A_62 = arith.constant 27 : i32
    %scan3A_63 = arith.addi %scan3A_61, %scan3A_62 : i32
    %scan3A_64 = arith.constant 1 : i32
    scf.for %scan3A_347 = %scan3A_61 to %scan3A_63 step %scan3A_64  : i32 {
      %mul3A_348 = arith.constant 3 : i32
      %mul3A_349 = arith.muli %scan3A_347, %mul3A_348 : i32
      %add3A_350 = arith.constant 0 : i32
      %add3A_351 = arith.addi %mul3A_349, %add3A_350 : i32
      %dma_wait3A_352 = arith.constant 0 : i32
      %dma_wait3A_353 = arith.constant 0 : i32
      %dma_wait3A_354 = tpu.memref_slice %arg9[%dma_wait3A_352, %dma_wait3A_353] : memref<384x128xf32, #tpu.memory_space<vmem>> -> memref<128x128xf32, #tpu.memory_space<vmem>>
      %dma_wait3A_355 = arith.constant 0 : i32
      %dma_wait3A_356 = arith.constant 0 : i32
      %dma_wait3A_357 = tpu.memref_slice %arg9[%dma_wait3A_355, %dma_wait3A_356] : memref<384x128xf32, #tpu.memory_space<vmem>> -> memref<128x128xf32, #tpu.memory_space<vmem>>
      tpu.wait_dma2 semaphore(%arg11 : memref<!tpu.dma_semaphore, #tpu.memory_space<semaphore_mem>>) src(%arg5 : memref<128x128xf32, #tpu.memory_space<hbm>>) dst(%dma_wait3A_357 : memref<128x128xf32, #tpu.memory_space<vmem>>)
      %dma_start3A_358 = arith.constant 0 : i32
      %dma_start3A_359 = arith.constant 0 : i32
      %dma_start3A_360 = arith.constant 0 : i32
      %dma_start3A_361 = tpu.memref_slice %arg9[%dma_start3A_359, %dma_start3A_360] : memref<384x128xf32, #tpu.memory_space<vmem>> -> memref<128x128xf32, #tpu.memory_space<vmem>>
      %dma_start3A_362 = arith.constant 0 : i32
      %dma_start3A_363 = tpu.memref_slice %arg8[%dma_start3A_358, %dma_start3A_362] : memref<3x128xi32, #tpu.memory_space<vmem>> -> memref<1x128xi32, #tpu.memory_space<vmem>>
      %dma_start3A_364 = tpu.memref_squeeze %dma_start3A_363 : memref<1x128xi32, #tpu.memory_space<vmem>> -> memref<128xi32, #tpu.memory_space<vmem>>
      %dma_start3A_365 = arith.constant 0 : i32
      %dma_start3A_366 = arith.constant 0 : i32
      %dma_start3A_367 = tpu.memref_slice %arg10[%dma_start3A_365, %dma_start3A_366] : memref<10112x128xf32, #tpu.memory_space<vmem_shared>> -> memref<10112x128xf32, #tpu.memory_space<vmem_shared>>
      tpu.enqueue_indirect_dma source(%dma_start3A_361 : memref<128x128xf32, #tpu.memory_space<vmem>>) target(%dma_start3A_367 : memref<10112x128xf32, #tpu.memory_space<vmem_shared>>) offsets(%dma_start3A_364 : memref<128xi32, #tpu.memory_space<vmem>>) semaphore(%arg14 : memref<!tpu.dma_semaphore, #tpu.memory_space<semaphore_mem>>) {add = true}
      %gt3A = arith.constant 0 : i32
      %gt3A_368 = arith.cmpi sgt, %scan3A_347, %gt3A : i32
      %convert_element_type3A = arith.extui %gt3A_368 : i1 to i32
      %cond3A = arith.constant 0 : i32
      %cond3A_369 = arith.cmpi ne, %convert_element_type3A, %cond3A : i32
      scf.if %cond3A_369 {
        %dma_wait3A_451 = arith.constant 256 : i32
        %dma_wait3A_452 = arith.constant 0 : i32
        %dma_wait3A_453 = tpu.memref_slice %arg9[%dma_wait3A_451, %dma_wait3A_452] : memref<384x128xf32, #tpu.memory_space<vmem>> -> memref<128x128xf32, #tpu.memory_space<vmem>>
        %dma_wait3A_454 = arith.constant 256 : i32
        %dma_wait3A_455 = arith.constant 0 : i32
        %dma_wait3A_456 = tpu.memref_slice %arg9[%dma_wait3A_454, %dma_wait3A_455] : memref<384x128xf32, #tpu.memory_space<vmem>> -> memref<128x128xf32, #tpu.memory_space<vmem>>
        tpu.wait_dma2 semaphore(%arg16 : memref<!tpu.dma_semaphore, #tpu.memory_space<semaphore_mem>>) src(%arg5 : memref<128x128xf32, #tpu.memory_space<hbm>>) dst(%dma_wait3A_456 : memref<128x128xf32, #tpu.memory_space<vmem>>)
      } else {
      }
      %add3A_370 = arith.constant 2 : i32
      %add3A_371 = arith.addi %add3A_351, %add3A_370 : i32
      %add3A_372 = arith.addi %mul3A_2, %add3A_371 : i32
      %mul3A_373 = arith.constant 128 : i32
      %mul3A_374 = arith.muli %add3A_372, %mul3A_373 : i32
      %run_scoped3A_375 = arith.constant 2 : i32
      "tpu.region"() ({
        %run_scoped3A_451 = tpu.sem_alloc : memref<!tpu.dma_semaphore, #tpu.memory_space<semaphore_mem>>
        %dma_start3A_452 = arith.constant 0 : i32
        %dma_start3A_453 = tpu.memref_slice %arg7[%run_scoped3A_375, %dma_start3A_452] : memref<3x128xi32, #tpu.memory_space<vmem>> -> memref<1x128xi32, #tpu.memory_space<vmem>>
        %dma_start3A_454 = tpu.memref_squeeze %dma_start3A_453 : memref<1x128xi32, #tpu.memory_space<vmem>> -> memref<128xi32, #tpu.memory_space<vmem>>
        %dma_start3A_455 = tpu.memref_slice %arg3[%mul3A_374] : memref<331776xi32, #tpu.memory_space<hbm>> -> memref<128xi32, #tpu.memory_space<hbm>>
        %dma_start3A_456 = arith.constant 0 : i32
        %dma_start3A_457 = tpu.memref_slice %arg7[%run_scoped3A_375, %dma_start3A_456] : memref<3x128xi32, #tpu.memory_space<vmem>> -> memref<1x128xi32, #tpu.memory_space<vmem>>
        %dma_start3A_458 = tpu.memref_squeeze %dma_start3A_457 : memref<1x128xi32, #tpu.memory_space<vmem>> -> memref<128xi32, #tpu.memory_space<vmem>>
        %dma_start3A_459 = tpu.memref_slice %arg3[%mul3A_374] : memref<331776xi32, #tpu.memory_space<hbm>> -> memref<128xi32, #tpu.memory_space<hbm>>
        tpu.enqueue_dma source(%dma_start3A_459 : memref<128xi32, #tpu.memory_space<hbm>>) target(%dma_start3A_458 : memref<128xi32, #tpu.memory_space<vmem>>) target_semaphore(%run_scoped3A_451 : memref<!tpu.dma_semaphore, #tpu.memory_space<semaphore_mem>>)
        %dma_wait3A_460 = arith.constant 0 : i32
        %dma_wait3A_461 = tpu.memref_slice %arg7[%run_scoped3A_375, %dma_wait3A_460] : memref<3x128xi32, #tpu.memory_space<vmem>> -> memref<1x128xi32, #tpu.memory_space<vmem>>
        %dma_wait3A_462 = tpu.memref_squeeze %dma_wait3A_461 : memref<1x128xi32, #tpu.memory_space<vmem>> -> memref<128xi32, #tpu.memory_space<vmem>>
        %dma_wait3A_463 = tpu.memref_slice %arg3[%mul3A_374] : memref<331776xi32, #tpu.memory_space<hbm>> -> memref<128xi32, #tpu.memory_space<hbm>>
        %dma_wait3A_464 = arith.constant 0 : i32
        %dma_wait3A_465 = tpu.memref_slice %arg7[%run_scoped3A_375, %dma_wait3A_464] : memref<3x128xi32, #tpu.memory_space<vmem>> -> memref<1x128xi32, #tpu.memory_space<vmem>>
        %dma_wait3A_466 = tpu.memref_squeeze %dma_wait3A_465 : memref<1x128xi32, #tpu.memory_space<vmem>> -> memref<128xi32, #tpu.memory_space<vmem>>
        %dma_wait3A_467 = tpu.memref_slice %arg3[%mul3A_374] : memref<331776xi32, #tpu.memory_space<hbm>> -> memref<128xi32, #tpu.memory_space<hbm>>
        tpu.wait_dma2 semaphore(%run_scoped3A_451 : memref<!tpu.dma_semaphore, #tpu.memory_space<semaphore_mem>>) src(%dma_wait3A_467 : memref<128xi32, #tpu.memory_space<hbm>>) dst(%dma_wait3A_466 : memref<128xi32, #tpu.memory_space<vmem>>)
        tpu.yield
      }) : () -> ()
      %add3A_376 = arith.addi %mul3A_2, %add3A_371 : i32
      %mul3A_377 = arith.constant 128 : i32
      %mul3A_378 = arith.muli %add3A_376, %mul3A_377 : i32
      %run_scoped3A_379 = arith.constant 2 : i32
      "tpu.region"() ({
        %run_scoped3A_451 = tpu.sem_alloc : memref<!tpu.dma_semaphore, #tpu.memory_space<semaphore_mem>>
        %dma_start3A_452 = arith.constant 0 : i32
        %dma_start3A_453 = tpu.memref_slice %arg8[%run_scoped3A_379, %dma_start3A_452] : memref<3x128xi32, #tpu.memory_space<vmem>> -> memref<1x128xi32, #tpu.memory_space<vmem>>
        %dma_start3A_454 = tpu.memref_squeeze %dma_start3A_453 : memref<1x128xi32, #tpu.memory_space<vmem>> -> memref<128xi32, #tpu.memory_space<vmem>>
        %dma_start3A_455 = tpu.memref_slice %arg4[%mul3A_378] : memref<331776xi32, #tpu.memory_space<hbm>> -> memref<128xi32, #tpu.memory_space<hbm>>
        %dma_start3A_456 = arith.constant 0 : i32
        %dma_start3A_457 = tpu.memref_slice %arg8[%run_scoped3A_379, %dma_start3A_456] : memref<3x128xi32, #tpu.memory_space<vmem>> -> memref<1x128xi32, #tpu.memory_space<vmem>>
        %dma_start3A_458 = tpu.memref_squeeze %dma_start3A_457 : memref<1x128xi32, #tpu.memory_space<vmem>> -> memref<128xi32, #tpu.memory_space<vmem>>
        %dma_start3A_459 = tpu.memref_slice %arg4[%mul3A_378] : memref<331776xi32, #tpu.memory_space<hbm>> -> memref<128xi32, #tpu.memory_space<hbm>>
        tpu.enqueue_dma source(%dma_start3A_459 : memref<128xi32, #tpu.memory_space<hbm>>) target(%dma_start3A_458 : memref<128xi32, #tpu.memory_space<vmem>>) target_semaphore(%run_scoped3A_451 : memref<!tpu.dma_semaphore, #tpu.memory_space<semaphore_mem>>)
        %dma_wait3A_460 = arith.constant 0 : i32
        %dma_wait3A_461 = tpu.memref_slice %arg8[%run_scoped3A_379, %dma_wait3A_460] : memref<3x128xi32, #tpu.memory_space<vmem>> -> memref<1x128xi32, #tpu.memory_space<vmem>>
        %dma_wait3A_462 = tpu.memref_squeeze %dma_wait3A_461 : memref<1x128xi32, #tpu.memory_space<vmem>> -> memref<128xi32, #tpu.memory_space<vmem>>
        %dma_wait3A_463 = tpu.memref_slice %arg4[%mul3A_378] : memref<331776xi32, #tpu.memory_space<hbm>> -> memref<128xi32, #tpu.memory_space<hbm>>
        %dma_wait3A_464 = arith.constant 0 : i32
        %dma_wait3A_465 = tpu.memref_slice %arg8[%run_scoped3A_379, %dma_wait3A_464] : memref<3x128xi32, #tpu.memory_space<vmem>> -> memref<1x128xi32, #tpu.memory_space<vmem>>
        %dma_wait3A_466 = tpu.memref_squeeze %dma_wait3A_465 : memref<1x128xi32, #tpu.memory_space<vmem>> -> memref<128xi32, #tpu.memory_space<vmem>>
        %dma_wait3A_467 = tpu.memref_slice %arg4[%mul3A_378] : memref<331776xi32, #tpu.memory_space<hbm>> -> memref<128xi32, #tpu.memory_space<hbm>>
        tpu.wait_dma2 semaphore(%run_scoped3A_451 : memref<!tpu.dma_semaphore, #tpu.memory_space<semaphore_mem>>) src(%dma_wait3A_467 : memref<128xi32, #tpu.memory_space<hbm>>) dst(%dma_wait3A_466 : memref<128xi32, #tpu.memory_space<vmem>>)
        tpu.yield
      }) : () -> ()
      %dma_start3A_380 = arith.constant 2 : i32
      %dma_start3A_381 = arith.constant 256 : i32
      %dma_start3A_382 = arith.constant 0 : i32
      %dma_start3A_383 = tpu.memref_slice %arg9[%dma_start3A_381, %dma_start3A_382] : memref<384x128xf32, #tpu.memory_space<vmem>> -> memref<128x128xf32, #tpu.memory_space<vmem>>
      %dma_start3A_384 = arith.constant 0 : i32
      %dma_start3A_385 = tpu.memref_slice %arg7[%dma_start3A_380, %dma_start3A_384] : memref<3x128xi32, #tpu.memory_space<vmem>> -> memref<1x128xi32, #tpu.memory_space<vmem>>
      %dma_start3A_386 = tpu.memref_squeeze %dma_start3A_385 : memref<1x128xi32, #tpu.memory_space<vmem>> -> memref<128xi32, #tpu.memory_space<vmem>>
      %dma_start3A_387 = arith.constant 0 : i32
      %dma_start3A_388 = arith.constant 0 : i32
      %dma_start3A_389 = tpu.memref_slice %arg2[%dma_start3A_387, %dma_start3A_388] : memref<10000x128xf32, #tpu.memory_space<hbm>> -> memref<10000x128xf32, #tpu.memory_space<hbm>>
      tpu.enqueue_indirect_dma source(%dma_start3A_389 : memref<10000x128xf32, #tpu.memory_space<hbm>>) target(%dma_start3A_383 : memref<128x128xf32, #tpu.memory_space<vmem>>) offsets(%dma_start3A_386 : memref<128xi32, #tpu.memory_space<vmem>>) semaphore(%arg13 : memref<!tpu.dma_semaphore, #tpu.memory_space<semaphore_mem>>)
      %mul3A_390 = arith.constant 3 : i32
      %mul3A_391 = arith.muli %scan3A_347, %mul3A_390 : i32
      %add3A_392 = arith.constant 1 : i32
      %add3A_393 = arith.addi %mul3A_391, %add3A_392 : i32
      %dma_wait3A_394 = arith.constant 128 : i32
      %dma_wait3A_395 = arith.constant 0 : i32
      %dma_wait3A_396 = tpu.memref_slice %arg9[%dma_wait3A_394, %dma_wait3A_395] : memref<384x128xf32, #tpu.memory_space<vmem>> -> memref<128x128xf32, #tpu.memory_space<vmem>>
      %dma_wait3A_397 = arith.constant 128 : i32
      %dma_wait3A_398 = arith.constant 0 : i32
      %dma_wait3A_399 = tpu.memref_slice %arg9[%dma_wait3A_397, %dma_wait3A_398] : memref<384x128xf32, #tpu.memory_space<vmem>> -> memref<128x128xf32, #tpu.memory_space<vmem>>
      tpu.wait_dma2 semaphore(%arg12 : memref<!tpu.dma_semaphore, #tpu.memory_space<semaphore_mem>>) src(%arg5 : memref<128x128xf32, #tpu.memory_space<hbm>>) dst(%dma_wait3A_399 : memref<128x128xf32, #tpu.memory_space<vmem>>)
      %dma_start3A_400 = arith.constant 1 : i32
      %dma_start3A_401 = arith.constant 128 : i32
      %dma_start3A_402 = arith.constant 0 : i32
      %dma_start3A_403 = tpu.memref_slice %arg9[%dma_start3A_401, %dma_start3A_402] : memref<384x128xf32, #tpu.memory_space<vmem>> -> memref<128x128xf32, #tpu.memory_space<vmem>>
      %dma_start3A_404 = arith.constant 0 : i32
      %dma_start3A_405 = tpu.memref_slice %arg8[%dma_start3A_400, %dma_start3A_404] : memref<3x128xi32, #tpu.memory_space<vmem>> -> memref<1x128xi32, #tpu.memory_space<vmem>>
      %dma_start3A_406 = tpu.memref_squeeze %dma_start3A_405 : memref<1x128xi32, #tpu.memory_space<vmem>> -> memref<128xi32, #tpu.memory_space<vmem>>
      %dma_start3A_407 = arith.constant 0 : i32
      %dma_start3A_408 = arith.constant 0 : i32
      %dma_start3A_409 = tpu.memref_slice %arg10[%dma_start3A_407, %dma_start3A_408] : memref<10112x128xf32, #tpu.memory_space<vmem_shared>> -> memref<10112x128xf32, #tpu.memory_space<vmem_shared>>
      tpu.enqueue_indirect_dma source(%dma_start3A_403 : memref<128x128xf32, #tpu.memory_space<vmem>>) target(%dma_start3A_409 : memref<10112x128xf32, #tpu.memory_space<vmem_shared>>) offsets(%dma_start3A_406 : memref<128xi32, #tpu.memory_space<vmem>>) semaphore(%arg15 : memref<!tpu.dma_semaphore, #tpu.memory_space<semaphore_mem>>) {add = true}
      %dma_wait3A_410 = arith.constant 0 : i32
      %dma_wait3A_411 = arith.constant 0 : i32
      %dma_wait3A_412 = tpu.memref_slice %arg9[%dma_wait3A_410, %dma_wait3A_411] : memref<384x128xf32, #tpu.memory_space<vmem>> -> memref<128x128xf32, #tpu.memory_space<vmem>>
      %dma_wait3A_413 = arith.constant 0 : i32
      %dma_wait3A_414 = arith.constant 0 : i32
      %dma_wait3A_415 = tpu.memref_slice %arg9[%dma_wait3A_413, %dma_wait3A_414] : memref<384x128xf32, #tpu.memory_space<vmem>> -> memref<128x128xf32, #tpu.memory_space<vmem>>
      tpu.wait_dma2 semaphore(%arg14 : memref<!tpu.dma_semaphore, #tpu.memory_space<semaphore_mem>>) src(%arg5 : memref<128x128xf32, #tpu.memory_space<hbm>>) dst(%dma_wait3A_415 : memref<128x128xf32, #tpu.memory_space<vmem>>)
      %lt3A = arith.constant 26 : i32
      %lt3A_416 = arith.cmpi slt, %scan3A_347, %lt3A : i32
      %convert_element_type3A_417 = arith.extui %lt3A_416 : i1 to i32
      %cond3A_418 = arith.constant 0 : i32
      %cond3A_419 = arith.cmpi ne, %convert_element_type3A_417, %cond3A_418 : i32
      scf.if %cond3A_419 {
        %add3A_451 = arith.constant 2 : i32
        %add3A_452 = arith.addi %add3A_393, %add3A_451 : i32
        %add3A_453 = arith.addi %mul3A_2, %add3A_452 : i32
        %mul3A_454 = arith.constant 128 : i32
        %mul3A_455 = arith.muli %add3A_453, %mul3A_454 : i32
        %run_scoped3A_456 = arith.constant 0 : i32
        "tpu.region"() ({
          %run_scoped3A_471 = tpu.sem_alloc : memref<!tpu.dma_semaphore, #tpu.memory_space<semaphore_mem>>
          %dma_start3A_472 = arith.constant 0 : i32
          %dma_start3A_473 = tpu.memref_slice %arg7[%run_scoped3A_456, %dma_start3A_472] : memref<3x128xi32, #tpu.memory_space<vmem>> -> memref<1x128xi32, #tpu.memory_space<vmem>>
          %dma_start3A_474 = tpu.memref_squeeze %dma_start3A_473 : memref<1x128xi32, #tpu.memory_space<vmem>> -> memref<128xi32, #tpu.memory_space<vmem>>
          %dma_start3A_475 = tpu.memref_slice %arg3[%mul3A_455] : memref<331776xi32, #tpu.memory_space<hbm>> -> memref<128xi32, #tpu.memory_space<hbm>>
          %dma_start3A_476 = arith.constant 0 : i32
          %dma_start3A_477 = tpu.memref_slice %arg7[%run_scoped3A_456, %dma_start3A_476] : memref<3x128xi32, #tpu.memory_space<vmem>> -> memref<1x128xi32, #tpu.memory_space<vmem>>
          %dma_start3A_478 = tpu.memref_squeeze %dma_start3A_477 : memref<1x128xi32, #tpu.memory_space<vmem>> -> memref<128xi32, #tpu.memory_space<vmem>>
          %dma_start3A_479 = tpu.memref_slice %arg3[%mul3A_455] : memref<331776xi32, #tpu.memory_space<hbm>> -> memref<128xi32, #tpu.memory_space<hbm>>
          tpu.enqueue_dma source(%dma_start3A_479 : memref<128xi32, #tpu.memory_space<hbm>>) target(%dma_start3A_478 : memref<128xi32, #tpu.memory_space<vmem>>) target_semaphore(%run_scoped3A_471 : memref<!tpu.dma_semaphore, #tpu.memory_space<semaphore_mem>>)
          %dma_wait3A_480 = arith.constant 0 : i32
          %dma_wait3A_481 = tpu.memref_slice %arg7[%run_scoped3A_456, %dma_wait3A_480] : memref<3x128xi32, #tpu.memory_space<vmem>> -> memref<1x128xi32, #tpu.memory_space<vmem>>
          %dma_wait3A_482 = tpu.memref_squeeze %dma_wait3A_481 : memref<1x128xi32, #tpu.memory_space<vmem>> -> memref<128xi32, #tpu.memory_space<vmem>>
          %dma_wait3A_483 = tpu.memref_slice %arg3[%mul3A_455] : memref<331776xi32, #tpu.memory_space<hbm>> -> memref<128xi32, #tpu.memory_space<hbm>>
          %dma_wait3A_484 = arith.constant 0 : i32
          %dma_wait3A_485 = tpu.memref_slice %arg7[%run_scoped3A_456, %dma_wait3A_484] : memref<3x128xi32, #tpu.memory_space<vmem>> -> memref<1x128xi32, #tpu.memory_space<vmem>>
          %dma_wait3A_486 = tpu.memref_squeeze %dma_wait3A_485 : memref<1x128xi32, #tpu.memory_space<vmem>> -> memref<128xi32, #tpu.memory_space<vmem>>
          %dma_wait3A_487 = tpu.memref_slice %arg3[%mul3A_455] : memref<331776xi32, #tpu.memory_space<hbm>> -> memref<128xi32, #tpu.memory_space<hbm>>
          tpu.wait_dma2 semaphore(%run_scoped3A_471 : memref<!tpu.dma_semaphore, #tpu.memory_space<semaphore_mem>>) src(%dma_wait3A_487 : memref<128xi32, #tpu.memory_space<hbm>>) dst(%dma_wait3A_486 : memref<128xi32, #tpu.memory_space<vmem>>)
          tpu.yield
        }) : () -> ()
        %add3A_457 = arith.addi %mul3A_2, %add3A_452 : i32
        %mul3A_458 = arith.constant 128 : i32
        %mul3A_459 = arith.muli %add3A_457, %mul3A_458 : i32
        %run_scoped3A_460 = arith.constant 0 : i32
        "tpu.region"() ({
          %run_scoped3A_471 = tpu.sem_alloc : memref<!tpu.dma_semaphore, #tpu.memory_space<semaphore_mem>>
          %dma_start3A_472 = arith.constant 0 : i32
          %dma_start3A_473 = tpu.memref_slice %arg8[%run_scoped3A_460, %dma_start3A_472] : memref<3x128xi32, #tpu.memory_space<vmem>> -> memref<1x128xi32, #tpu.memory_space<vmem>>
          %dma_start3A_474 = tpu.memref_squeeze %dma_start3A_473 : memref<1x128xi32, #tpu.memory_space<vmem>> -> memref<128xi32, #tpu.memory_space<vmem>>
          %dma_start3A_475 = tpu.memref_slice %arg4[%mul3A_459] : memref<331776xi32, #tpu.memory_space<hbm>> -> memref<128xi32, #tpu.memory_space<hbm>>
          %dma_start3A_476 = arith.constant 0 : i32
          %dma_start3A_477 = tpu.memref_slice %arg8[%run_scoped3A_460, %dma_start3A_476] : memref<3x128xi32, #tpu.memory_space<vmem>> -> memref<1x128xi32, #tpu.memory_space<vmem>>
          %dma_start3A_478 = tpu.memref_squeeze %dma_start3A_477 : memref<1x128xi32, #tpu.memory_space<vmem>> -> memref<128xi32, #tpu.memory_space<vmem>>
          %dma_start3A_479 = tpu.memref_slice %arg4[%mul3A_459] : memref<331776xi32, #tpu.memory_space<hbm>> -> memref<128xi32, #tpu.memory_space<hbm>>
          tpu.enqueue_dma source(%dma_start3A_479 : memref<128xi32, #tpu.memory_space<hbm>>) target(%dma_start3A_478 : memref<128xi32, #tpu.memory_space<vmem>>) target_semaphore(%run_scoped3A_471 : memref<!tpu.dma_semaphore, #tpu.memory_space<semaphore_mem>>)
          %dma_wait3A_480 = arith.constant 0 : i32
          %dma_wait3A_481 = tpu.memref_slice %arg8[%run_scoped3A_460, %dma_wait3A_480] : memref<3x128xi32, #tpu.memory_space<vmem>> -> memref<1x128xi32, #tpu.memory_space<vmem>>
          %dma_wait3A_482 = tpu.memref_squeeze %dma_wait3A_481 : memref<1x128xi32, #tpu.memory_space<vmem>> -> memref<128xi32, #tpu.memory_space<vmem>>
          %dma_wait3A_483 = tpu.memref_slice %arg4[%mul3A_459] : memref<331776xi32, #tpu.memory_space<hbm>> -> memref<128xi32, #tpu.memory_space<hbm>>
          %dma_wait3A_484 = arith.constant 0 : i32
          %dma_wait3A_485 = tpu.memref_slice %arg8[%run_scoped3A_460, %dma_wait3A_484] : memref<3x128xi32, #tpu.memory_space<vmem>> -> memref<1x128xi32, #tpu.memory_space<vmem>>
          %dma_wait3A_486 = tpu.memref_squeeze %dma_wait3A_485 : memref<1x128xi32, #tpu.memory_space<vmem>> -> memref<128xi32, #tpu.memory_space<vmem>>
          %dma_wait3A_487 = tpu.memref_slice %arg4[%mul3A_459] : memref<331776xi32, #tpu.memory_space<hbm>> -> memref<128xi32, #tpu.memory_space<hbm>>
          tpu.wait_dma2 semaphore(%run_scoped3A_471 : memref<!tpu.dma_semaphore, #tpu.memory_space<semaphore_mem>>) src(%dma_wait3A_487 : memref<128xi32, #tpu.memory_space<hbm>>) dst(%dma_wait3A_486 : memref<128xi32, #tpu.memory_space<vmem>>)
          tpu.yield
        }) : () -> ()
        %dma_start3A_461 = arith.constant 0 : i32
        %dma_start3A_462 = arith.constant 0 : i32
        %dma_start3A_463 = arith.constant 0 : i32
        %dma_start3A_464 = tpu.memref_slice %arg9[%dma_start3A_462, %dma_start3A_463] : memref<384x128xf32, #tpu.memory_space<vmem>> -> memref<128x128xf32, #tpu.memory_space<vmem>>
        %dma_start3A_465 = arith.constant 0 : i32
        %dma_start3A_466 = tpu.memref_slice %arg7[%dma_start3A_461, %dma_start3A_465] : memref<3x128xi32, #tpu.memory_space<vmem>> -> memref<1x128xi32, #tpu.memory_space<vmem>>
        %dma_start3A_467 = tpu.memref_squeeze %dma_start3A_466 : memref<1x128xi32, #tpu.memory_space<vmem>> -> memref<128xi32, #tpu.memory_space<vmem>>
        %dma_start3A_468 = arith.constant 0 : i32
        %dma_start3A_469 = arith.constant 0 : i32
        %dma_start3A_470 = tpu.memref_slice %arg2[%dma_start3A_468, %dma_start3A_469] : memref<10000x128xf32, #tpu.memory_space<hbm>> -> memref<10000x128xf32, #tpu.memory_space<hbm>>
        tpu.enqueue_indirect_dma source(%dma_start3A_470 : memref<10000x128xf32, #tpu.memory_space<hbm>>) target(%dma_start3A_464 : memref<128x128xf32, #tpu.memory_space<vmem>>) offsets(%dma_start3A_467 : memref<128xi32, #tpu.memory_space<vmem>>) semaphore(%arg11 : memref<!tpu.dma_semaphore, #tpu.memory_space<semaphore_mem>>)
      } else {
      }
      %mul3A_420 = arith.constant 3 : i32
      %mul3A_421 = arith.muli %scan3A_347, %mul3A_420 : i32
      %add3A_422 = arith.constant 2 : i32
      %add3A_423 = arith.addi %mul3A_421, %add3A_422 : i32
      %dma_wait3A_424 = arith.constant 256 : i32
      %dma_wait3A_425 = arith.constant 0 : i32
      %dma_wait3A_426 = tpu.memref_slice %arg9[%dma_wait3A_424, %dma_wait3A_425] : memref<384x128xf32, #tpu.memory_space<vmem>> -> memref<128x128xf32, #tpu.memory_space<vmem>>
      %dma_wait3A_427 = arith.constant 256 : i32
      %dma_wait3A_428 = arith.constant 0 : i32
      %dma_wait3A_429 = tpu.memref_slice %arg9[%dma_wait3A_427, %dma_wait3A_428] : memref<384x128xf32, #tpu.memory_space<vmem>> -> memref<128x128xf32, #tpu.memory_space<vmem>>
      tpu.wait_dma2 semaphore(%arg13 : memref<!tpu.dma_semaphore, #tpu.memory_space<semaphore_mem>>) src(%arg5 : memref<128x128xf32, #tpu.memory_space<hbm>>) dst(%dma_wait3A_429 : memref<128x128xf32, #tpu.memory_space<vmem>>)
      %dma_start3A_430 = arith.constant 2 : i32
      %dma_start3A_431 = arith.constant 256 : i32
      %dma_start3A_432 = arith.constant 0 : i32
      %dma_start3A_433 = tpu.memref_slice %arg9[%dma_start3A_431, %dma_start3A_432] : memref<384x128xf32, #tpu.memory_space<vmem>> -> memref<128x128xf32, #tpu.memory_space<vmem>>
      %dma_start3A_434 = arith.constant 0 : i32
      %dma_start3A_435 = tpu.memref_slice %arg8[%dma_start3A_430, %dma_start3A_434] : memref<3x128xi32, #tpu.memory_space<vmem>> -> memref<1x128xi32, #tpu.memory_space<vmem>>
      %dma_start3A_436 = tpu.memref_squeeze %dma_start3A_435 : memref<1x128xi32, #tpu.memory_space<vmem>> -> memref<128xi32, #tpu.memory_space<vmem>>
      %dma_start3A_437 = arith.constant 0 : i32
      %dma_start3A_438 = arith.constant 0 : i32
      %dma_start3A_439 = tpu.memref_slice %arg10[%dma_start3A_437, %dma_start3A_438] : memref<10112x128xf32, #tpu.memory_space<vmem_shared>> -> memref<10112x128xf32, #tpu.memory_space<vmem_shared>>
      tpu.enqueue_indirect_dma source(%dma_start3A_433 : memref<128x128xf32, #tpu.memory_space<vmem>>) target(%dma_start3A_439 : memref<10112x128xf32, #tpu.memory_space<vmem_shared>>) offsets(%dma_start3A_436 : memref<128xi32, #tpu.memory_space<vmem>>) semaphore(%arg16 : memref<!tpu.dma_semaphore, #tpu.memory_space<semaphore_mem>>) {add = true}
      %dma_wait3A_440 = arith.constant 128 : i32
      %dma_wait3A_441 = arith.constant 0 : i32
      %dma_wait3A_442 = tpu.memref_slice %arg9[%dma_wait3A_440, %dma_wait3A_441] : memref<384x128xf32, #tpu.memory_space<vmem>> -> memref<128x128xf32, #tpu.memory_space<vmem>>
      %dma_wait3A_443 = arith.constant 128 : i32
      %dma_wait3A_444 = arith.constant 0 : i32
      %dma_wait3A_445 = tpu.memref_slice %arg9[%dma_wait3A_443, %dma_wait3A_444] : memref<384x128xf32, #tpu.memory_space<vmem>> -> memref<128x128xf32, #tpu.memory_space<vmem>>
      tpu.wait_dma2 semaphore(%arg15 : memref<!tpu.dma_semaphore, #tpu.memory_space<semaphore_mem>>) src(%arg5 : memref<128x128xf32, #tpu.memory_space<hbm>>) dst(%dma_wait3A_445 : memref<128x128xf32, #tpu.memory_space<vmem>>)
      %lt3A_446 = arith.constant 26 : i32
      %lt3A_447 = arith.cmpi slt, %scan3A_347, %lt3A_446 : i32
      %convert_element_type3A_448 = arith.extui %lt3A_447 : i1 to i32
      %cond3A_449 = arith.constant 0 : i32
      %cond3A_450 = arith.cmpi ne, %convert_element_type3A_448, %cond3A_449 : i32
      scf.if %cond3A_450 {
        %add3A_451 = arith.constant 2 : i32
        %add3A_452 = arith.addi %add3A_423, %add3A_451 : i32
        %add3A_453 = arith.addi %mul3A_2, %add3A_452 : i32
        %mul3A_454 = arith.constant 128 : i32
        %mul3A_455 = arith.muli %add3A_453, %mul3A_454 : i32
        %run_scoped3A_456 = arith.constant 1 : i32
        "tpu.region"() ({
          %run_scoped3A_471 = tpu.sem_alloc : memref<!tpu.dma_semaphore, #tpu.memory_space<semaphore_mem>>
          %dma_start3A_472 = arith.constant 0 : i32
          %dma_start3A_473 = tpu.memref_slice %arg7[%run_scoped3A_456, %dma_start3A_472] : memref<3x128xi32, #tpu.memory_space<vmem>> -> memref<1x128xi32, #tpu.memory_space<vmem>>
          %dma_start3A_474 = tpu.memref_squeeze %dma_start3A_473 : memref<1x128xi32, #tpu.memory_space<vmem>> -> memref<128xi32, #tpu.memory_space<vmem>>
          %dma_start3A_475 = tpu.memref_slice %arg3[%mul3A_455] : memref<331776xi32, #tpu.memory_space<hbm>> -> memref<128xi32, #tpu.memory_space<hbm>>
          %dma_start3A_476 = arith.constant 0 : i32
          %dma_start3A_477 = tpu.memref_slice %arg7[%run_scoped3A_456, %dma_start3A_476] : memref<3x128xi32, #tpu.memory_space<vmem>> -> memref<1x128xi32, #tpu.memory_space<vmem>>
          %dma_start3A_478 = tpu.memref_squeeze %dma_start3A_477 : memref<1x128xi32, #tpu.memory_space<vmem>> -> memref<128xi32, #tpu.memory_space<vmem>>
          %dma_start3A_479 = tpu.memref_slice %arg3[%mul3A_455] : memref<331776xi32, #tpu.memory_space<hbm>> -> memref<128xi32, #tpu.memory_space<hbm>>
          tpu.enqueue_dma source(%dma_start3A_479 : memref<128xi32, #tpu.memory_space<hbm>>) target(%dma_start3A_478 : memref<128xi32, #tpu.memory_space<vmem>>) target_semaphore(%run_scoped3A_471 : memref<!tpu.dma_semaphore, #tpu.memory_space<semaphore_mem>>)
          %dma_wait3A_480 = arith.constant 0 : i32
          %dma_wait3A_481 = tpu.memref_slice %arg7[%run_scoped3A_456, %dma_wait3A_480] : memref<3x128xi32, #tpu.memory_space<vmem>> -> memref<1x128xi32, #tpu.memory_space<vmem>>
          %dma_wait3A_482 = tpu.memref_squeeze %dma_wait3A_481 : memref<1x128xi32, #tpu.memory_space<vmem>> -> memref<128xi32, #tpu.memory_space<vmem>>
          %dma_wait3A_483 = tpu.memref_slice %arg3[%mul3A_455] : memref<331776xi32, #tpu.memory_space<hbm>> -> memref<128xi32, #tpu.memory_space<hbm>>
          %dma_wait3A_484 = arith.constant 0 : i32
          %dma_wait3A_485 = tpu.memref_slice %arg7[%run_scoped3A_456, %dma_wait3A_484] : memref<3x128xi32, #tpu.memory_space<vmem>> -> memref<1x128xi32, #tpu.memory_space<vmem>>
          %dma_wait3A_486 = tpu.memref_squeeze %dma_wait3A_485 : memref<1x128xi32, #tpu.memory_space<vmem>> -> memref<128xi32, #tpu.memory_space<vmem>>
          %dma_wait3A_487 = tpu.memref_slice %arg3[%mul3A_455] : memref<331776xi32, #tpu.memory_space<hbm>> -> memref<128xi32, #tpu.memory_space<hbm>>
          tpu.wait_dma2 semaphore(%run_scoped3A_471 : memref<!tpu.dma_semaphore, #tpu.memory_space<semaphore_mem>>) src(%dma_wait3A_487 : memref<128xi32, #tpu.memory_space<hbm>>) dst(%dma_wait3A_486 : memref<128xi32, #tpu.memory_space<vmem>>)
          tpu.yield
        }) : () -> ()
        %add3A_457 = arith.addi %mul3A_2, %add3A_452 : i32
        %mul3A_458 = arith.constant 128 : i32
        %mul3A_459 = arith.muli %add3A_457, %mul3A_458 : i32
        %run_scoped3A_460 = arith.constant 1 : i32
        "tpu.region"() ({
          %run_scoped3A_471 = tpu.sem_alloc : memref<!tpu.dma_semaphore, #tpu.memory_space<semaphore_mem>>
          %dma_start3A_472 = arith.constant 0 : i32
          %dma_start3A_473 = tpu.memref_slice %arg8[%run_scoped3A_460, %dma_start3A_472] : memref<3x128xi32, #tpu.memory_space<vmem>> -> memref<1x128xi32, #tpu.memory_space<vmem>>
          %dma_start3A_474 = tpu.memref_squeeze %dma_start3A_473 : memref<1x128xi32, #tpu.memory_space<vmem>> -> memref<128xi32, #tpu.memory_space<vmem>>
          %dma_start3A_475 = tpu.memref_slice %arg4[%mul3A_459] : memref<331776xi32, #tpu.memory_space<hbm>> -> memref<128xi32, #tpu.memory_space<hbm>>
          %dma_start3A_476 = arith.constant 0 : i32
          %dma_start3A_477 = tpu.memref_slice %arg8[%run_scoped3A_460, %dma_start3A_476] : memref<3x128xi32, #tpu.memory_space<vmem>> -> memref<1x128xi32, #tpu.memory_space<vmem>>
          %dma_start3A_478 = tpu.memref_squeeze %dma_start3A_477 : memref<1x128xi32, #tpu.memory_space<vmem>> -> memref<128xi32, #tpu.memory_space<vmem>>
          %dma_start3A_479 = tpu.memref_slice %arg4[%mul3A_459] : memref<331776xi32, #tpu.memory_space<hbm>> -> memref<128xi32, #tpu.memory_space<hbm>>
          tpu.enqueue_dma source(%dma_start3A_479 : memref<128xi32, #tpu.memory_space<hbm>>) target(%dma_start3A_478 : memref<128xi32, #tpu.memory_space<vmem>>) target_semaphore(%run_scoped3A_471 : memref<!tpu.dma_semaphore, #tpu.memory_space<semaphore_mem>>)
          %dma_wait3A_480 = arith.constant 0 : i32
          %dma_wait3A_481 = tpu.memref_slice %arg8[%run_scoped3A_460, %dma_wait3A_480] : memref<3x128xi32, #tpu.memory_space<vmem>> -> memref<1x128xi32, #tpu.memory_space<vmem>>
          %dma_wait3A_482 = tpu.memref_squeeze %dma_wait3A_481 : memref<1x128xi32, #tpu.memory_space<vmem>> -> memref<128xi32, #tpu.memory_space<vmem>>
          %dma_wait3A_483 = tpu.memref_slice %arg4[%mul3A_459] : memref<331776xi32, #tpu.memory_space<hbm>> -> memref<128xi32, #tpu.memory_space<hbm>>
          %dma_wait3A_484 = arith.constant 0 : i32
          %dma_wait3A_485 = tpu.memref_slice %arg8[%run_scoped3A_460, %dma_wait3A_484] : memref<3x128xi32, #tpu.memory_space<vmem>> -> memref<1x128xi32, #tpu.memory_space<vmem>>
          %dma_wait3A_486 = tpu.memref_squeeze %dma_wait3A_485 : memref<1x128xi32, #tpu.memory_space<vmem>> -> memref<128xi32, #tpu.memory_space<vmem>>
          %dma_wait3A_487 = tpu.memref_slice %arg4[%mul3A_459] : memref<331776xi32, #tpu.memory_space<hbm>> -> memref<128xi32, #tpu.memory_space<hbm>>
          tpu.wait_dma2 semaphore(%run_scoped3A_471 : memref<!tpu.dma_semaphore, #tpu.memory_space<semaphore_mem>>) src(%dma_wait3A_487 : memref<128xi32, #tpu.memory_space<hbm>>) dst(%dma_wait3A_486 : memref<128xi32, #tpu.memory_space<vmem>>)
          tpu.yield
        }) : () -> ()
        %dma_start3A_461 = arith.constant 1 : i32
        %dma_start3A_462 = arith.constant 128 : i32
        %dma_start3A_463 = arith.constant 0 : i32
        %dma_start3A_464 = tpu.memref_slice %arg9[%dma_start3A_462, %dma_start3A_463] : memref<384x128xf32, #tpu.memory_space<vmem>> -> memref<128x128xf32, #tpu.memory_space<vmem>>
        %dma_start3A_465 = arith.constant 0 : i32
        %dma_start3A_466 = tpu.memref_slice %arg7[%dma_start3A_461, %dma_start3A_465] : memref<3x128xi32, #tpu.memory_space<vmem>> -> memref<1x128xi32, #tpu.memory_space<vmem>>
        %dma_start3A_467 = tpu.memref_squeeze %dma_start3A_466 : memref<1x128xi32, #tpu.memory_space<vmem>> -> memref<128xi32, #tpu.memory_space<vmem>>
        %dma_start3A_468 = arith.constant 0 : i32
        %dma_start3A_469 = arith.constant 0 : i32
        %dma_start3A_470 = tpu.memref_slice %arg2[%dma_start3A_468, %dma_start3A_469] : memref<10000x128xf32, #tpu.memory_space<hbm>> -> memref<10000x128xf32, #tpu.memory_space<hbm>>
        tpu.enqueue_indirect_dma source(%dma_start3A_470 : memref<10000x128xf32, #tpu.memory_space<hbm>>) target(%dma_start3A_464 : memref<128x128xf32, #tpu.memory_space<vmem>>) offsets(%dma_start3A_467 : memref<128xi32, #tpu.memory_space<vmem>>) semaphore(%arg12 : memref<!tpu.dma_semaphore, #tpu.memory_space<semaphore_mem>>)
      } else {
      }
    }
    %scan3A_65 = arith.constant 27 : i32
    %dma_wait3A = arith.constant 256 : i32
    %dma_wait3A_66 = arith.constant 0 : i32
    %dma_wait3A_67 = tpu.memref_slice %arg9[%dma_wait3A, %dma_wait3A_66] : memref<384x128xf32, #tpu.memory_space<vmem>> -> memref<128x128xf32, #tpu.memory_space<vmem>>
    %dma_wait3A_68 = arith.constant 256 : i32
    %dma_wait3A_69 = arith.constant 0 : i32
    %dma_wait3A_70 = tpu.memref_slice %arg9[%dma_wait3A_68, %dma_wait3A_69] : memref<384x128xf32, #tpu.memory_space<vmem>> -> memref<128x128xf32, #tpu.memory_space<vmem>>
    tpu.wait_dma2 semaphore(%arg16 : memref<!tpu.dma_semaphore, #tpu.memory_space<semaphore_mem>>) src(%arg5 : memref<128x128xf32, #tpu.memory_space<hbm>>) dst(%dma_wait3A_70 : memref<128x128xf32, #tpu.memory_space<vmem>>)
    %barrier3A_71 = arith.constant 0 : index
    tpu.barrier barrier_id(%barrier3A_71)
    %mul3A_72 = arith.constant 632 : i32
    %mul3A_73 = arith.muli %arg1, %mul3A_72 : i32
    %add3A_74 = arith.constant 0 : i32
    %add3A_75 = arith.addi %mul3A_73, %add3A_74 : i32
    %dma_start3A_76 = arith.constant 0 : i32
    %dma_start3A_77 = arith.constant 0 : i32
    %dma_start3A_78 = tpu.memref_slice %arg9[%dma_start3A_76, %dma_start3A_77] : memref<384x128xf32, #tpu.memory_space<vmem>> -> memref<128x128xf32, #tpu.memory_space<vmem>>
    %dma_start3A_79 = arith.constant 0 : i32
    %dma_start3A_80 = tpu.memref_slice %arg10[%add3A_75, %dma_start3A_79] : memref<10112x128xf32, #tpu.memory_space<vmem_shared>> -> memref<128x128xf32, #tpu.memory_space<vmem_shared>>
    %dma_start3A_81 = arith.constant 0 : i32
    %dma_start3A_82 = arith.constant 0 : i32
    %dma_start3A_83 = tpu.memref_slice %arg9[%dma_start3A_81, %dma_start3A_82] : memref<384x128xf32, #tpu.memory_space<vmem>> -> memref<128x128xf32, #tpu.memory_space<vmem>>
    %dma_start3A_84 = arith.constant 0 : i32
    %dma_start3A_85 = tpu.memref_slice %arg10[%add3A_75, %dma_start3A_84] : memref<10112x128xf32, #tpu.memory_space<vmem_shared>> -> memref<128x128xf32, #tpu.memory_space<vmem_shared>>
    tpu.enqueue_dma source(%dma_start3A_85 : memref<128x128xf32, #tpu.memory_space<vmem_shared>>) target(%dma_start3A_83 : memref<128x128xf32, #tpu.memory_space<vmem>>) target_semaphore(%arg11 : memref<!tpu.dma_semaphore, #tpu.memory_space<semaphore_mem>>)
    %mul3A_86 = arith.constant 632 : i32
    %mul3A_87 = arith.muli %arg1, %mul3A_86 : i32
    %add3A_88 = arith.constant 128 : i32
    %add3A_89 = arith.addi %mul3A_87, %add3A_88 : i32
    %dma_start3A_90 = arith.constant 128 : i32
    %dma_start3A_91 = arith.constant 0 : i32
    %dma_start3A_92 = tpu.memref_slice %arg9[%dma_start3A_90, %dma_start3A_91] : memref<384x128xf32, #tpu.memory_space<vmem>> -> memref<128x128xf32, #tpu.memory_space<vmem>>
    %dma_start3A_93 = arith.constant 0 : i32
    %dma_start3A_94 = tpu.memref_slice %arg10[%add3A_89, %dma_start3A_93] : memref<10112x128xf32, #tpu.memory_space<vmem_shared>> -> memref<128x128xf32, #tpu.memory_space<vmem_shared>>
    %dma_start3A_95 = arith.constant 128 : i32
    %dma_start3A_96 = arith.constant 0 : i32
    %dma_start3A_97 = tpu.memref_slice %arg9[%dma_start3A_95, %dma_start3A_96] : memref<384x128xf32, #tpu.memory_space<vmem>> -> memref<128x128xf32, #tpu.memory_space<vmem>>
    %dma_start3A_98 = arith.constant 0 : i32
    %dma_start3A_99 = tpu.memref_slice %arg10[%add3A_89, %dma_start3A_98] : memref<10112x128xf32, #tpu.memory_space<vmem_shared>> -> memref<128x128xf32, #tpu.memory_space<vmem_shared>>
    tpu.enqueue_dma source(%dma_start3A_99 : memref<128x128xf32, #tpu.memory_space<vmem_shared>>) target(%dma_start3A_97 : memref<128x128xf32, #tpu.memory_space<vmem>>) target_semaphore(%arg12 : memref<!tpu.dma_semaphore, #tpu.memory_space<semaphore_mem>>)
    %dma_wait3A_100 = arith.constant 0 : i32
    %dma_wait3A_101 = arith.constant 0 : i32
    %dma_wait3A_102 = tpu.memref_slice %arg9[%dma_wait3A_100, %dma_wait3A_101] : memref<384x128xf32, #tpu.memory_space<vmem>> -> memref<128x128xf32, #tpu.memory_space<vmem>>
    %dma_wait3A_103 = arith.constant 0 : i32
    %dma_wait3A_104 = arith.constant 0 : i32
    %dma_wait3A_105 = tpu.memref_slice %arg5[%dma_wait3A_103, %dma_wait3A_104] : memref<128x128xf32, #tpu.memory_space<hbm>> -> memref<128x128xf32, #tpu.memory_space<hbm>>
    %dma_wait3A_106 = arith.constant 0 : i32
    %dma_wait3A_107 = arith.constant 0 : i32
    %dma_wait3A_108 = tpu.memref_slice %arg9[%dma_wait3A_106, %dma_wait3A_107] : memref<384x128xf32, #tpu.memory_space<vmem>> -> memref<128x128xf32, #tpu.memory_space<vmem>>
    %dma_wait3A_109 = arith.constant 0 : i32
    %dma_wait3A_110 = arith.constant 0 : i32
    %dma_wait3A_111 = tpu.memref_slice %arg5[%dma_wait3A_109, %dma_wait3A_110] : memref<128x128xf32, #tpu.memory_space<hbm>> -> memref<128x128xf32, #tpu.memory_space<hbm>>
    tpu.wait_dma2 semaphore(%arg11 : memref<!tpu.dma_semaphore, #tpu.memory_space<semaphore_mem>>) src(%dma_wait3A_111 : memref<128x128xf32, #tpu.memory_space<hbm>>) dst(%dma_wait3A_108 : memref<128x128xf32, #tpu.memory_space<vmem>>)
    %mul3A_112 = arith.constant 10112 : i32
    %mul3A_113 = arith.muli %arg0, %mul3A_112 : i32
    %mul3A_114 = arith.constant 632 : i32
    %mul3A_115 = arith.muli %arg1, %mul3A_114 : i32
    %add3A_116 = arith.addi %mul3A_113, %mul3A_115 : i32
    %add3A_117 = arith.constant 0 : i32
    %add3A_118 = arith.addi %add3A_116, %add3A_117 : i32
    %dma_start3A_119 = arith.constant 0 : i32
    %dma_start3A_120 = arith.constant 0 : i32
    %dma_start3A_121 = tpu.memref_slice %arg9[%dma_start3A_119, %dma_start3A_120] : memref<384x128xf32, #tpu.memory_space<vmem>> -> memref<128x128xf32, #tpu.memory_space<vmem>>
    %dma_start3A_122 = arith.constant 0 : i32
    %dma_start3A_123 = tpu.memref_slice %arg6[%add3A_118, %dma_start3A_122] : memref<20224x128xf32, #tpu.memory_space<hbm>> -> memref<128x128xf32, #tpu.memory_space<hbm>>
    %dma_start3A_124 = arith.constant 0 : i32
    %dma_start3A_125 = tpu.memref_slice %arg6[%add3A_118, %dma_start3A_124] : memref<20224x128xf32, #tpu.memory_space<hbm>> -> memref<128x128xf32, #tpu.memory_space<hbm>>
    %dma_start3A_126 = arith.constant 0 : i32
    %dma_start3A_127 = arith.constant 0 : i32
    %dma_start3A_128 = tpu.memref_slice %arg9[%dma_start3A_126, %dma_start3A_127] : memref<384x128xf32, #tpu.memory_space<vmem>> -> memref<128x128xf32, #tpu.memory_space<vmem>>
    tpu.enqueue_dma source(%dma_start3A_128 : memref<128x128xf32, #tpu.memory_space<vmem>>) target(%dma_start3A_125 : memref<128x128xf32, #tpu.memory_space<hbm>>) target_semaphore(%arg14 : memref<!tpu.dma_semaphore, #tpu.memory_space<semaphore_mem>>)
    %mul3A_129 = arith.constant 632 : i32
    %mul3A_130 = arith.muli %arg1, %mul3A_129 : i32
    %add3A_131 = arith.constant 256 : i32
    %add3A_132 = arith.addi %mul3A_130, %add3A_131 : i32
    %dma_start3A_133 = arith.constant 256 : i32
    %dma_start3A_134 = arith.constant 0 : i32
    %dma_start3A_135 = tpu.memref_slice %arg9[%dma_start3A_133, %dma_start3A_134] : memref<384x128xf32, #tpu.memory_space<vmem>> -> memref<128x128xf32, #tpu.memory_space<vmem>>
    %dma_start3A_136 = arith.constant 0 : i32
    %dma_start3A_137 = tpu.memref_slice %arg10[%add3A_132, %dma_start3A_136] : memref<10112x128xf32, #tpu.memory_space<vmem_shared>> -> memref<128x128xf32, #tpu.memory_space<vmem_shared>>
    %dma_start3A_138 = arith.constant 256 : i32
    %dma_start3A_139 = arith.constant 0 : i32
    %dma_start3A_140 = tpu.memref_slice %arg9[%dma_start3A_138, %dma_start3A_139] : memref<384x128xf32, #tpu.memory_space<vmem>> -> memref<128x128xf32, #tpu.memory_space<vmem>>
    %dma_start3A_141 = arith.constant 0 : i32
    %dma_start3A_142 = tpu.memref_slice %arg10[%add3A_132, %dma_start3A_141] : memref<10112x128xf32, #tpu.memory_space<vmem_shared>> -> memref<128x128xf32, #tpu.memory_space<vmem_shared>>
    tpu.enqueue_dma source(%dma_start3A_142 : memref<128x128xf32, #tpu.memory_space<vmem_shared>>) target(%dma_start3A_140 : memref<128x128xf32, #tpu.memory_space<vmem>>) target_semaphore(%arg13 : memref<!tpu.dma_semaphore, #tpu.memory_space<semaphore_mem>>)
    %dma_wait3A_143 = arith.constant 128 : i32
    %dma_wait3A_144 = arith.constant 0 : i32
    %dma_wait3A_145 = tpu.memref_slice %arg9[%dma_wait3A_143, %dma_wait3A_144] : memref<384x128xf32, #tpu.memory_space<vmem>> -> memref<128x128xf32, #tpu.memory_space<vmem>>
    %dma_wait3A_146 = arith.constant 0 : i32
    %dma_wait3A_147 = arith.constant 0 : i32
    %dma_wait3A_148 = tpu.memref_slice %arg5[%dma_wait3A_146, %dma_wait3A_147] : memref<128x128xf32, #tpu.memory_space<hbm>> -> memref<128x128xf32, #tpu.memory_space<hbm>>
    %dma_wait3A_149 = arith.constant 128 : i32
    %dma_wait3A_150 = arith.constant 0 : i32
    %dma_wait3A_151 = tpu.memref_slice %arg9[%dma_wait3A_149, %dma_wait3A_150] : memref<384x128xf32, #tpu.memory_space<vmem>> -> memref<128x128xf32, #tpu.memory_space<vmem>>
    %dma_wait3A_152 = arith.constant 0 : i32
    %dma_wait3A_153 = arith.constant 0 : i32
    %dma_wait3A_154 = tpu.memref_slice %arg5[%dma_wait3A_152, %dma_wait3A_153] : memref<128x128xf32, #tpu.memory_space<hbm>> -> memref<128x128xf32, #tpu.memory_space<hbm>>
    tpu.wait_dma2 semaphore(%arg12 : memref<!tpu.dma_semaphore, #tpu.memory_space<semaphore_mem>>) src(%dma_wait3A_154 : memref<128x128xf32, #tpu.memory_space<hbm>>) dst(%dma_wait3A_151 : memref<128x128xf32, #tpu.memory_space<vmem>>)
    %mul3A_155 = arith.constant 10112 : i32
    %mul3A_156 = arith.muli %arg0, %mul3A_155 : i32
    %mul3A_157 = arith.constant 632 : i32
    %mul3A_158 = arith.muli %arg1, %mul3A_157 : i32
    %add3A_159 = arith.addi %mul3A_156, %mul3A_158 : i32
    %add3A_160 = arith.constant 128 : i32
    %add3A_161 = arith.addi %add3A_159, %add3A_160 : i32
    %dma_start3A_162 = arith.constant 128 : i32
    %dma_start3A_163 = arith.constant 0 : i32
    %dma_start3A_164 = tpu.memref_slice %arg9[%dma_start3A_162, %dma_start3A_163] : memref<384x128xf32, #tpu.memory_space<vmem>> -> memref<128x128xf32, #tpu.memory_space<vmem>>
    %dma_start3A_165 = arith.constant 0 : i32
    %dma_start3A_166 = tpu.memref_slice %arg6[%add3A_161, %dma_start3A_165] : memref<20224x128xf32, #tpu.memory_space<hbm>> -> memref<128x128xf32, #tpu.memory_space<hbm>>
    %dma_start3A_167 = arith.constant 0 : i32
    %dma_start3A_168 = tpu.memref_slice %arg6[%add3A_161, %dma_start3A_167] : memref<20224x128xf32, #tpu.memory_space<hbm>> -> memref<128x128xf32, #tpu.memory_space<hbm>>
    %dma_start3A_169 = arith.constant 128 : i32
    %dma_start3A_170 = arith.constant 0 : i32
    %dma_start3A_171 = tpu.memref_slice %arg9[%dma_start3A_169, %dma_start3A_170] : memref<384x128xf32, #tpu.memory_space<vmem>> -> memref<128x128xf32, #tpu.memory_space<vmem>>
    tpu.enqueue_dma source(%dma_start3A_171 : memref<128x128xf32, #tpu.memory_space<vmem>>) target(%dma_start3A_168 : memref<128x128xf32, #tpu.memory_space<hbm>>) target_semaphore(%arg15 : memref<!tpu.dma_semaphore, #tpu.memory_space<semaphore_mem>>)
    %dma_wait3A_172 = arith.constant 0 : i32
    %dma_wait3A_173 = arith.constant 0 : i32
    %dma_wait3A_174 = tpu.memref_slice %arg9[%dma_wait3A_172, %dma_wait3A_173] : memref<384x128xf32, #tpu.memory_space<vmem>> -> memref<128x128xf32, #tpu.memory_space<vmem>>
    %dma_wait3A_175 = arith.constant 0 : i32
    %dma_wait3A_176 = arith.constant 0 : i32
    %dma_wait3A_177 = tpu.memref_slice %arg5[%dma_wait3A_175, %dma_wait3A_176] : memref<128x128xf32, #tpu.memory_space<hbm>> -> memref<128x128xf32, #tpu.memory_space<hbm>>
    %dma_wait3A_178 = arith.constant 0 : i32
    %dma_wait3A_179 = arith.constant 0 : i32
    %dma_wait3A_180 = tpu.memref_slice %arg9[%dma_wait3A_178, %dma_wait3A_179] : memref<384x128xf32, #tpu.memory_space<vmem>> -> memref<128x128xf32, #tpu.memory_space<vmem>>
    %dma_wait3A_181 = arith.constant 0 : i32
    %dma_wait3A_182 = arith.constant 0 : i32
    %dma_wait3A_183 = tpu.memref_slice %arg5[%dma_wait3A_181, %dma_wait3A_182] : memref<128x128xf32, #tpu.memory_space<hbm>> -> memref<128x128xf32, #tpu.memory_space<hbm>>
    tpu.wait_dma2 semaphore(%arg14 : memref<!tpu.dma_semaphore, #tpu.memory_space<semaphore_mem>>) src(%dma_wait3A_183 : memref<128x128xf32, #tpu.memory_space<hbm>>) dst(%dma_wait3A_180 : memref<128x128xf32, #tpu.memory_space<vmem>>)
    %mul3A_184 = arith.constant 632 : i32
    %mul3A_185 = arith.muli %arg1, %mul3A_184 : i32
    %add3A_186 = arith.constant 384 : i32
    %add3A_187 = arith.addi %mul3A_185, %add3A_186 : i32
    %dma_start3A_188 = arith.constant 0 : i32
    %dma_start3A_189 = arith.constant 0 : i32
    %dma_start3A_190 = tpu.memref_slice %arg9[%dma_start3A_188, %dma_start3A_189] : memref<384x128xf32, #tpu.memory_space<vmem>> -> memref<128x128xf32, #tpu.memory_space<vmem>>
    %dma_start3A_191 = arith.constant 0 : i32
    %dma_start3A_192 = tpu.memref_slice %arg10[%add3A_187, %dma_start3A_191] : memref<10112x128xf32, #tpu.memory_space<vmem_shared>> -> memref<128x128xf32, #tpu.memory_space<vmem_shared>>
    %dma_start3A_193 = arith.constant 0 : i32
    %dma_start3A_194 = arith.constant 0 : i32
    %dma_start3A_195 = tpu.memref_slice %arg9[%dma_start3A_193, %dma_start3A_194] : memref<384x128xf32, #tpu.memory_space<vmem>> -> memref<128x128xf32, #tpu.memory_space<vmem>>
    %dma_start3A_196 = arith.constant 0 : i32
    %dma_start3A_197 = tpu.memref_slice %arg10[%add3A_187, %dma_start3A_196] : memref<10112x128xf32, #tpu.memory_space<vmem_shared>> -> memref<128x128xf32, #tpu.memory_space<vmem_shared>>
    tpu.enqueue_dma source(%dma_start3A_197 : memref<128x128xf32, #tpu.memory_space<vmem_shared>>) target(%dma_start3A_195 : memref<128x128xf32, #tpu.memory_space<vmem>>) target_semaphore(%arg11 : memref<!tpu.dma_semaphore, #tpu.memory_space<semaphore_mem>>)
    %dma_wait3A_198 = arith.constant 256 : i32
    %dma_wait3A_199 = arith.constant 0 : i32
    %dma_wait3A_200 = tpu.memref_slice %arg9[%dma_wait3A_198, %dma_wait3A_199] : memref<384x128xf32, #tpu.memory_space<vmem>> -> memref<128x128xf32, #tpu.memory_space<vmem>>
    %dma_wait3A_201 = arith.constant 0 : i32
    %dma_wait3A_202 = arith.constant 0 : i32
    %dma_wait3A_203 = tpu.memref_slice %arg5[%dma_wait3A_201, %dma_wait3A_202] : memref<128x128xf32, #tpu.memory_space<hbm>> -> memref<128x128xf32, #tpu.memory_space<hbm>>
    %dma_wait3A_204 = arith.constant 256 : i32
    %dma_wait3A_205 = arith.constant 0 : i32
    %dma_wait3A_206 = tpu.memref_slice %arg9[%dma_wait3A_204, %dma_wait3A_205] : memref<384x128xf32, #tpu.memory_space<vmem>> -> memref<128x128xf32, #tpu.memory_space<vmem>>
    %dma_wait3A_207 = arith.constant 0 : i32
    %dma_wait3A_208 = arith.constant 0 : i32
    %dma_wait3A_209 = tpu.memref_slice %arg5[%dma_wait3A_207, %dma_wait3A_208] : memref<128x128xf32, #tpu.memory_space<hbm>> -> memref<128x128xf32, #tpu.memory_space<hbm>>
    tpu.wait_dma2 semaphore(%arg13 : memref<!tpu.dma_semaphore, #tpu.memory_space<semaphore_mem>>) src(%dma_wait3A_209 : memref<128x128xf32, #tpu.memory_space<hbm>>) dst(%dma_wait3A_206 : memref<128x128xf32, #tpu.memory_space<vmem>>)
    %mul3A_210 = arith.constant 10112 : i32
    %mul3A_211 = arith.muli %arg0, %mul3A_210 : i32
    %mul3A_212 = arith.constant 632 : i32
    %mul3A_213 = arith.muli %arg1, %mul3A_212 : i32
    %add3A_214 = arith.addi %mul3A_211, %mul3A_213 : i32
    %add3A_215 = arith.constant 256 : i32
    %add3A_216 = arith.addi %add3A_214, %add3A_215 : i32
    %dma_start3A_217 = arith.constant 256 : i32
    %dma_start3A_218 = arith.constant 0 : i32
    %dma_start3A_219 = tpu.memref_slice %arg9[%dma_start3A_217, %dma_start3A_218] : memref<384x128xf32, #tpu.memory_space<vmem>> -> memref<128x128xf32, #tpu.memory_space<vmem>>
    %dma_start3A_220 = arith.constant 0 : i32
    %dma_start3A_221 = tpu.memref_slice %arg6[%add3A_216, %dma_start3A_220] : memref<20224x128xf32, #tpu.memory_space<hbm>> -> memref<128x128xf32, #tpu.memory_space<hbm>>
    %dma_start3A_222 = arith.constant 0 : i32
    %dma_start3A_223 = tpu.memref_slice %arg6[%add3A_216, %dma_start3A_222] : memref<20224x128xf32, #tpu.memory_space<hbm>> -> memref<128x128xf32, #tpu.memory_space<hbm>>
    %dma_start3A_224 = arith.constant 256 : i32
    %dma_start3A_225 = arith.constant 0 : i32
    %dma_start3A_226 = tpu.memref_slice %arg9[%dma_start3A_224, %dma_start3A_225] : memref<384x128xf32, #tpu.memory_space<vmem>> -> memref<128x128xf32, #tpu.memory_space<vmem>>
    tpu.enqueue_dma source(%dma_start3A_226 : memref<128x128xf32, #tpu.memory_space<vmem>>) target(%dma_start3A_223 : memref<128x128xf32, #tpu.memory_space<hbm>>) target_semaphore(%arg16 : memref<!tpu.dma_semaphore, #tpu.memory_space<semaphore_mem>>)
    %dma_wait3A_227 = arith.constant 128 : i32
    %dma_wait3A_228 = arith.constant 0 : i32
    %dma_wait3A_229 = tpu.memref_slice %arg9[%dma_wait3A_227, %dma_wait3A_228] : memref<384x128xf32, #tpu.memory_space<vmem>> -> memref<128x128xf32, #tpu.memory_space<vmem>>
    %dma_wait3A_230 = arith.constant 0 : i32
    %dma_wait3A_231 = arith.constant 0 : i32
    %dma_wait3A_232 = tpu.memref_slice %arg5[%dma_wait3A_230, %dma_wait3A_231] : memref<128x128xf32, #tpu.memory_space<hbm>> -> memref<128x128xf32, #tpu.memory_space<hbm>>
    %dma_wait3A_233 = arith.constant 128 : i32
    %dma_wait3A_234 = arith.constant 0 : i32
    %dma_wait3A_235 = tpu.memref_slice %arg9[%dma_wait3A_233, %dma_wait3A_234] : memref<384x128xf32, #tpu.memory_space<vmem>> -> memref<128x128xf32, #tpu.memory_space<vmem>>
    %dma_wait3A_236 = arith.constant 0 : i32
    %dma_wait3A_237 = arith.constant 0 : i32
    %dma_wait3A_238 = tpu.memref_slice %arg5[%dma_wait3A_236, %dma_wait3A_237] : memref<128x128xf32, #tpu.memory_space<hbm>> -> memref<128x128xf32, #tpu.memory_space<hbm>>
    tpu.wait_dma2 semaphore(%arg15 : memref<!tpu.dma_semaphore, #tpu.memory_space<semaphore_mem>>) src(%dma_wait3A_238 : memref<128x128xf32, #tpu.memory_space<hbm>>) dst(%dma_wait3A_235 : memref<128x128xf32, #tpu.memory_space<vmem>>)
    %mul3A_239 = arith.constant 632 : i32
    %mul3A_240 = arith.muli %arg1, %mul3A_239 : i32
    %add3A_241 = arith.constant 512 : i32
    %add3A_242 = arith.addi %mul3A_240, %add3A_241 : i32
    %dma_start3A_243 = arith.constant 128 : i32
    %dma_start3A_244 = arith.constant 0 : i32
    %dma_start3A_245 = tpu.memref_slice %arg9[%dma_start3A_243, %dma_start3A_244] : memref<384x128xf32, #tpu.memory_space<vmem>> -> memref<120x128xf32, #tpu.memory_space<vmem>>
    %dma_start3A_246 = arith.constant 0 : i32
    %dma_start3A_247 = tpu.memref_slice %arg10[%add3A_242, %dma_start3A_246] : memref<10112x128xf32, #tpu.memory_space<vmem_shared>> -> memref<120x128xf32, #tpu.memory_space<vmem_shared>>
    %dma_start3A_248 = arith.constant 128 : i32
    %dma_start3A_249 = arith.constant 0 : i32
    %dma_start3A_250 = tpu.memref_slice %arg9[%dma_start3A_248, %dma_start3A_249] : memref<384x128xf32, #tpu.memory_space<vmem>> -> memref<120x128xf32, #tpu.memory_space<vmem>>
    %dma_start3A_251 = arith.constant 0 : i32
    %dma_start3A_252 = tpu.memref_slice %arg10[%add3A_242, %dma_start3A_251] : memref<10112x128xf32, #tpu.memory_space<vmem_shared>> -> memref<120x128xf32, #tpu.memory_space<vmem_shared>>
    tpu.enqueue_dma source(%dma_start3A_252 : memref<120x128xf32, #tpu.memory_space<vmem_shared>>) target(%dma_start3A_250 : memref<120x128xf32, #tpu.memory_space<vmem>>) target_semaphore(%arg12 : memref<!tpu.dma_semaphore, #tpu.memory_space<semaphore_mem>>)
    %dma_wait3A_253 = arith.constant 0 : i32
    %dma_wait3A_254 = arith.constant 0 : i32
    %dma_wait3A_255 = tpu.memref_slice %arg9[%dma_wait3A_253, %dma_wait3A_254] : memref<384x128xf32, #tpu.memory_space<vmem>> -> memref<128x128xf32, #tpu.memory_space<vmem>>
    %dma_wait3A_256 = arith.constant 0 : i32
    %dma_wait3A_257 = arith.constant 0 : i32
    %dma_wait3A_258 = tpu.memref_slice %arg5[%dma_wait3A_256, %dma_wait3A_257] : memref<128x128xf32, #tpu.memory_space<hbm>> -> memref<128x128xf32, #tpu.memory_space<hbm>>
    %dma_wait3A_259 = arith.constant 0 : i32
    %dma_wait3A_260 = arith.constant 0 : i32
    %dma_wait3A_261 = tpu.memref_slice %arg9[%dma_wait3A_259, %dma_wait3A_260] : memref<384x128xf32, #tpu.memory_space<vmem>> -> memref<128x128xf32, #tpu.memory_space<vmem>>
    %dma_wait3A_262 = arith.constant 0 : i32
    %dma_wait3A_263 = arith.constant 0 : i32
    %dma_wait3A_264 = tpu.memref_slice %arg5[%dma_wait3A_262, %dma_wait3A_263] : memref<128x128xf32, #tpu.memory_space<hbm>> -> memref<128x128xf32, #tpu.memory_space<hbm>>
    tpu.wait_dma2 semaphore(%arg11 : memref<!tpu.dma_semaphore, #tpu.memory_space<semaphore_mem>>) src(%dma_wait3A_264 : memref<128x128xf32, #tpu.memory_space<hbm>>) dst(%dma_wait3A_261 : memref<128x128xf32, #tpu.memory_space<vmem>>)
    %mul3A_265 = arith.constant 10112 : i32
    %mul3A_266 = arith.muli %arg0, %mul3A_265 : i32
    %mul3A_267 = arith.constant 632 : i32
    %mul3A_268 = arith.muli %arg1, %mul3A_267 : i32
    %add3A_269 = arith.addi %mul3A_266, %mul3A_268 : i32
    %add3A_270 = arith.constant 384 : i32
    %add3A_271 = arith.addi %add3A_269, %add3A_270 : i32
    %dma_start3A_272 = arith.constant 0 : i32
    %dma_start3A_273 = arith.constant 0 : i32
    %dma_start3A_274 = tpu.memref_slice %arg9[%dma_start3A_272, %dma_start3A_273] : memref<384x128xf32, #tpu.memory_space<vmem>> -> memref<128x128xf32, #tpu.memory_space<vmem>>
    %dma_start3A_275 = arith.constant 0 : i32
    %dma_start3A_276 = tpu.memref_slice %arg6[%add3A_271, %dma_start3A_275] : memref<20224x128xf32, #tpu.memory_space<hbm>> -> memref<128x128xf32, #tpu.memory_space<hbm>>
    %dma_start3A_277 = arith.constant 0 : i32
    %dma_start3A_278 = tpu.memref_slice %arg6[%add3A_271, %dma_start3A_277] : memref<20224x128xf32, #tpu.memory_space<hbm>> -> memref<128x128xf32, #tpu.memory_space<hbm>>
    %dma_start3A_279 = arith.constant 0 : i32
    %dma_start3A_280 = arith.constant 0 : i32
    %dma_start3A_281 = tpu.memref_slice %arg9[%dma_start3A_279, %dma_start3A_280] : memref<384x128xf32, #tpu.memory_space<vmem>> -> memref<128x128xf32, #tpu.memory_space<vmem>>
    tpu.enqueue_dma source(%dma_start3A_281 : memref<128x128xf32, #tpu.memory_space<vmem>>) target(%dma_start3A_278 : memref<128x128xf32, #tpu.memory_space<hbm>>) target_semaphore(%arg14 : memref<!tpu.dma_semaphore, #tpu.memory_space<semaphore_mem>>)
    %dma_wait3A_282 = arith.constant 128 : i32
    %dma_wait3A_283 = arith.constant 0 : i32
    %dma_wait3A_284 = tpu.memref_slice %arg9[%dma_wait3A_282, %dma_wait3A_283] : memref<384x128xf32, #tpu.memory_space<vmem>> -> memref<120x128xf32, #tpu.memory_space<vmem>>
    %dma_wait3A_285 = arith.constant 0 : i32
    %dma_wait3A_286 = arith.constant 0 : i32
    %dma_wait3A_287 = tpu.memref_slice %arg5[%dma_wait3A_285, %dma_wait3A_286] : memref<128x128xf32, #tpu.memory_space<hbm>> -> memref<120x128xf32, #tpu.memory_space<hbm>>
    %dma_wait3A_288 = arith.constant 128 : i32
    %dma_wait3A_289 = arith.constant 0 : i32
    %dma_wait3A_290 = tpu.memref_slice %arg9[%dma_wait3A_288, %dma_wait3A_289] : memref<384x128xf32, #tpu.memory_space<vmem>> -> memref<120x128xf32, #tpu.memory_space<vmem>>
    %dma_wait3A_291 = arith.constant 0 : i32
    %dma_wait3A_292 = arith.constant 0 : i32
    %dma_wait3A_293 = tpu.memref_slice %arg5[%dma_wait3A_291, %dma_wait3A_292] : memref<128x128xf32, #tpu.memory_space<hbm>> -> memref<120x128xf32, #tpu.memory_space<hbm>>
    tpu.wait_dma2 semaphore(%arg12 : memref<!tpu.dma_semaphore, #tpu.memory_space<semaphore_mem>>) src(%dma_wait3A_293 : memref<120x128xf32, #tpu.memory_space<hbm>>) dst(%dma_wait3A_290 : memref<120x128xf32, #tpu.memory_space<vmem>>)
    %mul3A_294 = arith.constant 10112 : i32
    %mul3A_295 = arith.muli %arg0, %mul3A_294 : i32
    %mul3A_296 = arith.constant 632 : i32
    %mul3A_297 = arith.muli %arg1, %mul3A_296 : i32
    %add3A_298 = arith.addi %mul3A_295, %mul3A_297 : i32
    %add3A_299 = arith.constant 512 : i32
    %add3A_300 = arith.addi %add3A_298, %add3A_299 : i32
    %dma_start3A_301 = arith.constant 128 : i32
    %dma_start3A_302 = arith.constant 0 : i32
    %dma_start3A_303 = tpu.memref_slice %arg9[%dma_start3A_301, %dma_start3A_302] : memref<384x128xf32, #tpu.memory_space<vmem>> -> memref<120x128xf32, #tpu.memory_space<vmem>>
    %dma_start3A_304 = arith.constant 0 : i32
    %dma_start3A_305 = tpu.memref_slice %arg6[%add3A_300, %dma_start3A_304] : memref<20224x128xf32, #tpu.memory_space<hbm>> -> memref<120x128xf32, #tpu.memory_space<hbm>>
    %dma_start3A_306 = arith.constant 0 : i32
    %dma_start3A_307 = tpu.memref_slice %arg6[%add3A_300, %dma_start3A_306] : memref<20224x128xf32, #tpu.memory_space<hbm>> -> memref<120x128xf32, #tpu.memory_space<hbm>>
    %dma_start3A_308 = arith.constant 128 : i32
    %dma_start3A_309 = arith.constant 0 : i32
    %dma_start3A_310 = tpu.memref_slice %arg9[%dma_start3A_308, %dma_start3A_309] : memref<384x128xf32, #tpu.memory_space<vmem>> -> memref<120x128xf32, #tpu.memory_space<vmem>>
    tpu.enqueue_dma source(%dma_start3A_310 : memref<120x128xf32, #tpu.memory_space<vmem>>) target(%dma_start3A_307 : memref<120x128xf32, #tpu.memory_space<hbm>>) target_semaphore(%arg15 : memref<!tpu.dma_semaphore, #tpu.memory_space<semaphore_mem>>)
    %dma_wait3A_311 = arith.constant 256 : i32
    %dma_wait3A_312 = arith.constant 0 : i32
    %dma_wait3A_313 = tpu.memref_slice %arg9[%dma_wait3A_311, %dma_wait3A_312] : memref<384x128xf32, #tpu.memory_space<vmem>> -> memref<128x128xf32, #tpu.memory_space<vmem>>
    %dma_wait3A_314 = arith.constant 0 : i32
    %dma_wait3A_315 = arith.constant 0 : i32
    %dma_wait3A_316 = tpu.memref_slice %arg5[%dma_wait3A_314, %dma_wait3A_315] : memref<128x128xf32, #tpu.memory_space<hbm>> -> memref<128x128xf32, #tpu.memory_space<hbm>>
    %dma_wait3A_317 = arith.constant 256 : i32
    %dma_wait3A_318 = arith.constant 0 : i32
    %dma_wait3A_319 = tpu.memref_slice %arg9[%dma_wait3A_317, %dma_wait3A_318] : memref<384x128xf32, #tpu.memory_space<vmem>> -> memref<128x128xf32, #tpu.memory_space<vmem>>
    %dma_wait3A_320 = arith.constant 0 : i32
    %dma_wait3A_321 = arith.constant 0 : i32
    %dma_wait3A_322 = tpu.memref_slice %arg5[%dma_wait3A_320, %dma_wait3A_321] : memref<128x128xf32, #tpu.memory_space<hbm>> -> memref<128x128xf32, #tpu.memory_space<hbm>>
    tpu.wait_dma2 semaphore(%arg16 : memref<!tpu.dma_semaphore, #tpu.memory_space<semaphore_mem>>) src(%dma_wait3A_322 : memref<128x128xf32, #tpu.memory_space<hbm>>) dst(%dma_wait3A_319 : memref<128x128xf32, #tpu.memory_space<vmem>>)
    %dma_wait3A_323 = arith.constant 0 : i32
    %dma_wait3A_324 = arith.constant 0 : i32
    %dma_wait3A_325 = tpu.memref_slice %arg9[%dma_wait3A_323, %dma_wait3A_324] : memref<384x128xf32, #tpu.memory_space<vmem>> -> memref<128x128xf32, #tpu.memory_space<vmem>>
    %dma_wait3A_326 = arith.constant 0 : i32
    %dma_wait3A_327 = arith.constant 0 : i32
    %dma_wait3A_328 = tpu.memref_slice %arg5[%dma_wait3A_326, %dma_wait3A_327] : memref<128x128xf32, #tpu.memory_space<hbm>> -> memref<128x128xf32, #tpu.memory_space<hbm>>
    %dma_wait3A_329 = arith.constant 0 : i32
    %dma_wait3A_330 = arith.constant 0 : i32
    %dma_wait3A_331 = tpu.memref_slice %arg9[%dma_wait3A_329, %dma_wait3A_330] : memref<384x128xf32, #tpu.memory_space<vmem>> -> memref<128x128xf32, #tpu.memory_space<vmem>>
    %dma_wait3A_332 = arith.constant 0 : i32
    %dma_wait3A_333 = arith.constant 0 : i32
    %dma_wait3A_334 = tpu.memref_slice %arg5[%dma_wait3A_332, %dma_wait3A_333] : memref<128x128xf32, #tpu.memory_space<hbm>> -> memref<128x128xf32, #tpu.memory_space<hbm>>
    tpu.wait_dma2 semaphore(%arg14 : memref<!tpu.dma_semaphore, #tpu.memory_space<semaphore_mem>>) src(%dma_wait3A_334 : memref<128x128xf32, #tpu.memory_space<hbm>>) dst(%dma_wait3A_331 : memref<128x128xf32, #tpu.memory_space<vmem>>)
    %dma_wait3A_335 = arith.constant 128 : i32
    %dma_wait3A_336 = arith.constant 0 : i32
    %dma_wait3A_337 = tpu.memref_slice %arg9[%dma_wait3A_335, %dma_wait3A_336] : memref<384x128xf32, #tpu.memory_space<vmem>> -> memref<120x128xf32, #tpu.memory_space<vmem>>
    %dma_wait3A_338 = arith.constant 0 : i32
    %dma_wait3A_339 = arith.constant 0 : i32
    %dma_wait3A_340 = tpu.memref_slice %arg5[%dma_wait3A_338, %dma_wait3A_339] : memref<128x128xf32, #tpu.memory_space<hbm>> -> memref<120x128xf32, #tpu.memory_space<hbm>>
    %dma_wait3A_341 = arith.constant 128 : i32
    %dma_wait3A_342 = arith.constant 0 : i32
    %dma_wait3A_343 = tpu.memref_slice %arg9[%dma_wait3A_341, %dma_wait3A_342] : memref<384x128xf32, #tpu.memory_space<vmem>> -> memref<120x128xf32, #tpu.memory_space<vmem>>
    %dma_wait3A_344 = arith.constant 0 : i32
    %dma_wait3A_345 = arith.constant 0 : i32
    %dma_wait3A_346 = tpu.memref_slice %arg5[%dma_wait3A_344, %dma_wait3A_345] : memref<128x128xf32, #tpu.memory_space<hbm>> -> memref<120x128xf32, #tpu.memory_space<hbm>>
    tpu.wait_dma2 semaphore(%arg15 : memref<!tpu.dma_semaphore, #tpu.memory_space<semaphore_mem>>) src(%dma_wait3A_346 : memref<120x128xf32, #tpu.memory_space<hbm>>) dst(%dma_wait3A_343 : memref<120x128xf32, #tpu.memory_space<vmem>>)
    return
  }
}

#map = affine_map<(d0, d1) -> (0, 0)>
#map1 = affine_map<(d0, d1) -> (0)>
module attributes {stable_mosaic.version = 14 : i64} {
  func.func @_agg_kernel(%arg0: i32, %arg1: i32, %arg2: memref<10000x128xf32, #tpu.memory_space<hbm>>, %arg3: memref<331776xi32, #tpu.memory_space<hbm>>, %arg4: memref<331776xi32, #tpu.memory_space<hbm>>, %arg5: memref<128x128xf32, #tpu.memory_space<hbm>>, %arg6: memref<20224x128xf32, #tpu.memory_space<hbm>>, %arg7: memref<3x128xi32, #tpu.memory_space<vmem>>, %arg8: memref<3x128xi32, #tpu.memory_space<vmem>>, %arg9: memref<384x128xf32, #tpu.memory_space<vmem>>, %arg10: memref<10112x128xf32, #tpu.memory_space<vmem_shared>>, %arg11: memref<!tpu.dma_semaphore, #tpu.memory_space<semaphore_mem>>, %arg12: memref<!tpu.dma_semaphore, #tpu.memory_space<semaphore_mem>>, %arg13: memref<!tpu.dma_semaphore, #tpu.memory_space<semaphore_mem>>, %arg14: memref<!tpu.dma_semaphore, #tpu.memory_space<semaphore_mem>>, %arg15: memref<!tpu.dma_semaphore, #tpu.memory_space<semaphore_mem>>, %arg16: memref<!tpu.dma_semaphore, #tpu.memory_space<semaphore_mem>>) attributes {dimension_semantics = [#tpu.dimension_semantics<core_parallel>, #tpu.dimension_semantics<subcore_parallel>], iteration_bounds = array<i64: 2, 16>, scalar_prefetch = 0 : i64, scratch_operands = 10 : i64, tpu.core_type = #tpu.core_type<sc_vector_subcore>, window_params = [{transform_indices = #map}, {transform_indices = #map1}, {transform_indices = #map1}, {transform_indices = #map}, {transform_indices = #map}]} {
    %mul3A = arith.constant 16 : i32
    %mul3A_0 = arith.muli %arg0, %mul3A : i32
    %add3A = arith.addi %mul3A_0, %arg1 : i32
    %mul3A_1 = arith.constant 81 : i32
    %mul3A_2 = arith.muli %add3A, %mul3A_1 : i32
    %add3A_3 = arith.constant 0 : i32
    %add3A_4 = arith.addi %mul3A_2, %add3A_3 : i32
    %mul3A_5 = arith.constant 128 : i32
    %mul3A_6 = arith.muli %add3A_4, %mul3A_5 : i32
    %run_scoped3A = arith.constant 0 : i32
    "tpu.region"() ({
      %run_scoped3A_347 = tpu.sem_alloc : memref<!tpu.dma_semaphore, #tpu.memory_space<semaphore_mem>>
      %dma_start3A_348 = arith.constant 0 : i32
      %dma_start3A_349 = tpu.memref_slice %arg7[%run_scoped3A, %dma_start3A_348] : memref<3x128xi32, #tpu.memory_space<vmem>> -> memref<1x128xi32, #tpu.memory_space<vmem>>
      %dma_start3A_350 = tpu.memref_squeeze %dma_start3A_349 : memref<1x128xi32, #tpu.memory_space<vmem>> -> memref<128xi32, #tpu.memory_space<vmem>>
      %dma_start3A_351 = tpu.memref_slice %arg3[%mul3A_6] : memref<331776xi32, #tpu.memory_space<hbm>> -> memref<128xi32, #tpu.memory_space<hbm>>
      %dma_start3A_352 = arith.constant 0 : i32
      %dma_start3A_353 = tpu.memref_slice %arg7[%run_scoped3A, %dma_start3A_352] : memref<3x128xi32, #tpu.memory_space<vmem>> -> memref<1x128xi32, #tpu.memory_space<vmem>>
      %dma_start3A_354 = tpu.memref_squeeze %dma_start3A_353 : memref<1x128xi32, #tpu.memory_space<vmem>> -> memref<128xi32, #tpu.memory_space<vmem>>
      %dma_start3A_355 = tpu.memref_slice %arg3[%mul3A_6] : memref<331776xi32, #tpu.memory_space<hbm>> -> memref<128xi32, #tpu.memory_space<hbm>>
      tpu.enqueue_dma source(%dma_start3A_355 : memref<128xi32, #tpu.memory_space<hbm>>) target(%dma_start3A_354 : memref<128xi32, #tpu.memory_space<vmem>>) target_semaphore(%run_scoped3A_347 : memref<!tpu.dma_semaphore, #tpu.memory_space<semaphore_mem>>)
      %dma_wait3A_356 = arith.constant 0 : i32
      %dma_wait3A_357 = tpu.memref_slice %arg7[%run_scoped3A, %dma_wait3A_356] : memref<3x128xi32, #tpu.memory_space<vmem>> -> memref<1x128xi32, #tpu.memory_space<vmem>>
      %dma_wait3A_358 = tpu.memref_squeeze %dma_wait3A_357 : memref<1x128xi32, #tpu.memory_space<vmem>> -> memref<128xi32, #tpu.memory_space<vmem>>
      %dma_wait3A_359 = tpu.memref_slice %arg3[%mul3A_6] : memref<331776xi32, #tpu.memory_space<hbm>> -> memref<128xi32, #tpu.memory_space<hbm>>
      %dma_wait3A_360 = arith.constant 0 : i32
      %dma_wait3A_361 = tpu.memref_slice %arg7[%run_scoped3A, %dma_wait3A_360] : memref<3x128xi32, #tpu.memory_space<vmem>> -> memref<1x128xi32, #tpu.memory_space<vmem>>
      %dma_wait3A_362 = tpu.memref_squeeze %dma_wait3A_361 : memref<1x128xi32, #tpu.memory_space<vmem>> -> memref<128xi32, #tpu.memory_space<vmem>>
      %dma_wait3A_363 = tpu.memref_slice %arg3[%mul3A_6] : memref<331776xi32, #tpu.memory_space<hbm>> -> memref<128xi32, #tpu.memory_space<hbm>>
      tpu.wait_dma2 semaphore(%run_scoped3A_347 : memref<!tpu.dma_semaphore, #tpu.memory_space<semaphore_mem>>) src(%dma_wait3A_363 : memref<128xi32, #tpu.memory_space<hbm>>) dst(%dma_wait3A_362 : memref<128xi32, #tpu.memory_space<vmem>>)
      tpu.yield
    }) : () -> ()
    %add3A_7 = arith.constant 0 : i32
    %add3A_8 = arith.addi %mul3A_2, %add3A_7 : i32
    %mul3A_9 = arith.constant 128 : i32
    %mul3A_10 = arith.muli %add3A_8, %mul3A_9 : i32
    %run_scoped3A_11 = arith.constant 0 : i32
    "tpu.region"() ({
      %run_scoped3A_347 = tpu.sem_alloc : memref<!tpu.dma_semaphore, #tpu.memory_space<semaphore_mem>>
      %dma_start3A_348 = arith.constant 0 : i32
      %dma_start3A_349 = tpu.memref_slice %arg8[%run_scoped3A_11, %dma_start3A_348] : memref<3x128xi32, #tpu.memory_space<vmem>> -> memref<1x128xi32, #tpu.memory_space<vmem>>
      %dma_start3A_350 = tpu.memref_squeeze %dma_start3A_349 : memref<1x128xi32, #tpu.memory_space<vmem>> -> memref<128xi32, #tpu.memory_space<vmem>>
      %dma_start3A_351 = tpu.memref_slice %arg4[%mul3A_10] : memref<331776xi32, #tpu.memory_space<hbm>> -> memref<128xi32, #tpu.memory_space<hbm>>
      %dma_start3A_352 = arith.constant 0 : i32
      %dma_start3A_353 = tpu.memref_slice %arg8[%run_scoped3A_11, %dma_start3A_352] : memref<3x128xi32, #tpu.memory_space<vmem>> -> memref<1x128xi32, #tpu.memory_space<vmem>>
      %dma_start3A_354 = tpu.memref_squeeze %dma_start3A_353 : memref<1x128xi32, #tpu.memory_space<vmem>> -> memref<128xi32, #tpu.memory_space<vmem>>
      %dma_start3A_355 = tpu.memref_slice %arg4[%mul3A_10] : memref<331776xi32, #tpu.memory_space<hbm>> -> memref<128xi32, #tpu.memory_space<hbm>>
      tpu.enqueue_dma source(%dma_start3A_355 : memref<128xi32, #tpu.memory_space<hbm>>) target(%dma_start3A_354 : memref<128xi32, #tpu.memory_space<vmem>>) target_semaphore(%run_scoped3A_347 : memref<!tpu.dma_semaphore, #tpu.memory_space<semaphore_mem>>)
      %dma_wait3A_356 = arith.constant 0 : i32
      %dma_wait3A_357 = tpu.memref_slice %arg8[%run_scoped3A_11, %dma_wait3A_356] : memref<3x128xi32, #tpu.memory_space<vmem>> -> memref<1x128xi32, #tpu.memory_space<vmem>>
      %dma_wait3A_358 = tpu.memref_squeeze %dma_wait3A_357 : memref<1x128xi32, #tpu.memory_space<vmem>> -> memref<128xi32, #tpu.memory_space<vmem>>
      %dma_wait3A_359 = tpu.memref_slice %arg4[%mul3A_10] : memref<331776xi32, #tpu.memory_space<hbm>> -> memref<128xi32, #tpu.memory_space<hbm>>
      %dma_wait3A_360 = arith.constant 0 : i32
      %dma_wait3A_361 = tpu.memref_slice %arg8[%run_scoped3A_11, %dma_wait3A_360] : memref<3x128xi32, #tpu.memory_space<vmem>> -> memref<1x128xi32, #tpu.memory_space<vmem>>
      %dma_wait3A_362 = tpu.memref_squeeze %dma_wait3A_361 : memref<1x128xi32, #tpu.memory_space<vmem>> -> memref<128xi32, #tpu.memory_space<vmem>>
      %dma_wait3A_363 = tpu.memref_slice %arg4[%mul3A_10] : memref<331776xi32, #tpu.memory_space<hbm>> -> memref<128xi32, #tpu.memory_space<hbm>>
      tpu.wait_dma2 semaphore(%run_scoped3A_347 : memref<!tpu.dma_semaphore, #tpu.memory_space<semaphore_mem>>) src(%dma_wait3A_363 : memref<128xi32, #tpu.memory_space<hbm>>) dst(%dma_wait3A_362 : memref<128xi32, #tpu.memory_space<vmem>>)
      tpu.yield
    }) : () -> ()
    %add3A_12 = arith.constant 1 : i32
    %add3A_13 = arith.addi %mul3A_2, %add3A_12 : i32
    %mul3A_14 = arith.constant 128 : i32
    %mul3A_15 = arith.muli %add3A_13, %mul3A_14 : i32
    %run_scoped3A_16 = arith.constant 1 : i32
    "tpu.region"() ({
      %run_scoped3A_347 = tpu.sem_alloc : memref<!tpu.dma_semaphore, #tpu.memory_space<semaphore_mem>>
      %dma_start3A_348 = arith.constant 0 : i32
      %dma_start3A_349 = tpu.memref_slice %arg7[%run_scoped3A_16, %dma_start3A_348] : memref<3x128xi32, #tpu.memory_space<vmem>> -> memref<1x128xi32, #tpu.memory_space<vmem>>
      %dma_start3A_350 = tpu.memref_squeeze %dma_start3A_349 : memref<1x128xi32, #tpu.memory_space<vmem>> -> memref<128xi32, #tpu.memory_space<vmem>>
      %dma_start3A_351 = tpu.memref_slice %arg3[%mul3A_15] : memref<331776xi32, #tpu.memory_space<hbm>> -> memref<128xi32, #tpu.memory_space<hbm>>
      %dma_start3A_352 = arith.constant 0 : i32
      %dma_start3A_353 = tpu.memref_slice %arg7[%run_scoped3A_16, %dma_start3A_352] : memref<3x128xi32, #tpu.memory_space<vmem>> -> memref<1x128xi32, #tpu.memory_space<vmem>>
      %dma_start3A_354 = tpu.memref_squeeze %dma_start3A_353 : memref<1x128xi32, #tpu.memory_space<vmem>> -> memref<128xi32, #tpu.memory_space<vmem>>
      %dma_start3A_355 = tpu.memref_slice %arg3[%mul3A_15] : memref<331776xi32, #tpu.memory_space<hbm>> -> memref<128xi32, #tpu.memory_space<hbm>>
      tpu.enqueue_dma source(%dma_start3A_355 : memref<128xi32, #tpu.memory_space<hbm>>) target(%dma_start3A_354 : memref<128xi32, #tpu.memory_space<vmem>>) target_semaphore(%run_scoped3A_347 : memref<!tpu.dma_semaphore, #tpu.memory_space<semaphore_mem>>)
      %dma_wait3A_356 = arith.constant 0 : i32
      %dma_wait3A_357 = tpu.memref_slice %arg7[%run_scoped3A_16, %dma_wait3A_356] : memref<3x128xi32, #tpu.memory_space<vmem>> -> memref<1x128xi32, #tpu.memory_space<vmem>>
      %dma_wait3A_358 = tpu.memref_squeeze %dma_wait3A_357 : memref<1x128xi32, #tpu.memory_space<vmem>> -> memref<128xi32, #tpu.memory_space<vmem>>
      %dma_wait3A_359 = tpu.memref_slice %arg3[%mul3A_15] : memref<331776xi32, #tpu.memory_space<hbm>> -> memref<128xi32, #tpu.memory_space<hbm>>
      %dma_wait3A_360 = arith.constant 0 : i32
      %dma_wait3A_361 = tpu.memref_slice %arg7[%run_scoped3A_16, %dma_wait3A_360] : memref<3x128xi32, #tpu.memory_space<vmem>> -> memref<1x128xi32, #tpu.memory_space<vmem>>
      %dma_wait3A_362 = tpu.memref_squeeze %dma_wait3A_361 : memref<1x128xi32, #tpu.memory_space<vmem>> -> memref<128xi32, #tpu.memory_space<vmem>>
      %dma_wait3A_363 = tpu.memref_slice %arg3[%mul3A_15] : memref<331776xi32, #tpu.memory_space<hbm>> -> memref<128xi32, #tpu.memory_space<hbm>>
      tpu.wait_dma2 semaphore(%run_scoped3A_347 : memref<!tpu.dma_semaphore, #tpu.memory_space<semaphore_mem>>) src(%dma_wait3A_363 : memref<128xi32, #tpu.memory_space<hbm>>) dst(%dma_wait3A_362 : memref<128xi32, #tpu.memory_space<vmem>>)
      tpu.yield
    }) : () -> ()
    %add3A_17 = arith.constant 1 : i32
    %add3A_18 = arith.addi %mul3A_2, %add3A_17 : i32
    %mul3A_19 = arith.constant 128 : i32
    %mul3A_20 = arith.muli %add3A_18, %mul3A_19 : i32
    %run_scoped3A_21 = arith.constant 1 : i32
    "tpu.region"() ({
      %run_scoped3A_347 = tpu.sem_alloc : memref<!tpu.dma_semaphore, #tpu.memory_space<semaphore_mem>>
      %dma_start3A_348 = arith.constant 0 : i32
      %dma_start3A_349 = tpu.memref_slice %arg8[%run_scoped3A_21, %dma_start3A_348] : memref<3x128xi32, #tpu.memory_space<vmem>> -> memref<1x128xi32, #tpu.memory_space<vmem>>
      %dma_start3A_350 = tpu.memref_squeeze %dma_start3A_349 : memref<1x128xi32, #tpu.memory_space<vmem>> -> memref<128xi32, #tpu.memory_space<vmem>>
      %dma_start3A_351 = tpu.memref_slice %arg4[%mul3A_20] : memref<331776xi32, #tpu.memory_space<hbm>> -> memref<128xi32, #tpu.memory_space<hbm>>
      %dma_start3A_352 = arith.constant 0 : i32
      %dma_start3A_353 = tpu.memref_slice %arg8[%run_scoped3A_21, %dma_start3A_352] : memref<3x128xi32, #tpu.memory_space<vmem>> -> memref<1x128xi32, #tpu.memory_space<vmem>>
      %dma_start3A_354 = tpu.memref_squeeze %dma_start3A_353 : memref<1x128xi32, #tpu.memory_space<vmem>> -> memref<128xi32, #tpu.memory_space<vmem>>
      %dma_start3A_355 = tpu.memref_slice %arg4[%mul3A_20] : memref<331776xi32, #tpu.memory_space<hbm>> -> memref<128xi32, #tpu.memory_space<hbm>>
      tpu.enqueue_dma source(%dma_start3A_355 : memref<128xi32, #tpu.memory_space<hbm>>) target(%dma_start3A_354 : memref<128xi32, #tpu.memory_space<vmem>>) target_semaphore(%run_scoped3A_347 : memref<!tpu.dma_semaphore, #tpu.memory_space<semaphore_mem>>)
      %dma_wait3A_356 = arith.constant 0 : i32
      %dma_wait3A_357 = tpu.memref_slice %arg8[%run_scoped3A_21, %dma_wait3A_356] : memref<3x128xi32, #tpu.memory_space<vmem>> -> memref<1x128xi32, #tpu.memory_space<vmem>>
      %dma_wait3A_358 = tpu.memref_squeeze %dma_wait3A_357 : memref<1x128xi32, #tpu.memory_space<vmem>> -> memref<128xi32, #tpu.memory_space<vmem>>
      %dma_wait3A_359 = tpu.memref_slice %arg4[%mul3A_20] : memref<331776xi32, #tpu.memory_space<hbm>> -> memref<128xi32, #tpu.memory_space<hbm>>
      %dma_wait3A_360 = arith.constant 0 : i32
      %dma_wait3A_361 = tpu.memref_slice %arg8[%run_scoped3A_21, %dma_wait3A_360] : memref<3x128xi32, #tpu.memory_space<vmem>> -> memref<1x128xi32, #tpu.memory_space<vmem>>
      %dma_wait3A_362 = tpu.memref_squeeze %dma_wait3A_361 : memref<1x128xi32, #tpu.memory_space<vmem>> -> memref<128xi32, #tpu.memory_space<vmem>>
      %dma_wait3A_363 = tpu.memref_slice %arg4[%mul3A_20] : memref<331776xi32, #tpu.memory_space<hbm>> -> memref<128xi32, #tpu.memory_space<hbm>>
      tpu.wait_dma2 semaphore(%run_scoped3A_347 : memref<!tpu.dma_semaphore, #tpu.memory_space<semaphore_mem>>) src(%dma_wait3A_363 : memref<128xi32, #tpu.memory_space<hbm>>) dst(%dma_wait3A_362 : memref<128xi32, #tpu.memory_space<vmem>>)
      tpu.yield
    }) : () -> ()
    %dma_start3A = arith.constant 0 : i32
    %dma_start3A_22 = arith.constant 0 : i32
    %dma_start3A_23 = arith.constant 0 : i32
    %dma_start3A_24 = tpu.memref_slice %arg9[%dma_start3A_22, %dma_start3A_23] : memref<384x128xf32, #tpu.memory_space<vmem>> -> memref<128x128xf32, #tpu.memory_space<vmem>>
    %dma_start3A_25 = arith.constant 0 : i32
    %dma_start3A_26 = tpu.memref_slice %arg7[%dma_start3A, %dma_start3A_25] : memref<3x128xi32, #tpu.memory_space<vmem>> -> memref<1x128xi32, #tpu.memory_space<vmem>>
    %dma_start3A_27 = tpu.memref_squeeze %dma_start3A_26 : memref<1x128xi32, #tpu.memory_space<vmem>> -> memref<128xi32, #tpu.memory_space<vmem>>
    %dma_start3A_28 = arith.constant 0 : i32
    %dma_start3A_29 = arith.constant 0 : i32
    %dma_start3A_30 = tpu.memref_slice %arg2[%dma_start3A_28, %dma_start3A_29] : memref<10000x128xf32, #tpu.memory_space<hbm>> -> memref<10000x128xf32, #tpu.memory_space<hbm>>
    tpu.enqueue_indirect_dma source(%dma_start3A_30 : memref<10000x128xf32, #tpu.memory_space<hbm>>) target(%dma_start3A_24 : memref<128x128xf32, #tpu.memory_space<vmem>>) offsets(%dma_start3A_27 : memref<128xi32, #tpu.memory_space<vmem>>) semaphore(%arg11 : memref<!tpu.dma_semaphore, #tpu.memory_space<semaphore_mem>>)
    %dma_start3A_31 = arith.constant 1 : i32
    %dma_start3A_32 = arith.constant 128 : i32
    %dma_start3A_33 = arith.constant 0 : i32
    %dma_start3A_34 = tpu.memref_slice %arg9[%dma_start3A_32, %dma_start3A_33] : memref<384x128xf32, #tpu.memory_space<vmem>> -> memref<128x128xf32, #tpu.memory_space<vmem>>
    %dma_start3A_35 = arith.constant 0 : i32
    %dma_start3A_36 = tpu.memref_slice %arg7[%dma_start3A_31, %dma_start3A_35] : memref<3x128xi32, #tpu.memory_space<vmem>> -> memref<1x128xi32, #tpu.memory_space<vmem>>
    %dma_start3A_37 = tpu.memref_squeeze %dma_start3A_36 : memref<1x128xi32, #tpu.memory_space<vmem>> -> memref<128xi32, #tpu.memory_space<vmem>>
    %dma_start3A_38 = arith.constant 0 : i32
    %dma_start3A_39 = arith.constant 0 : i32
    %dma_start3A_40 = tpu.memref_slice %arg2[%dma_start3A_38, %dma_start3A_39] : memref<10000x128xf32, #tpu.memory_space<hbm>> -> memref<10000x128xf32, #tpu.memory_space<hbm>>
    tpu.enqueue_indirect_dma source(%dma_start3A_40 : memref<10000x128xf32, #tpu.memory_space<hbm>>) target(%dma_start3A_34 : memref<128x128xf32, #tpu.memory_space<vmem>>) offsets(%dma_start3A_37 : memref<128xi32, #tpu.memory_space<vmem>>) semaphore(%arg12 : memref<!tpu.dma_semaphore, #tpu.memory_space<semaphore_mem>>)
    "tpu.region"() ({
      %run_scoped3A_347 = tpu.sem_alloc : memref<!tpu.dma_semaphore, #tpu.memory_space<semaphore_mem>>
      %dma_start3A_348 = arith.constant 256 : i32
      %dma_start3A_349 = arith.constant 0 : i32
      %dma_start3A_350 = tpu.memref_slice %arg9[%dma_start3A_348, %dma_start3A_349] : memref<384x128xf32, #tpu.memory_space<vmem>> -> memref<128x128xf32, #tpu.memory_space<vmem>>
      %dma_start3A_351 = arith.constant 256 : i32
      %dma_start3A_352 = arith.constant 0 : i32
      %dma_start3A_353 = tpu.memref_slice %arg9[%dma_start3A_351, %dma_start3A_352] : memref<384x128xf32, #tpu.memory_space<vmem>> -> memref<128x128xf32, #tpu.memory_space<vmem>>
      tpu.enqueue_dma source(%arg5 : memref<128x128xf32, #tpu.memory_space<hbm>>) target(%dma_start3A_353 : memref<128x128xf32, #tpu.memory_space<vmem>>) target_semaphore(%run_scoped3A_347 : memref<!tpu.dma_semaphore, #tpu.memory_space<semaphore_mem>>)
      %dma_wait3A_354 = arith.constant 256 : i32
      %dma_wait3A_355 = arith.constant 0 : i32
      %dma_wait3A_356 = tpu.memref_slice %arg9[%dma_wait3A_354, %dma_wait3A_355] : memref<384x128xf32, #tpu.memory_space<vmem>> -> memref<128x128xf32, #tpu.memory_space<vmem>>
      %dma_wait3A_357 = arith.constant 256 : i32
      %dma_wait3A_358 = arith.constant 0 : i32
      %dma_wait3A_359 = tpu.memref_slice %arg9[%dma_wait3A_357, %dma_wait3A_358] : memref<384x128xf32, #tpu.memory_space<vmem>> -> memref<128x128xf32, #tpu.memory_space<vmem>>
      tpu.wait_dma2 semaphore(%run_scoped3A_347 : memref<!tpu.dma_semaphore, #tpu.memory_space<semaphore_mem>>) src(%arg5 : memref<128x128xf32, #tpu.memory_space<hbm>>) dst(%dma_wait3A_359 : memref<128x128xf32, #tpu.memory_space<vmem>>)
      tpu.yield
    }) : () -> ()
    %mul3A_41 = arith.constant 632 : i32
    %mul3A_42 = arith.muli %arg1, %mul3A_41 : i32
    %add3A_43 = arith.constant 0 : i32
    %add3A_44 = arith.addi %mul3A_42, %add3A_43 : i32
    "tpu.region"() ({
      %run_scoped3A_347 = tpu.sem_alloc : memref<!tpu.dma_semaphore, #tpu.memory_space<semaphore_mem>>
      %dma_start3A_348 = arith.constant 256 : i32
      %dma_start3A_349 = arith.constant 0 : i32
      %dma_start3A_350 = tpu.memref_slice %arg9[%dma_start3A_348, %dma_start3A_349] : memref<384x128xf32, #tpu.memory_space<vmem>> -> memref<128x128xf32, #tpu.memory_space<vmem>>
      %dma_start3A_351 = arith.constant 0 : i32
      %dma_start3A_352 = tpu.memref_slice %arg10[%add3A_44, %dma_start3A_351] : memref<10112x128xf32, #tpu.memory_space<vmem_shared>> -> memref<128x128xf32, #tpu.memory_space<vmem_shared>>
      %dma_start3A_353 = arith.constant 0 : i32
      %dma_start3A_354 = tpu.memref_slice %arg10[%add3A_44, %dma_start3A_353] : memref<10112x128xf32, #tpu.memory_space<vmem_shared>> -> memref<128x128xf32, #tpu.memory_space<vmem_shared>>
      %dma_start3A_355 = arith.constant 256 : i32
      %dma_start3A_356 = arith.constant 0 : i32
      %dma_start3A_357 = tpu.memref_slice %arg9[%dma_start3A_355, %dma_start3A_356] : memref<384x128xf32, #tpu.memory_space<vmem>> -> memref<128x128xf32, #tpu.memory_space<vmem>>
      tpu.enqueue_dma source(%dma_start3A_357 : memref<128x128xf32, #tpu.memory_space<vmem>>) target(%dma_start3A_354 : memref<128x128xf32, #tpu.memory_space<vmem_shared>>) target_semaphore(%run_scoped3A_347 : memref<!tpu.dma_semaphore, #tpu.memory_space<semaphore_mem>>)
      %dma_wait3A_358 = arith.constant 256 : i32
      %dma_wait3A_359 = arith.constant 0 : i32
      %dma_wait3A_360 = tpu.memref_slice %arg9[%dma_wait3A_358, %dma_wait3A_359] : memref<384x128xf32, #tpu.memory_space<vmem>> -> memref<128x128xf32, #tpu.memory_space<vmem>>
      %dma_wait3A_361 = arith.constant 0 : i32
      %dma_wait3A_362 = tpu.memref_slice %arg10[%add3A_44, %dma_wait3A_361] : memref<10112x128xf32, #tpu.memory_space<vmem_shared>> -> memref<128x128xf32, #tpu.memory_space<vmem_shared>>
      %dma_wait3A_363 = arith.constant 0 : i32
      %dma_wait3A_364 = tpu.memref_slice %arg10[%add3A_44, %dma_wait3A_363] : memref<10112x128xf32, #tpu.memory_space<vmem_shared>> -> memref<128x128xf32, #tpu.memory_space<vmem_shared>>
      %dma_wait3A_365 = arith.constant 256 : i32
      %dma_wait3A_366 = arith.constant 0 : i32
      %dma_wait3A_367 = tpu.memref_slice %arg9[%dma_wait3A_365, %dma_wait3A_366] : memref<384x128xf32, #tpu.memory_space<vmem>> -> memref<128x128xf32, #tpu.memory_space<vmem>>
      tpu.wait_dma2 semaphore(%run_scoped3A_347 : memref<!tpu.dma_semaphore, #tpu.memory_space<semaphore_mem>>) src(%dma_wait3A_367 : memref<128x128xf32, #tpu.memory_space<vmem>>) dst(%dma_wait3A_364 : memref<128x128xf32, #tpu.memory_space<vmem_shared>>)
      tpu.yield
    }) : () -> ()
    %mul3A_45 = arith.constant 632 : i32
    %mul3A_46 = arith.muli %arg1, %mul3A_45 : i32
    %add3A_47 = arith.constant 128 : i32
    %add3A_48 = arith.addi %mul3A_46, %add3A_47 : i32
    "tpu.region"() ({
      %run_scoped3A_347 = tpu.sem_alloc : memref<!tpu.dma_semaphore, #tpu.memory_space<semaphore_mem>>
      %dma_start3A_348 = arith.constant 256 : i32
      %dma_start3A_349 = arith.constant 0 : i32
      %dma_start3A_350 = tpu.memref_slice %arg9[%dma_start3A_348, %dma_start3A_349] : memref<384x128xf32, #tpu.memory_space<vmem>> -> memref<128x128xf32, #tpu.memory_space<vmem>>
      %dma_start3A_351 = arith.constant 0 : i32
      %dma_start3A_352 = tpu.memref_slice %arg10[%add3A_48, %dma_start3A_351] : memref<10112x128xf32, #tpu.memory_space<vmem_shared>> -> memref<128x128xf32, #tpu.memory_space<vmem_shared>>
      %dma_start3A_353 = arith.constant 0 : i32
      %dma_start3A_354 = tpu.memref_slice %arg10[%add3A_48, %dma_start3A_353] : memref<10112x128xf32, #tpu.memory_space<vmem_shared>> -> memref<128x128xf32, #tpu.memory_space<vmem_shared>>
      %dma_start3A_355 = arith.constant 256 : i32
      %dma_start3A_356 = arith.constant 0 : i32
      %dma_start3A_357 = tpu.memref_slice %arg9[%dma_start3A_355, %dma_start3A_356] : memref<384x128xf32, #tpu.memory_space<vmem>> -> memref<128x128xf32, #tpu.memory_space<vmem>>
      tpu.enqueue_dma source(%dma_start3A_357 : memref<128x128xf32, #tpu.memory_space<vmem>>) target(%dma_start3A_354 : memref<128x128xf32, #tpu.memory_space<vmem_shared>>) target_semaphore(%run_scoped3A_347 : memref<!tpu.dma_semaphore, #tpu.memory_space<semaphore_mem>>)
      %dma_wait3A_358 = arith.constant 256 : i32
      %dma_wait3A_359 = arith.constant 0 : i32
      %dma_wait3A_360 = tpu.memref_slice %arg9[%dma_wait3A_358, %dma_wait3A_359] : memref<384x128xf32, #tpu.memory_space<vmem>> -> memref<128x128xf32, #tpu.memory_space<vmem>>
      %dma_wait3A_361 = arith.constant 0 : i32
      %dma_wait3A_362 = tpu.memref_slice %arg10[%add3A_48, %dma_wait3A_361] : memref<10112x128xf32, #tpu.memory_space<vmem_shared>> -> memref<128x128xf32, #tpu.memory_space<vmem_shared>>
      %dma_wait3A_363 = arith.constant 0 : i32
      %dma_wait3A_364 = tpu.memref_slice %arg10[%add3A_48, %dma_wait3A_363] : memref<10112x128xf32, #tpu.memory_space<vmem_shared>> -> memref<128x128xf32, #tpu.memory_space<vmem_shared>>
      %dma_wait3A_365 = arith.constant 256 : i32
      %dma_wait3A_366 = arith.constant 0 : i32
      %dma_wait3A_367 = tpu.memref_slice %arg9[%dma_wait3A_365, %dma_wait3A_366] : memref<384x128xf32, #tpu.memory_space<vmem>> -> memref<128x128xf32, #tpu.memory_space<vmem>>
      tpu.wait_dma2 semaphore(%run_scoped3A_347 : memref<!tpu.dma_semaphore, #tpu.memory_space<semaphore_mem>>) src(%dma_wait3A_367 : memref<128x128xf32, #tpu.memory_space<vmem>>) dst(%dma_wait3A_364 : memref<128x128xf32, #tpu.memory_space<vmem_shared>>)
      tpu.yield
    }) : () -> ()
    %mul3A_49 = arith.constant 632 : i32
    %mul3A_50 = arith.muli %arg1, %mul3A_49 : i32
    %add3A_51 = arith.constant 256 : i32
    %add3A_52 = arith.addi %mul3A_50, %add3A_51 : i32
    "tpu.region"() ({
      %run_scoped3A_347 = tpu.sem_alloc : memref<!tpu.dma_semaphore, #tpu.memory_space<semaphore_mem>>
      %dma_start3A_348 = arith.constant 256 : i32
      %dma_start3A_349 = arith.constant 0 : i32
      %dma_start3A_350 = tpu.memref_slice %arg9[%dma_start3A_348, %dma_start3A_349] : memref<384x128xf32, #tpu.memory_space<vmem>> -> memref<128x128xf32, #tpu.memory_space<vmem>>
      %dma_start3A_351 = arith.constant 0 : i32
      %dma_start3A_352 = tpu.memref_slice %arg10[%add3A_52, %dma_start3A_351] : memref<10112x128xf32, #tpu.memory_space<vmem_shared>> -> memref<128x128xf32, #tpu.memory_space<vmem_shared>>
      %dma_start3A_353 = arith.constant 0 : i32
      %dma_start3A_354 = tpu.memref_slice %arg10[%add3A_52, %dma_start3A_353] : memref<10112x128xf32, #tpu.memory_space<vmem_shared>> -> memref<128x128xf32, #tpu.memory_space<vmem_shared>>
      %dma_start3A_355 = arith.constant 256 : i32
      %dma_start3A_356 = arith.constant 0 : i32
      %dma_start3A_357 = tpu.memref_slice %arg9[%dma_start3A_355, %dma_start3A_356] : memref<384x128xf32, #tpu.memory_space<vmem>> -> memref<128x128xf32, #tpu.memory_space<vmem>>
      tpu.enqueue_dma source(%dma_start3A_357 : memref<128x128xf32, #tpu.memory_space<vmem>>) target(%dma_start3A_354 : memref<128x128xf32, #tpu.memory_space<vmem_shared>>) target_semaphore(%run_scoped3A_347 : memref<!tpu.dma_semaphore, #tpu.memory_space<semaphore_mem>>)
      %dma_wait3A_358 = arith.constant 256 : i32
      %dma_wait3A_359 = arith.constant 0 : i32
      %dma_wait3A_360 = tpu.memref_slice %arg9[%dma_wait3A_358, %dma_wait3A_359] : memref<384x128xf32, #tpu.memory_space<vmem>> -> memref<128x128xf32, #tpu.memory_space<vmem>>
      %dma_wait3A_361 = arith.constant 0 : i32
      %dma_wait3A_362 = tpu.memref_slice %arg10[%add3A_52, %dma_wait3A_361] : memref<10112x128xf32, #tpu.memory_space<vmem_shared>> -> memref<128x128xf32, #tpu.memory_space<vmem_shared>>
      %dma_wait3A_363 = arith.constant 0 : i32
      %dma_wait3A_364 = tpu.memref_slice %arg10[%add3A_52, %dma_wait3A_363] : memref<10112x128xf32, #tpu.memory_space<vmem_shared>> -> memref<128x128xf32, #tpu.memory_space<vmem_shared>>
      %dma_wait3A_365 = arith.constant 256 : i32
      %dma_wait3A_366 = arith.constant 0 : i32
      %dma_wait3A_367 = tpu.memref_slice %arg9[%dma_wait3A_365, %dma_wait3A_366] : memref<384x128xf32, #tpu.memory_space<vmem>> -> memref<128x128xf32, #tpu.memory_space<vmem>>
      tpu.wait_dma2 semaphore(%run_scoped3A_347 : memref<!tpu.dma_semaphore, #tpu.memory_space<semaphore_mem>>) src(%dma_wait3A_367 : memref<128x128xf32, #tpu.memory_space<vmem>>) dst(%dma_wait3A_364 : memref<128x128xf32, #tpu.memory_space<vmem_shared>>)
      tpu.yield
    }) : () -> ()
    %mul3A_53 = arith.constant 632 : i32
    %mul3A_54 = arith.muli %arg1, %mul3A_53 : i32
    %add3A_55 = arith.constant 384 : i32
    %add3A_56 = arith.addi %mul3A_54, %add3A_55 : i32
    "tpu.region"() ({
      %run_scoped3A_347 = tpu.sem_alloc : memref<!tpu.dma_semaphore, #tpu.memory_space<semaphore_mem>>
      %dma_start3A_348 = arith.constant 256 : i32
      %dma_start3A_349 = arith.constant 0 : i32
      %dma_start3A_350 = tpu.memref_slice %arg9[%dma_start3A_348, %dma_start3A_349] : memref<384x128xf32, #tpu.memory_space<vmem>> -> memref<128x128xf32, #tpu.memory_space<vmem>>
      %dma_start3A_351 = arith.constant 0 : i32
      %dma_start3A_352 = tpu.memref_slice %arg10[%add3A_56, %dma_start3A_351] : memref<10112x128xf32, #tpu.memory_space<vmem_shared>> -> memref<128x128xf32, #tpu.memory_space<vmem_shared>>
      %dma_start3A_353 = arith.constant 0 : i32
      %dma_start3A_354 = tpu.memref_slice %arg10[%add3A_56, %dma_start3A_353] : memref<10112x128xf32, #tpu.memory_space<vmem_shared>> -> memref<128x128xf32, #tpu.memory_space<vmem_shared>>
      %dma_start3A_355 = arith.constant 256 : i32
      %dma_start3A_356 = arith.constant 0 : i32
      %dma_start3A_357 = tpu.memref_slice %arg9[%dma_start3A_355, %dma_start3A_356] : memref<384x128xf32, #tpu.memory_space<vmem>> -> memref<128x128xf32, #tpu.memory_space<vmem>>
      tpu.enqueue_dma source(%dma_start3A_357 : memref<128x128xf32, #tpu.memory_space<vmem>>) target(%dma_start3A_354 : memref<128x128xf32, #tpu.memory_space<vmem_shared>>) target_semaphore(%run_scoped3A_347 : memref<!tpu.dma_semaphore, #tpu.memory_space<semaphore_mem>>)
      %dma_wait3A_358 = arith.constant 256 : i32
      %dma_wait3A_359 = arith.constant 0 : i32
      %dma_wait3A_360 = tpu.memref_slice %arg9[%dma_wait3A_358, %dma_wait3A_359] : memref<384x128xf32, #tpu.memory_space<vmem>> -> memref<128x128xf32, #tpu.memory_space<vmem>>
      %dma_wait3A_361 = arith.constant 0 : i32
      %dma_wait3A_362 = tpu.memref_slice %arg10[%add3A_56, %dma_wait3A_361] : memref<10112x128xf32, #tpu.memory_space<vmem_shared>> -> memref<128x128xf32, #tpu.memory_space<vmem_shared>>
      %dma_wait3A_363 = arith.constant 0 : i32
      %dma_wait3A_364 = tpu.memref_slice %arg10[%add3A_56, %dma_wait3A_363] : memref<10112x128xf32, #tpu.memory_space<vmem_shared>> -> memref<128x128xf32, #tpu.memory_space<vmem_shared>>
      %dma_wait3A_365 = arith.constant 256 : i32
      %dma_wait3A_366 = arith.constant 0 : i32
      %dma_wait3A_367 = tpu.memref_slice %arg9[%dma_wait3A_365, %dma_wait3A_366] : memref<384x128xf32, #tpu.memory_space<vmem>> -> memref<128x128xf32, #tpu.memory_space<vmem>>
      tpu.wait_dma2 semaphore(%run_scoped3A_347 : memref<!tpu.dma_semaphore, #tpu.memory_space<semaphore_mem>>) src(%dma_wait3A_367 : memref<128x128xf32, #tpu.memory_space<vmem>>) dst(%dma_wait3A_364 : memref<128x128xf32, #tpu.memory_space<vmem_shared>>)
      tpu.yield
    }) : () -> ()
    %mul3A_57 = arith.constant 632 : i32
    %mul3A_58 = arith.muli %arg1, %mul3A_57 : i32
    %add3A_59 = arith.constant 512 : i32
    %add3A_60 = arith.addi %mul3A_58, %add3A_59 : i32
    "tpu.region"() ({
      %run_scoped3A_347 = tpu.sem_alloc : memref<!tpu.dma_semaphore, #tpu.memory_space<semaphore_mem>>
      %dma_start3A_348 = arith.constant 256 : i32
      %dma_start3A_349 = arith.constant 0 : i32
      %dma_start3A_350 = tpu.memref_slice %arg9[%dma_start3A_348, %dma_start3A_349] : memref<384x128xf32, #tpu.memory_space<vmem>> -> memref<120x128xf32, #tpu.memory_space<vmem>>
      %dma_start3A_351 = arith.constant 0 : i32
      %dma_start3A_352 = tpu.memref_slice %arg10[%add3A_60, %dma_start3A_351] : memref<10112x128xf32, #tpu.memory_space<vmem_shared>> -> memref<120x128xf32, #tpu.memory_space<vmem_shared>>
      %dma_start3A_353 = arith.constant 0 : i32
      %dma_start3A_354 = tpu.memref_slice %arg10[%add3A_60, %dma_start3A_353] : memref<10112x128xf32, #tpu.memory_space<vmem_shared>> -> memref<120x128xf32, #tpu.memory_space<vmem_shared>>
      %dma_start3A_355 = arith.constant 256 : i32
      %dma_start3A_356 = arith.constant 0 : i32
      %dma_start3A_357 = tpu.memref_slice %arg9[%dma_start3A_355, %dma_start3A_356] : memref<384x128xf32, #tpu.memory_space<vmem>> -> memref<120x128xf32, #tpu.memory_space<vmem>>
      tpu.enqueue_dma source(%dma_start3A_357 : memref<120x128xf32, #tpu.memory_space<vmem>>) target(%dma_start3A_354 : memref<120x128xf32, #tpu.memory_space<vmem_shared>>) target_semaphore(%run_scoped3A_347 : memref<!tpu.dma_semaphore, #tpu.memory_space<semaphore_mem>>)
      %dma_wait3A_358 = arith.constant 256 : i32
      %dma_wait3A_359 = arith.constant 0 : i32
      %dma_wait3A_360 = tpu.memref_slice %arg9[%dma_wait3A_358, %dma_wait3A_359] : memref<384x128xf32, #tpu.memory_space<vmem>> -> memref<120x128xf32, #tpu.memory_space<vmem>>
      %dma_wait3A_361 = arith.constant 0 : i32
      %dma_wait3A_362 = tpu.memref_slice %arg10[%add3A_60, %dma_wait3A_361] : memref<10112x128xf32, #tpu.memory_space<vmem_shared>> -> memref<120x128xf32, #tpu.memory_space<vmem_shared>>
      %dma_wait3A_363 = arith.constant 0 : i32
      %dma_wait3A_364 = tpu.memref_slice %arg10[%add3A_60, %dma_wait3A_363] : memref<10112x128xf32, #tpu.memory_space<vmem_shared>> -> memref<120x128xf32, #tpu.memory_space<vmem_shared>>
      %dma_wait3A_365 = arith.constant 256 : i32
      %dma_wait3A_366 = arith.constant 0 : i32
      %dma_wait3A_367 = tpu.memref_slice %arg9[%dma_wait3A_365, %dma_wait3A_366] : memref<384x128xf32, #tpu.memory_space<vmem>> -> memref<120x128xf32, #tpu.memory_space<vmem>>
      tpu.wait_dma2 semaphore(%run_scoped3A_347 : memref<!tpu.dma_semaphore, #tpu.memory_space<semaphore_mem>>) src(%dma_wait3A_367 : memref<120x128xf32, #tpu.memory_space<vmem>>) dst(%dma_wait3A_364 : memref<120x128xf32, #tpu.memory_space<vmem_shared>>)
      tpu.yield
    }) : () -> ()
    %barrier3A = arith.constant 0 : index
    tpu.barrier barrier_id(%barrier3A)
    %scan3A = arith.constant 0 : i32
    %scan3A_61 = arith.constant 0 : i32
    %scan3A_62 = arith.constant 27 : i32
    %scan3A_63 = arith.addi %scan3A_61, %scan3A_62 : i32
    %scan3A_64 = arith.constant 1 : i32
    scf.for %scan3A_347 = %scan3A_61 to %scan3A_63 step %scan3A_64  : i32 {
      %mul3A_348 = arith.constant 3 : i32
      %mul3A_349 = arith.muli %scan3A_347, %mul3A_348 : i32
      %add3A_350 = arith.constant 0 : i32
      %add3A_351 = arith.addi %mul3A_349, %add3A_350 : i32
      %dma_wait3A_352 = arith.constant 0 : i32
      %dma_wait3A_353 = arith.constant 0 : i32
      %dma_wait3A_354 = tpu.memref_slice %arg9[%dma_wait3A_352, %dma_wait3A_353] : memref<384x128xf32, #tpu.memory_space<vmem>> -> memref<128x128xf32, #tpu.memory_space<vmem>>
      %dma_wait3A_355 = arith.constant 0 : i32
      %dma_wait3A_356 = arith.constant 0 : i32
      %dma_wait3A_357 = tpu.memref_slice %arg9[%dma_wait3A_355, %dma_wait3A_356] : memref<384x128xf32, #tpu.memory_space<vmem>> -> memref<128x128xf32, #tpu.memory_space<vmem>>
      tpu.wait_dma2 semaphore(%arg11 : memref<!tpu.dma_semaphore, #tpu.memory_space<semaphore_mem>>) src(%arg5 : memref<128x128xf32, #tpu.memory_space<hbm>>) dst(%dma_wait3A_357 : memref<128x128xf32, #tpu.memory_space<vmem>>)
      %dma_start3A_358 = arith.constant 0 : i32
      %dma_start3A_359 = arith.constant 0 : i32
      %dma_start3A_360 = arith.constant 0 : i32
      %dma_start3A_361 = tpu.memref_slice %arg9[%dma_start3A_359, %dma_start3A_360] : memref<384x128xf32, #tpu.memory_space<vmem>> -> memref<128x128xf32, #tpu.memory_space<vmem>>
      %dma_start3A_362 = arith.constant 0 : i32
      %dma_start3A_363 = tpu.memref_slice %arg8[%dma_start3A_358, %dma_start3A_362] : memref<3x128xi32, #tpu.memory_space<vmem>> -> memref<1x128xi32, #tpu.memory_space<vmem>>
      %dma_start3A_364 = tpu.memref_squeeze %dma_start3A_363 : memref<1x128xi32, #tpu.memory_space<vmem>> -> memref<128xi32, #tpu.memory_space<vmem>>
      %dma_start3A_365 = arith.constant 0 : i32
      %dma_start3A_366 = arith.constant 0 : i32
      %dma_start3A_367 = tpu.memref_slice %arg10[%dma_start3A_365, %dma_start3A_366] : memref<10112x128xf32, #tpu.memory_space<vmem_shared>> -> memref<10112x128xf32, #tpu.memory_space<vmem_shared>>
      tpu.enqueue_indirect_dma source(%dma_start3A_361 : memref<128x128xf32, #tpu.memory_space<vmem>>) target(%dma_start3A_367 : memref<10112x128xf32, #tpu.memory_space<vmem_shared>>) offsets(%dma_start3A_364 : memref<128xi32, #tpu.memory_space<vmem>>) semaphore(%arg14 : memref<!tpu.dma_semaphore, #tpu.memory_space<semaphore_mem>>) {add = true}
      %gt3A = arith.constant 0 : i32
      %gt3A_368 = arith.cmpi sgt, %scan3A_347, %gt3A : i32
      %convert_element_type3A = arith.extui %gt3A_368 : i1 to i32
      %cond3A = arith.constant 0 : i32
      %cond3A_369 = arith.cmpi ne, %convert_element_type3A, %cond3A : i32
      scf.if %cond3A_369 {
        %dma_wait3A_451 = arith.constant 256 : i32
        %dma_wait3A_452 = arith.constant 0 : i32
        %dma_wait3A_453 = tpu.memref_slice %arg9[%dma_wait3A_451, %dma_wait3A_452] : memref<384x128xf32, #tpu.memory_space<vmem>> -> memref<128x128xf32, #tpu.memory_space<vmem>>
        %dma_wait3A_454 = arith.constant 256 : i32
        %dma_wait3A_455 = arith.constant 0 : i32
        %dma_wait3A_456 = tpu.memref_slice %arg9[%dma_wait3A_454, %dma_wait3A_455] : memref<384x128xf32, #tpu.memory_space<vmem>> -> memref<128x128xf32, #tpu.memory_space<vmem>>
        tpu.wait_dma2 semaphore(%arg16 : memref<!tpu.dma_semaphore, #tpu.memory_space<semaphore_mem>>) src(%arg5 : memref<128x128xf32, #tpu.memory_space<hbm>>) dst(%dma_wait3A_456 : memref<128x128xf32, #tpu.memory_space<vmem>>)
      } else {
      }
      %add3A_370 = arith.constant 2 : i32
      %add3A_371 = arith.addi %add3A_351, %add3A_370 : i32
      %add3A_372 = arith.addi %mul3A_2, %add3A_371 : i32
      %mul3A_373 = arith.constant 128 : i32
      %mul3A_374 = arith.muli %add3A_372, %mul3A_373 : i32
      %run_scoped3A_375 = arith.constant 2 : i32
      "tpu.region"() ({
        %run_scoped3A_451 = tpu.sem_alloc : memref<!tpu.dma_semaphore, #tpu.memory_space<semaphore_mem>>
        %dma_start3A_452 = arith.constant 0 : i32
        %dma_start3A_453 = tpu.memref_slice %arg7[%run_scoped3A_375, %dma_start3A_452] : memref<3x128xi32, #tpu.memory_space<vmem>> -> memref<1x128xi32, #tpu.memory_space<vmem>>
        %dma_start3A_454 = tpu.memref_squeeze %dma_start3A_453 : memref<1x128xi32, #tpu.memory_space<vmem>> -> memref<128xi32, #tpu.memory_space<vmem>>
        %dma_start3A_455 = tpu.memref_slice %arg3[%mul3A_374] : memref<331776xi32, #tpu.memory_space<hbm>> -> memref<128xi32, #tpu.memory_space<hbm>>
        %dma_start3A_456 = arith.constant 0 : i32
        %dma_start3A_457 = tpu.memref_slice %arg7[%run_scoped3A_375, %dma_start3A_456] : memref<3x128xi32, #tpu.memory_space<vmem>> -> memref<1x128xi32, #tpu.memory_space<vmem>>
        %dma_start3A_458 = tpu.memref_squeeze %dma_start3A_457 : memref<1x128xi32, #tpu.memory_space<vmem>> -> memref<128xi32, #tpu.memory_space<vmem>>
        %dma_start3A_459 = tpu.memref_slice %arg3[%mul3A_374] : memref<331776xi32, #tpu.memory_space<hbm>> -> memref<128xi32, #tpu.memory_space<hbm>>
        tpu.enqueue_dma source(%dma_start3A_459 : memref<128xi32, #tpu.memory_space<hbm>>) target(%dma_start3A_458 : memref<128xi32, #tpu.memory_space<vmem>>) target_semaphore(%run_scoped3A_451 : memref<!tpu.dma_semaphore, #tpu.memory_space<semaphore_mem>>)
        %dma_wait3A_460 = arith.constant 0 : i32
        %dma_wait3A_461 = tpu.memref_slice %arg7[%run_scoped3A_375, %dma_wait3A_460] : memref<3x128xi32, #tpu.memory_space<vmem>> -> memref<1x128xi32, #tpu.memory_space<vmem>>
        %dma_wait3A_462 = tpu.memref_squeeze %dma_wait3A_461 : memref<1x128xi32, #tpu.memory_space<vmem>> -> memref<128xi32, #tpu.memory_space<vmem>>
        %dma_wait3A_463 = tpu.memref_slice %arg3[%mul3A_374] : memref<331776xi32, #tpu.memory_space<hbm>> -> memref<128xi32, #tpu.memory_space<hbm>>
        %dma_wait3A_464 = arith.constant 0 : i32
        %dma_wait3A_465 = tpu.memref_slice %arg7[%run_scoped3A_375, %dma_wait3A_464] : memref<3x128xi32, #tpu.memory_space<vmem>> -> memref<1x128xi32, #tpu.memory_space<vmem>>
        %dma_wait3A_466 = tpu.memref_squeeze %dma_wait3A_465 : memref<1x128xi32, #tpu.memory_space<vmem>> -> memref<128xi32, #tpu.memory_space<vmem>>
        %dma_wait3A_467 = tpu.memref_slice %arg3[%mul3A_374] : memref<331776xi32, #tpu.memory_space<hbm>> -> memref<128xi32, #tpu.memory_space<hbm>>
        tpu.wait_dma2 semaphore(%run_scoped3A_451 : memref<!tpu.dma_semaphore, #tpu.memory_space<semaphore_mem>>) src(%dma_wait3A_467 : memref<128xi32, #tpu.memory_space<hbm>>) dst(%dma_wait3A_466 : memref<128xi32, #tpu.memory_space<vmem>>)
        tpu.yield
      }) : () -> ()
      %add3A_376 = arith.addi %mul3A_2, %add3A_371 : i32
      %mul3A_377 = arith.constant 128 : i32
      %mul3A_378 = arith.muli %add3A_376, %mul3A_377 : i32
      %run_scoped3A_379 = arith.constant 2 : i32
      "tpu.region"() ({
        %run_scoped3A_451 = tpu.sem_alloc : memref<!tpu.dma_semaphore, #tpu.memory_space<semaphore_mem>>
        %dma_start3A_452 = arith.constant 0 : i32
        %dma_start3A_453 = tpu.memref_slice %arg8[%run_scoped3A_379, %dma_start3A_452] : memref<3x128xi32, #tpu.memory_space<vmem>> -> memref<1x128xi32, #tpu.memory_space<vmem>>
        %dma_start3A_454 = tpu.memref_squeeze %dma_start3A_453 : memref<1x128xi32, #tpu.memory_space<vmem>> -> memref<128xi32, #tpu.memory_space<vmem>>
        %dma_start3A_455 = tpu.memref_slice %arg4[%mul3A_378] : memref<331776xi32, #tpu.memory_space<hbm>> -> memref<128xi32, #tpu.memory_space<hbm>>
        %dma_start3A_456 = arith.constant 0 : i32
        %dma_start3A_457 = tpu.memref_slice %arg8[%run_scoped3A_379, %dma_start3A_456] : memref<3x128xi32, #tpu.memory_space<vmem>> -> memref<1x128xi32, #tpu.memory_space<vmem>>
        %dma_start3A_458 = tpu.memref_squeeze %dma_start3A_457 : memref<1x128xi32, #tpu.memory_space<vmem>> -> memref<128xi32, #tpu.memory_space<vmem>>
        %dma_start3A_459 = tpu.memref_slice %arg4[%mul3A_378] : memref<331776xi32, #tpu.memory_space<hbm>> -> memref<128xi32, #tpu.memory_space<hbm>>
        tpu.enqueue_dma source(%dma_start3A_459 : memref<128xi32, #tpu.memory_space<hbm>>) target(%dma_start3A_458 : memref<128xi32, #tpu.memory_space<vmem>>) target_semaphore(%run_scoped3A_451 : memref<!tpu.dma_semaphore, #tpu.memory_space<semaphore_mem>>)
        %dma_wait3A_460 = arith.constant 0 : i32
        %dma_wait3A_461 = tpu.memref_slice %arg8[%run_scoped3A_379, %dma_wait3A_460] : memref<3x128xi32, #tpu.memory_space<vmem>> -> memref<1x128xi32, #tpu.memory_space<vmem>>
        %dma_wait3A_462 = tpu.memref_squeeze %dma_wait3A_461 : memref<1x128xi32, #tpu.memory_space<vmem>> -> memref<128xi32, #tpu.memory_space<vmem>>
        %dma_wait3A_463 = tpu.memref_slice %arg4[%mul3A_378] : memref<331776xi32, #tpu.memory_space<hbm>> -> memref<128xi32, #tpu.memory_space<hbm>>
        %dma_wait3A_464 = arith.constant 0 : i32
        %dma_wait3A_465 = tpu.memref_slice %arg8[%run_scoped3A_379, %dma_wait3A_464] : memref<3x128xi32, #tpu.memory_space<vmem>> -> memref<1x128xi32, #tpu.memory_space<vmem>>
        %dma_wait3A_466 = tpu.memref_squeeze %dma_wait3A_465 : memref<1x128xi32, #tpu.memory_space<vmem>> -> memref<128xi32, #tpu.memory_space<vmem>>
        %dma_wait3A_467 = tpu.memref_slice %arg4[%mul3A_378] : memref<331776xi32, #tpu.memory_space<hbm>> -> memref<128xi32, #tpu.memory_space<hbm>>
        tpu.wait_dma2 semaphore(%run_scoped3A_451 : memref<!tpu.dma_semaphore, #tpu.memory_space<semaphore_mem>>) src(%dma_wait3A_467 : memref<128xi32, #tpu.memory_space<hbm>>) dst(%dma_wait3A_466 : memref<128xi32, #tpu.memory_space<vmem>>)
        tpu.yield
      }) : () -> ()
      %dma_start3A_380 = arith.constant 2 : i32
      %dma_start3A_381 = arith.constant 256 : i32
      %dma_start3A_382 = arith.constant 0 : i32
      %dma_start3A_383 = tpu.memref_slice %arg9[%dma_start3A_381, %dma_start3A_382] : memref<384x128xf32, #tpu.memory_space<vmem>> -> memref<128x128xf32, #tpu.memory_space<vmem>>
      %dma_start3A_384 = arith.constant 0 : i32
      %dma_start3A_385 = tpu.memref_slice %arg7[%dma_start3A_380, %dma_start3A_384] : memref<3x128xi32, #tpu.memory_space<vmem>> -> memref<1x128xi32, #tpu.memory_space<vmem>>
      %dma_start3A_386 = tpu.memref_squeeze %dma_start3A_385 : memref<1x128xi32, #tpu.memory_space<vmem>> -> memref<128xi32, #tpu.memory_space<vmem>>
      %dma_start3A_387 = arith.constant 0 : i32
      %dma_start3A_388 = arith.constant 0 : i32
      %dma_start3A_389 = tpu.memref_slice %arg2[%dma_start3A_387, %dma_start3A_388] : memref<10000x128xf32, #tpu.memory_space<hbm>> -> memref<10000x128xf32, #tpu.memory_space<hbm>>
      tpu.enqueue_indirect_dma source(%dma_start3A_389 : memref<10000x128xf32, #tpu.memory_space<hbm>>) target(%dma_start3A_383 : memref<128x128xf32, #tpu.memory_space<vmem>>) offsets(%dma_start3A_386 : memref<128xi32, #tpu.memory_space<vmem>>) semaphore(%arg13 : memref<!tpu.dma_semaphore, #tpu.memory_space<semaphore_mem>>)
      %mul3A_390 = arith.constant 3 : i32
      %mul3A_391 = arith.muli %scan3A_347, %mul3A_390 : i32
      %add3A_392 = arith.constant 1 : i32
      %add3A_393 = arith.addi %mul3A_391, %add3A_392 : i32
      %dma_wait3A_394 = arith.constant 128 : i32
      %dma_wait3A_395 = arith.constant 0 : i32
      %dma_wait3A_396 = tpu.memref_slice %arg9[%dma_wait3A_394, %dma_wait3A_395] : memref<384x128xf32, #tpu.memory_space<vmem>> -> memref<128x128xf32, #tpu.memory_space<vmem>>
      %dma_wait3A_397 = arith.constant 128 : i32
      %dma_wait3A_398 = arith.constant 0 : i32
      %dma_wait3A_399 = tpu.memref_slice %arg9[%dma_wait3A_397, %dma_wait3A_398] : memref<384x128xf32, #tpu.memory_space<vmem>> -> memref<128x128xf32, #tpu.memory_space<vmem>>
      tpu.wait_dma2 semaphore(%arg12 : memref<!tpu.dma_semaphore, #tpu.memory_space<semaphore_mem>>) src(%arg5 : memref<128x128xf32, #tpu.memory_space<hbm>>) dst(%dma_wait3A_399 : memref<128x128xf32, #tpu.memory_space<vmem>>)
      %dma_start3A_400 = arith.constant 1 : i32
      %dma_start3A_401 = arith.constant 128 : i32
      %dma_start3A_402 = arith.constant 0 : i32
      %dma_start3A_403 = tpu.memref_slice %arg9[%dma_start3A_401, %dma_start3A_402] : memref<384x128xf32, #tpu.memory_space<vmem>> -> memref<128x128xf32, #tpu.memory_space<vmem>>
      %dma_start3A_404 = arith.constant 0 : i32
      %dma_start3A_405 = tpu.memref_slice %arg8[%dma_start3A_400, %dma_start3A_404] : memref<3x128xi32, #tpu.memory_space<vmem>> -> memref<1x128xi32, #tpu.memory_space<vmem>>
      %dma_start3A_406 = tpu.memref_squeeze %dma_start3A_405 : memref<1x128xi32, #tpu.memory_space<vmem>> -> memref<128xi32, #tpu.memory_space<vmem>>
      %dma_start3A_407 = arith.constant 0 : i32
      %dma_start3A_408 = arith.constant 0 : i32
      %dma_start3A_409 = tpu.memref_slice %arg10[%dma_start3A_407, %dma_start3A_408] : memref<10112x128xf32, #tpu.memory_space<vmem_shared>> -> memref<10112x128xf32, #tpu.memory_space<vmem_shared>>
      tpu.enqueue_indirect_dma source(%dma_start3A_403 : memref<128x128xf32, #tpu.memory_space<vmem>>) target(%dma_start3A_409 : memref<10112x128xf32, #tpu.memory_space<vmem_shared>>) offsets(%dma_start3A_406 : memref<128xi32, #tpu.memory_space<vmem>>) semaphore(%arg15 : memref<!tpu.dma_semaphore, #tpu.memory_space<semaphore_mem>>) {add = true}
      %dma_wait3A_410 = arith.constant 0 : i32
      %dma_wait3A_411 = arith.constant 0 : i32
      %dma_wait3A_412 = tpu.memref_slice %arg9[%dma_wait3A_410, %dma_wait3A_411] : memref<384x128xf32, #tpu.memory_space<vmem>> -> memref<128x128xf32, #tpu.memory_space<vmem>>
      %dma_wait3A_413 = arith.constant 0 : i32
      %dma_wait3A_414 = arith.constant 0 : i32
      %dma_wait3A_415 = tpu.memref_slice %arg9[%dma_wait3A_413, %dma_wait3A_414] : memref<384x128xf32, #tpu.memory_space<vmem>> -> memref<128x128xf32, #tpu.memory_space<vmem>>
      tpu.wait_dma2 semaphore(%arg14 : memref<!tpu.dma_semaphore, #tpu.memory_space<semaphore_mem>>) src(%arg5 : memref<128x128xf32, #tpu.memory_space<hbm>>) dst(%dma_wait3A_415 : memref<128x128xf32, #tpu.memory_space<vmem>>)
      %lt3A = arith.constant 26 : i32
      %lt3A_416 = arith.cmpi slt, %scan3A_347, %lt3A : i32
      %convert_element_type3A_417 = arith.extui %lt3A_416 : i1 to i32
      %cond3A_418 = arith.constant 0 : i32
      %cond3A_419 = arith.cmpi ne, %convert_element_type3A_417, %cond3A_418 : i32
      scf.if %cond3A_419 {
        %add3A_451 = arith.constant 2 : i32
        %add3A_452 = arith.addi %add3A_393, %add3A_451 : i32
        %add3A_453 = arith.addi %mul3A_2, %add3A_452 : i32
        %mul3A_454 = arith.constant 128 : i32
        %mul3A_455 = arith.muli %add3A_453, %mul3A_454 : i32
        %run_scoped3A_456 = arith.constant 0 : i32
        "tpu.region"() ({
          %run_scoped3A_471 = tpu.sem_alloc : memref<!tpu.dma_semaphore, #tpu.memory_space<semaphore_mem>>
          %dma_start3A_472 = arith.constant 0 : i32
          %dma_start3A_473 = tpu.memref_slice %arg7[%run_scoped3A_456, %dma_start3A_472] : memref<3x128xi32, #tpu.memory_space<vmem>> -> memref<1x128xi32, #tpu.memory_space<vmem>>
          %dma_start3A_474 = tpu.memref_squeeze %dma_start3A_473 : memref<1x128xi32, #tpu.memory_space<vmem>> -> memref<128xi32, #tpu.memory_space<vmem>>
          %dma_start3A_475 = tpu.memref_slice %arg3[%mul3A_455] : memref<331776xi32, #tpu.memory_space<hbm>> -> memref<128xi32, #tpu.memory_space<hbm>>
          %dma_start3A_476 = arith.constant 0 : i32
          %dma_start3A_477 = tpu.memref_slice %arg7[%run_scoped3A_456, %dma_start3A_476] : memref<3x128xi32, #tpu.memory_space<vmem>> -> memref<1x128xi32, #tpu.memory_space<vmem>>
          %dma_start3A_478 = tpu.memref_squeeze %dma_start3A_477 : memref<1x128xi32, #tpu.memory_space<vmem>> -> memref<128xi32, #tpu.memory_space<vmem>>
          %dma_start3A_479 = tpu.memref_slice %arg3[%mul3A_455] : memref<331776xi32, #tpu.memory_space<hbm>> -> memref<128xi32, #tpu.memory_space<hbm>>
          tpu.enqueue_dma source(%dma_start3A_479 : memref<128xi32, #tpu.memory_space<hbm>>) target(%dma_start3A_478 : memref<128xi32, #tpu.memory_space<vmem>>) target_semaphore(%run_scoped3A_471 : memref<!tpu.dma_semaphore, #tpu.memory_space<semaphore_mem>>)
          %dma_wait3A_480 = arith.constant 0 : i32
          %dma_wait3A_481 = tpu.memref_slice %arg7[%run_scoped3A_456, %dma_wait3A_480] : memref<3x128xi32, #tpu.memory_space<vmem>> -> memref<1x128xi32, #tpu.memory_space<vmem>>
          %dma_wait3A_482 = tpu.memref_squeeze %dma_wait3A_481 : memref<1x128xi32, #tpu.memory_space<vmem>> -> memref<128xi32, #tpu.memory_space<vmem>>
          %dma_wait3A_483 = tpu.memref_slice %arg3[%mul3A_455] : memref<331776xi32, #tpu.memory_space<hbm>> -> memref<128xi32, #tpu.memory_space<hbm>>
          %dma_wait3A_484 = arith.constant 0 : i32
          %dma_wait3A_485 = tpu.memref_slice %arg7[%run_scoped3A_456, %dma_wait3A_484] : memref<3x128xi32, #tpu.memory_space<vmem>> -> memref<1x128xi32, #tpu.memory_space<vmem>>
          %dma_wait3A_486 = tpu.memref_squeeze %dma_wait3A_485 : memref<1x128xi32, #tpu.memory_space<vmem>> -> memref<128xi32, #tpu.memory_space<vmem>>
          %dma_wait3A_487 = tpu.memref_slice %arg3[%mul3A_455] : memref<331776xi32, #tpu.memory_space<hbm>> -> memref<128xi32, #tpu.memory_space<hbm>>
          tpu.wait_dma2 semaphore(%run_scoped3A_471 : memref<!tpu.dma_semaphore, #tpu.memory_space<semaphore_mem>>) src(%dma_wait3A_487 : memref<128xi32, #tpu.memory_space<hbm>>) dst(%dma_wait3A_486 : memref<128xi32, #tpu.memory_space<vmem>>)
          tpu.yield
        }) : () -> ()
        %add3A_457 = arith.addi %mul3A_2, %add3A_452 : i32
        %mul3A_458 = arith.constant 128 : i32
        %mul3A_459 = arith.muli %add3A_457, %mul3A_458 : i32
        %run_scoped3A_460 = arith.constant 0 : i32
        "tpu.region"() ({
          %run_scoped3A_471 = tpu.sem_alloc : memref<!tpu.dma_semaphore, #tpu.memory_space<semaphore_mem>>
          %dma_start3A_472 = arith.constant 0 : i32
          %dma_start3A_473 = tpu.memref_slice %arg8[%run_scoped3A_460, %dma_start3A_472] : memref<3x128xi32, #tpu.memory_space<vmem>> -> memref<1x128xi32, #tpu.memory_space<vmem>>
          %dma_start3A_474 = tpu.memref_squeeze %dma_start3A_473 : memref<1x128xi32, #tpu.memory_space<vmem>> -> memref<128xi32, #tpu.memory_space<vmem>>
          %dma_start3A_475 = tpu.memref_slice %arg4[%mul3A_459] : memref<331776xi32, #tpu.memory_space<hbm>> -> memref<128xi32, #tpu.memory_space<hbm>>
          %dma_start3A_476 = arith.constant 0 : i32
          %dma_start3A_477 = tpu.memref_slice %arg8[%run_scoped3A_460, %dma_start3A_476] : memref<3x128xi32, #tpu.memory_space<vmem>> -> memref<1x128xi32, #tpu.memory_space<vmem>>
          %dma_start3A_478 = tpu.memref_squeeze %dma_start3A_477 : memref<1x128xi32, #tpu.memory_space<vmem>> -> memref<128xi32, #tpu.memory_space<vmem>>
          %dma_start3A_479 = tpu.memref_slice %arg4[%mul3A_459] : memref<331776xi32, #tpu.memory_space<hbm>> -> memref<128xi32, #tpu.memory_space<hbm>>
          tpu.enqueue_dma source(%dma_start3A_479 : memref<128xi32, #tpu.memory_space<hbm>>) target(%dma_start3A_478 : memref<128xi32, #tpu.memory_space<vmem>>) target_semaphore(%run_scoped3A_471 : memref<!tpu.dma_semaphore, #tpu.memory_space<semaphore_mem>>)
          %dma_wait3A_480 = arith.constant 0 : i32
          %dma_wait3A_481 = tpu.memref_slice %arg8[%run_scoped3A_460, %dma_wait3A_480] : memref<3x128xi32, #tpu.memory_space<vmem>> -> memref<1x128xi32, #tpu.memory_space<vmem>>
          %dma_wait3A_482 = tpu.memref_squeeze %dma_wait3A_481 : memref<1x128xi32, #tpu.memory_space<vmem>> -> memref<128xi32, #tpu.memory_space<vmem>>
          %dma_wait3A_483 = tpu.memref_slice %arg4[%mul3A_459] : memref<331776xi32, #tpu.memory_space<hbm>> -> memref<128xi32, #tpu.memory_space<hbm>>
          %dma_wait3A_484 = arith.constant 0 : i32
          %dma_wait3A_485 = tpu.memref_slice %arg8[%run_scoped3A_460, %dma_wait3A_484] : memref<3x128xi32, #tpu.memory_space<vmem>> -> memref<1x128xi32, #tpu.memory_space<vmem>>
          %dma_wait3A_486 = tpu.memref_squeeze %dma_wait3A_485 : memref<1x128xi32, #tpu.memory_space<vmem>> -> memref<128xi32, #tpu.memory_space<vmem>>
          %dma_wait3A_487 = tpu.memref_slice %arg4[%mul3A_459] : memref<331776xi32, #tpu.memory_space<hbm>> -> memref<128xi32, #tpu.memory_space<hbm>>
          tpu.wait_dma2 semaphore(%run_scoped3A_471 : memref<!tpu.dma_semaphore, #tpu.memory_space<semaphore_mem>>) src(%dma_wait3A_487 : memref<128xi32, #tpu.memory_space<hbm>>) dst(%dma_wait3A_486 : memref<128xi32, #tpu.memory_space<vmem>>)
          tpu.yield
        }) : () -> ()
        %dma_start3A_461 = arith.constant 0 : i32
        %dma_start3A_462 = arith.constant 0 : i32
        %dma_start3A_463 = arith.constant 0 : i32
        %dma_start3A_464 = tpu.memref_slice %arg9[%dma_start3A_462, %dma_start3A_463] : memref<384x128xf32, #tpu.memory_space<vmem>> -> memref<128x128xf32, #tpu.memory_space<vmem>>
        %dma_start3A_465 = arith.constant 0 : i32
        %dma_start3A_466 = tpu.memref_slice %arg7[%dma_start3A_461, %dma_start3A_465] : memref<3x128xi32, #tpu.memory_space<vmem>> -> memref<1x128xi32, #tpu.memory_space<vmem>>
        %dma_start3A_467 = tpu.memref_squeeze %dma_start3A_466 : memref<1x128xi32, #tpu.memory_space<vmem>> -> memref<128xi32, #tpu.memory_space<vmem>>
        %dma_start3A_468 = arith.constant 0 : i32
        %dma_start3A_469 = arith.constant 0 : i32
        %dma_start3A_470 = tpu.memref_slice %arg2[%dma_start3A_468, %dma_start3A_469] : memref<10000x128xf32, #tpu.memory_space<hbm>> -> memref<10000x128xf32, #tpu.memory_space<hbm>>
        tpu.enqueue_indirect_dma source(%dma_start3A_470 : memref<10000x128xf32, #tpu.memory_space<hbm>>) target(%dma_start3A_464 : memref<128x128xf32, #tpu.memory_space<vmem>>) offsets(%dma_start3A_467 : memref<128xi32, #tpu.memory_space<vmem>>) semaphore(%arg11 : memref<!tpu.dma_semaphore, #tpu.memory_space<semaphore_mem>>)
      } else {
      }
      %mul3A_420 = arith.constant 3 : i32
      %mul3A_421 = arith.muli %scan3A_347, %mul3A_420 : i32
      %add3A_422 = arith.constant 2 : i32
      %add3A_423 = arith.addi %mul3A_421, %add3A_422 : i32
      %dma_wait3A_424 = arith.constant 256 : i32
      %dma_wait3A_425 = arith.constant 0 : i32
      %dma_wait3A_426 = tpu.memref_slice %arg9[%dma_wait3A_424, %dma_wait3A_425] : memref<384x128xf32, #tpu.memory_space<vmem>> -> memref<128x128xf32, #tpu.memory_space<vmem>>
      %dma_wait3A_427 = arith.constant 256 : i32
      %dma_wait3A_428 = arith.constant 0 : i32
      %dma_wait3A_429 = tpu.memref_slice %arg9[%dma_wait3A_427, %dma_wait3A_428] : memref<384x128xf32, #tpu.memory_space<vmem>> -> memref<128x128xf32, #tpu.memory_space<vmem>>
      tpu.wait_dma2 semaphore(%arg13 : memref<!tpu.dma_semaphore, #tpu.memory_space<semaphore_mem>>) src(%arg5 : memref<128x128xf32, #tpu.memory_space<hbm>>) dst(%dma_wait3A_429 : memref<128x128xf32, #tpu.memory_space<vmem>>)
      %dma_start3A_430 = arith.constant 2 : i32
      %dma_start3A_431 = arith.constant 256 : i32
      %dma_start3A_432 = arith.constant 0 : i32
      %dma_start3A_433 = tpu.memref_slice %arg9[%dma_start3A_431, %dma_start3A_432] : memref<384x128xf32, #tpu.memory_space<vmem>> -> memref<128x128xf32, #tpu.memory_space<vmem>>
      %dma_start3A_434 = arith.constant 0 : i32
      %dma_start3A_435 = tpu.memref_slice %arg8[%dma_start3A_430, %dma_start3A_434] : memref<3x128xi32, #tpu.memory_space<vmem>> -> memref<1x128xi32, #tpu.memory_space<vmem>>
      %dma_start3A_436 = tpu.memref_squeeze %dma_start3A_435 : memref<1x128xi32, #tpu.memory_space<vmem>> -> memref<128xi32, #tpu.memory_space<vmem>>
      %dma_start3A_437 = arith.constant 0 : i32
      %dma_start3A_438 = arith.constant 0 : i32
      %dma_start3A_439 = tpu.memref_slice %arg10[%dma_start3A_437, %dma_start3A_438] : memref<10112x128xf32, #tpu.memory_space<vmem_shared>> -> memref<10112x128xf32, #tpu.memory_space<vmem_shared>>
      tpu.enqueue_indirect_dma source(%dma_start3A_433 : memref<128x128xf32, #tpu.memory_space<vmem>>) target(%dma_start3A_439 : memref<10112x128xf32, #tpu.memory_space<vmem_shared>>) offsets(%dma_start3A_436 : memref<128xi32, #tpu.memory_space<vmem>>) semaphore(%arg16 : memref<!tpu.dma_semaphore, #tpu.memory_space<semaphore_mem>>) {add = true}
      %dma_wait3A_440 = arith.constant 128 : i32
      %dma_wait3A_441 = arith.constant 0 : i32
      %dma_wait3A_442 = tpu.memref_slice %arg9[%dma_wait3A_440, %dma_wait3A_441] : memref<384x128xf32, #tpu.memory_space<vmem>> -> memref<128x128xf32, #tpu.memory_space<vmem>>
      %dma_wait3A_443 = arith.constant 128 : i32
      %dma_wait3A_444 = arith.constant 0 : i32
      %dma_wait3A_445 = tpu.memref_slice %arg9[%dma_wait3A_443, %dma_wait3A_444] : memref<384x128xf32, #tpu.memory_space<vmem>> -> memref<128x128xf32, #tpu.memory_space<vmem>>
      tpu.wait_dma2 semaphore(%arg15 : memref<!tpu.dma_semaphore, #tpu.memory_space<semaphore_mem>>) src(%arg5 : memref<128x128xf32, #tpu.memory_space<hbm>>) dst(%dma_wait3A_445 : memref<128x128xf32, #tpu.memory_space<vmem>>)
      %lt3A_446 = arith.constant 26 : i32
      %lt3A_447 = arith.cmpi slt, %scan3A_347, %lt3A_446 : i32
      %convert_element_type3A_448 = arith.extui %lt3A_447 : i1 to i32
      %cond3A_449 = arith.constant 0 : i32
      %cond3A_450 = arith.cmpi ne, %convert_element_type3A_448, %cond3A_449 : i32
      scf.if %cond3A_450 {
        %add3A_451 = arith.constant 2 : i32
        %add3A_452 = arith.addi %add3A_423, %add3A_451 : i32
        %add3A_453 = arith.addi %mul3A_2, %add3A_452 : i32
        %mul3A_454 = arith.constant 128 : i32
        %mul3A_455 = arith.muli %add3A_453, %mul3A_454 : i32
        %run_scoped3A_456 = arith.constant 1 : i32
        "tpu.region"() ({
          %run_scoped3A_471 = tpu.sem_alloc : memref<!tpu.dma_semaphore, #tpu.memory_space<semaphore_mem>>
          %dma_start3A_472 = arith.constant 0 : i32
          %dma_start3A_473 = tpu.memref_slice %arg7[%run_scoped3A_456, %dma_start3A_472] : memref<3x128xi32, #tpu.memory_space<vmem>> -> memref<1x128xi32, #tpu.memory_space<vmem>>
          %dma_start3A_474 = tpu.memref_squeeze %dma_start3A_473 : memref<1x128xi32, #tpu.memory_space<vmem>> -> memref<128xi32, #tpu.memory_space<vmem>>
          %dma_start3A_475 = tpu.memref_slice %arg3[%mul3A_455] : memref<331776xi32, #tpu.memory_space<hbm>> -> memref<128xi32, #tpu.memory_space<hbm>>
          %dma_start3A_476 = arith.constant 0 : i32
          %dma_start3A_477 = tpu.memref_slice %arg7[%run_scoped3A_456, %dma_start3A_476] : memref<3x128xi32, #tpu.memory_space<vmem>> -> memref<1x128xi32, #tpu.memory_space<vmem>>
          %dma_start3A_478 = tpu.memref_squeeze %dma_start3A_477 : memref<1x128xi32, #tpu.memory_space<vmem>> -> memref<128xi32, #tpu.memory_space<vmem>>
          %dma_start3A_479 = tpu.memref_slice %arg3[%mul3A_455] : memref<331776xi32, #tpu.memory_space<hbm>> -> memref<128xi32, #tpu.memory_space<hbm>>
          tpu.enqueue_dma source(%dma_start3A_479 : memref<128xi32, #tpu.memory_space<hbm>>) target(%dma_start3A_478 : memref<128xi32, #tpu.memory_space<vmem>>) target_semaphore(%run_scoped3A_471 : memref<!tpu.dma_semaphore, #tpu.memory_space<semaphore_mem>>)
          %dma_wait3A_480 = arith.constant 0 : i32
          %dma_wait3A_481 = tpu.memref_slice %arg7[%run_scoped3A_456, %dma_wait3A_480] : memref<3x128xi32, #tpu.memory_space<vmem>> -> memref<1x128xi32, #tpu.memory_space<vmem>>
          %dma_wait3A_482 = tpu.memref_squeeze %dma_wait3A_481 : memref<1x128xi32, #tpu.memory_space<vmem>> -> memref<128xi32, #tpu.memory_space<vmem>>
          %dma_wait3A_483 = tpu.memref_slice %arg3[%mul3A_455] : memref<331776xi32, #tpu.memory_space<hbm>> -> memref<128xi32, #tpu.memory_space<hbm>>
          %dma_wait3A_484 = arith.constant 0 : i32
          %dma_wait3A_485 = tpu.memref_slice %arg7[%run_scoped3A_456, %dma_wait3A_484] : memref<3x128xi32, #tpu.memory_space<vmem>> -> memref<1x128xi32, #tpu.memory_space<vmem>>
          %dma_wait3A_486 = tpu.memref_squeeze %dma_wait3A_485 : memref<1x128xi32, #tpu.memory_space<vmem>> -> memref<128xi32, #tpu.memory_space<vmem>>
          %dma_wait3A_487 = tpu.memref_slice %arg3[%mul3A_455] : memref<331776xi32, #tpu.memory_space<hbm>> -> memref<128xi32, #tpu.memory_space<hbm>>
          tpu.wait_dma2 semaphore(%run_scoped3A_471 : memref<!tpu.dma_semaphore, #tpu.memory_space<semaphore_mem>>) src(%dma_wait3A_487 : memref<128xi32, #tpu.memory_space<hbm>>) dst(%dma_wait3A_486 : memref<128xi32, #tpu.memory_space<vmem>>)
          tpu.yield
        }) : () -> ()
        %add3A_457 = arith.addi %mul3A_2, %add3A_452 : i32
        %mul3A_458 = arith.constant 128 : i32
        %mul3A_459 = arith.muli %add3A_457, %mul3A_458 : i32
        %run_scoped3A_460 = arith.constant 1 : i32
        "tpu.region"() ({
          %run_scoped3A_471 = tpu.sem_alloc : memref<!tpu.dma_semaphore, #tpu.memory_space<semaphore_mem>>
          %dma_start3A_472 = arith.constant 0 : i32
          %dma_start3A_473 = tpu.memref_slice %arg8[%run_scoped3A_460, %dma_start3A_472] : memref<3x128xi32, #tpu.memory_space<vmem>> -> memref<1x128xi32, #tpu.memory_space<vmem>>
          %dma_start3A_474 = tpu.memref_squeeze %dma_start3A_473 : memref<1x128xi32, #tpu.memory_space<vmem>> -> memref<128xi32, #tpu.memory_space<vmem>>
          %dma_start3A_475 = tpu.memref_slice %arg4[%mul3A_459] : memref<331776xi32, #tpu.memory_space<hbm>> -> memref<128xi32, #tpu.memory_space<hbm>>
          %dma_start3A_476 = arith.constant 0 : i32
          %dma_start3A_477 = tpu.memref_slice %arg8[%run_scoped3A_460, %dma_start3A_476] : memref<3x128xi32, #tpu.memory_space<vmem>> -> memref<1x128xi32, #tpu.memory_space<vmem>>
          %dma_start3A_478 = tpu.memref_squeeze %dma_start3A_477 : memref<1x128xi32, #tpu.memory_space<vmem>> -> memref<128xi32, #tpu.memory_space<vmem>>
          %dma_start3A_479 = tpu.memref_slice %arg4[%mul3A_459] : memref<331776xi32, #tpu.memory_space<hbm>> -> memref<128xi32, #tpu.memory_space<hbm>>
          tpu.enqueue_dma source(%dma_start3A_479 : memref<128xi32, #tpu.memory_space<hbm>>) target(%dma_start3A_478 : memref<128xi32, #tpu.memory_space<vmem>>) target_semaphore(%run_scoped3A_471 : memref<!tpu.dma_semaphore, #tpu.memory_space<semaphore_mem>>)
          %dma_wait3A_480 = arith.constant 0 : i32
          %dma_wait3A_481 = tpu.memref_slice %arg8[%run_scoped3A_460, %dma_wait3A_480] : memref<3x128xi32, #tpu.memory_space<vmem>> -> memref<1x128xi32, #tpu.memory_space<vmem>>
          %dma_wait3A_482 = tpu.memref_squeeze %dma_wait3A_481 : memref<1x128xi32, #tpu.memory_space<vmem>> -> memref<128xi32, #tpu.memory_space<vmem>>
          %dma_wait3A_483 = tpu.memref_slice %arg4[%mul3A_459] : memref<331776xi32, #tpu.memory_space<hbm>> -> memref<128xi32, #tpu.memory_space<hbm>>
          %dma_wait3A_484 = arith.constant 0 : i32
          %dma_wait3A_485 = tpu.memref_slice %arg8[%run_scoped3A_460, %dma_wait3A_484] : memref<3x128xi32, #tpu.memory_space<vmem>> -> memref<1x128xi32, #tpu.memory_space<vmem>>
          %dma_wait3A_486 = tpu.memref_squeeze %dma_wait3A_485 : memref<1x128xi32, #tpu.memory_space<vmem>> -> memref<128xi32, #tpu.memory_space<vmem>>
          %dma_wait3A_487 = tpu.memref_slice %arg4[%mul3A_459] : memref<331776xi32, #tpu.memory_space<hbm>> -> memref<128xi32, #tpu.memory_space<hbm>>
          tpu.wait_dma2 semaphore(%run_scoped3A_471 : memref<!tpu.dma_semaphore, #tpu.memory_space<semaphore_mem>>) src(%dma_wait3A_487 : memref<128xi32, #tpu.memory_space<hbm>>) dst(%dma_wait3A_486 : memref<128xi32, #tpu.memory_space<vmem>>)
          tpu.yield
        }) : () -> ()
        %dma_start3A_461 = arith.constant 1 : i32
        %dma_start3A_462 = arith.constant 128 : i32
        %dma_start3A_463 = arith.constant 0 : i32
        %dma_start3A_464 = tpu.memref_slice %arg9[%dma_start3A_462, %dma_start3A_463] : memref<384x128xf32, #tpu.memory_space<vmem>> -> memref<128x128xf32, #tpu.memory_space<vmem>>
        %dma_start3A_465 = arith.constant 0 : i32
        %dma_start3A_466 = tpu.memref_slice %arg7[%dma_start3A_461, %dma_start3A_465] : memref<3x128xi32, #tpu.memory_space<vmem>> -> memref<1x128xi32, #tpu.memory_space<vmem>>
        %dma_start3A_467 = tpu.memref_squeeze %dma_start3A_466 : memref<1x128xi32, #tpu.memory_space<vmem>> -> memref<128xi32, #tpu.memory_space<vmem>>
        %dma_start3A_468 = arith.constant 0 : i32
        %dma_start3A_469 = arith.constant 0 : i32
        %dma_start3A_470 = tpu.memref_slice %arg2[%dma_start3A_468, %dma_start3A_469] : memref<10000x128xf32, #tpu.memory_space<hbm>> -> memref<10000x128xf32, #tpu.memory_space<hbm>>
        tpu.enqueue_indirect_dma source(%dma_start3A_470 : memref<10000x128xf32, #tpu.memory_space<hbm>>) target(%dma_start3A_464 : memref<128x128xf32, #tpu.memory_space<vmem>>) offsets(%dma_start3A_467 : memref<128xi32, #tpu.memory_space<vmem>>) semaphore(%arg12 : memref<!tpu.dma_semaphore, #tpu.memory_space<semaphore_mem>>)
      } else {
      }
    }
    %scan3A_65 = arith.constant 27 : i32
    %dma_wait3A = arith.constant 256 : i32
    %dma_wait3A_66 = arith.constant 0 : i32
    %dma_wait3A_67 = tpu.memref_slice %arg9[%dma_wait3A, %dma_wait3A_66] : memref<384x128xf32, #tpu.memory_space<vmem>> -> memref<128x128xf32, #tpu.memory_space<vmem>>
    %dma_wait3A_68 = arith.constant 256 : i32
    %dma_wait3A_69 = arith.constant 0 : i32
    %dma_wait3A_70 = tpu.memref_slice %arg9[%dma_wait3A_68, %dma_wait3A_69] : memref<384x128xf32, #tpu.memory_space<vmem>> -> memref<128x128xf32, #tpu.memory_space<vmem>>
    tpu.wait_dma2 semaphore(%arg16 : memref<!tpu.dma_semaphore, #tpu.memory_space<semaphore_mem>>) src(%arg5 : memref<128x128xf32, #tpu.memory_space<hbm>>) dst(%dma_wait3A_70 : memref<128x128xf32, #tpu.memory_space<vmem>>)
    %barrier3A_71 = arith.constant 0 : index
    tpu.barrier barrier_id(%barrier3A_71)
    %mul3A_72 = arith.constant 632 : i32
    %mul3A_73 = arith.muli %arg1, %mul3A_72 : i32
    %add3A_74 = arith.constant 0 : i32
    %add3A_75 = arith.addi %mul3A_73, %add3A_74 : i32
    %dma_start3A_76 = arith.constant 0 : i32
    %dma_start3A_77 = arith.constant 0 : i32
    %dma_start3A_78 = tpu.memref_slice %arg9[%dma_start3A_76, %dma_start3A_77] : memref<384x128xf32, #tpu.memory_space<vmem>> -> memref<128x128xf32, #tpu.memory_space<vmem>>
    %dma_start3A_79 = arith.constant 0 : i32
    %dma_start3A_80 = tpu.memref_slice %arg10[%add3A_75, %dma_start3A_79] : memref<10112x128xf32, #tpu.memory_space<vmem_shared>> -> memref<128x128xf32, #tpu.memory_space<vmem_shared>>
    %dma_start3A_81 = arith.constant 0 : i32
    %dma_start3A_82 = arith.constant 0 : i32
    %dma_start3A_83 = tpu.memref_slice %arg9[%dma_start3A_81, %dma_start3A_82] : memref<384x128xf32, #tpu.memory_space<vmem>> -> memref<128x128xf32, #tpu.memory_space<vmem>>
    %dma_start3A_84 = arith.constant 0 : i32
    %dma_start3A_85 = tpu.memref_slice %arg10[%add3A_75, %dma_start3A_84] : memref<10112x128xf32, #tpu.memory_space<vmem_shared>> -> memref<128x128xf32, #tpu.memory_space<vmem_shared>>
    tpu.enqueue_dma source(%dma_start3A_85 : memref<128x128xf32, #tpu.memory_space<vmem_shared>>) target(%dma_start3A_83 : memref<128x128xf32, #tpu.memory_space<vmem>>) target_semaphore(%arg11 : memref<!tpu.dma_semaphore, #tpu.memory_space<semaphore_mem>>)
    %mul3A_86 = arith.constant 632 : i32
    %mul3A_87 = arith.muli %arg1, %mul3A_86 : i32
    %add3A_88 = arith.constant 128 : i32
    %add3A_89 = arith.addi %mul3A_87, %add3A_88 : i32
    %dma_start3A_90 = arith.constant 128 : i32
    %dma_start3A_91 = arith.constant 0 : i32
    %dma_start3A_92 = tpu.memref_slice %arg9[%dma_start3A_90, %dma_start3A_91] : memref<384x128xf32, #tpu.memory_space<vmem>> -> memref<128x128xf32, #tpu.memory_space<vmem>>
    %dma_start3A_93 = arith.constant 0 : i32
    %dma_start3A_94 = tpu.memref_slice %arg10[%add3A_89, %dma_start3A_93] : memref<10112x128xf32, #tpu.memory_space<vmem_shared>> -> memref<128x128xf32, #tpu.memory_space<vmem_shared>>
    %dma_start3A_95 = arith.constant 128 : i32
    %dma_start3A_96 = arith.constant 0 : i32
    %dma_start3A_97 = tpu.memref_slice %arg9[%dma_start3A_95, %dma_start3A_96] : memref<384x128xf32, #tpu.memory_space<vmem>> -> memref<128x128xf32, #tpu.memory_space<vmem>>
    %dma_start3A_98 = arith.constant 0 : i32
    %dma_start3A_99 = tpu.memref_slice %arg10[%add3A_89, %dma_start3A_98] : memref<10112x128xf32, #tpu.memory_space<vmem_shared>> -> memref<128x128xf32, #tpu.memory_space<vmem_shared>>
    tpu.enqueue_dma source(%dma_start3A_99 : memref<128x128xf32, #tpu.memory_space<vmem_shared>>) target(%dma_start3A_97 : memref<128x128xf32, #tpu.memory_space<vmem>>) target_semaphore(%arg12 : memref<!tpu.dma_semaphore, #tpu.memory_space<semaphore_mem>>)
    %dma_wait3A_100 = arith.constant 0 : i32
    %dma_wait3A_101 = arith.constant 0 : i32
    %dma_wait3A_102 = tpu.memref_slice %arg9[%dma_wait3A_100, %dma_wait3A_101] : memref<384x128xf32, #tpu.memory_space<vmem>> -> memref<128x128xf32, #tpu.memory_space<vmem>>
    %dma_wait3A_103 = arith.constant 0 : i32
    %dma_wait3A_104 = arith.constant 0 : i32
    %dma_wait3A_105 = tpu.memref_slice %arg5[%dma_wait3A_103, %dma_wait3A_104] : memref<128x128xf32, #tpu.memory_space<hbm>> -> memref<128x128xf32, #tpu.memory_space<hbm>>
    %dma_wait3A_106 = arith.constant 0 : i32
    %dma_wait3A_107 = arith.constant 0 : i32
    %dma_wait3A_108 = tpu.memref_slice %arg9[%dma_wait3A_106, %dma_wait3A_107] : memref<384x128xf32, #tpu.memory_space<vmem>> -> memref<128x128xf32, #tpu.memory_space<vmem>>
    %dma_wait3A_109 = arith.constant 0 : i32
    %dma_wait3A_110 = arith.constant 0 : i32
    %dma_wait3A_111 = tpu.memref_slice %arg5[%dma_wait3A_109, %dma_wait3A_110] : memref<128x128xf32, #tpu.memory_space<hbm>> -> memref<128x128xf32, #tpu.memory_space<hbm>>
    tpu.wait_dma2 semaphore(%arg11 : memref<!tpu.dma_semaphore, #tpu.memory_space<semaphore_mem>>) src(%dma_wait3A_111 : memref<128x128xf32, #tpu.memory_space<hbm>>) dst(%dma_wait3A_108 : memref<128x128xf32, #tpu.memory_space<vmem>>)
    %mul3A_112 = arith.constant 10112 : i32
    %mul3A_113 = arith.muli %arg0, %mul3A_112 : i32
    %mul3A_114 = arith.constant 632 : i32
    %mul3A_115 = arith.muli %arg1, %mul3A_114 : i32
    %add3A_116 = arith.addi %mul3A_113, %mul3A_115 : i32
    %add3A_117 = arith.constant 0 : i32
    %add3A_118 = arith.addi %add3A_116, %add3A_117 : i32
    %dma_start3A_119 = arith.constant 0 : i32
    %dma_start3A_120 = arith.constant 0 : i32
    %dma_start3A_121 = tpu.memref_slice %arg9[%dma_start3A_119, %dma_start3A_120] : memref<384x128xf32, #tpu.memory_space<vmem>> -> memref<128x128xf32, #tpu.memory_space<vmem>>
    %dma_start3A_122 = arith.constant 0 : i32
    %dma_start3A_123 = tpu.memref_slice %arg6[%add3A_118, %dma_start3A_122] : memref<20224x128xf32, #tpu.memory_space<hbm>> -> memref<128x128xf32, #tpu.memory_space<hbm>>
    %dma_start3A_124 = arith.constant 0 : i32
    %dma_start3A_125 = tpu.memref_slice %arg6[%add3A_118, %dma_start3A_124] : memref<20224x128xf32, #tpu.memory_space<hbm>> -> memref<128x128xf32, #tpu.memory_space<hbm>>
    %dma_start3A_126 = arith.constant 0 : i32
    %dma_start3A_127 = arith.constant 0 : i32
    %dma_start3A_128 = tpu.memref_slice %arg9[%dma_start3A_126, %dma_start3A_127] : memref<384x128xf32, #tpu.memory_space<vmem>> -> memref<128x128xf32, #tpu.memory_space<vmem>>
    tpu.enqueue_dma source(%dma_start3A_128 : memref<128x128xf32, #tpu.memory_space<vmem>>) target(%dma_start3A_125 : memref<128x128xf32, #tpu.memory_space<hbm>>) target_semaphore(%arg14 : memref<!tpu.dma_semaphore, #tpu.memory_space<semaphore_mem>>)
    %mul3A_129 = arith.constant 632 : i32
    %mul3A_130 = arith.muli %arg1, %mul3A_129 : i32
    %add3A_131 = arith.constant 256 : i32
    %add3A_132 = arith.addi %mul3A_130, %add3A_131 : i32
    %dma_start3A_133 = arith.constant 256 : i32
    %dma_start3A_134 = arith.constant 0 : i32
    %dma_start3A_135 = tpu.memref_slice %arg9[%dma_start3A_133, %dma_start3A_134] : memref<384x128xf32, #tpu.memory_space<vmem>> -> memref<128x128xf32, #tpu.memory_space<vmem>>
    %dma_start3A_136 = arith.constant 0 : i32
    %dma_start3A_137 = tpu.memref_slice %arg10[%add3A_132, %dma_start3A_136] : memref<10112x128xf32, #tpu.memory_space<vmem_shared>> -> memref<128x128xf32, #tpu.memory_space<vmem_shared>>
    %dma_start3A_138 = arith.constant 256 : i32
    %dma_start3A_139 = arith.constant 0 : i32
    %dma_start3A_140 = tpu.memref_slice %arg9[%dma_start3A_138, %dma_start3A_139] : memref<384x128xf32, #tpu.memory_space<vmem>> -> memref<128x128xf32, #tpu.memory_space<vmem>>
    %dma_start3A_141 = arith.constant 0 : i32
    %dma_start3A_142 = tpu.memref_slice %arg10[%add3A_132, %dma_start3A_141] : memref<10112x128xf32, #tpu.memory_space<vmem_shared>> -> memref<128x128xf32, #tpu.memory_space<vmem_shared>>
    tpu.enqueue_dma source(%dma_start3A_142 : memref<128x128xf32, #tpu.memory_space<vmem_shared>>) target(%dma_start3A_140 : memref<128x128xf32, #tpu.memory_space<vmem>>) target_semaphore(%arg13 : memref<!tpu.dma_semaphore, #tpu.memory_space<semaphore_mem>>)
    %dma_wait3A_143 = arith.constant 128 : i32
    %dma_wait3A_144 = arith.constant 0 : i32
    %dma_wait3A_145 = tpu.memref_slice %arg9[%dma_wait3A_143, %dma_wait3A_144] : memref<384x128xf32, #tpu.memory_space<vmem>> -> memref<128x128xf32, #tpu.memory_space<vmem>>
    %dma_wait3A_146 = arith.constant 0 : i32
    %dma_wait3A_147 = arith.constant 0 : i32
    %dma_wait3A_148 = tpu.memref_slice %arg5[%dma_wait3A_146, %dma_wait3A_147] : memref<128x128xf32, #tpu.memory_space<hbm>> -> memref<128x128xf32, #tpu.memory_space<hbm>>
    %dma_wait3A_149 = arith.constant 128 : i32
    %dma_wait3A_150 = arith.constant 0 : i32
    %dma_wait3A_151 = tpu.memref_slice %arg9[%dma_wait3A_149, %dma_wait3A_150] : memref<384x128xf32, #tpu.memory_space<vmem>> -> memref<128x128xf32, #tpu.memory_space<vmem>>
    %dma_wait3A_152 = arith.constant 0 : i32
    %dma_wait3A_153 = arith.constant 0 : i32
    %dma_wait3A_154 = tpu.memref_slice %arg5[%dma_wait3A_152, %dma_wait3A_153] : memref<128x128xf32, #tpu.memory_space<hbm>> -> memref<128x128xf32, #tpu.memory_space<hbm>>
    tpu.wait_dma2 semaphore(%arg12 : memref<!tpu.dma_semaphore, #tpu.memory_space<semaphore_mem>>) src(%dma_wait3A_154 : memref<128x128xf32, #tpu.memory_space<hbm>>) dst(%dma_wait3A_151 : memref<128x128xf32, #tpu.memory_space<vmem>>)
    %mul3A_155 = arith.constant 10112 : i32
    %mul3A_156 = arith.muli %arg0, %mul3A_155 : i32
    %mul3A_157 = arith.constant 632 : i32
    %mul3A_158 = arith.muli %arg1, %mul3A_157 : i32
    %add3A_159 = arith.addi %mul3A_156, %mul3A_158 : i32
    %add3A_160 = arith.constant 128 : i32
    %add3A_161 = arith.addi %add3A_159, %add3A_160 : i32
    %dma_start3A_162 = arith.constant 128 : i32
    %dma_start3A_163 = arith.constant 0 : i32
    %dma_start3A_164 = tpu.memref_slice %arg9[%dma_start3A_162, %dma_start3A_163] : memref<384x128xf32, #tpu.memory_space<vmem>> -> memref<128x128xf32, #tpu.memory_space<vmem>>
    %dma_start3A_165 = arith.constant 0 : i32
    %dma_start3A_166 = tpu.memref_slice %arg6[%add3A_161, %dma_start3A_165] : memref<20224x128xf32, #tpu.memory_space<hbm>> -> memref<128x128xf32, #tpu.memory_space<hbm>>
    %dma_start3A_167 = arith.constant 0 : i32
    %dma_start3A_168 = tpu.memref_slice %arg6[%add3A_161, %dma_start3A_167] : memref<20224x128xf32, #tpu.memory_space<hbm>> -> memref<128x128xf32, #tpu.memory_space<hbm>>
    %dma_start3A_169 = arith.constant 128 : i32
    %dma_start3A_170 = arith.constant 0 : i32
    %dma_start3A_171 = tpu.memref_slice %arg9[%dma_start3A_169, %dma_start3A_170] : memref<384x128xf32, #tpu.memory_space<vmem>> -> memref<128x128xf32, #tpu.memory_space<vmem>>
    tpu.enqueue_dma source(%dma_start3A_171 : memref<128x128xf32, #tpu.memory_space<vmem>>) target(%dma_start3A_168 : memref<128x128xf32, #tpu.memory_space<hbm>>) target_semaphore(%arg15 : memref<!tpu.dma_semaphore, #tpu.memory_space<semaphore_mem>>)
    %dma_wait3A_172 = arith.constant 0 : i32
    %dma_wait3A_173 = arith.constant 0 : i32
    %dma_wait3A_174 = tpu.memref_slice %arg9[%dma_wait3A_172, %dma_wait3A_173] : memref<384x128xf32, #tpu.memory_space<vmem>> -> memref<128x128xf32, #tpu.memory_space<vmem>>
    %dma_wait3A_175 = arith.constant 0 : i32
    %dma_wait3A_176 = arith.constant 0 : i32
    %dma_wait3A_177 = tpu.memref_slice %arg5[%dma_wait3A_175, %dma_wait3A_176] : memref<128x128xf32, #tpu.memory_space<hbm>> -> memref<128x128xf32, #tpu.memory_space<hbm>>
    %dma_wait3A_178 = arith.constant 0 : i32
    %dma_wait3A_179 = arith.constant 0 : i32
    %dma_wait3A_180 = tpu.memref_slice %arg9[%dma_wait3A_178, %dma_wait3A_179] : memref<384x128xf32, #tpu.memory_space<vmem>> -> memref<128x128xf32, #tpu.memory_space<vmem>>
    %dma_wait3A_181 = arith.constant 0 : i32
    %dma_wait3A_182 = arith.constant 0 : i32
    %dma_wait3A_183 = tpu.memref_slice %arg5[%dma_wait3A_181, %dma_wait3A_182] : memref<128x128xf32, #tpu.memory_space<hbm>> -> memref<128x128xf32, #tpu.memory_space<hbm>>
    tpu.wait_dma2 semaphore(%arg14 : memref<!tpu.dma_semaphore, #tpu.memory_space<semaphore_mem>>) src(%dma_wait3A_183 : memref<128x128xf32, #tpu.memory_space<hbm>>) dst(%dma_wait3A_180 : memref<128x128xf32, #tpu.memory_space<vmem>>)
    %mul3A_184 = arith.constant 632 : i32
    %mul3A_185 = arith.muli %arg1, %mul3A_184 : i32
    %add3A_186 = arith.constant 384 : i32
    %add3A_187 = arith.addi %mul3A_185, %add3A_186 : i32
    %dma_start3A_188 = arith.constant 0 : i32
    %dma_start3A_189 = arith.constant 0 : i32
    %dma_start3A_190 = tpu.memref_slice %arg9[%dma_start3A_188, %dma_start3A_189] : memref<384x128xf32, #tpu.memory_space<vmem>> -> memref<128x128xf32, #tpu.memory_space<vmem>>
    %dma_start3A_191 = arith.constant 0 : i32
    %dma_start3A_192 = tpu.memref_slice %arg10[%add3A_187, %dma_start3A_191] : memref<10112x128xf32, #tpu.memory_space<vmem_shared>> -> memref<128x128xf32, #tpu.memory_space<vmem_shared>>
    %dma_start3A_193 = arith.constant 0 : i32
    %dma_start3A_194 = arith.constant 0 : i32
    %dma_start3A_195 = tpu.memref_slice %arg9[%dma_start3A_193, %dma_start3A_194] : memref<384x128xf32, #tpu.memory_space<vmem>> -> memref<128x128xf32, #tpu.memory_space<vmem>>
    %dma_start3A_196 = arith.constant 0 : i32
    %dma_start3A_197 = tpu.memref_slice %arg10[%add3A_187, %dma_start3A_196] : memref<10112x128xf32, #tpu.memory_space<vmem_shared>> -> memref<128x128xf32, #tpu.memory_space<vmem_shared>>
    tpu.enqueue_dma source(%dma_start3A_197 : memref<128x128xf32, #tpu.memory_space<vmem_shared>>) target(%dma_start3A_195 : memref<128x128xf32, #tpu.memory_space<vmem>>) target_semaphore(%arg11 : memref<!tpu.dma_semaphore, #tpu.memory_space<semaphore_mem>>)
    %dma_wait3A_198 = arith.constant 256 : i32
    %dma_wait3A_199 = arith.constant 0 : i32
    %dma_wait3A_200 = tpu.memref_slice %arg9[%dma_wait3A_198, %dma_wait3A_199] : memref<384x128xf32, #tpu.memory_space<vmem>> -> memref<128x128xf32, #tpu.memory_space<vmem>>
    %dma_wait3A_201 = arith.constant 0 : i32
    %dma_wait3A_202 = arith.constant 0 : i32
    %dma_wait3A_203 = tpu.memref_slice %arg5[%dma_wait3A_201, %dma_wait3A_202] : memref<128x128xf32, #tpu.memory_space<hbm>> -> memref<128x128xf32, #tpu.memory_space<hbm>>
    %dma_wait3A_204 = arith.constant 256 : i32
    %dma_wait3A_205 = arith.constant 0 : i32
    %dma_wait3A_206 = tpu.memref_slice %arg9[%dma_wait3A_204, %dma_wait3A_205] : memref<384x128xf32, #tpu.memory_space<vmem>> -> memref<128x128xf32, #tpu.memory_space<vmem>>
    %dma_wait3A_207 = arith.constant 0 : i32
    %dma_wait3A_208 = arith.constant 0 : i32
    %dma_wait3A_209 = tpu.memref_slice %arg5[%dma_wait3A_207, %dma_wait3A_208] : memref<128x128xf32, #tpu.memory_space<hbm>> -> memref<128x128xf32, #tpu.memory_space<hbm>>
    tpu.wait_dma2 semaphore(%arg13 : memref<!tpu.dma_semaphore, #tpu.memory_space<semaphore_mem>>) src(%dma_wait3A_209 : memref<128x128xf32, #tpu.memory_space<hbm>>) dst(%dma_wait3A_206 : memref<128x128xf32, #tpu.memory_space<vmem>>)
    %mul3A_210 = arith.constant 10112 : i32
    %mul3A_211 = arith.muli %arg0, %mul3A_210 : i32
    %mul3A_212 = arith.constant 632 : i32
    %mul3A_213 = arith.muli %arg1, %mul3A_212 : i32
    %add3A_214 = arith.addi %mul3A_211, %mul3A_213 : i32
    %add3A_215 = arith.constant 256 : i32
    %add3A_216 = arith.addi %add3A_214, %add3A_215 : i32
    %dma_start3A_217 = arith.constant 256 : i32
    %dma_start3A_218 = arith.constant 0 : i32
    %dma_start3A_219 = tpu.memref_slice %arg9[%dma_start3A_217, %dma_start3A_218] : memref<384x128xf32, #tpu.memory_space<vmem>> -> memref<128x128xf32, #tpu.memory_space<vmem>>
    %dma_start3A_220 = arith.constant 0 : i32
    %dma_start3A_221 = tpu.memref_slice %arg6[%add3A_216, %dma_start3A_220] : memref<20224x128xf32, #tpu.memory_space<hbm>> -> memref<128x128xf32, #tpu.memory_space<hbm>>
    %dma_start3A_222 = arith.constant 0 : i32
    %dma_start3A_223 = tpu.memref_slice %arg6[%add3A_216, %dma_start3A_222] : memref<20224x128xf32, #tpu.memory_space<hbm>> -> memref<128x128xf32, #tpu.memory_space<hbm>>
    %dma_start3A_224 = arith.constant 256 : i32
    %dma_start3A_225 = arith.constant 0 : i32
    %dma_start3A_226 = tpu.memref_slice %arg9[%dma_start3A_224, %dma_start3A_225] : memref<384x128xf32, #tpu.memory_space<vmem>> -> memref<128x128xf32, #tpu.memory_space<vmem>>
    tpu.enqueue_dma source(%dma_start3A_226 : memref<128x128xf32, #tpu.memory_space<vmem>>) target(%dma_start3A_223 : memref<128x128xf32, #tpu.memory_space<hbm>>) target_semaphore(%arg16 : memref<!tpu.dma_semaphore, #tpu.memory_space<semaphore_mem>>)
    %dma_wait3A_227 = arith.constant 128 : i32
    %dma_wait3A_228 = arith.constant 0 : i32
    %dma_wait3A_229 = tpu.memref_slice %arg9[%dma_wait3A_227, %dma_wait3A_228] : memref<384x128xf32, #tpu.memory_space<vmem>> -> memref<128x128xf32, #tpu.memory_space<vmem>>
    %dma_wait3A_230 = arith.constant 0 : i32
    %dma_wait3A_231 = arith.constant 0 : i32
    %dma_wait3A_232 = tpu.memref_slice %arg5[%dma_wait3A_230, %dma_wait3A_231] : memref<128x128xf32, #tpu.memory_space<hbm>> -> memref<128x128xf32, #tpu.memory_space<hbm>>
    %dma_wait3A_233 = arith.constant 128 : i32
    %dma_wait3A_234 = arith.constant 0 : i32
    %dma_wait3A_235 = tpu.memref_slice %arg9[%dma_wait3A_233, %dma_wait3A_234] : memref<384x128xf32, #tpu.memory_space<vmem>> -> memref<128x128xf32, #tpu.memory_space<vmem>>
    %dma_wait3A_236 = arith.constant 0 : i32
    %dma_wait3A_237 = arith.constant 0 : i32
    %dma_wait3A_238 = tpu.memref_slice %arg5[%dma_wait3A_236, %dma_wait3A_237] : memref<128x128xf32, #tpu.memory_space<hbm>> -> memref<128x128xf32, #tpu.memory_space<hbm>>
    tpu.wait_dma2 semaphore(%arg15 : memref<!tpu.dma_semaphore, #tpu.memory_space<semaphore_mem>>) src(%dma_wait3A_238 : memref<128x128xf32, #tpu.memory_space<hbm>>) dst(%dma_wait3A_235 : memref<128x128xf32, #tpu.memory_space<vmem>>)
    %mul3A_239 = arith.constant 632 : i32
    %mul3A_240 = arith.muli %arg1, %mul3A_239 : i32
    %add3A_241 = arith.constant 512 : i32
    %add3A_242 = arith.addi %mul3A_240, %add3A_241 : i32
    %dma_start3A_243 = arith.constant 128 : i32
    %dma_start3A_244 = arith.constant 0 : i32
    %dma_start3A_245 = tpu.memref_slice %arg9[%dma_start3A_243, %dma_start3A_244] : memref<384x128xf32, #tpu.memory_space<vmem>> -> memref<120x128xf32, #tpu.memory_space<vmem>>
    %dma_start3A_246 = arith.constant 0 : i32
    %dma_start3A_247 = tpu.memref_slice %arg10[%add3A_242, %dma_start3A_246] : memref<10112x128xf32, #tpu.memory_space<vmem_shared>> -> memref<120x128xf32, #tpu.memory_space<vmem_shared>>
    %dma_start3A_248 = arith.constant 128 : i32
    %dma_start3A_249 = arith.constant 0 : i32
    %dma_start3A_250 = tpu.memref_slice %arg9[%dma_start3A_248, %dma_start3A_249] : memref<384x128xf32, #tpu.memory_space<vmem>> -> memref<120x128xf32, #tpu.memory_space<vmem>>
    %dma_start3A_251 = arith.constant 0 : i32
    %dma_start3A_252 = tpu.memref_slice %arg10[%add3A_242, %dma_start3A_251] : memref<10112x128xf32, #tpu.memory_space<vmem_shared>> -> memref<120x128xf32, #tpu.memory_space<vmem_shared>>
    tpu.enqueue_dma source(%dma_start3A_252 : memref<120x128xf32, #tpu.memory_space<vmem_shared>>) target(%dma_start3A_250 : memref<120x128xf32, #tpu.memory_space<vmem>>) target_semaphore(%arg12 : memref<!tpu.dma_semaphore, #tpu.memory_space<semaphore_mem>>)
    %dma_wait3A_253 = arith.constant 0 : i32
    %dma_wait3A_254 = arith.constant 0 : i32
    %dma_wait3A_255 = tpu.memref_slice %arg9[%dma_wait3A_253, %dma_wait3A_254] : memref<384x128xf32, #tpu.memory_space<vmem>> -> memref<128x128xf32, #tpu.memory_space<vmem>>
    %dma_wait3A_256 = arith.constant 0 : i32
    %dma_wait3A_257 = arith.constant 0 : i32
    %dma_wait3A_258 = tpu.memref_slice %arg5[%dma_wait3A_256, %dma_wait3A_257] : memref<128x128xf32, #tpu.memory_space<hbm>> -> memref<128x128xf32, #tpu.memory_space<hbm>>
    %dma_wait3A_259 = arith.constant 0 : i32
    %dma_wait3A_260 = arith.constant 0 : i32
    %dma_wait3A_261 = tpu.memref_slice %arg9[%dma_wait3A_259, %dma_wait3A_260] : memref<384x128xf32, #tpu.memory_space<vmem>> -> memref<128x128xf32, #tpu.memory_space<vmem>>
    %dma_wait3A_262 = arith.constant 0 : i32
    %dma_wait3A_263 = arith.constant 0 : i32
    %dma_wait3A_264 = tpu.memref_slice %arg5[%dma_wait3A_262, %dma_wait3A_263] : memref<128x128xf32, #tpu.memory_space<hbm>> -> memref<128x128xf32, #tpu.memory_space<hbm>>
    tpu.wait_dma2 semaphore(%arg11 : memref<!tpu.dma_semaphore, #tpu.memory_space<semaphore_mem>>) src(%dma_wait3A_264 : memref<128x128xf32, #tpu.memory_space<hbm>>) dst(%dma_wait3A_261 : memref<128x128xf32, #tpu.memory_space<vmem>>)
    %mul3A_265 = arith.constant 10112 : i32
    %mul3A_266 = arith.muli %arg0, %mul3A_265 : i32
    %mul3A_267 = arith.constant 632 : i32
    %mul3A_268 = arith.muli %arg1, %mul3A_267 : i32
    %add3A_269 = arith.addi %mul3A_266, %mul3A_268 : i32
    %add3A_270 = arith.constant 384 : i32
    %add3A_271 = arith.addi %add3A_269, %add3A_270 : i32
    %dma_start3A_272 = arith.constant 0 : i32
    %dma_start3A_273 = arith.constant 0 : i32
    %dma_start3A_274 = tpu.memref_slice %arg9[%dma_start3A_272, %dma_start3A_273] : memref<384x128xf32, #tpu.memory_space<vmem>> -> memref<128x128xf32, #tpu.memory_space<vmem>>
    %dma_start3A_275 = arith.constant 0 : i32
    %dma_start3A_276 = tpu.memref_slice %arg6[%add3A_271, %dma_start3A_275] : memref<20224x128xf32, #tpu.memory_space<hbm>> -> memref<128x128xf32, #tpu.memory_space<hbm>>
    %dma_start3A_277 = arith.constant 0 : i32
    %dma_start3A_278 = tpu.memref_slice %arg6[%add3A_271, %dma_start3A_277] : memref<20224x128xf32, #tpu.memory_space<hbm>> -> memref<128x128xf32, #tpu.memory_space<hbm>>
    %dma_start3A_279 = arith.constant 0 : i32
    %dma_start3A_280 = arith.constant 0 : i32
    %dma_start3A_281 = tpu.memref_slice %arg9[%dma_start3A_279, %dma_start3A_280] : memref<384x128xf32, #tpu.memory_space<vmem>> -> memref<128x128xf32, #tpu.memory_space<vmem>>
    tpu.enqueue_dma source(%dma_start3A_281 : memref<128x128xf32, #tpu.memory_space<vmem>>) target(%dma_start3A_278 : memref<128x128xf32, #tpu.memory_space<hbm>>) target_semaphore(%arg14 : memref<!tpu.dma_semaphore, #tpu.memory_space<semaphore_mem>>)
    %dma_wait3A_282 = arith.constant 128 : i32
    %dma_wait3A_283 = arith.constant 0 : i32
    %dma_wait3A_284 = tpu.memref_slice %arg9[%dma_wait3A_282, %dma_wait3A_283] : memref<384x128xf32, #tpu.memory_space<vmem>> -> memref<120x128xf32, #tpu.memory_space<vmem>>
    %dma_wait3A_285 = arith.constant 0 : i32
    %dma_wait3A_286 = arith.constant 0 : i32
    %dma_wait3A_287 = tpu.memref_slice %arg5[%dma_wait3A_285, %dma_wait3A_286] : memref<128x128xf32, #tpu.memory_space<hbm>> -> memref<120x128xf32, #tpu.memory_space<hbm>>
    %dma_wait3A_288 = arith.constant 128 : i32
    %dma_wait3A_289 = arith.constant 0 : i32
    %dma_wait3A_290 = tpu.memref_slice %arg9[%dma_wait3A_288, %dma_wait3A_289] : memref<384x128xf32, #tpu.memory_space<vmem>> -> memref<120x128xf32, #tpu.memory_space<vmem>>
    %dma_wait3A_291 = arith.constant 0 : i32
    %dma_wait3A_292 = arith.constant 0 : i32
    %dma_wait3A_293 = tpu.memref_slice %arg5[%dma_wait3A_291, %dma_wait3A_292] : memref<128x128xf32, #tpu.memory_space<hbm>> -> memref<120x128xf32, #tpu.memory_space<hbm>>
    tpu.wait_dma2 semaphore(%arg12 : memref<!tpu.dma_semaphore, #tpu.memory_space<semaphore_mem>>) src(%dma_wait3A_293 : memref<120x128xf32, #tpu.memory_space<hbm>>) dst(%dma_wait3A_290 : memref<120x128xf32, #tpu.memory_space<vmem>>)
    %mul3A_294 = arith.constant 10112 : i32
    %mul3A_295 = arith.muli %arg0, %mul3A_294 : i32
    %mul3A_296 = arith.constant 632 : i32
    %mul3A_297 = arith.muli %arg1, %mul3A_296 : i32
    %add3A_298 = arith.addi %mul3A_295, %mul3A_297 : i32
    %add3A_299 = arith.constant 512 : i32
    %add3A_300 = arith.addi %add3A_298, %add3A_299 : i32
    %dma_start3A_301 = arith.constant 128 : i32
    %dma_start3A_302 = arith.constant 0 : i32
    %dma_start3A_303 = tpu.memref_slice %arg9[%dma_start3A_301, %dma_start3A_302] : memref<384x128xf32, #tpu.memory_space<vmem>> -> memref<120x128xf32, #tpu.memory_space<vmem>>
    %dma_start3A_304 = arith.constant 0 : i32
    %dma_start3A_305 = tpu.memref_slice %arg6[%add3A_300, %dma_start3A_304] : memref<20224x128xf32, #tpu.memory_space<hbm>> -> memref<120x128xf32, #tpu.memory_space<hbm>>
    %dma_start3A_306 = arith.constant 0 : i32
    %dma_start3A_307 = tpu.memref_slice %arg6[%add3A_300, %dma_start3A_306] : memref<20224x128xf32, #tpu.memory_space<hbm>> -> memref<120x128xf32, #tpu.memory_space<hbm>>
    %dma_start3A_308 = arith.constant 128 : i32
    %dma_start3A_309 = arith.constant 0 : i32
    %dma_start3A_310 = tpu.memref_slice %arg9[%dma_start3A_308, %dma_start3A_309] : memref<384x128xf32, #tpu.memory_space<vmem>> -> memref<120x128xf32, #tpu.memory_space<vmem>>
    tpu.enqueue_dma source(%dma_start3A_310 : memref<120x128xf32, #tpu.memory_space<vmem>>) target(%dma_start3A_307 : memref<120x128xf32, #tpu.memory_space<hbm>>) target_semaphore(%arg15 : memref<!tpu.dma_semaphore, #tpu.memory_space<semaphore_mem>>)
    %dma_wait3A_311 = arith.constant 256 : i32
    %dma_wait3A_312 = arith.constant 0 : i32
    %dma_wait3A_313 = tpu.memref_slice %arg9[%dma_wait3A_311, %dma_wait3A_312] : memref<384x128xf32, #tpu.memory_space<vmem>> -> memref<128x128xf32, #tpu.memory_space<vmem>>
    %dma_wait3A_314 = arith.constant 0 : i32
    %dma_wait3A_315 = arith.constant 0 : i32
    %dma_wait3A_316 = tpu.memref_slice %arg5[%dma_wait3A_314, %dma_wait3A_315] : memref<128x128xf32, #tpu.memory_space<hbm>> -> memref<128x128xf32, #tpu.memory_space<hbm>>
    %dma_wait3A_317 = arith.constant 256 : i32
    %dma_wait3A_318 = arith.constant 0 : i32
    %dma_wait3A_319 = tpu.memref_slice %arg9[%dma_wait3A_317, %dma_wait3A_318] : memref<384x128xf32, #tpu.memory_space<vmem>> -> memref<128x128xf32, #tpu.memory_space<vmem>>
    %dma_wait3A_320 = arith.constant 0 : i32
    %dma_wait3A_321 = arith.constant 0 : i32
    %dma_wait3A_322 = tpu.memref_slice %arg5[%dma_wait3A_320, %dma_wait3A_321] : memref<128x128xf32, #tpu.memory_space<hbm>> -> memref<128x128xf32, #tpu.memory_space<hbm>>
    tpu.wait_dma2 semaphore(%arg16 : memref<!tpu.dma_semaphore, #tpu.memory_space<semaphore_mem>>) src(%dma_wait3A_322 : memref<128x128xf32, #tpu.memory_space<hbm>>) dst(%dma_wait3A_319 : memref<128x128xf32, #tpu.memory_space<vmem>>)
    %dma_wait3A_323 = arith.constant 0 : i32
    %dma_wait3A_324 = arith.constant 0 : i32
    %dma_wait3A_325 = tpu.memref_slice %arg9[%dma_wait3A_323, %dma_wait3A_324] : memref<384x128xf32, #tpu.memory_space<vmem>> -> memref<128x128xf32, #tpu.memory_space<vmem>>
    %dma_wait3A_326 = arith.constant 0 : i32
    %dma_wait3A_327 = arith.constant 0 : i32
    %dma_wait3A_328 = tpu.memref_slice %arg5[%dma_wait3A_326, %dma_wait3A_327] : memref<128x128xf32, #tpu.memory_space<hbm>> -> memref<128x128xf32, #tpu.memory_space<hbm>>
    %dma_wait3A_329 = arith.constant 0 : i32
    %dma_wait3A_330 = arith.constant 0 : i32
    %dma_wait3A_331 = tpu.memref_slice %arg9[%dma_wait3A_329, %dma_wait3A_330] : memref<384x128xf32, #tpu.memory_space<vmem>> -> memref<128x128xf32, #tpu.memory_space<vmem>>
    %dma_wait3A_332 = arith.constant 0 : i32
    %dma_wait3A_333 = arith.constant 0 : i32
    %dma_wait3A_334 = tpu.memref_slice %arg5[%dma_wait3A_332, %dma_wait3A_333] : memref<128x128xf32, #tpu.memory_space<hbm>> -> memref<128x128xf32, #tpu.memory_space<hbm>>
    tpu.wait_dma2 semaphore(%arg14 : memref<!tpu.dma_semaphore, #tpu.memory_space<semaphore_mem>>) src(%dma_wait3A_334 : memref<128x128xf32, #tpu.memory_space<hbm>>) dst(%dma_wait3A_331 : memref<128x128xf32, #tpu.memory_space<vmem>>)
    %dma_wait3A_335 = arith.constant 128 : i32
    %dma_wait3A_336 = arith.constant 0 : i32
    %dma_wait3A_337 = tpu.memref_slice %arg9[%dma_wait3A_335, %dma_wait3A_336] : memref<384x128xf32, #tpu.memory_space<vmem>> -> memref<120x128xf32, #tpu.memory_space<vmem>>
    %dma_wait3A_338 = arith.constant 0 : i32
    %dma_wait3A_339 = arith.constant 0 : i32
    %dma_wait3A_340 = tpu.memref_slice %arg5[%dma_wait3A_338, %dma_wait3A_339] : memref<128x128xf32, #tpu.memory_space<hbm>> -> memref<120x128xf32, #tpu.memory_space<hbm>>
    %dma_wait3A_341 = arith.constant 128 : i32
    %dma_wait3A_342 = arith.constant 0 : i32
    %dma_wait3A_343 = tpu.memref_slice %arg9[%dma_wait3A_341, %dma_wait3A_342] : memref<384x128xf32, #tpu.memory_space<vmem>> -> memref<120x128xf32, #tpu.memory_space<vmem>>
    %dma_wait3A_344 = arith.constant 0 : i32
    %dma_wait3A_345 = arith.constant 0 : i32
    %dma_wait3A_346 = tpu.memref_slice %arg5[%dma_wait3A_344, %dma_wait3A_345] : memref<128x128xf32, #tpu.memory_space<hbm>> -> memref<120x128xf32, #tpu.memory_space<hbm>>
    tpu.wait_dma2 semaphore(%arg15 : memref<!tpu.dma_semaphore, #tpu.memory_space<semaphore_mem>>) src(%dma_wait3A_346 : memref<120x128xf32, #tpu.memory_space<hbm>>) dst(%dma_wait3A_343 : memref<120x128xf32, #tpu.memory_space<vmem>>)
    return
  }
}

module attributes {stable_mosaic.version = 14 : i64} {
  func.func @_t0a_body(%arg0: i32, %arg1: memref<400x128xf32, #tpu.memory_space<vmem>>, %arg2: memref<128x128xf32, #tpu.memory_space<vmem>>, %arg3: memref<1x128xf32, #tpu.memory_space<vmem>>, %arg4: memref<400x128xf32, #tpu.memory_space<vmem>>) attributes {dimension_semantics = [#tpu.dimension_semantics<arbitrary>], iteration_bounds = array<i64: 25>, scalar_prefetch = 0 : i64, scratch_operands = 0 : i64, tpu.core_type = #tpu.core_type<tc>, window_params = [{transform_indices = @transform_0, window_bounds = array<i64: 400, 128>}, {pipeline_mode = #tpu.pipeline_mode<synchronous>, transform_indices = @transform_1, window_bounds = array<i64: 128, 128>}, {pipeline_mode = #tpu.pipeline_mode<synchronous>, transform_indices = @transform_2, window_bounds = array<i64: 1, 128>}, {transform_indices = @transform_3, window_bounds = array<i64: 400, 128>}]} {
    %get3A = arith.constant 0 : index
    %get3A_0 = arith.constant 0 : index
    %get3A_1 = vector.load %arg1[%get3A, %get3A_0] : memref<400x128xf32, #tpu.memory_space<vmem>>, vector<400x128xf32>
    %get3A_2 = arith.constant 0 : index
    %get3A_3 = arith.constant 0 : index
    %get3A_4 = vector.load %arg2[%get3A_2, %get3A_3] : memref<128x128xf32, #tpu.memory_space<vmem>>, vector<128x128xf32>
    %dot_general3A = arith.constant dense<0.000000e+00> : vector<400x128xf32>
    %dot_general3A_5 = tpu.matmul %get3A_1, %get3A_4, %dot_general3A {dimension_numbers = #tpu.dot_dimension_numbers<[1], [0], [0], [1], [0, 0, 1, 1], [], []>, transpose_lhs_hint = false} : vector<400x128xf32>, vector<128x128xf32>, vector<400x128xf32> -> vector<400x128xf32>
    %get3A_6 = arith.constant 0 : index
    %get3A_7 = arith.constant 0 : index
    %get3A_8 = vector.load %arg3[%get3A_6, %get3A_7] : memref<1x128xf32, #tpu.memory_space<vmem>>, vector<1x128xf32>
    %add3A = vector.broadcast %get3A_8 : vector<1x128xf32> to vector<400x128xf32>
    %add3A_9 = arith.addf %dot_general3A_5, %add3A : vector<400x128xf32>
    %swap3A = arith.constant 0 : index
    %swap3A_10 = arith.constant 0 : index
    %swap3A_11 = vector.load %arg4[%swap3A, %swap3A_10] : memref<400x128xf32, #tpu.memory_space<vmem>>, vector<400x128xf32>
    tpu.vector_store %arg4[%swap3A, %swap3A_10], %add3A_9 {strides = array<i32>} : memref<400x128xf32, #tpu.memory_space<vmem>>, vector<400x128xf32>,
    return
  }
  func.func @transform_0(%arg0: i32) -> (i32, i32) {
    %c0_i32 = arith.constant 0 : i32
    %c0_i32_0 = arith.constant 0 : i32
    return %arg0, %c0_i32 : i32, i32
  }
  func.func @transform_1(%arg0: i32) -> (i32, i32) {
    %c0_i32 = arith.constant 0 : i32
    %c0_i32_0 = arith.constant 0 : i32
    %c0_i32_1 = arith.constant 0 : i32
    return %c0_i32, %c0_i32_0 : i32, i32
  }
  func.func @transform_2(%arg0: i32) -> (i32, i32) {
    %c0_i32 = arith.constant 0 : i32
    %c0_i32_0 = arith.constant 0 : i32
    %c0_i32_1 = arith.constant 0 : i32
    return %c0_i32, %c0_i32_0 : i32, i32
  }
  func.func @transform_3(%arg0: i32) -> (i32, i32) {
    %c0_i32 = arith.constant 0 : i32
    %c0_i32_0 = arith.constant 0 : i32
    return %arg0, %c0_i32 : i32, i32
  }
}

module attributes {stable_mosaic.version = 14 : i64} {
  func.func @_t0b_body(%arg0: i32, %arg1: memref<400x128xf32, #tpu.memory_space<vmem>>, %arg2: memref<128x128xf32, #tpu.memory_space<vmem>>, %arg3: memref<400x128xf32, #tpu.memory_space<vmem>>, %arg4: memref<400x128xf32, #tpu.memory_space<vmem>>) attributes {dimension_semantics = [#tpu.dimension_semantics<arbitrary>], iteration_bounds = array<i64: 25>, scalar_prefetch = 0 : i64, scratch_operands = 0 : i64, tpu.core_type = #tpu.core_type<tc>, window_params = [{transform_indices = @transform_0, window_bounds = array<i64: 400, 128>}, {pipeline_mode = #tpu.pipeline_mode<synchronous>, transform_indices = @transform_1, window_bounds = array<i64: 128, 128>}, {transform_indices = @transform_2, window_bounds = array<i64: 400, 128>}, {transform_indices = @transform_3, window_bounds = array<i64: 400, 128>}]} {
    %get3A = arith.constant 0 : index
    %get3A_0 = arith.constant 0 : index
    %get3A_1 = vector.load %arg1[%get3A, %get3A_0] : memref<400x128xf32, #tpu.memory_space<vmem>>, vector<400x128xf32>
    %get3A_2 = arith.constant 0 : index
    %get3A_3 = arith.constant 0 : index
    %get3A_4 = vector.load %arg2[%get3A_2, %get3A_3] : memref<128x128xf32, #tpu.memory_space<vmem>>, vector<128x128xf32>
    %dot_general3A = arith.constant dense<0.000000e+00> : vector<400x128xf32>
    %dot_general3A_5 = tpu.matmul %get3A_1, %get3A_4, %dot_general3A {dimension_numbers = #tpu.dot_dimension_numbers<[1], [0], [0], [1], [0, 0, 1, 1], [], []>, transpose_lhs_hint = false} : vector<400x128xf32>, vector<128x128xf32>, vector<400x128xf32> -> vector<400x128xf32>
    %get3A_6 = arith.constant 0 : index
    %get3A_7 = arith.constant 0 : index
    %get3A_8 = vector.load %arg3[%get3A_6, %get3A_7] : memref<400x128xf32, #tpu.memory_space<vmem>>, vector<400x128xf32>
    %mul3A = arith.mulf %dot_general3A_5, %get3A_8 : vector<400x128xf32>
    %swap3A = arith.constant 0 : index
    %swap3A_9 = arith.constant 0 : index
    %swap3A_10 = vector.load %arg4[%swap3A, %swap3A_9] : memref<400x128xf32, #tpu.memory_space<vmem>>, vector<400x128xf32>
    tpu.vector_store %arg4[%swap3A, %swap3A_9], %mul3A {strides = array<i32>} : memref<400x128xf32, #tpu.memory_space<vmem>>, vector<400x128xf32>,
    return
  }
  func.func @transform_0(%arg0: i32) -> (i32, i32) {
    %c0_i32 = arith.constant 0 : i32
    %c0_i32_0 = arith.constant 0 : i32
    return %arg0, %c0_i32 : i32, i32
  }
  func.func @transform_1(%arg0: i32) -> (i32, i32) {
    %c0_i32 = arith.constant 0 : i32
    %c0_i32_0 = arith.constant 0 : i32
    %c0_i32_1 = arith.constant 0 : i32
    return %c0_i32, %c0_i32_0 : i32, i32
  }
  func.func @transform_2(%arg0: i32) -> (i32, i32) {
    %c0_i32 = arith.constant 0 : i32
    %c0_i32_0 = arith.constant 0 : i32
    return %arg0, %c0_i32 : i32, i32
  }
  func.func @transform_3(%arg0: i32) -> (i32, i32) {
    %c0_i32 = arith.constant 0 : i32
    %c0_i32_0 = arith.constant 0 : i32
    return %arg0, %c0_i32 : i32, i32
  }
}

module attributes {stable_mosaic.version = 14 : i64} {
  func.func @_mid_body(%arg0: i32, %arg1: memref<2x400x128xf32, #tpu.memory_space<vmem>>, %arg2: memref<400x128xf32, #tpu.memory_space<vmem>>, %arg3: memref<400x128xf32, #tpu.memory_space<vmem>>, %arg4: memref<400x128xf32, #tpu.memory_space<vmem>>, %arg5: memref<1x128xf32, #tpu.memory_space<vmem>>, %arg6: memref<1x128xf32, #tpu.memory_space<vmem>>, %arg7: memref<1x128xf32, #tpu.memory_space<vmem>>, %arg8: memref<128x128xf32, #tpu.memory_space<vmem>>, %arg9: memref<400x128xf32, #tpu.memory_space<vmem>>, %arg10: memref<400x128xf32, #tpu.memory_space<vmem>>) attributes {dimension_semantics = [#tpu.dimension_semantics<arbitrary>], iteration_bounds = array<i64: 25>, scalar_prefetch = 0 : i64, scratch_operands = 0 : i64, tpu.core_type = #tpu.core_type<tc>, window_params = [{transform_indices = @transform_0, window_bounds = array<i64: 2, 400, 128>}, {transform_indices = @transform_1, window_bounds = array<i64: 400, 128>}, {transform_indices = @transform_2, window_bounds = array<i64: 400, 128>}, {transform_indices = @transform_3, window_bounds = array<i64: 400, 128>}, {pipeline_mode = #tpu.pipeline_mode<synchronous>, transform_indices = @transform_4, window_bounds = array<i64: 1, 128>}, {pipeline_mode = #tpu.pipeline_mode<synchronous>, transform_indices = @transform_5, window_bounds = array<i64: 1, 128>}, {pipeline_mode = #tpu.pipeline_mode<synchronous>, transform_indices = @transform_6, window_bounds = array<i64: 1, 128>}, {pipeline_mode = #tpu.pipeline_mode<synchronous>, transform_indices = @transform_7, window_bounds = array<i64: 128, 128>}, {transform_indices = @transform_8, window_bounds = array<i64: 400, 128>}, {transform_indices = @transform_9, window_bounds = array<i64: 400, 128>}]} {
    %get3A = arith.constant 0 : index
    %get3A_0 = arith.constant 0 : index
    %get3A_1 = arith.constant 0 : index
    %get3A_2 = vector.load %arg1[%get3A, %get3A_0, %get3A_1] : memref<2x400x128xf32, #tpu.memory_space<vmem>>, vector<1x400x128xf32>
    %get3A_3 = vector.shape_cast %get3A_2 : vector<1x400x128xf32> to vector<400x128xf32>
    %get3A_4 = arith.constant 1 : index
    %get3A_5 = arith.constant 0 : index
    %get3A_6 = arith.constant 0 : index
    %get3A_7 = vector.load %arg1[%get3A_4, %get3A_5, %get3A_6] : memref<2x400x128xf32, #tpu.memory_space<vmem>>, vector<1x400x128xf32>
    %get3A_8 = vector.shape_cast %get3A_7 : vector<1x400x128xf32> to vector<400x128xf32>
    %add3A = arith.addf %get3A_3, %get3A_8 : vector<400x128xf32>
    %get3A_9 = arith.constant 0 : index
    %get3A_10 = arith.constant 0 : index
    %get3A_11 = vector.load %arg2[%get3A_9, %get3A_10] : memref<400x128xf32, #tpu.memory_space<vmem>>, vector<400x128xf32>
    %add3A_12 = arith.addf %add3A, %get3A_11 : vector<400x128xf32>
    %get3A_13 = arith.constant 0 : index
    %get3A_14 = arith.constant 0 : index
    %get3A_15 = vector.load %arg4[%get3A_13, %get3A_14] : memref<400x128xf32, #tpu.memory_space<vmem>>, vector<400x128xf32>
    %mul3A = arith.mulf %get3A_15, %add3A_12 : vector<400x128xf32>
    %get3A_16 = arith.constant 0 : index
    %get3A_17 = arith.constant 0 : index
    %get3A_18 = vector.load %arg5[%get3A_16, %get3A_17] : memref<1x128xf32, #tpu.memory_space<vmem>>, vector<1x128xf32>
    %add3A_19 = vector.broadcast %get3A_18 : vector<1x128xf32> to vector<400x128xf32>
    %add3A_20 = arith.addf %mul3A, %add3A_19 : vector<400x128xf32>
    %get3A_21 = arith.constant 0 : index
    %get3A_22 = arith.constant 0 : index
    %get3A_23 = vector.load %arg6[%get3A_21, %get3A_22] : memref<1x128xf32, #tpu.memory_space<vmem>>, vector<1x128xf32>
    %mul3A_24 = arith.constant 0.999994993 : f32
    %mul3A_25 = vector.broadcast %mul3A_24 : f32 to vector<400x128xf32>
    %mul3A_26 = arith.mulf %add3A_20, %mul3A_25 : vector<400x128xf32>
    %mul3A_27 = vector.broadcast %get3A_23 : vector<1x128xf32> to vector<400x128xf32>
    %mul3A_28 = arith.mulf %mul3A_27, %mul3A_26 : vector<400x128xf32>
    %get3A_29 = arith.constant 0 : index
    %get3A_30 = arith.constant 0 : index
    %get3A_31 = vector.load %arg7[%get3A_29, %get3A_30] : memref<1x128xf32, #tpu.memory_space<vmem>>, vector<1x128xf32>
    %add3A_32 = vector.broadcast %get3A_31 : vector<1x128xf32> to vector<400x128xf32>
    %add3A_33 = arith.addf %mul3A_28, %add3A_32 : vector<400x128xf32>
    %max3A = arith.constant 0.000000e+00 : f32
    %max3A_34 = vector.broadcast %max3A : f32 to vector<400x128xf32>
    %max3A_35 = arith.maximumf %add3A_33, %max3A_34 : vector<400x128xf32>
    %get3A_36 = arith.constant 0 : index
    %get3A_37 = arith.constant 0 : index
    %get3A_38 = vector.load %arg3[%get3A_36, %get3A_37] : memref<400x128xf32, #tpu.memory_space<vmem>>, vector<400x128xf32>
    %add3A_39 = arith.addf %max3A_35, %get3A_38 : vector<400x128xf32>
    %swap3A = arith.constant 0 : index
    %swap3A_40 = arith.constant 0 : index
    %swap3A_41 = vector.load %arg9[%swap3A, %swap3A_40] : memref<400x128xf32, #tpu.memory_space<vmem>>, vector<400x128xf32>
    tpu.vector_store %arg9[%swap3A, %swap3A_40], %add3A_39 {strides = array<i32>} : memref<400x128xf32, #tpu.memory_space<vmem>>, vector<400x128xf32>,
    %get3A_42 = arith.constant 0 : index
    %get3A_43 = arith.constant 0 : index
    %get3A_44 = vector.load %arg8[%get3A_42, %get3A_43] : memref<128x128xf32, #tpu.memory_space<vmem>>, vector<128x128xf32>
    %dot_general3A = arith.constant dense<0.000000e+00> : vector<400x128xf32>
    %dot_general3A_45 = tpu.matmul %add3A_39, %get3A_44, %dot_general3A {dimension_numbers = #tpu.dot_dimension_numbers<[1], [0], [0], [1], [0, 0, 1, 1], [], []>, transpose_lhs_hint = false} : vector<400x128xf32>, vector<128x128xf32>, vector<400x128xf32> -> vector<400x128xf32>
    %get3A_46 = arith.constant 0 : index
    %get3A_47 = arith.constant 0 : index
    %get3A_48 = vector.load %arg4[%get3A_46, %get3A_47] : memref<400x128xf32, #tpu.memory_space<vmem>>, vector<400x128xf32>
    %mul3A_49 = arith.mulf %dot_general3A_45, %get3A_48 : vector<400x128xf32>
    %swap3A_50 = arith.constant 0 : index
    %swap3A_51 = arith.constant 0 : index
    %swap3A_52 = vector.load %arg10[%swap3A_50, %swap3A_51] : memref<400x128xf32, #tpu.memory_space<vmem>>, vector<400x128xf32>
    tpu.vector_store %arg10[%swap3A_50, %swap3A_51], %mul3A_49 {strides = array<i32>} : memref<400x128xf32, #tpu.memory_space<vmem>>, vector<400x128xf32>,
    return
  }
  func.func @transform_0(%arg0: i32) -> (i32, i32, i32) {
    %c0_i32 = arith.constant 0 : i32
    %c0_i32_0 = arith.constant 0 : i32
    %c0_i32_1 = arith.constant 0 : i32
    return %c0_i32, %arg0, %c0_i32_0 : i32, i32, i32
  }
  func.func @transform_1(%arg0: i32) -> (i32, i32) {
    %c0_i32 = arith.constant 0 : i32
    %c0_i32_0 = arith.constant 0 : i32
    return %arg0, %c0_i32 : i32, i32
  }
  func.func @transform_2(%arg0: i32) -> (i32, i32) {
    %c0_i32 = arith.constant 0 : i32
    %c0_i32_0 = arith.constant 0 : i32
    return %arg0, %c0_i32 : i32, i32
  }
  func.func @transform_3(%arg0: i32) -> (i32, i32) {
    %c0_i32 = arith.constant 0 : i32
    %c0_i32_0 = arith.constant 0 : i32
    return %arg0, %c0_i32 : i32, i32
  }
  func.func @transform_4(%arg0: i32) -> (i32, i32) {
    %c0_i32 = arith.constant 0 : i32
    %c0_i32_0 = arith.constant 0 : i32
    %c0_i32_1 = arith.constant 0 : i32
    return %c0_i32, %c0_i32_0 : i32, i32
  }
  func.func @transform_5(%arg0: i32) -> (i32, i32) {
    %c0_i32 = arith.constant 0 : i32
    %c0_i32_0 = arith.constant 0 : i32
    %c0_i32_1 = arith.constant 0 : i32
    return %c0_i32, %c0_i32_0 : i32, i32
  }
  func.func @transform_6(%arg0: i32) -> (i32, i32) {
    %c0_i32 = arith.constant 0 : i32
    %c0_i32_0 = arith.constant 0 : i32
    %c0_i32_1 = arith.constant 0 : i32
    return %c0_i32, %c0_i32_0 : i32, i32
  }
  func.func @transform_7(%arg0: i32) -> (i32, i32) {
    %c0_i32 = arith.constant 0 : i32
    %c0_i32_0 = arith.constant 0 : i32
    %c0_i32_1 = arith.constant 0 : i32
    return %c0_i32, %c0_i32_0 : i32, i32
  }
  func.func @transform_8(%arg0: i32) -> (i32, i32) {
    %c0_i32 = arith.constant 0 : i32
    %c0_i32_0 = arith.constant 0 : i32
    return %arg0, %c0_i32 : i32, i32
  }
  func.func @transform_9(%arg0: i32) -> (i32, i32) {
    %c0_i32 = arith.constant 0 : i32
    %c0_i32_0 = arith.constant 0 : i32
    return %arg0, %c0_i32 : i32, i32
  }
}

module attributes {stable_mosaic.version = 14 : i64} {
  func.func @_fin_body(%arg0: i32, %arg1: memref<2x400x128xf32, #tpu.memory_space<vmem>>, %arg2: memref<400x128xf32, #tpu.memory_space<vmem>>, %arg3: memref<400x128xf32, #tpu.memory_space<vmem>>, %arg4: memref<400x128xf32, #tpu.memory_space<vmem>>, %arg5: memref<1x128xf32, #tpu.memory_space<vmem>>, %arg6: memref<1x128xf32, #tpu.memory_space<vmem>>, %arg7: memref<1x128xf32, #tpu.memory_space<vmem>>, %arg8: memref<128x128xf32, #tpu.memory_space<vmem>>, %arg9: memref<1x128xf32, #tpu.memory_space<vmem>>, %arg10: memref<400x64xf32, #tpu.memory_space<vmem>>, %arg11: memref<64x64xf32, #tpu.memory_space<vmem>>, %arg12: memref<128x128xf32, #tpu.memory_space<vmem>>, %arg13: memref<1x128xf32, #tpu.memory_space<vmem>>, %arg14: memref<128x128xf32, #tpu.memory_space<vmem>>, %arg15: memref<1x128xf32, #tpu.memory_space<vmem>>, %arg16: memref<128x128xf32, #tpu.memory_space<vmem>>, %arg17: memref<128x128xf32, #tpu.memory_space<vmem>>, %arg18: memref<1x128xf32, #tpu.memory_space<vmem>>, %arg19: memref<128x128xf32, #tpu.memory_space<vmem>>, %arg20: memref<1x128xf32, #tpu.memory_space<vmem>>, %arg21: memref<128x128xf32, #tpu.memory_space<vmem>>, %arg22: memref<1x128xf32, #tpu.memory_space<vmem>>, %arg23: memref<400x128xf32, #tpu.memory_space<vmem>>, %arg24: memref<64x128xf32, #tpu.memory_space<vmem>>) attributes {dimension_semantics = [#tpu.dimension_semantics<arbitrary>], iteration_bounds = array<i64: 25>, scalar_prefetch = 0 : i64, scratch_operands = 1 : i64, tpu.core_type = #tpu.core_type<tc>, window_params = [{transform_indices = @transform_0, window_bounds = array<i64: 2, 400, 128>}, {transform_indices = @transform_1, window_bounds = array<i64: 400, 128>}, {transform_indices = @transform_2, window_bounds = array<i64: 400, 128>}, {transform_indices = @transform_3, window_bounds = array<i64: 400, 128>}, {pipeline_mode = #tpu.pipeline_mode<synchronous>, transform_indices = @transform_4, window_bounds = array<i64: 1, 128>}, {pipeline_mode = #tpu.pipeline_mode<synchronous>, transform_indices = @transform_5, window_bounds = array<i64: 1, 128>}, {pipeline_mode = #tpu.pipeline_mode<synchronous>, transform_indices = @transform_6, window_bounds = array<i64: 1, 128>}, {pipeline_mode = #tpu.pipeline_mode<synchronous>, transform_indices = @transform_7, window_bounds = array<i64: 128, 128>}, {pipeline_mode = #tpu.pipeline_mode<synchronous>, transform_indices = @transform_8, window_bounds = array<i64: 1, 128>}, {transform_indices = @transform_9, window_bounds = array<i64: 400, 64>}, {pipeline_mode = #tpu.pipeline_mode<synchronous>, transform_indices = @transform_10, window_bounds = array<i64: 64, 64>}, {pipeline_mode = #tpu.pipeline_mode<synchronous>, transform_indices = @transform_11, window_bounds = array<i64: 128, 128>}, {pipeline_mode = #tpu.pipeline_mode<synchronous>, transform_indices = @transform_12, window_bounds = array<i64: 1, 128>}, {pipeline_mode = #tpu.pipeline_mode<synchronous>, transform_indices = @transform_13, window_bounds = array<i64: 128, 128>}, {pipeline_mode = #tpu.pipeline_mode<synchronous>, transform_indices = @transform_14, window_bounds = array<i64: 1, 128>}, {pipeline_mode = #tpu.pipeline_mode<synchronous>, transform_indices = @transform_15, window_bounds = array<i64: 128, 128>}, {pipeline_mode = #tpu.pipeline_mode<synchronous>, transform_indices = @transform_16, window_bounds = array<i64: 128, 128>}, {pipeline_mode = #tpu.pipeline_mode<synchronous>, transform_indices = @transform_17, window_bounds = array<i64: 1, 128>}, {pipeline_mode = #tpu.pipeline_mode<synchronous>, transform_indices = @transform_18, window_bounds = array<i64: 128, 128>}, {pipeline_mode = #tpu.pipeline_mode<synchronous>, transform_indices = @transform_19, window_bounds = array<i64: 1, 128>}, {pipeline_mode = #tpu.pipeline_mode<synchronous>, transform_indices = @transform_20, window_bounds = array<i64: 128, 128>}, {pipeline_mode = #tpu.pipeline_mode<synchronous>, transform_indices = @transform_21, window_bounds = array<i64: 1, 128>}, {transform_indices = @transform_22, window_bounds = array<i64: 400, 128>}]} {
    %eq3A = arith.constant 0 : i32
    %eq3A_0 = arith.cmpi eq, %arg0, %eq3A : i32
    %convert_element_type3A = arith.extui %eq3A_0 : i1 to i32
    %cond3A = arith.constant 0 : i32
    %cond3A_1 = arith.cmpi ne, %convert_element_type3A, %cond3A : i32
    scf.if %cond3A_1 {
      %iota3A_115 = tpu.iota {dimensions = array<i32: 1>} : vector<64x64xi32>
      %convert_element_type3A_116 = arith.sitofp %iota3A_115 : vector<64x64xi32> to vector<64x64xf32>
      %mul3A_117 = arith.constant -0.146195874 : f32
      %mul3A_118 = vector.broadcast %mul3A_117 : f32 to vector<64x64xf32>
      %mul3A_119 = arith.mulf %convert_element_type3A_116, %mul3A_118 : vector<64x64xf32>
      %exp3A_120 = math.exp %mul3A_119 : vector<64x64xf32>
      %get3A_121 = arith.constant 0 : index
      %get3A_122 = arith.constant 0 : index
      %get3A_123 = vector.load %arg11[%get3A_121, %get3A_122] : memref<64x64xf32, #tpu.memory_space<vmem>>, vector<64x64xf32>
      %mul3A_124 = arith.mulf %get3A_123, %exp3A_120 : vector<64x64xf32>
      %sin3A = math.sin %mul3A_124 : vector<64x64xf32>
      %cos3A = math.cos %mul3A_124 : vector<64x64xf32>
      %concatenate3A = tpu.concatenate %sin3A, %cos3A in 1 : vector<64x64xf32>, vector<64x64xf32> -> vector<64x128xf32>
      %get3A_125 = arith.constant 0 : index
      %get3A_126 = arith.constant 0 : index
      %get3A_127 = vector.load %arg12[%get3A_125, %get3A_126] : memref<128x128xf32, #tpu.memory_space<vmem>>, vector<128x128xf32>
      %dot_general3A_128 = arith.constant dense<0.000000e+00> : vector<64x128xf32>
      %dot_general3A_129 = tpu.matmul %concatenate3A, %get3A_127, %dot_general3A_128 {dimension_numbers = #tpu.dot_dimension_numbers<[1], [0], [0], [1], [0, 0, 1, 1], [], []>, transpose_lhs_hint = false} : vector<64x128xf32>, vector<128x128xf32>, vector<64x128xf32> -> vector<64x128xf32>
      %get3A_130 = arith.constant 0 : index
      %get3A_131 = arith.constant 0 : index
      %get3A_132 = vector.load %arg13[%get3A_130, %get3A_131] : memref<1x128xf32, #tpu.memory_space<vmem>>, vector<1x128xf32>
      %add3A_133 = vector.broadcast %get3A_132 : vector<1x128xf32> to vector<64x128xf32>
      %add3A_134 = arith.addf %dot_general3A_129, %add3A_133 : vector<64x128xf32>
      %neg3A_135 = arith.constant 0.000000e+00 : f32
      %neg3A_136 = vector.broadcast %neg3A_135 : f32 to vector<64x128xf32>
      %neg3A_137 = arith.subf %neg3A_136, %add3A_134 : vector<64x128xf32>
      %exp3A_138 = math.exp %neg3A_137 : vector<64x128xf32>
      %add3A_139 = arith.constant 1.000000e+00 : f32
      %add3A_140 = vector.broadcast %add3A_139 : f32 to vector<64x128xf32>
      %add3A_141 = arith.addf %add3A_140, %exp3A_138 : vector<64x128xf32>
      %div3A_142 = arith.constant 1.000000e+00 : f32
      %div3A_143 = vector.broadcast %div3A_142 : f32 to vector<64x128xf32>
      %div3A_144 = arith.divf %div3A_143, %add3A_141 : vector<64x128xf32>
      %mul3A_145 = arith.mulf %add3A_134, %div3A_144 : vector<64x128xf32>
      %get3A_146 = arith.constant 0 : index
      %get3A_147 = arith.constant 0 : index
      %get3A_148 = vector.load %arg14[%get3A_146, %get3A_147] : memref<128x128xf32, #tpu.memory_space<vmem>>, vector<128x128xf32>
      %dot_general3A_149 = arith.constant dense<0.000000e+00> : vector<64x128xf32>
      %dot_general3A_150 = tpu.matmul %mul3A_145, %get3A_148, %dot_general3A_149 {dimension_numbers = #tpu.dot_dimension_numbers<[1], [0], [0], [1], [0, 0, 1, 1], [], []>, transpose_lhs_hint = false} : vector<64x128xf32>, vector<128x128xf32>, vector<64x128xf32> -> vector<64x128xf32>
      %get3A_151 = arith.constant 0 : index
      %get3A_152 = arith.constant 0 : index
      %get3A_153 = vector.load %arg15[%get3A_151, %get3A_152] : memref<1x128xf32, #tpu.memory_space<vmem>>, vector<1x128xf32>
      %add3A_154 = vector.broadcast %get3A_153 : vector<1x128xf32> to vector<64x128xf32>
      %add3A_155 = arith.addf %dot_general3A_150, %add3A_154 : vector<64x128xf32>
      %get3A_156 = arith.constant 0 : index
      %get3A_157 = arith.constant 0 : index
      %get3A_158 = vector.load %arg16[%get3A_156, %get3A_157] : memref<128x128xf32, #tpu.memory_space<vmem>>, vector<128x128xf32>
      %dot_general3A_159 = arith.constant dense<0.000000e+00> : vector<64x128xf32>
      %dot_general3A_160 = tpu.matmul %add3A_155, %get3A_158, %dot_general3A_159 {dimension_numbers = #tpu.dot_dimension_numbers<[1], [0], [0], [1], [0, 0, 1, 1], [], []>, transpose_lhs_hint = false} : vector<64x128xf32>, vector<128x128xf32>, vector<64x128xf32> -> vector<64x128xf32>
      %swap3A_161 = arith.constant 0 : index
      %swap3A_162 = arith.constant 0 : index
      %swap3A_163 = vector.load %arg24[%swap3A_161, %swap3A_162] : memref<64x128xf32, #tpu.memory_space<vmem>>, vector<64x128xf32>
      tpu.vector_store %arg24[%swap3A_161, %swap3A_162], %dot_general3A_160 {strides = array<i32>} : memref<64x128xf32, #tpu.memory_space<vmem>>, vector<64x128xf32>,
    } else {
    }
    %get3A = arith.constant 0 : index
    %get3A_2 = arith.constant 0 : index
    %get3A_3 = arith.constant 0 : index
    %get3A_4 = vector.load %arg1[%get3A, %get3A_2, %get3A_3] : memref<2x400x128xf32, #tpu.memory_space<vmem>>, vector<1x400x128xf32>
    %get3A_5 = vector.shape_cast %get3A_4 : vector<1x400x128xf32> to vector<400x128xf32>
    %get3A_6 = arith.constant 1 : index
    %get3A_7 = arith.constant 0 : index
    %get3A_8 = arith.constant 0 : index
    %get3A_9 = vector.load %arg1[%get3A_6, %get3A_7, %get3A_8] : memref<2x400x128xf32, #tpu.memory_space<vmem>>, vector<1x400x128xf32>
    %get3A_10 = vector.shape_cast %get3A_9 : vector<1x400x128xf32> to vector<400x128xf32>
    %add3A = arith.addf %get3A_5, %get3A_10 : vector<400x128xf32>
    %get3A_11 = arith.constant 0 : index
    %get3A_12 = arith.constant 0 : index
    %get3A_13 = vector.load %arg2[%get3A_11, %get3A_12] : memref<400x128xf32, #tpu.memory_space<vmem>>, vector<400x128xf32>
    %add3A_14 = arith.addf %add3A, %get3A_13 : vector<400x128xf32>
    %get3A_15 = arith.constant 0 : index
    %get3A_16 = arith.constant 0 : index
    %get3A_17 = vector.load %arg4[%get3A_15, %get3A_16] : memref<400x128xf32, #tpu.memory_space<vmem>>, vector<400x128xf32>
    %mul3A = arith.mulf %get3A_17, %add3A_14 : vector<400x128xf32>
    %get3A_18 = arith.constant 0 : index
    %get3A_19 = arith.constant 0 : index
    %get3A_20 = vector.load %arg5[%get3A_18, %get3A_19] : memref<1x128xf32, #tpu.memory_space<vmem>>, vector<1x128xf32>
    %add3A_21 = vector.broadcast %get3A_20 : vector<1x128xf32> to vector<400x128xf32>
    %add3A_22 = arith.addf %mul3A, %add3A_21 : vector<400x128xf32>
    %get3A_23 = arith.constant 0 : index
    %get3A_24 = arith.constant 0 : index
    %get3A_25 = vector.load %arg6[%get3A_23, %get3A_24] : memref<1x128xf32, #tpu.memory_space<vmem>>, vector<1x128xf32>
    %mul3A_26 = arith.constant 0.999994993 : f32
    %mul3A_27 = vector.broadcast %mul3A_26 : f32 to vector<400x128xf32>
    %mul3A_28 = arith.mulf %add3A_22, %mul3A_27 : vector<400x128xf32>
    %mul3A_29 = vector.broadcast %get3A_25 : vector<1x128xf32> to vector<400x128xf32>
    %mul3A_30 = arith.mulf %mul3A_29, %mul3A_28 : vector<400x128xf32>
    %get3A_31 = arith.constant 0 : index
    %get3A_32 = arith.constant 0 : index
    %get3A_33 = vector.load %arg7[%get3A_31, %get3A_32] : memref<1x128xf32, #tpu.memory_space<vmem>>, vector<1x128xf32>
    %add3A_34 = vector.broadcast %get3A_33 : vector<1x128xf32> to vector<400x128xf32>
    %add3A_35 = arith.addf %mul3A_30, %add3A_34 : vector<400x128xf32>
    %max3A = arith.constant 0.000000e+00 : f32
    %max3A_36 = vector.broadcast %max3A : f32 to vector<400x128xf32>
    %max3A_37 = arith.maximumf %add3A_35, %max3A_36 : vector<400x128xf32>
    %get3A_38 = arith.constant 0 : index
    %get3A_39 = arith.constant 0 : index
    %get3A_40 = vector.load %arg3[%get3A_38, %get3A_39] : memref<400x128xf32, #tpu.memory_space<vmem>>, vector<400x128xf32>
    %add3A_41 = arith.addf %max3A_37, %get3A_40 : vector<400x128xf32>
    %get3A_42 = arith.constant 0 : index
    %get3A_43 = arith.constant 0 : index
    %get3A_44 = vector.load %arg8[%get3A_42, %get3A_43] : memref<128x128xf32, #tpu.memory_space<vmem>>, vector<128x128xf32>
    %dot_general3A = arith.constant dense<0.000000e+00> : vector<400x128xf32>
    %dot_general3A_45 = tpu.matmul %add3A_41, %get3A_44, %dot_general3A {dimension_numbers = #tpu.dot_dimension_numbers<[1], [0], [0], [1], [0, 0, 1, 1], [], []>, transpose_lhs_hint = false} : vector<400x128xf32>, vector<128x128xf32>, vector<400x128xf32> -> vector<400x128xf32>
    %get3A_46 = arith.constant 0 : index
    %get3A_47 = arith.constant 0 : index
    %get3A_48 = vector.load %arg9[%get3A_46, %get3A_47] : memref<1x128xf32, #tpu.memory_space<vmem>>, vector<1x128xf32>
    %add3A_49 = vector.broadcast %get3A_48 : vector<1x128xf32> to vector<400x128xf32>
    %add3A_50 = arith.addf %dot_general3A_45, %add3A_49 : vector<400x128xf32>
    %iota3A = tpu.iota {dimensions = array<i32: 1>} : vector<400x64xi32>
    %convert_element_type3A_51 = arith.sitofp %iota3A : vector<400x64xi32> to vector<400x64xf32>
    %get3A_52 = arith.constant 0 : index
    %get3A_53 = arith.constant 0 : index
    %get3A_54 = vector.load %arg10[%get3A_52, %get3A_53] : memref<400x64xf32, #tpu.memory_space<vmem>>, vector<400x64xf32>
    %eq3A_55 = arith.cmpf oeq, %get3A_54, %convert_element_type3A_51 : vector<400x64xf32>
    %convert_element_type3A_56 = arith.extui %eq3A_55 : vector<400x64xi1> to vector<400x64xi32>
    %convert_element_type3A_57 = arith.sitofp %convert_element_type3A_56 : vector<400x64xi32> to vector<400x64xf32>
    %get3A_58 = arith.constant 0 : index
    %get3A_59 = arith.constant 0 : index
    %get3A_60 = vector.load %arg24[%get3A_58, %get3A_59] : memref<64x128xf32, #tpu.memory_space<vmem>>, vector<64x128xf32>
    %dot_general3A_61 = arith.constant dense<0.000000e+00> : vector<400x128xf32>
    %dot_general3A_62 = tpu.matmul %convert_element_type3A_57, %get3A_60, %dot_general3A_61 {dimension_numbers = #tpu.dot_dimension_numbers<[1], [0], [0], [1], [0, 0, 1, 1], [], []>, transpose_lhs_hint = false} : vector<400x64xf32>, vector<64x128xf32>, vector<400x128xf32> -> vector<400x128xf32>
    %get3A_63 = arith.constant 0 : index
    %get3A_64 = arith.constant 0 : index
    %get3A_65 = vector.load %arg17[%get3A_63, %get3A_64] : memref<128x128xf32, #tpu.memory_space<vmem>>, vector<128x128xf32>
    %dot_general3A_66 = arith.constant dense<0.000000e+00> : vector<400x128xf32>
    %dot_general3A_67 = tpu.matmul %add3A_50, %get3A_65, %dot_general3A_66 {dimension_numbers = #tpu.dot_dimension_numbers<[1], [0], [0], [1], [0, 0, 1, 1], [], []>, transpose_lhs_hint = false} : vector<400x128xf32>, vector<128x128xf32>, vector<400x128xf32> -> vector<400x128xf32>
    %add3A_68 = arith.addf %dot_general3A_67, %dot_general3A_62 : vector<400x128xf32>
    %get3A_69 = arith.constant 0 : index
    %get3A_70 = arith.constant 0 : index
    %get3A_71 = vector.load %arg18[%get3A_69, %get3A_70] : memref<1x128xf32, #tpu.memory_space<vmem>>, vector<1x128xf32>
    %add3A_72 = vector.broadcast %get3A_71 : vector<1x128xf32> to vector<400x128xf32>
    %add3A_73 = arith.addf %add3A_68, %add3A_72 : vector<400x128xf32>
    %neg3A = arith.constant 0.000000e+00 : f32
    %neg3A_74 = vector.broadcast %neg3A : f32 to vector<400x128xf32>
    %neg3A_75 = arith.subf %neg3A_74, %add3A_73 : vector<400x128xf32>
    %exp3A = math.exp %neg3A_75 : vector<400x128xf32>
    %add3A_76 = arith.constant 1.000000e+00 : f32
    %add3A_77 = vector.broadcast %add3A_76 : f32 to vector<400x128xf32>
    %add3A_78 = arith.addf %add3A_77, %exp3A : vector<400x128xf32>
    %div3A = arith.constant 1.000000e+00 : f32
    %div3A_79 = vector.broadcast %div3A : f32 to vector<400x128xf32>
    %div3A_80 = arith.divf %div3A_79, %add3A_78 : vector<400x128xf32>
    %mul3A_81 = arith.mulf %add3A_73, %div3A_80 : vector<400x128xf32>
    %get3A_82 = arith.constant 0 : index
    %get3A_83 = arith.constant 0 : index
    %get3A_84 = vector.load %arg19[%get3A_82, %get3A_83] : memref<128x128xf32, #tpu.memory_space<vmem>>, vector<128x128xf32>
    %dot_general3A_85 = arith.constant dense<0.000000e+00> : vector<400x128xf32>
    %dot_general3A_86 = tpu.matmul %mul3A_81, %get3A_84, %dot_general3A_85 {dimension_numbers = #tpu.dot_dimension_numbers<[1], [0], [0], [1], [0, 0, 1, 1], [], []>, transpose_lhs_hint = false} : vector<400x128xf32>, vector<128x128xf32>, vector<400x128xf32> -> vector<400x128xf32>
    %get3A_87 = arith.constant 0 : index
    %get3A_88 = arith.constant 0 : index
    %get3A_89 = vector.load %arg20[%get3A_87, %get3A_88] : memref<1x128xf32, #tpu.memory_space<vmem>>, vector<1x128xf32>
    %add3A_90 = vector.broadcast %get3A_89 : vector<1x128xf32> to vector<400x128xf32>
    %add3A_91 = arith.addf %dot_general3A_86, %add3A_90 : vector<400x128xf32>
    %neg3A_92 = arith.constant 0.000000e+00 : f32
    %neg3A_93 = vector.broadcast %neg3A_92 : f32 to vector<400x128xf32>
    %neg3A_94 = arith.subf %neg3A_93, %add3A_91 : vector<400x128xf32>
    %exp3A_95 = math.exp %neg3A_94 : vector<400x128xf32>
    %add3A_96 = arith.constant 1.000000e+00 : f32
    %add3A_97 = vector.broadcast %add3A_96 : f32 to vector<400x128xf32>
    %add3A_98 = arith.addf %add3A_97, %exp3A_95 : vector<400x128xf32>
    %div3A_99 = arith.constant 1.000000e+00 : f32
    %div3A_100 = vector.broadcast %div3A_99 : f32 to vector<400x128xf32>
    %div3A_101 = arith.divf %div3A_100, %add3A_98 : vector<400x128xf32>
    %mul3A_102 = arith.mulf %add3A_91, %div3A_101 : vector<400x128xf32>
    %get3A_103 = arith.constant 0 : index
    %get3A_104 = arith.constant 0 : index
    %get3A_105 = vector.load %arg21[%get3A_103, %get3A_104] : memref<128x128xf32, #tpu.memory_space<vmem>>, vector<128x128xf32>
    %dot_general3A_106 = arith.constant dense<0.000000e+00> : vector<400x128xf32>
    %dot_general3A_107 = tpu.matmul %mul3A_102, %get3A_105, %dot_general3A_106 {dimension_numbers = #tpu.dot_dimension_numbers<[1], [0], [0], [1], [0, 0, 1, 1], [], []>, transpose_lhs_hint = false} : vector<400x128xf32>, vector<128x128xf32>, vector<400x128xf32> -> vector<400x128xf32>
    %get3A_108 = arith.constant 0 : index
    %get3A_109 = arith.constant 0 : index
    %get3A_110 = vector.load %arg22[%get3A_108, %get3A_109] : memref<1x128xf32, #tpu.memory_space<vmem>>, vector<1x128xf32>
    %add3A_111 = vector.broadcast %get3A_110 : vector<1x128xf32> to vector<400x128xf32>
    %add3A_112 = arith.addf %dot_general3A_107, %add3A_111 : vector<400x128xf32>
    %swap3A = arith.constant 0 : index
    %swap3A_113 = arith.constant 0 : index
    %swap3A_114 = vector.load %arg23[%swap3A, %swap3A_113] : memref<400x128xf32, #tpu.memory_space<vmem>>, vector<400x128xf32>
    tpu.vector_store %arg23[%swap3A, %swap3A_113], %add3A_112 {strides = array<i32>} : memref<400x128xf32, #tpu.memory_space<vmem>>, vector<400x128xf32>,
    return
  }
  func.func @transform_0(%arg0: i32) -> (i32, i32, i32) {
    %c0_i32 = arith.constant 0 : i32
    %c0_i32_0 = arith.constant 0 : i32
    %c0_i32_1 = arith.constant 0 : i32
    return %c0_i32, %arg0, %c0_i32_0 : i32, i32, i32
  }
  func.func @transform_1(%arg0: i32) -> (i32, i32) {
    %c0_i32 = arith.constant 0 : i32
    %c0_i32_0 = arith.constant 0 : i32
    return %arg0, %c0_i32 : i32, i32
  }
  func.func @transform_2(%arg0: i32) -> (i32, i32) {
    %c0_i32 = arith.constant 0 : i32
    %c0_i32_0 = arith.constant 0 : i32
    return %arg0, %c0_i32 : i32, i32
  }
  func.func @transform_3(%arg0: i32) -> (i32, i32) {
    %c0_i32 = arith.constant 0 : i32
    %c0_i32_0 = arith.constant 0 : i32
    return %arg0, %c0_i32 : i32, i32
  }
  func.func @transform_4(%arg0: i32) -> (i32, i32) {
    %c0_i32 = arith.constant 0 : i32
    %c0_i32_0 = arith.constant 0 : i32
    %c0_i32_1 = arith.constant 0 : i32
    return %c0_i32, %c0_i32_0 : i32, i32
  }
  func.func @transform_5(%arg0: i32) -> (i32, i32) {
    %c0_i32 = arith.constant 0 : i32
    %c0_i32_0 = arith.constant 0 : i32
    %c0_i32_1 = arith.constant 0 : i32
    return %c0_i32, %c0_i32_0 : i32, i32
  }
  func.func @transform_6(%arg0: i32) -> (i32, i32) {
    %c0_i32 = arith.constant 0 : i32
    %c0_i32_0 = arith.constant 0 : i32
    %c0_i32_1 = arith.constant 0 : i32
    return %c0_i32, %c0_i32_0 : i32, i32
  }
  func.func @transform_7(%arg0: i32) -> (i32, i32) {
    %c0_i32 = arith.constant 0 : i32
    %c0_i32_0 = arith.constant 0 : i32
    %c0_i32_1 = arith.constant 0 : i32
    return %c0_i32, %c0_i32_0 : i32, i32
  }
  func.func @transform_8(%arg0: i32) -> (i32, i32) {
    %c0_i32 = arith.constant 0 : i32
    %c0_i32_0 = arith.constant 0 : i32
    %c0_i32_1 = arith.constant 0 : i32
    return %c0_i32, %c0_i32_0 : i32, i32
  }
  func.func @transform_9(%arg0: i32) -> (i32, i32) {
    %c0_i32 = arith.constant 0 : i32
    %c0_i32_0 = arith.constant 0 : i32
    return %arg0, %c0_i32 : i32, i32
  }
  func.func @transform_10(%arg0: i32) -> (i32, i32) {
    %c0_i32 = arith.constant 0 : i32
    %c0_i32_0 = arith.constant 0 : i32
    %c0_i32_1 = arith.constant 0 : i32
    return %c0_i32, %c0_i32_0 : i32, i32
  }
  func.func @transform_11(%arg0: i32) -> (i32, i32) {
    %c0_i32 = arith.constant 0 : i32
    %c0_i32_0 = arith.constant 0 : i32
    %c0_i32_1 = arith.constant 0 : i32
    return %c0_i32, %c0_i32_0 : i32, i32
  }
  func.func @transform_12(%arg0: i32) -> (i32, i32) {
    %c0_i32 = arith.constant 0 : i32
    %c0_i32_0 = arith.constant 0 : i32
    %c0_i32_1 = arith.constant 0 : i32
    return %c0_i32, %c0_i32_0 : i32, i32
  }
  func.func @transform_13(%arg0: i32) -> (i32, i32) {
    %c0_i32 = arith.constant 0 : i32
    %c0_i32_0 = arith.constant 0 : i32
    %c0_i32_1 = arith.constant 0 : i32
    return %c0_i32, %c0_i32_0 : i32, i32
  }
  func.func @transform_14(%arg0: i32) -> (i32, i32) {
    %c0_i32 = arith.constant 0 : i32
    %c0_i32_0 = arith.constant 0 : i32
    %c0_i32_1 = arith.constant 0 : i32
    return %c0_i32, %c0_i32_0 : i32, i32
  }
  func.func @transform_15(%arg0: i32) -> (i32, i32) {
    %c0_i32 = arith.constant 0 : i32
    %c0_i32_0 = arith.constant 0 : i32
    %c0_i32_1 = arith.constant 0 : i32
    return %c0_i32, %c0_i32_0 : i32, i32
  }
  func.func @transform_16(%arg0: i32) -> (i32, i32) {
    %c0_i32 = arith.constant 0 : i32
    %c0_i32_0 = arith.constant 0 : i32
    %c0_i32_1 = arith.constant 0 : i32
    return %c0_i32, %c0_i32_0 : i32, i32
  }
  func.func @transform_17(%arg0: i32) -> (i32, i32) {
    %c0_i32 = arith.constant 0 : i32
    %c0_i32_0 = arith.constant 0 : i32
    %c0_i32_1 = arith.constant 0 : i32
    return %c0_i32, %c0_i32_0 : i32, i32
  }
  func.func @transform_18(%arg0: i32) -> (i32, i32) {
    %c0_i32 = arith.constant 0 : i32
    %c0_i32_0 = arith.constant 0 : i32
    %c0_i32_1 = arith.constant 0 : i32
    return %c0_i32, %c0_i32_0 : i32, i32
  }
  func.func @transform_19(%arg0: i32) -> (i32, i32) {
    %c0_i32 = arith.constant 0 : i32
    %c0_i32_0 = arith.constant 0 : i32
    %c0_i32_1 = arith.constant 0 : i32
    return %c0_i32, %c0_i32_0 : i32, i32
  }
  func.func @transform_20(%arg0: i32) -> (i32, i32) {
    %c0_i32 = arith.constant 0 : i32
    %c0_i32_0 = arith.constant 0 : i32
    %c0_i32_1 = arith.constant 0 : i32
    return %c0_i32, %c0_i32_0 : i32, i32
  }
  func.func @transform_21(%arg0: i32) -> (i32, i32) {
    %c0_i32 = arith.constant 0 : i32
    %c0_i32_0 = arith.constant 0 : i32
    %c0_i32_1 = arith.constant 0 : i32
    return %c0_i32, %c0_i32_0 : i32, i32
  }
  func.func @transform_22(%arg0: i32) -> (i32, i32) {
    %c0_i32 = arith.constant 0 : i32
    %c0_i32_0 = arith.constant 0 : i32
    return %arg0, %c0_i32 : i32, i32
  }
}

</mosaic_0001>

<sc_bundles>
// kernel: kernel.11.cloned.1.call-start
scs
__scs_entry_jumppad:
0x0: {  	(pc) =	sbr.rel $0x88, $3  }
0x1: {  	(tag) =	ssettag $0x0;
	lr =	simm.s32 $0x1  }
0x2: {  	[smem:$0x3F8B] =	sst lr;
	_ =	strace $0xD0000000  }
0x3: {  	_ = 	snop  }
0x4: {  	_ = 	snop  }
0x5: {  	_ = 	snop  }
0x6: {  	_ = 	snop  }
0x7: {  	_ = 	snop  }
__scs_overlays_trampoline_lowered:
0x8: {  	[smem:$0x3F9A] =	sst s0  }
0x9: {  	[smem:$0x3F9B] =	sst s1  }
0xa: {  	[smem:$0x3F9C] =	sst s2  }
0xb: {  	[smem:$0x3F9D] =	sst s3  }
0xc: {  	[smem:$0x3F9E] =	sst s4  }
0xd: {  	[smem:$0x3F9F] =	sst s5  }
0xe: {  	[smem:$0x3FA0] =	sst s6  }
0xf: {  	[smem:$0x3FA1] =	sst s7  }
0x10: {  	[smem:$0x3FA2] =	sst s8  }
0x11: {  	[smem:$0x3FA3] =	sst s9;
	s0 =	simm.s32 @!p0 $0x0  }
0x12: {  	s1 =	sld [smem:$0x3F89];
	s0 =	simm.s32 @p0 $0x1  }
0x13: {  	[smem:$0x3FA4] =	sst s0;
	s0 =	simm.s32 @!p1 $0x0  }
0x14: {  	s2 =	sld [smem:$0x3F88];
	s0 =	simm.s32 @p1 $0x1  }
0x15: {  	[smem:$0x3FA5] =	sst s0;
	s0 =	simm.s32 @!p2 $0x0  }
0x16: {  	s3 =	sld [smem:$0x3FDB];
	s0 =	simm.s32 @p2 $0x1  }
0x17: {  	s4 =	simm.s32 $0x1BF5;
	[smem:$0x3FA7] =	sst s0  }
0x18: {  	s0 =	sld [smem:$0x3F8A];
	_ =	swait.ge [sflag:s4], $0x0  }
0x19: {  	s7 =	sld [smem:$0x3F8B]  }
0x1a: {  	s8 =	sadd.s32 $0xFFFFE003, lr  }
0x1b: {  	s9 =	sadd.s32 $0xFFFFFEF7, lr;
	s5 =	simm.s32 $0xFFFFFFFF;
	p2 =	slt.u32 s8, $0xFFFFF086  }
0x1c: {  	p1 =	slt.u32 s9, $0xF7A;
	s5 =	simm.s32 @!p2 $0x0  }
0x1d: {  	s5 =	simm.s32 @p1 $0x1;
	p0 =	seq.s32 s7, s2  }
0x1e: {  	s7 =	smul.u32 @!p0 $0xF7A, s2;
	p2 =	seq.s32 @!p0 s5, $0x0  }
0x1f: {  	s9 =	smul.u32 $0xF7A, s1;
	s8 =	simm.s32 @!p0 $0x1BF5;
	p2 =	por !p2, p0  }
0x20: {  	[sflag:s8] =	ssyncset.s32 @!p0 $0xFFFFF086;
	s6 =	sadd.s32 @!p0 s3, s7;
	s7 =	simm.s32 @!p0 $0x108  }
0x21: {  	s3 =	sadd.s32 s3, s9;
	s6 =	sadd.s32 @!p0 $0x88, s6;
	s7 =	simm.s32 @p2 $0x1082  }
0x22: {  	[simem:s7], [sflag:s8] =	dma.local @!p0 [hbm:s6], $0xF7A  }
0x23: {  	s9 =	sor.u32 $0xD0000000, s2;
	s6 =	simm.s32 $0x108;
	_ =	swait.ge @!p0 [sflag:s8], $0x0  }
0x24: {  	s3 =	sadd.s32 $0x88, s3;
	s6 =	simm.s32 @!p1 $0x1082;
	[sflag:s4] =	ssyncset.s32 $0xFFFFF086  }
0x25: {  	[simem:s6], [sflag:s4] =	dma.local [hbm:s3], $0xF7A  }
0x26: {  	[smem:$0x3F8B] =	sst s1;
	(tag) =	ssettag s2;
	_ =	strace s9  }
0x27: {  	s1 =	sld [smem:$0x3F9B]  }
0x28: {  	s2 =	sld [smem:$0x3F9C]  }
0x29: {  	s4 =	sld [smem:$0x3F9E]  }
0x2a: {  	p0 =	seq.s32 s5, $0x0;
	s5 =	sld [smem:$0x3F9F]  }
0x2b: {  	s6 =	sld [smem:$0x3FA0]  }
0x2c: {  	s7 =	sld [smem:$0x3FA1]  }
0x2d: {  	s3 =	simm.s32 $0x108;
	s8 =	sld [smem:$0x3FA2]  }
0x2e: {  	s3 =	simm.s32 @!p0 $0x1082;
	s9 =	sld [smem:$0x3FA3]  }
0x2f: {  	lr =	sadd.s32 s0, s3;
	s0 =	sld [smem:$0x3F9A]  }
0x30: {  	s3 =	sld [smem:$0x3F9D]  }
0x31: {  	[smem:$0x3FA6] =	sst s10  }
0x32: {  	s10 =	sld [smem:$0x3FA4];
	_ =	sdelay $0x3  }
0x33: {  	p0 =	seq.s32 s10, $0x1;
	s10 =	sld [smem:$0x3FA6];
	_ =	sdelay $0x3  }
0x34: {  	[smem:$0x3FA6] =	sst s10  }
0x35: {  	s10 =	sld [smem:$0x3FA5];
	_ =	sdelay $0x3  }
0x36: {  	p1 =	seq.s32 s10, $0x1;
	s10 =	sld [smem:$0x3FA6];
	_ =	sdelay $0x3  }
0x37: {  	[smem:$0x3FA6] =	sst s10  }
0x38: {  	s10 =	sld [smem:$0x3FA7]  }
0x39: {  	_ = 	snop;
	(pc) =	sbr.ind lr, $3  }
0x3a: {  	_ = 	snop  }
0x3b: {  	_ = 	snop  }
0x3c: {  	p2 =	seq.s32 s10, $0x1;
	s10 =	sld [smem:$0x3FA6]  }
0x3d: {  	_ =	shalt  }
0x3e: {  	_ =	shalt  }
0x3f: {  	_ =	shalt  }
0x40: {  	_ =	shalt  }
0x41: {  	_ =	shalt  }
0x42: {  	_ =	shalt  }
0x43: {  	_ =	shalt  }
0x44: {  	_ =	shalt  }
0x45: {  	_ =	shalt  }
0x46: {  	_ =	shalt  }
0x47: {  	_ =	shalt  }
0x48: {  	_ =	shalt  }
0x49: {  	_ =	shalt  }
0x4a: {  	_ =	shalt  }
0x4b: {  	_ =	shalt  }
0x4c: {  	_ =	shalt  }
0x4d: {  	_ =	shalt  }
0x4e: {  	_ =	shalt  }
0x4f: {  	_ =	shalt  }
0x50: {  	_ =	shalt  }
0x51: {  	_ =	shalt  }
0x52: {  	_ =	shalt  }
0x53: {  	_ =	shalt  }
0x54: {  	_ =	shalt  }
0x55: {  	_ =	shalt  }
0x56: {  	_ =	shalt  }
0x57: {  	_ =	shalt  }
0x58: {  	_ =	shalt  }
0x59: {  	_ =	shalt  }
0x5a: {  	_ =	shalt  }
0x5b: {  	_ =	shalt  }
0x5c: {  	_ =	shalt  }
0x5d: {  	_ =	shalt  }
0x5e: {  	_ =	shalt  }
0x5f: {  	_ =	shalt  }
0x60: {  	_ =	shalt  }
0x61: {  	_ =	shalt  }
0x62: {  	_ =	shalt  }
0x63: {  	_ =	shalt  }
0x64: {  	_ =	shalt  }
0x65: {  	_ =	shalt  }
0x66: {  	_ =	shalt  }
0x67: {  	_ =	shalt  }
0x68: {  	_ =	shalt  }
0x69: {  	_ =	shalt  }
0x6a: {  	_ =	shalt  }
0x6b: {  	_ =	shalt  }
0x6c: {  	_ =	shalt  }
0x6d: {  	_ =	shalt  }
0x6e: {  	_ =	shalt  }
0x6f: {  	_ =	shalt  }
0x70: {  	_ =	shalt  }
0x71: {  	_ =	shalt  }
0x72: {  	_ =	shalt  }
0x73: {  	_ =	shalt  }
0x74: {  	_ =	shalt  }
0x75: {  	_ =	shalt  }
0x76: {  	_ =	shalt  }
0x77: {  	_ =	shalt  }
0x78: {  	_ =	shalt  }
0x79: {  	_ =	shalt  }
0x7a: {  	_ =	shalt  }
0x7b: {  	_ =	shalt  }
0x7c: {  	_ =	shalt  }
0x7d: {  	_ =	shalt  }
0x7e: {  	_ =	shalt  }
0x7f: {  	_ =	shalt  }
0x80: {  	_ =	shalt  }
0x81: {  	_ =	shalt  }
0x82: {  	_ =	shalt  }
0x83: {  	_ =	shalt  }
0x84: {  	_ =	shalt  }
0x85: {  	_ =	shalt  }
0x86: {  	_ =	shalt  }
0x87: {  	_ =	shalt  }
.Lfunc_end0:
.L_simem_size_0:
called_computation_lowered:
.L_overlay_start_0:
0x88: {  	s2 =	sld [smem:$0x3FD9]  }
0x89: {  	s3 =	sld [smem:$0x3FFE];
	_ =	sdelay $0x1  }
0x8a: {  	s1 =	srdreg.scid  }
0x8b: {  	s0 =	sand.u32 $0x1, s1  }
0x8c: {  	s17 =	sshll.u32 s0, $0xA;
	s2 =	sadd.s32 s3, s2  }
0x8d: {  	s2 =	sadd.s32 s2, s17  }
0x8e: {  	[smem:$0x3FB2] =	sst s2  }
0x8f: {  	_ = 	snop  }
0x90: {  	s2 =	sld [smem:$0x3FD0];
	(tm) =	ssettm $0x1  }
0x91: {  	s18 =	sld [smem:$0x3FFB];
	_ =	sdelay $0x3  }
0x92: {  	_ =	strace s18  }
0x93: {  	s3 =	sld [smem:$0x3FFC];
	_ =	sdelay $0x3  }
0x94: {  	_ =	strace s3  }
0x95: {  	s3 =	sld [smem:$0x3FFD];
	_ =	sdelay $0x3  }
0x96: {  	_ =	strace s3  }
0x97: {  	_ =	strace $0x8FFFFFFF  }
0x98: {  	s19 =	sld [smem:$0x3FDB];
	_ =	sdelay $0x1  }
0x99: {  	s4 =	simm.s32 $_scs_section_size  }
0x9a: {  	s5 =	simm.s32 $_size__tile_overlayer_lowered;
	s6 =	simm.s32 $_tile_overlayer_lowered  }
0x9b: {  	s22 =	simm.s32 $0x1BFF;
	s21 =	sshll.u32 s6, $0x1;
	s3 =	sadd.s32 s4, s19  }
0x9c: {  	s7 =	simm.s32 $0x0;
	s20 =	sshll.u32 s5, $0x1;
	s5 =	sadd.s32 s21, s3  }
0x9d: {  	[timem:s7], [sflag:s22] =	dma.local [hbm:s5], s20  }
0x9e: {  	_ =	swait.ge [sflag:s22], s20  }
0x9f: {  	s4 =	ssub.s32 $0x0, s20;
	[sflag:s22] =	ssyncset.done $0x0  }
0xa0: {  	[sflag:s22] =	ssyncadd.s32 s4;
	_ =	sdelay $0x1  }
0xa1: {  	s23 =	simm.s32 $0x1B8B  }
0xa2: {  	_ =	swait.ge [sflag:s23], $0x1  }
0xa3: {  	[sflag:s23] =	ssyncset.done $0x0  }
0xa4: {  	s25 =	simm.s32 $0x1B8E;
	s24 =	sld [smem:$0x3FFE];
	[sflag:s23] =	ssyncadd.s32 $0xFFFFFFFF  }
0xa5: {  	s26 =	simm.s32 $execute0_lowered;
	[smem:$0x3FD2] =	sst s25  }
0xa6: {  	s5 =	sshll.u32 s26, $0x1;
	_ =	strace $0x80000046;
	[dreg:$0x1] =	wrdreg $0xFFFFFFFF  }
0xa7: {  	s28 =	simm.s32 $_size_execute0_lowered;
	s3 =	sadd.s32 s3, s5;
	[dreg:$0x0] =	wrdreg $0x0  }
0xa8: {  	s5 =	sshll.u32 s28, $0x1;
	[dreg:$0x2] =	wrdreg s3  }
0xa9: {  	[dreg:$0x3] =	wrdreg s5  }
0xaa: {  	[dreg:$0x4] =	wrdreg $0xC0  }
0xab: {  	_ =	task [dreg:s7], $0x5FFFF  }
0xac: {  	[dreg:$0x1] =	wrdreg $0xFFFFFFFF  }
0xad: {  	[dreg:$0x0] =	wrdreg $0x60  }
0xae: {  	[dreg:$0x2] =	wrdreg s24  }
0xaf: {  	[dreg:$0x3] =	wrdreg s2  }
0xb0: {  	[dreg:$0x4] =	wrdreg $0x5000  }
0xb1: {  	[dreg:$0x5] =	wrdreg $0x9  }
0xb2: {  	_ =	task.clear_ibuf [dreg:s7], $0x6FFFF;
	_ =	strace $0x90000046  }
0xb3: {  	s29 =	simm.s32 $0x9;
	_ =	strace $0x80000048  }
0xb4: {  	_ =	swait.ge [sflag:s29], $0x1  }
0xb5: {  	[sflag:s29] =	ssyncadd.s32 $0xFFFFFFFF  }
0xb6: {  	_ =	strace $0x90000048  }
0xb7: {  	_ =	sfence  }
0xb8: {  	s30 =	sld [smem:$0x0];
	_ =	sdelay $0x2  }
0xb9: {  	s31 =	sshll.u32 s1, $0xD;
	s1 =	sshrl.u32 s1, $0x2  }
0xba: {  	s3 =	sand.u32 $0x4000, s31;
	s1 =	sadd.s32 s1, s30  }
0xbb: {  	s0 =	sor.u32 s3, s0;
	s1 =	sshll.u32 s1, $0x11  }
0xbc: {  	s0 =	sor.u32 s1, s0  }
0xbd: {  	s0 =	sadd.s32 $0x8F2B, s0  }
0xbe: {  	[sflag:s0] =	ssyncadd.remote.s32 $0x1  }
0xbf: {  	_ =	sfence.sel $0xFFFF  }
0xc0: {  	[dreg:$0x0] =	wrdreg $0xFFFFFFFF;
	(pc) =	sbr.abs _section_cstart, $3  }
0xc1: {  	[dreg:$0x1] =	wrdreg $0xFFFFFFFF  }
0xc2: {  	_ =	task.clear_ibuf [dreg:s7], $0x2FFFF;
	_ =	strace $0x9FFFFFFF  }
0xc3: {  	(tm) =	ssettm $0x7FFFFFFF  }
tec
execute0_lowered:
.L_overlay_start_1:
0x0: {  	(tag) =	ssettag $0x1  }
0x1: {  	s5 =	rddreg [dreg:$0x0]  }
0x2: {  	s9 =	rddreg [dreg:$0x1]  }
0x3: {  	s0 =	srdreg.scid;
	s2 =	rddreg [dreg:$0x2]  }
0x4: {  	s1 =	stileid.u32;
	s3 =	simm.s32 $0x0;
	s17 =	simm.s32 $0x80  }
0x5: {  	s18 =	simm.s32 $0x200;
	s19 =	simm.s32 $0x7;
	s20 =	simm.s32 $0x280  }
0x6: {  	s21 =	simm.s32 $0x1;
	s22 =	simm.s32 $0x100;
	s23 =	simm.s32 $0x2  }
0x7: {  	s24 =	simm.s32 $0x4;
	s25 =	simm.s32 $0x3;
	s26 =	simm.s32 $0x5  }
0x8: {  	s28 =	simm.s32 $0x6;
	s29 =	simm.s32 $0x0;
	s11 =	smul.u32 $0x278, s1  }
0x9: {  	s6 =	sand.u32 $0x1, s0;
	s0 =	rddreg [dreg:$0x3];
	s15 =	smul.u32 $0x51, s1  }
0xa: {  	[smem:$0x7FF] =	sst s3;
	s4 =	sshll.u32 s6, $0x4;
	s13 =	smul.u32 $0x2780, s6  }
0xb: {  	s14 =	sadd.s32 $0x6800, s5;
	s31 =	smul.u32 $0x510, s6;
	s4 =	sor.u32 s1, s4  }
0xc: {  	_ =	strace $0x80000047;
	s10 =	ssub.s32 $0x2, s6;
	s7 =	smul.u32 $0x510, s4  }
0xd: {  	s12 =	sshrl.u32 s10, $0x1;
	s8 =	smul.u32 $0x2880, s4;
	s4 =	sadd.s32 $0x1AE00, s5  }
0xe: {  	s5 =	sadd.s32 $0x1AC00, s5;
	s10 =	ssub.s32 s10, s12;
	s13 =	sadd.s32 s11, s13  }
0xf: {  	s12 =	sadd.s32 s15, s31;
	s13 =	sshrl.u32 s13, $0x3;
	s10 =	smax.u32 s10, $0x1  }
.Ltmp0:
0x10: {  	s15 =	sshll.u32 s12, $0x4;
	s8 =	sshrl.u32 s8, $0x3;
	(pc) =	sbr.rel .LBB2_1-.Ltmp0, $4  }
0x11: {  	s6 =	sadd.s32 s14, s7;
	s9 =	sadd.s32 s9, s13;
	s16 =	sadd.s32 s14, s15  }
0x12: {  	s8 =	sadd.s32 s14, s8;
	s12 =	sadd.s32 $0x30, s6;
	s13 =	sadd.s32 $0x40, s6  }
0x13: {  	s14 =	sadd.s32 $0x70, s16;
	s15 =	sadd.s32 $0x60, s16;
	s16 =	sadd.s32 $0x50, s16  }
0x14: {  	s7 =	sadd.s32 $0x10, s8;
	s8 =	sadd.s32 s11, s2;
	s11 =	sadd.s32 $0x20, s6  }
.LBB2_4:
0x15: {  	_ =	swait.ge [sflag:s25], $0x80  }
0x16: {  	[sflag:s25] =	ssyncset.done $0x0  }
0x17: {  	[sflag:s25] =	ssyncadd.s32 $0xFFFFFF80  }
0x18: {  	[spmem:s2] =	stream.indirect.scatter.add.f32 [tilespmem:s18], [sflag:$0x6], $0x1, s22, s17, $0xb8;
	[tilespmem:$0x778] =	vst v63  }
0x19: {  	_ =	swait.ge [sflag:s26], $0x80  }
0x1a: {  	[sflag:s26] =	ssyncset.done $0x0  }
0x1b: {  	[sflag:s26] =	ssyncadd.s32 $0xFFFFFF80  }
0x1c: {  	_ =	swait.ge [sflag:s28], $0x80  }
0x1d: {  	[sflag:s28] =	ssyncset.done $0x0  }
0x1e: {  	[sflag:s28] =	ssyncadd.s32 $0xFFFFFF80  }
0x1f: {  	[bflag:$0x0] =	sbarrier.arrive $0xFFFF  }
0x20: {  	[tilespmem:s20], [sflag:$0x7] =	stream.linear.gather [spmem:s8], $0x278, $0x38;
	[tilespmem:$0x778] =	vst v63  }
0x21: {  	s29 =	sadd.s32 $0x1, s29;
	_ =	swait.ge [sflag:s19], $0x278  }
0x22: {  	p0 =	sne.s32 s29, s10;
	[sflag:s19] =	ssyncset.done $0x0  }
.Ltmp1:
0x23: {  	[sflag:s19] =	ssyncadd.s32 $0xFFFFFD88;
	(pc) =	sbr.rel @!p0 .LBB2_5-.Ltmp1, $4  }
0x24: {  	[hbm4b:s9+s3] =	stream.linear.scatter [tilespmem:s20], [sflag:$0x7], $0x278, $0x38;
	[tilespmem:$0x778] =	vst v63  }
0x25: {  	_ =	swait.ge [sflag:s19], $0x278  }
0x26: {  	[sflag:s19] =	ssyncset.done $0x0  }
0x27: {  	[sflag:s19] =	ssyncadd.s32 $0xFFFFFD88  }
.LBB2_1:
0x28: {  	[tilespmem:s3], [sflag:$0x1] =	stream.linear.gather [hbm4b:s6+s3], $0x80, $0x38;
	[tilespmem:$0x778] =	vst v63  }
0x29: {  	_ = 	snop  }
0x2a: {  	[tilespmem:s17], [sflag:$0x2] =	stream.linear.gather [hbm4b:s7+s3], $0x80, $0x38;
	[tilespmem:$0x778] =	vst v63  }
0x2b: {  	_ = 	snop  }
0x2c: {  	[tilespmem:s18], [sflag:$0x7] =	stream.linear.gather [hbm4b:s4+s3], $0x80, $0x38;
	[tilespmem:$0x778] =	vst v63  }
0x2d: {  	_ =	swait.ge [sflag:s19], $0x80  }
0x2e: {  	[sflag:s19] =	ssyncset.done $0x0  }
0x2f: {  	[sflag:s19] =	ssyncadd.s32 $0xFFFFFF80  }
0x30: {  	[tilespmem:s20], [sflag:$0x7] =	stream.linear.gather [hbm4b:s5+s3], $0x280, $0x38;
	[tilespmem:$0x778] =	vst v63  }
0x31: {  	_ =	swait.ge [sflag:s19], $0x280  }
0x32: {  	[sflag:s19] =	ssyncset.done $0x0  }
0x33: {  	[sflag:s19] =	ssyncadd.s32 $0xFFFFFD80  }
0x34: {  	[spmem:s8] =	stream.linear.scatter [tilespmem:s20], [sflag:$0x7], $0x278, $0x38;
	[tilespmem:$0x778] =	vst v63  }
0x35: {  	_ =	swait.ge [sflag:s19], $0x278  }
0x36: {  	[sflag:s19] =	ssyncset.done $0x0  }
0x37: {  	[sflag:s19] =	ssyncadd.s32 $0xFFFFFD88  }
0x38: {  	[bflag:$0x0] =	sbarrier.arrive $0xFFFF  }
0x39: {  	_ =	swait.ge [sflag:s21], $0x80  }
0x3a: {  	[sflag:s21] =	ssyncset.done $0x0  }
0x3b: {  	[sflag:s21] =	ssyncadd.s32 $0xFFFFFF80  }
0x3c: {  	[spmem:s2] =	stream.indirect.scatter.add.f32 [tilespmem:s18], [sflag:$0x4], $0x1, s3, s17, $0xb8;
	[tilespmem:$0x778] =	vst v63  }
0x3d: {  	_ = 	snop  }
0x3e: {  	[tilespmem:s22], [sflag:$0x3] =	stream.linear.gather [hbm4b:s11+s3], $0x80, $0x38;
	[tilespmem:$0x778] =	vst v63  }
0x3f: {  	_ =	swait.ge [sflag:s23], $0x80  }
0x40: {  	[sflag:s23] =	ssyncset.done $0x0  }
0x41: {  	[sflag:s23] =	ssyncadd.s32 $0xFFFFFF80  }
0x42: {  	[spmem:s2] =	stream.indirect.scatter.add.f32 [tilespmem:s18], [sflag:$0x5], $0x1, s17, s17, $0xb8;
	[tilespmem:$0x778] =	vst v63  }
0x43: {  	_ =	swait.ge [sflag:s24], $0x80  }
0x44: {  	[sflag:s24] =	ssyncset.done $0x0  }
0x45: {  	[sflag:s24] =	ssyncadd.s32 $0xFFFFFF80  }
0x46: {  	[tilespmem:s3], [sflag:$0x1] =	stream.linear.gather [hbm4b:s12+s3], $0x80, $0x38;
	[tilespmem:$0x778] =	vst v63  }
0x47: {  	_ =	swait.ge [sflag:s25], $0x80  }
0x48: {  	[sflag:s25] =	ssyncset.done $0x0  }
0x49: {  	[sflag:s25] =	ssyncadd.s32 $0xFFFFFF80  }
0x4a: {  	[spmem:s2] =	stream.indirect.scatter.add.f32 [tilespmem:s18], [sflag:$0x6], $0x1, s22, s17, $0xb8;
	[tilespmem:$0x778] =	vst v63  }
0x4b: {  	_ =	swait.ge [sflag:s26], $0x80  }
0x4c: {  	[sflag:s26] =	ssyncset.done $0x0  }
0x4d: {  	s30 =	simm.s32 $0x0;
	[sflag:s26] =	ssyncadd.s32 $0xFFFFFF80  }
0x4e: {  	[tilespmem:s17], [sflag:$0x2] =	stream.linear.gather [hbm4b:s13+s3], $0x80, $0x38;
	[tilespmem:$0x778] =	vst v63  }
.LBB2_2:
0x4f: {  	_ =	swait.ge [sflag:s21], $0x80  }
0x50: {  	[sflag:s21] =	ssyncset.done $0x0  }
0x51: {  	[sflag:s21] =	ssyncadd.s32 $0xFFFFFF80  }
0x52: {  	[spmem:s2] =	stream.indirect.scatter.add.f32 [tilespmem:s18], [sflag:$0x4], $0x1, s3, s17, $0xb8;
	[tilespmem:$0x778] =	vst v63  }
0x53: {  	_ =	swait.ge [sflag:s28], $0x80  }
0x54: {  	[sflag:s28] =	ssyncset.done $0x0  }
0x55: {  	s31 =	sadd.s32 s30, s16;
	[sflag:s28] =	ssyncadd.s32 $0xFFFFFF80  }
0x56: {  	[tilespmem:s22], [sflag:$0x3] =	stream.linear.gather [hbm4b:s31+s3], $0x80, $0x38;
	[tilespmem:$0x778] =	vst v63  }
0x57: {  	_ =	swait.ge [sflag:s23], $0x80  }
0x58: {  	p0 =	seq.s32 s30, $0x4B0;
	[sflag:s23] =	ssyncset.done $0x0  }
.Ltmp2:
0x59: {  	[sflag:s23] =	ssyncadd.s32 $0xFFFFFF80;
	(pc) =	sbr.rel @p0 .LBB2_4-.Ltmp2, $4  }
0x5a: {  	[spmem:s2] =	stream.indirect.scatter.add.f32 [tilespmem:s18], [sflag:$0x5], $0x1, s17, s17, $0xb8;
	[tilespmem:$0x778] =	vst v63  }
0x5b: {  	_ =	swait.ge [sflag:s24], $0x80  }
0x5c: {  	[sflag:s24] =	ssyncset.done $0x0  }
0x5d: {  	[sflag:s24] =	ssyncadd.s32 $0xFFFFFF80  }
0x5e: {  	s31 =	sadd.s32 s30, s15  }
0x5f: {  	[tilespmem:s3], [sflag:$0x1] =	stream.linear.gather [hbm4b:s31+s3], $0x80, $0x38;
	[tilespmem:$0x778] =	vst v63  }
0x60: {  	_ =	swait.ge [sflag:s25], $0x80  }
0x61: {  	[sflag:s25] =	ssyncset.done $0x0  }
0x62: {  	[sflag:s25] =	ssyncadd.s32 $0xFFFFFF80  }
0x63: {  	[spmem:s2] =	stream.indirect.scatter.add.f32 [tilespmem:s18], [sflag:$0x6], $0x1, s22, s17, $0xb8;
	[tilespmem:$0x778] =	vst v63  }
.Ltmp3:
0x64: {  	_ = 	snop;
	(pc) =	sbr.rel .LBB2_2-.Ltmp3, $4  }
0x65: {  	_ =	swait.ge [sflag:s26], $0x80  }
0x66: {  	[sflag:s26] =	ssyncset.done $0x0  }
0x67: {  	s31 =	sadd.s32 s30, s14;
	s30 =	sadd.s32 $0x30, s30;
	[sflag:s26] =	ssyncadd.s32 $0xFFFFFF80  }
0x68: {  	[tilespmem:s17], [sflag:$0x2] =	stream.linear.gather [hbm4b:s31+s3], $0x80, $0x38;
	[tilespmem:$0x778] =	vst v63  }
.LBB2_5:
0x69: {  	_ =	sfence.sel $0x180000  }
0x6a: {  	[bflag:$0x0] =	sbarrier.arrive $0xFFFF  }
0x6b: {  	p0 =	sne.s32 s1, $0x0;
	_ =	strace $0x90000047  }
0x6c: {  	s0 =	sadd.s32 @!p0 $0x100000, s0;
	[bflag:$0x2] =	sbarrier.arrive $0xFFFF  }
0x6d: {  	[sflag:s0] =	ssyncadd.tile.s32 @!p0 $0x1;
	_ =	shalt  }
.Lfunc_end2:
_tile_overlayer_lowered:
.L_overlay_start_2:
0x6e: {  	(tag) =	ssettag $0x2  }
0x6f: {  	s0 =	rddreg [dreg:$0x0];
	s2 =	stileid.u32  }
0x70: {  	s1 =	rddreg [dreg:$0x1];
	p0 =	sne.s32 s2, $0x0  }
0x71: {  	s3 =	rddreg [dreg:$0x2];
	[bflag:$0x3] =	sbarrier.arrive $0xFFFF;
	s2 =	simm.s32 @!p0 $0x1C07  }
0x72: {  	[timem:s3], [sflag:s2] =	dma.local @!p0 [hbm:s0], s1  }
0x73: {  	s0 =	simm.s32 @!p0 $0x7  }
0x74: {  	_ =	swait.ge @!p0 [sflag:s0], s1  }
0x75: {  	s1 =	ssub.s32 @!p0 $0x0, s1;
	[sflag:s0] =	ssyncset.done @!p0 $0x0  }
0x76: {  	[sflag:s0] =	ssyncadd.s32 @!p0 s1  }
0x77: {  	[bflag:$0x3] =	sbarrier.arrive $0xFFFF  }
0x78: {  	_ =	shalt  }

// kernel: kernel.14.cloned.1.call-start
scs
__scs_entry_jumppad:
0x0: {  	(pc) =	sbr.rel $0x88, $3  }
0x1: {  	(tag) =	ssettag $0x0;
	lr =	simm.s32 $0x1  }
0x2: {  	[smem:$0x3F8B] =	sst lr;
	_ =	strace $0xD0000000  }
0x3: {  	_ = 	snop  }
0x4: {  	_ = 	snop  }
0x5: {  	_ = 	snop  }
0x6: {  	_ = 	snop  }
0x7: {  	_ = 	snop  }
__scs_overlays_trampoline_lowered:
0x8: {  	[smem:$0x3F9A] =	sst s0  }
0x9: {  	[smem:$0x3F9B] =	sst s1  }
0xa: {  	[smem:$0x3F9C] =	sst s2  }
0xb: {  	[smem:$0x3F9D] =	sst s3  }
0xc: {  	[smem:$0x3F9E] =	sst s4  }
0xd: {  	[smem:$0x3F9F] =	sst s5  }
0xe: {  	[smem:$0x3FA0] =	sst s6  }
0xf: {  	[smem:$0x3FA1] =	sst s7  }
0x10: {  	[smem:$0x3FA2] =	sst s8  }
0x11: {  	[smem:$0x3FA3] =	sst s9;
	s0 =	simm.s32 @!p0 $0x0  }
0x12: {  	s1 =	sld [smem:$0x3F89];
	s0 =	simm.s32 @p0 $0x1  }
0x13: {  	[smem:$0x3FA4] =	sst s0;
	s0 =	simm.s32 @!p1 $0x0  }
0x14: {  	s2 =	sld [smem:$0x3F88];
	s0 =	simm.s32 @p1 $0x1  }
0x15: {  	[smem:$0x3FA5] =	sst s0;
	s0 =	simm.s32 @!p2 $0x0  }
0x16: {  	s3 =	sld [smem:$0x3FDB];
	s0 =	simm.s32 @p2 $0x1  }
0x17: {  	s4 =	simm.s32 $0x1BF5;
	[smem:$0x3FA7] =	sst s0  }
0x18: {  	s0 =	sld [smem:$0x3F8A];
	_ =	swait.ge [sflag:s4], $0x0  }
0x19: {  	s7 =	sld [smem:$0x3F8B]  }
0x1a: {  	s8 =	sadd.s32 $0xFFFFE003, lr  }
0x1b: {  	s9 =	sadd.s32 $0xFFFFFEF7, lr;
	s5 =	simm.s32 $0xFFFFFFFF;
	p2 =	slt.u32 s8, $0xFFFFF086  }
0x1c: {  	p1 =	slt.u32 s9, $0xF7A;
	s5 =	simm.s32 @!p2 $0x0  }
0x1d: {  	s5 =	simm.s32 @p1 $0x1;
	p0 =	seq.s32 s7, s2  }
0x1e: {  	s7 =	smul.u32 @!p0 $0xF7A, s2;
	p2 =	seq.s32 @!p0 s5, $0x0  }
0x1f: {  	s9 =	smul.u32 $0xF7A, s1;
	s8 =	simm.s32 @!p0 $0x1BF5;
	p2 =	por !p2, p0  }
0x20: {  	[sflag:s8] =	ssyncset.s32 @!p0 $0xFFFFF086;
	s6 =	sadd.s32 @!p0 s3, s7;
	s7 =	simm.s32 @!p0 $0x108  }
0x21: {  	s3 =	sadd.s32 s3, s9;
	s6 =	sadd.s32 @!p0 $0x88, s6;
	s7 =	simm.s32 @p2 $0x1082  }
0x22: {  	[simem:s7], [sflag:s8] =	dma.local @!p0 [hbm:s6], $0xF7A  }
0x23: {  	s9 =	sor.u32 $0xD0000000, s2;
	s6 =	simm.s32 $0x108;
	_ =	swait.ge @!p0 [sflag:s8], $0x0  }
0x24: {  	s3 =	sadd.s32 $0x88, s3;
	s6 =	simm.s32 @!p1 $0x1082;
	[sflag:s4] =	ssyncset.s32 $0xFFFFF086  }
0x25: {  	[simem:s6], [sflag:s4] =	dma.local [hbm:s3], $0xF7A  }
0x26: {  	[smem:$0x3F8B] =	sst s1;
	(tag) =	ssettag s2;
	_ =	strace s9  }
0x27: {  	s1 =	sld [smem:$0x3F9B]  }
0x28: {  	s2 =	sld [smem:$0x3F9C]  }
0x29: {  	s4 =	sld [smem:$0x3F9E]  }
0x2a: {  	p0 =	seq.s32 s5, $0x0;
	s5 =	sld [smem:$0x3F9F]  }
0x2b: {  	s6 =	sld [smem:$0x3FA0]  }
0x2c: {  	s7 =	sld [smem:$0x3FA1]  }
0x2d: {  	s3 =	simm.s32 $0x108;
	s8 =	sld [smem:$0x3FA2]  }
0x2e: {  	s3 =	simm.s32 @!p0 $0x1082;
	s9 =	sld [smem:$0x3FA3]  }
0x2f: {  	lr =	sadd.s32 s0, s3;
	s0 =	sld [smem:$0x3F9A]  }
0x30: {  	s3 =	sld [smem:$0x3F9D]  }
0x31: {  	[smem:$0x3FA6] =	sst s10  }
0x32: {  	s10 =	sld [smem:$0x3FA4];
	_ =	sdelay $0x3  }
0x33: {  	p0 =	seq.s32 s10, $0x1;
	s10 =	sld [smem:$0x3FA6];
	_ =	sdelay $0x3  }
0x34: {  	[smem:$0x3FA6] =	sst s10  }
0x35: {  	s10 =	sld [smem:$0x3FA5];
	_ =	sdelay $0x3  }
0x36: {  	p1 =	seq.s32 s10, $0x1;
	s10 =	sld [smem:$0x3FA6];
	_ =	sdelay $0x3  }
0x37: {  	[smem:$0x3FA6] =	sst s10  }
0x38: {  	s10 =	sld [smem:$0x3FA7]  }
0x39: {  	_ = 	snop;
	(pc) =	sbr.ind lr, $3  }
0x3a: {  	_ = 	snop  }
0x3b: {  	_ = 	snop  }
0x3c: {  	p2 =	seq.s32 s10, $0x1;
	s10 =	sld [smem:$0x3FA6]  }
0x3d: {  	_ =	shalt  }
0x3e: {  	_ =	shalt  }
0x3f: {  	_ =	shalt  }
0x40: {  	_ =	shalt  }
0x41: {  	_ =	shalt  }
0x42: {  	_ =	shalt  }
0x43: {  	_ =	shalt  }
0x44: {  	_ =	shalt  }
0x45: {  	_ =	shalt  }
0x46: {  	_ =	shalt  }
0x47: {  	_ =	shalt  }
0x48: {  	_ =	shalt  }
0x49: {  	_ =	shalt  }
0x4a: {  	_ =	shalt  }
0x4b: {  	_ =	shalt  }
0x4c: {  	_ =	shalt  }
0x4d: {  	_ =	shalt  }
0x4e: {  	_ =	shalt  }
0x4f: {  	_ =	shalt  }
0x50: {  	_ =	shalt  }
0x51: {  	_ =	shalt  }
0x52: {  	_ =	shalt  }
0x53: {  	_ =	shalt  }
0x54: {  	_ =	shalt  }
0x55: {  	_ =	shalt  }
0x56: {  	_ =	shalt  }
0x57: {  	_ =	shalt  }
0x58: {  	_ =	shalt  }
0x59: {  	_ =	shalt  }
0x5a: {  	_ =	shalt  }
0x5b: {  	_ =	shalt  }
0x5c: {  	_ =	shalt  }
0x5d: {  	_ =	shalt  }
0x5e: {  	_ =	shalt  }
0x5f: {  	_ =	shalt  }
0x60: {  	_ =	shalt  }
0x61: {  	_ =	shalt  }
0x62: {  	_ =	shalt  }
0x63: {  	_ =	shalt  }
0x64: {  	_ =	shalt  }
0x65: {  	_ =	shalt  }
0x66: {  	_ =	shalt  }
0x67: {  	_ =	shalt  }
0x68: {  	_ =	shalt  }
0x69: {  	_ =	shalt  }
0x6a: {  	_ =	shalt  }
0x6b: {  	_ =	shalt  }
0x6c: {  	_ =	shalt  }
0x6d: {  	_ =	shalt  }
0x6e: {  	_ =	shalt  }
0x6f: {  	_ =	shalt  }
0x70: {  	_ =	shalt  }
0x71: {  	_ =	shalt  }
0x72: {  	_ =	shalt  }
0x73: {  	_ =	shalt  }
0x74: {  	_ =	shalt  }
0x75: {  	_ =	shalt  }
0x76: {  	_ =	shalt  }
0x77: {  	_ =	shalt  }
0x78: {  	_ =	shalt  }
0x79: {  	_ =	shalt  }
0x7a: {  	_ =	shalt  }
0x7b: {  	_ =	shalt  }
0x7c: {  	_ =	shalt  }
0x7d: {  	_ =	shalt  }
0x7e: {  	_ =	shalt  }
0x7f: {  	_ =	shalt  }
0x80: {  	_ =	shalt  }
0x81: {  	_ =	shalt  }
0x82: {  	_ =	shalt  }
0x83: {  	_ =	shalt  }
0x84: {  	_ =	shalt  }
0x85: {  	_ =	shalt  }
0x86: {  	_ =	shalt  }
0x87: {  	_ =	shalt  }
.Lfunc_end0:
.L_simem_size_0:
called_computation.1_lowered:
.L_overlay_start_0:
0x88: {  	s2 =	sld [smem:$0x3FD9]  }
0x89: {  	s3 =	sld [smem:$0x3FFE];
	_ =	sdelay $0x1  }
0x8a: {  	s1 =	srdreg.scid  }
0x8b: {  	s0 =	sand.u32 $0x1, s1  }
0x8c: {  	s17 =	sshll.u32 s0, $0xA;
	s2 =	sadd.s32 s3, s2  }
0x8d: {  	s2 =	sadd.s32 s2, s17  }
0x8e: {  	[smem:$0x3FB2] =	sst s2  }
0x8f: {  	_ = 	snop  }
0x90: {  	s2 =	sld [smem:$0x3FD0];
	(tm) =	ssettm $0x1  }
0x91: {  	s18 =	sld [smem:$0x3FFB];
	_ =	sdelay $0x3  }
0x92: {  	_ =	strace s18  }
0x93: {  	s3 =	sld [smem:$0x3FFC];
	_ =	sdelay $0x3  }
0x94: {  	_ =	strace s3  }
0x95: {  	s3 =	sld [smem:$0x3FFD];
	_ =	sdelay $0x3  }
0x96: {  	_ =	strace s3  }
0x97: {  	_ =	strace $0x8FFFFFFF  }
0x98: {  	s19 =	sld [smem:$0x3FDB];
	_ =	sdelay $0x1  }
0x99: {  	s4 =	simm.s32 $_scs_section_size  }
0x9a: {  	s5 =	simm.s32 $_size__tile_overlayer_lowered;
	s6 =	simm.s32 $_tile_overlayer_lowered  }
0x9b: {  	s22 =	simm.s32 $0x1BFF;
	s21 =	sshll.u32 s6, $0x1;
	s3 =	sadd.s32 s4, s19  }
0x9c: {  	s7 =	simm.s32 $0x0;
	s20 =	sshll.u32 s5, $0x1;
	s5 =	sadd.s32 s21, s3  }
0x9d: {  	[timem:s7], [sflag:s22] =	dma.local [hbm:s5], s20  }
0x9e: {  	_ =	swait.ge [sflag:s22], s20  }
0x9f: {  	s4 =	ssub.s32 $0x0, s20;
	[sflag:s22] =	ssyncset.done $0x0  }
0xa0: {  	[sflag:s22] =	ssyncadd.s32 s4;
	_ =	sdelay $0x1  }
0xa1: {  	s23 =	simm.s32 $0x1B8B  }
0xa2: {  	_ =	swait.ge [sflag:s23], $0x1  }
0xa3: {  	[sflag:s23] =	ssyncset.done $0x0  }
0xa4: {  	s25 =	simm.s32 $0x1B8E;
	s24 =	sld [smem:$0x3FFE];
	[sflag:s23] =	ssyncadd.s32 $0xFFFFFFFF  }
0xa5: {  	s26 =	simm.s32 $execute0_lowered;
	[smem:$0x3FD2] =	sst s25  }
0xa6: {  	s5 =	sshll.u32 s26, $0x1;
	_ =	strace $0x80000049;
	[dreg:$0x1] =	wrdreg $0xFFFFFFFF  }
0xa7: {  	s28 =	simm.s32 $_size_execute0_lowered;
	s3 =	sadd.s32 s3, s5;
	[dreg:$0x0] =	wrdreg $0x0  }
0xa8: {  	s5 =	sshll.u32 s28, $0x1;
	[dreg:$0x2] =	wrdreg s3  }
0xa9: {  	[dreg:$0x3] =	wrdreg s5  }
0xaa: {  	[dreg:$0x4] =	wrdreg $0xC0  }
0xab: {  	_ =	task [dreg:s7], $0x5FFFF  }
0xac: {  	[dreg:$0x1] =	wrdreg $0xFFFFFFFF  }
0xad: {  	[dreg:$0x0] =	wrdreg $0x60  }
0xae: {  	[dreg:$0x2] =	wrdreg s2  }
0xaf: {  	[dreg:$0x3] =	wrdreg s24  }
0xb0: {  	[dreg:$0x4] =	wrdreg $0xC4000  }
0xb1: {  	[dreg:$0x5] =	wrdreg $0x9  }
0xb2: {  	_ =	task.clear_ibuf [dreg:s7], $0x6FFFF;
	_ =	strace $0x90000049  }
0xb3: {  	s29 =	simm.s32 $0x9;
	_ =	strace $0x8000004B  }
0xb4: {  	_ =	swait.ge [sflag:s29], $0x1  }
0xb5: {  	[sflag:s29] =	ssyncadd.s32 $0xFFFFFFFF  }
0xb6: {  	_ =	strace $0x9000004B  }
0xb7: {  	_ =	sfence  }
0xb8: {  	s30 =	sld [smem:$0x0];
	_ =	sdelay $0x2  }
0xb9: {  	s31 =	sshll.u32 s1, $0xD;
	s1 =	sshrl.u32 s1, $0x2  }
0xba: {  	s3 =	sand.u32 $0x4000, s31;
	s1 =	sadd.s32 s1, s30  }
0xbb: {  	s0 =	sor.u32 s3, s0;
	s1 =	sshll.u32 s1, $0x11  }
0xbc: {  	s0 =	sor.u32 s1, s0  }
0xbd: {  	s0 =	sadd.s32 $0x8F2B, s0  }
0xbe: {  	[sflag:s0] =	ssyncadd.remote.s32 $0x1  }
0xbf: {  	_ =	sfence.sel $0xFFFF  }
0xc0: {  	[dreg:$0x0] =	wrdreg $0xFFFFFFFF;
	(pc) =	sbr.abs _section_cstart, $3  }
0xc1: {  	[dreg:$0x1] =	wrdreg $0xFFFFFFFF  }
0xc2: {  	_ =	task.clear_ibuf [dreg:s7], $0x2FFFF;
	_ =	strace $0x9FFFFFFF  }
0xc3: {  	(tm) =	ssettm $0x7FFFFFFF  }
tec
execute0_lowered:
.L_overlay_start_1:
0x0: {  	(tag) =	ssettag $0x1  }
0x1: {  	s1 =	rddreg [dreg:$0x0]  }
0x2: {  	s0 =	rddreg [dreg:$0x1]  }
0x3: {  	s2 =	rddreg [dreg:$0x2];
	s4 =	simm.s32 $0x0;
	s3 =	srdreg.scid  }
0x4: {  	s12 =	stileid.u32;
	s28 =	simm.s32 $0x7;
	s29 =	simm.s32 $0x200  }
0x5: {  	s30 =	simm.s32 $0x80;
	s31 =	simm.s32 $0x280;
	s5 =	smul.u32 $0x278, s12  }
0x6: {  	[smem:$0x7FF] =	sst s4;
	s3 =	sand.u32 $0x1, s3;
	s24 =	smul.u32 $0x4F000, s12  }
0x7: {  	s6 =	sadd.s32 $0x10A00, s0;
	s10 =	sadd.s32 $0x6800, s0;
	s7 =	smul.u32 $0x2780, s3  }
0x8: {  	s8 =	sshll.u32 s3, $0x4;
	s22 =	ssub.s32 $0x2, s3;
	s3 =	smul.u32 $0x510, s3  }
0x9: {  	s9 =	sadd.s32 $0x41E00, s0;
	s8 =	sor.u32 s12, s8;
	s12 =	smul.u32 $0x51, s12  }
0xa: {  	_ =	strace $0x8000004A;
	[dreg:$0x4] =	wrdreg s9;
	s23 =	smul.u32 $0x510, s8  }
0xb: {  	s11 =	sshrl.u32 s22, $0x1;
	s5 =	sadd.s32 s5, s7;
	s8 =	smul.u32 $0x2880, s8  }
0xc: {  	s7 =	sshrl.u32 s24, $0x2;
	s5 =	sshll.u32 s5, $0x4;
	s3 =	sadd.s32 s12, s3  }
0xd: {  	s0 =	sadd.s32 s5, s0;
	s5 =	ssub.s32 s22, s11;
	s25 =	sadd.s32 s6, s23  }
0xe: {  	s8 =	sshrl.u32 s8, $0x3;
	s9 =	sadd.s32 s10, s23;
	[dreg:$0x5] =	wrdreg s25  }
0xf: {  	s3 =	sshll.u32 s3, $0x4;
	s8 =	sadd.s32 $0x10, s8;
	[dreg:$0x6] =	wrdreg s9  }
0x10: {  	s9 =	sadd.s32 s7, s2;
	s11 =	sadd.s32 $0x42600, s0;
	s12 =	sadd.s32 $0x42E00, s0  }
0x11: {  	s14 =	sadd.s32 $0x40, s3;
	s15 =	sadd.s32 $0x43600, s0;
	s16 =	sadd.s32 s3, s6  }
0x12: {  	s22 =	sadd.s32 s3, s10;
	s3 =	sadd.s32 $0x20, s3;
	s25 =	sadd.s32 $0x43E00, s0  }
0x13: {  	s0 =	sadd.s32 $0x44600, s0;
	s7 =	simm.s32 $0x100;
	s26 =	sadd.s32 s6, s8  }
0x14: {  	s8 =	sadd.s32 s10, s8;
	s23 =	sadd.s32 $0x4000, s9;
	[dreg:$0xa] =	wrdreg s11  }
0x15: {  	s13 =	sadd.s32 $0x8000, s9;
	s21 =	sadd.s32 $0xC000, s9;
	[dreg:$0xb] =	wrdreg s12  }
0x16: {  	[dreg:$0xc] =	wrdreg s15;
	s17 =	sadd.s32 s14, s6;
	s18 =	sadd.s32 s14, s10  }
0x17: {  	s19 =	sadd.s32 s3, s6;
	s20 =	sadd.s32 s3, s10;
	[dreg:$0xd] =	wrdreg s25  }
0x18: {  	[dreg:$0xe] =	wrdreg s0;
	s24 =	sadd.s32 $0x30, s16;
	s25 =	sadd.s32 $0x30, s22  }
0x19: {  	s12 =	sadd.s32 $0x10000, s9;
	s0 =	simm.s32 $0x400;
	s3 =	simm.s32 $0x4400  }
.Ltmp0:
0x1a: {  	s6 =	simm.s32 $0x1;
	[dreg:$0x7] =	wrdreg s26;
	(pc) =	sbr.rel .LBB2_1-.Ltmp0, $4  }
0x1b: {  	s10 =	simm.s32 $0x2;
	s14 =	simm.s32 $0x4;
	[dreg:$0x8] =	wrdreg s8  }
0x1c: {  	s15 =	simm.s32 $0x3;
	s16 =	simm.s32 $0x5;
	[dreg:$0x9] =	wrdreg s21  }
0x1d: {  	s22 =	simm.s32 $0x0;
	s26 =	smax.u32 s5, $0x1;
	[dreg:$0x10] =	wrdreg s12  }
0x1e: {  	s5 =	simm.s32 $0x8400;
	s8 =	simm.s32 $0x300;
	[dreg:$0xf] =	wrdreg s26  }
.LBB2_4:
0x1f: {  	_ =	swait.ge [sflag:s15], $0x4000  }
0x20: {  	[sflag:s15] =	ssyncset.done $0x0  }
0x21: {  	[sflag:s15] =	ssyncadd.s32 $0xFFFFC000  }
0x22: {  	[spmem:s2] =	stream.indirect.scatter.add.f32 [tilespmem:s5], [sflag:$0x6], $0x80, s8, s30, $0xb8;
	v63 =	vld [tilespmem:$0x0]  }
0x23: {  	_ =	swait.ge [sflag:s16], $0x4000  }
0x24: {  	[sflag:s16] =	ssyncset.done $0x0  }
0x25: {  	[dreg:$0x11] =	wrdreg s22;
	s22 =	simm.s32 $0x6;
	[sflag:s16] =	ssyncadd.s32 $0xFFFFC000  }
0x26: {  	_ =	swait.ge [sflag:s22], $0x4000  }
0x27: {  	[sflag:s22] =	ssyncset.done $0x0  }
0x28: {  	[sflag:s22] =	ssyncadd.s32 $0xFFFFC000  }
0x29: {  	[bflag:$0x0] =	sbarrier.arrive $0xFFFF  }
0x2a: {  	[tilespmem:s0], [sflag:$0x1] =	stream.linear.gather [spmem:s26], $0x4000, $0x38;
	v63 =	vld [tilespmem:$0x0]  }
0x2b: {  	_ = 	snop  }
0x2c: {  	[tilespmem:s3], [sflag:$0x2] =	stream.linear.gather [spmem:s12], $0x4000, $0x38;
	v63 =	vld [tilespmem:$0x0]  }
0x2d: {  	_ =	swait.ge [sflag:s6], $0x4000  }
0x2e: {  	[sflag:s6] =	ssyncset.done $0x0  }
0x2f: {  	s11 =	rddreg [dreg:$0xa];
	[sflag:s6] =	ssyncadd.s32 $0xFFFFC000  }
0x30: {  	[hbm4b:s11+s4] =	stream.linear.scatter [tilespmem:s0], [sflag:$0x4], $0x4000, $0x38;
	v63 =	vld [tilespmem:$0x0]  }
0x31: {  	s13 =	smov.u32 s9  }
0x32: {  	[tilespmem:s5], [sflag:$0x3] =	stream.linear.gather [spmem:s13], $0x4000, $0x38;
	v63 =	vld [tilespmem:$0x0]  }
0x33: {  	_ =	swait.ge [sflag:s10], $0x4000  }
0x34: {  	[sflag:s10] =	ssyncset.done $0x0  }
0x35: {  	s9 =	smov.u32 s26;
	s26 =	rddreg [dreg:$0xb];
	[sflag:s10] =	ssyncadd.s32 $0xFFFFC000  }
0x36: {  	[hbm4b:s26+s4] =	stream.linear.scatter [tilespmem:s3], [sflag:$0x5], $0x4000, $0x38;
	v63 =	vld [tilespmem:$0x0]  }
0x37: {  	_ =	swait.ge [sflag:s14], $0x4000  }
0x38: {  	[sflag:s14] =	ssyncset.done $0x0  }
0x39: {  	s21 =	rddreg [dreg:$0x9];
	[sflag:s14] =	ssyncadd.s32 $0xFFFFC000  }
0x3a: {  	[tilespmem:s0], [sflag:$0x1] =	stream.linear.gather [spmem:s21], $0x4000, $0x38;
	v63 =	vld [tilespmem:$0x0]  }
0x3b: {  	_ =	swait.ge [sflag:s15], $0x4000  }
0x3c: {  	[sflag:s15] =	ssyncset.done $0x0  }
0x3d: {  	s23 =	smov.u32 s12;
	s12 =	rddreg [dreg:$0xc];
	[sflag:s15] =	ssyncadd.s32 $0xFFFFC000  }
0x3e: {  	[hbm4b:s12+s4] =	stream.linear.scatter [tilespmem:s5], [sflag:$0x6], $0x4000, $0x38;
	v63 =	vld [tilespmem:$0x0]  }
0x3f: {  	_ =	swait.ge [sflag:s16], $0x4000  }
0x40: {  	[sflag:s16] =	ssyncset.done $0x0  }
0x41: {  	s12 =	rddreg [dreg:$0x10];
	[sflag:s16] =	ssyncadd.s32 $0xFFFFC000  }
0x42: {  	[tilespmem:s3], [sflag:$0x2] =	stream.linear.gather [spmem:s12], $0x3C00, $0x38;
	v63 =	vld [tilespmem:$0x0]  }
0x43: {  	_ =	swait.ge [sflag:s6], $0x4000  }
0x44: {  	[sflag:s6] =	ssyncset.done $0x0  }
0x45: {  	s26 =	rddreg [dreg:$0xd];
	[sflag:s6] =	ssyncadd.s32 $0xFFFFC000  }
0x46: {  	[hbm4b:s26+s4] =	stream.linear.scatter [tilespmem:s0], [sflag:$0x4], $0x4000, $0x38;
	v63 =	vld [tilespmem:$0x0]  }
0x47: {  	_ =	swait.ge [sflag:s10], $0x3C00  }
0x48: {  	[sflag:s10] =	ssyncset.done $0x0  }
0x49: {  	s26 =	rddreg [dreg:$0xe];
	[sflag:s10] =	ssyncadd.s32 $0xFFFFC400  }
0x4a: {  	[hbm4b:s26+s4] =	stream.linear.scatter [tilespmem:s3], [sflag:$0x5], $0x3C00, $0x38;
	v63 =	vld [tilespmem:$0x0]  }
0x4b: {  	_ =	swait.ge [sflag:s22], $0x4000  }
0x4c: {  	[sflag:s22] =	ssyncset.done $0x0  }
0x4d: {  	[sflag:s22] =	ssyncadd.s32 $0xFFFFC000  }
0x4e: {  	s11 =	rddreg [dreg:$0x11];
	_ =	swait.ge [sflag:s14], $0x4000  }
0x4f: {  	[sflag:s14] =	ssyncset.done $0x0  }
0x50: {  	[sflag:s14] =	ssyncadd.s32 $0xFFFFC000  }
0x51: {  	_ =	swait.ge [sflag:s16], $0x3C00  }
0x52: {  	s22 =	sadd.s32 $0x1, s11;
	s26 =	rddreg [dreg:$0xf]  }
0x53: {  	p0 =	sne.s32 s22, s26  }
.Ltmp1:
0x54: {  	_ = 	snop;
	(pc) =	sbr.rel @!p0 .LBB2_5-.Ltmp1, $3  }
0x55: {  	_ =	sdelay $0x1  }
0x56: {  	[sflag:s16] =	ssyncset.done $0x0  }
0x57: {  	[sflag:s16] =	ssyncadd.s32 $0xFFFFC400  }
.LBB2_1:
0x58: {  	s11 =	rddreg [dreg:$0x5]  }
0x59: {  	[tilespmem:s4], [sflag:$0x7] =	stream.linear.gather [hbm4b:s11+s4], $0x80, $0x38;
	v63 =	vld [tilespmem:$0x0]  }
0x5a: {  	_ =	swait.ge [sflag:s28], $0x80  }
0x5b: {  	[sflag:s28] =	ssyncset.done $0x0  }
0x5c: {  	s26 =	rddreg [dreg:$0x6];
	[sflag:s28] =	ssyncadd.s32 $0xFFFFFF80  }
0x5d: {  	[tilespmem:s29], [sflag:$0x7] =	stream.linear.gather [hbm4b:s26+s4], $0x80, $0x38;
	v63 =	vld [tilespmem:$0x0]  }
0x5e: {  	_ =	swait.ge [sflag:s28], $0x80  }
0x5f: {  	[sflag:s28] =	ssyncset.done $0x0  }
0x60: {  	s26 =	rddreg [dreg:$0x7];
	[sflag:s28] =	ssyncadd.s32 $0xFFFFFF80  }
0x61: {  	[tilespmem:s30], [sflag:$0x7] =	stream.linear.gather [hbm4b:s26+s4], $0x80, $0x38;
	v63 =	vld [tilespmem:$0x0]  }
0x62: {  	_ =	swait.ge [sflag:s28], $0x80  }
0x63: {  	[sflag:s28] =	ssyncset.done $0x0  }
0x64: {  	s26 =	rddreg [dreg:$0x8];
	[sflag:s28] =	ssyncadd.s32 $0xFFFFFF80  }
0x65: {  	[tilespmem:s31], [sflag:$0x7] =	stream.linear.gather [hbm4b:s26+s4], $0x80, $0x38;
	v63 =	vld [tilespmem:$0x0]  }
0x66: {  	_ =	swait.ge [sflag:s28], $0x80  }
0x67: {  	[sflag:s28] =	ssyncset.done $0x0  }
0x68: {  	[sflag:s28] =	ssyncadd.s32 $0xFFFFFF80  }
0x69: {  	[tilespmem:s0], [sflag:$0x1] =	stream.indirect.gather [hbm4b:s1+s30], $0x80, s4, s30, $0xb8;
	v63 =	vld [tilespmem:$0x0]  }
0x6a: {  	_ = 	snop  }
0x6b: {  	[tilespmem:s3], [sflag:$0x2] =	stream.indirect.gather [hbm4b:s1+s30], $0x80, s30, s30, $0xb8;
	v63 =	vld [tilespmem:$0x0]  }
0x6c: {  	s26 =	rddreg [dreg:$0x4]  }
0x6d: {  	[tilespmem:s5], [sflag:$0x7] =	stream.linear.gather [hbm4b:s26+s4], $0x4000, $0x38;
	v63 =	vld [tilespmem:$0x0]  }
0x6e: {  	_ =	swait.ge [sflag:s28], $0x4000  }
0x6f: {  	[sflag:s28] =	ssyncset.done $0x0  }
0x70: {  	[sflag:s28] =	ssyncadd.s32 $0xFFFFC000  }
0x71: {  	[spmem:s9] =	stream.linear.scatter [tilespmem:s5], [sflag:$0x7], $0x4000, $0x38;
	v63 =	vld [tilespmem:$0x0]  }
0x72: {  	_ =	swait.ge [sflag:s28], $0x4000  }
0x73: {  	[sflag:s28] =	ssyncset.done $0x0  }
0x74: {  	[sflag:s28] =	ssyncadd.s32 $0xFFFFC000  }
0x75: {  	[spmem:s23] =	stream.linear.scatter [tilespmem:s5], [sflag:$0x7], $0x4000, $0x38;
	v63 =	vld [tilespmem:$0x0]  }
0x76: {  	_ =	swait.ge [sflag:s28], $0x4000  }
0x77: {  	[sflag:s28] =	ssyncset.done $0x0  }
0x78: {  	[sflag:s28] =	ssyncadd.s32 $0xFFFFC000  }
0x79: {  	[spmem:s13] =	stream.linear.scatter [tilespmem:s5], [sflag:$0x7], $0x4000, $0x38;
	v63 =	vld [tilespmem:$0x0]  }
0x7a: {  	_ =	swait.ge [sflag:s28], $0x4000  }
0x7b: {  	[sflag:s28] =	ssyncset.done $0x0  }
0x7c: {  	[sflag:s28] =	ssyncadd.s32 $0xFFFFC000  }
0x7d: {  	[spmem:s21] =	stream.linear.scatter [tilespmem:s5], [sflag:$0x7], $0x4000, $0x38;
	v63 =	vld [tilespmem:$0x0]  }
0x7e: {  	_ =	swait.ge [sflag:s28], $0x4000  }
0x7f: {  	[sflag:s28] =	ssyncset.done $0x0  }
0x80: {  	s11 =	smov.u32 s12;
	[sflag:s28] =	ssyncadd.s32 $0xFFFFC000  }
0x81: {  	[spmem:s11] =	stream.linear.scatter [tilespmem:s5], [sflag:$0x7], $0x3C00, $0x38;
	v63 =	vld [tilespmem:$0x0]  }
0x82: {  	_ =	swait.ge [sflag:s28], $0x3C00  }
0x83: {  	[sflag:s28] =	ssyncset.done $0x0  }
0x84: {  	s12 =	smov.u32 s23;
	s26 =	smov.u32 s9;
	[sflag:s28] =	ssyncadd.s32 $0xFFFFC400  }
0x85: {  	s9 =	smov.u32 s13;
	s23 =	simm.s32 $0x0;
	[bflag:$0x0] =	sbarrier.arrive $0xFFFF  }
.LBB2_2:
0x86: {  	_ =	swait.ge [sflag:s6], $0x4000  }
0x87: {  	p0 =	seq.s32 s23, $0x0;
	[sflag:s6] =	ssyncset.done $0x0  }
0x88: {  	s11 =	simm.s32 @!p0 $0x6;
	[sflag:s6] =	ssyncadd.s32 $0xFFFFC000  }
0x89: {  	[spmem:s2] =	stream.indirect.scatter.add.f32 [tilespmem:s0], [sflag:$0x4], $0x80, s29, s30, $0xb8;
	v63 =	vld [tilespmem:$0x0]  }
0x8a: {  	_ =	swait.ge @!p0 [sflag:s11], $0x4000  }
0x8b: {  	[sflag:s11] =	ssyncset.done @!p0 $0x0  }
0x8c: {  	s13 =	sadd.s32 s23, s19;
	[sflag:s11] =	ssyncadd.s32 @!p0 $0xFFFFC000  }
0x8d: {  	[tilespmem:s7], [sflag:$0x7] =	stream.linear.gather [hbm4b:s13+s4], $0x80, $0x38;
	v63 =	vld [tilespmem:$0x0]  }
0x8e: {  	_ =	swait.ge [sflag:s28], $0x80  }
0x8f: {  	[sflag:s28] =	ssyncset.done $0x0  }
0x90: {  	s21 =	sadd.s32 s23, s20;
	[sflag:s28] =	ssyncadd.s32 $0xFFFFFF80  }
0x91: {  	[tilespmem:s8], [sflag:$0x7] =	stream.linear.gather [hbm4b:s21+s4], $0x80, $0x38;
	v63 =	vld [tilespmem:$0x0]  }
0x92: {  	_ =	swait.ge [sflag:s28], $0x80  }
0x93: {  	[sflag:s28] =	ssyncset.done $0x0  }
0x94: {  	[sflag:s28] =	ssyncadd.s32 $0xFFFFFF80  }
0x95: {  	[tilespmem:s5], [sflag:$0x3] =	stream.indirect.gather [hbm4b:s1+s30], $0x80, s7, s30, $0xb8;
	v63 =	vld [tilespmem:$0x0]  }
0x96: {  	_ =	swait.ge [sflag:s10], $0x4000  }
0x97: {  	p0 =	seq.s32 s23, $0x4E0;
	[sflag:s10] =	ssyncset.done $0x0  }
.Ltmp2:
0x98: {  	[sflag:s10] =	ssyncadd.s32 $0xFFFFC000;
	(pc) =	sbr.rel @p0 .LBB2_4-.Ltmp2, $4  }
0x99: {  	[spmem:s2] =	stream.indirect.scatter.add.f32 [tilespmem:s3], [sflag:$0x5], $0x80, s31, s30, $0xb8;
	v63 =	vld [tilespmem:$0x0]  }
0x9a: {  	_ =	swait.ge [sflag:s14], $0x4000  }
0x9b: {  	[sflag:s14] =	ssyncset.done $0x0  }
0x9c: {  	[sflag:s14] =	ssyncadd.s32 $0xFFFFC000  }
0x9d: {  	s11 =	sadd.s32 s23, s24  }
0x9e: {  	[tilespmem:s4], [sflag:$0x7] =	stream.linear.gather [hbm4b:s11+s4], $0x80, $0x38;
	v63 =	vld [tilespmem:$0x0]  }
0x9f: {  	_ =	swait.ge [sflag:s28], $0x80  }
0xa0: {  	[sflag:s28] =	ssyncset.done $0x0  }
0xa1: {  	s21 =	sadd.s32 s23, s25;
	[sflag:s28] =	ssyncadd.s32 $0xFFFFFF80  }
0xa2: {  	[tilespmem:s29], [sflag:$0x7] =	stream.linear.gather [hbm4b:s21+s4], $0x80, $0x38;
	v63 =	vld [tilespmem:$0x0]  }
0xa3: {  	_ =	swait.ge [sflag:s28], $0x80  }
0xa4: {  	[sflag:s28] =	ssyncset.done $0x0  }
0xa5: {  	[sflag:s28] =	ssyncadd.s32 $0xFFFFFF80  }
0xa6: {  	[tilespmem:s0], [sflag:$0x1] =	stream.indirect.gather [hbm4b:s1+s30], $0x80, s4, s30, $0xb8;
	v63 =	vld [tilespmem:$0x0]  }
0xa7: {  	_ =	swait.ge [sflag:s15], $0x4000  }
0xa8: {  	[sflag:s15] =	ssyncset.done $0x0  }
0xa9: {  	[sflag:s15] =	ssyncadd.s32 $0xFFFFC000  }
0xaa: {  	[spmem:s2] =	stream.indirect.scatter.add.f32 [tilespmem:s5], [sflag:$0x6], $0x80, s8, s30, $0xb8;
	v63 =	vld [tilespmem:$0x0]  }
0xab: {  	_ =	swait.ge [sflag:s16], $0x4000  }
0xac: {  	[sflag:s16] =	ssyncset.done $0x0  }
0xad: {  	s13 =	sadd.s32 s23, s17;
	[sflag:s16] =	ssyncadd.s32 $0xFFFFC000  }
0xae: {  	[tilespmem:s30], [sflag:$0x7] =	stream.linear.gather [hbm4b:s13+s4], $0x80, $0x38;
	v63 =	vld [tilespmem:$0x0]  }
0xaf: {  	_ =	swait.ge [sflag:s28], $0x80  }
0xb0: {  	[sflag:s28] =	ssyncset.done $0x0  }
0xb1: {  	s21 =	sadd.s32 s23, s18;
	[sflag:s28] =	ssyncadd.s32 $0xFFFFFF80  }
0xb2: {  	[tilespmem:s31], [sflag:$0x7] =	stream.linear.gather [hbm4b:s21+s4], $0x80, $0x38;
	v63 =	vld [tilespmem:$0x0]  }
.Ltmp3:
0xb3: {  	_ = 	snop;
	(pc) =	sbr.rel .LBB2_2-.Ltmp3, $4  }
0xb4: {  	_ =	swait.ge [sflag:s28], $0x80  }
0xb5: {  	[sflag:s28] =	ssyncset.done $0x0  }
0xb6: {  	s23 =	sadd.s32 $0x30, s23;
	[sflag:s28] =	ssyncadd.s32 $0xFFFFFF80  }
0xb7: {  	[tilespmem:s3], [sflag:$0x2] =	stream.indirect.gather [hbm4b:s1+s30], $0x80, s30, s30, $0xb8;
	v63 =	vld [tilespmem:$0x0]  }
.LBB2_5:
0xb8: {  	_ =	sfence.sel $0x180000  }
0xb9: {  	[bflag:$0x0] =	sbarrier.arrive $0xFFFF  }
0xba: {  	_ =	strace $0x9000004A  }
0xbb: {  	s0 =	stileid.u32;
	[bflag:$0x2] =	sbarrier.arrive $0xFFFF  }
0xbc: {  	p0 =	sne.s32 s0, $0x0;
	s0 =	rddreg [dreg:$0x3]  }
0xbd: {  	s0 =	sadd.s32 @!p0 $0x100000, s0  }
0xbe: {  	[sflag:s0] =	ssyncadd.tile.s32 @!p0 $0x1;
	_ =	shalt  }
.Lfunc_end2:
_tile_overlayer_lowered:
.L_overlay_start_2:
0xbf: {  	(tag) =	ssettag $0x2  }
0xc0: {  	s0 =	rddreg [dreg:$0x0];
	s2 =	stileid.u32  }
0xc1: {  	s1 =	rddreg [dreg:$0x1];
	p0 =	sne.s32 s2, $0x0  }
0xc2: {  	s3 =	rddreg [dreg:$0x2];
	[bflag:$0x3] =	sbarrier.arrive $0xFFFF;
	s2 =	simm.s32 @!p0 $0x1C07  }
0xc3: {  	[timem:s3], [sflag:s2] =	dma.local @!p0 [hbm:s0], s1  }
0xc4: {  	s0 =	simm.s32 @!p0 $0x7  }
0xc5: {  	_ =	swait.ge @!p0 [sflag:s0], s1  }
0xc6: {  	s1 =	ssub.s32 @!p0 $0x0, s1;
	[sflag:s0] =	ssyncset.done @!p0 $0x0  }
0xc7: {  	[sflag:s0] =	ssyncadd.s32 @!p0 s1  }
0xc8: {  	[bflag:$0x3] =	sbarrier.arrive $0xFFFF  }
0xc9: {  	_ =	shalt  }

// kernel: kernel.17.cloned.1.call-start
scs
__scs_entry_jumppad:
0x0: {  	(pc) =	sbr.rel $0x88, $3  }
0x1: {  	(tag) =	ssettag $0x0;
	lr =	simm.s32 $0x1  }
0x2: {  	[smem:$0x3F8B] =	sst lr;
	_ =	strace $0xD0000000  }
0x3: {  	_ = 	snop  }
0x4: {  	_ = 	snop  }
0x5: {  	_ = 	snop  }
0x6: {  	_ = 	snop  }
0x7: {  	_ = 	snop  }
__scs_overlays_trampoline_lowered:
0x8: {  	[smem:$0x3F9A] =	sst s0  }
0x9: {  	[smem:$0x3F9B] =	sst s1  }
0xa: {  	[smem:$0x3F9C] =	sst s2  }
0xb: {  	[smem:$0x3F9D] =	sst s3  }
0xc: {  	[smem:$0x3F9E] =	sst s4  }
0xd: {  	[smem:$0x3F9F] =	sst s5  }
0xe: {  	[smem:$0x3FA0] =	sst s6  }
0xf: {  	[smem:$0x3FA1] =	sst s7  }
0x10: {  	[smem:$0x3FA2] =	sst s8  }
0x11: {  	[smem:$0x3FA3] =	sst s9;
	s0 =	simm.s32 @!p0 $0x0  }
0x12: {  	s1 =	sld [smem:$0x3F89];
	s0 =	simm.s32 @p0 $0x1  }
0x13: {  	[smem:$0x3FA4] =	sst s0;
	s0 =	simm.s32 @!p1 $0x0  }
0x14: {  	s2 =	sld [smem:$0x3F88];
	s0 =	simm.s32 @p1 $0x1  }
0x15: {  	[smem:$0x3FA5] =	sst s0;
	s0 =	simm.s32 @!p2 $0x0  }
0x16: {  	s3 =	sld [smem:$0x3FDB];
	s0 =	simm.s32 @p2 $0x1  }
0x17: {  	s4 =	simm.s32 $0x1BF5;
	[smem:$0x3FA7] =	sst s0  }
0x18: {  	s0 =	sld [smem:$0x3F8A];
	_ =	swait.ge [sflag:s4], $0x0  }
0x19: {  	s7 =	sld [smem:$0x3F8B]  }
0x1a: {  	s8 =	sadd.s32 $0xFFFFE003, lr  }
0x1b: {  	s9 =	sadd.s32 $0xFFFFFEF7, lr;
	s5 =	simm.s32 $0xFFFFFFFF;
	p2 =	slt.u32 s8, $0xFFFFF086  }
0x1c: {  	p1 =	slt.u32 s9, $0xF7A;
	s5 =	simm.s32 @!p2 $0x0  }
0x1d: {  	s5 =	simm.s32 @p1 $0x1;
	p0 =	seq.s32 s7, s2  }
0x1e: {  	s7 =	smul.u32 @!p0 $0xF7A, s2;
	p2 =	seq.s32 @!p0 s5, $0x0  }
0x1f: {  	s9 =	smul.u32 $0xF7A, s1;
	s8 =	simm.s32 @!p0 $0x1BF5;
	p2 =	por !p2, p0  }
0x20: {  	[sflag:s8] =	ssyncset.s32 @!p0 $0xFFFFF086;
	s6 =	sadd.s32 @!p0 s3, s7;
	s7 =	simm.s32 @!p0 $0x108  }
0x21: {  	s3 =	sadd.s32 s3, s9;
	s6 =	sadd.s32 @!p0 $0x88, s6;
	s7 =	simm.s32 @p2 $0x1082  }
0x22: {  	[simem:s7], [sflag:s8] =	dma.local @!p0 [hbm:s6], $0xF7A  }
0x23: {  	s9 =	sor.u32 $0xD0000000, s2;
	s6 =	simm.s32 $0x108;
	_ =	swait.ge @!p0 [sflag:s8], $0x0  }
0x24: {  	s3 =	sadd.s32 $0x88, s3;
	s6 =	simm.s32 @!p1 $0x1082;
	[sflag:s4] =	ssyncset.s32 $0xFFFFF086  }
0x25: {  	[simem:s6], [sflag:s4] =	dma.local [hbm:s3], $0xF7A  }
0x26: {  	[smem:$0x3F8B] =	sst s1;
	(tag) =	ssettag s2;
	_ =	strace s9  }
0x27: {  	s1 =	sld [smem:$0x3F9B]  }
0x28: {  	s2 =	sld [smem:$0x3F9C]  }
0x29: {  	s4 =	sld [smem:$0x3F9E]  }
0x2a: {  	p0 =	seq.s32 s5, $0x0;
	s5 =	sld [smem:$0x3F9F]  }
0x2b: {  	s6 =	sld [smem:$0x3FA0]  }
0x2c: {  	s7 =	sld [smem:$0x3FA1]  }
0x2d: {  	s3 =	simm.s32 $0x108;
	s8 =	sld [smem:$0x3FA2]  }
0x2e: {  	s3 =	simm.s32 @!p0 $0x1082;
	s9 =	sld [smem:$0x3FA3]  }
0x2f: {  	lr =	sadd.s32 s0, s3;
	s0 =	sld [smem:$0x3F9A]  }
0x30: {  	s3 =	sld [smem:$0x3F9D]  }
0x31: {  	[smem:$0x3FA6] =	sst s10  }
0x32: {  	s10 =	sld [smem:$0x3FA4];
	_ =	sdelay $0x3  }
0x33: {  	p0 =	seq.s32 s10, $0x1;
	s10 =	sld [smem:$0x3FA6];
	_ =	sdelay $0x3  }
0x34: {  	[smem:$0x3FA6] =	sst s10  }
0x35: {  	s10 =	sld [smem:$0x3FA5];
	_ =	sdelay $0x3  }
0x36: {  	p1 =	seq.s32 s10, $0x1;
	s10 =	sld [smem:$0x3FA6];
	_ =	sdelay $0x3  }
0x37: {  	[smem:$0x3FA6] =	sst s10  }
0x38: {  	s10 =	sld [smem:$0x3FA7]  }
0x39: {  	_ = 	snop;
	(pc) =	sbr.ind lr, $3  }
0x3a: {  	_ = 	snop  }
0x3b: {  	_ = 	snop  }
0x3c: {  	p2 =	seq.s32 s10, $0x1;
	s10 =	sld [smem:$0x3FA6]  }
0x3d: {  	_ =	shalt  }
0x3e: {  	_ =	shalt  }
0x3f: {  	_ =	shalt  }
0x40: {  	_ =	shalt  }
0x41: {  	_ =	shalt  }
0x42: {  	_ =	shalt  }
0x43: {  	_ =	shalt  }
0x44: {  	_ =	shalt  }
0x45: {  	_ =	shalt  }
0x46: {  	_ =	shalt  }
0x47: {  	_ =	shalt  }
0x48: {  	_ =	shalt  }
0x49: {  	_ =	shalt  }
0x4a: {  	_ =	shalt  }
0x4b: {  	_ =	shalt  }
0x4c: {  	_ =	shalt  }
0x4d: {  	_ =	shalt  }
0x4e: {  	_ =	shalt  }
0x4f: {  	_ =	shalt  }
0x50: {  	_ =	shalt  }
0x51: {  	_ =	shalt  }
0x52: {  	_ =	shalt  }
0x53: {  	_ =	shalt  }
0x54: {  	_ =	shalt  }
0x55: {  	_ =	shalt  }
0x56: {  	_ =	shalt  }
0x57: {  	_ =	shalt  }
0x58: {  	_ =	shalt  }
0x59: {  	_ =	shalt  }
0x5a: {  	_ =	shalt  }
0x5b: {  	_ =	shalt  }
0x5c: {  	_ =	shalt  }
0x5d: {  	_ =	shalt  }
0x5e: {  	_ =	shalt  }
0x5f: {  	_ =	shalt  }
0x60: {  	_ =	shalt  }
0x61: {  	_ =	shalt  }
0x62: {  	_ =	shalt  }
0x63: {  	_ =	shalt  }
0x64: {  	_ =	shalt  }
0x65: {  	_ =	shalt  }
0x66: {  	_ =	shalt  }
0x67: {  	_ =	shalt  }
0x68: {  	_ =	shalt  }
0x69: {  	_ =	shalt  }
0x6a: {  	_ =	shalt  }
0x6b: {  	_ =	shalt  }
0x6c: {  	_ =	shalt  }
0x6d: {  	_ =	shalt  }
0x6e: {  	_ =	shalt  }
0x6f: {  	_ =	shalt  }
0x70: {  	_ =	shalt  }
0x71: {  	_ =	shalt  }
0x72: {  	_ =	shalt  }
0x73: {  	_ =	shalt  }
0x74: {  	_ =	shalt  }
0x75: {  	_ =	shalt  }
0x76: {  	_ =	shalt  }
0x77: {  	_ =	shalt  }
0x78: {  	_ =	shalt  }
0x79: {  	_ =	shalt  }
0x7a: {  	_ =	shalt  }
0x7b: {  	_ =	shalt  }
0x7c: {  	_ =	shalt  }
0x7d: {  	_ =	shalt  }
0x7e: {  	_ =	shalt  }
0x7f: {  	_ =	shalt  }
0x80: {  	_ =	shalt  }
0x81: {  	_ =	shalt  }
0x82: {  	_ =	shalt  }
0x83: {  	_ =	shalt  }
0x84: {  	_ =	shalt  }
0x85: {  	_ =	shalt  }
0x86: {  	_ =	shalt  }
0x87: {  	_ =	shalt  }
.Lfunc_end0:
.L_simem_size_0:
called_computation.2_lowered:
.L_overlay_start_0:
0x88: {  	s2 =	sld [smem:$0x3FD9]  }
0x89: {  	s3 =	sld [smem:$0x3FFE];
	_ =	sdelay $0x1  }
0x8a: {  	s1 =	srdreg.scid  }
0x8b: {  	s0 =	sand.u32 $0x1, s1  }
0x8c: {  	s17 =	sshll.u32 s0, $0xA;
	s2 =	sadd.s32 s3, s2  }
0x8d: {  	s2 =	sadd.s32 s2, s17  }
0x8e: {  	[smem:$0x3FB2] =	sst s2  }
0x8f: {  	_ = 	snop  }
0x90: {  	s2 =	sld [smem:$0x3FD0];
	(tm) =	ssettm $0x1  }
0x91: {  	s18 =	sld [smem:$0x3FFB];
	_ =	sdelay $0x3  }
0x92: {  	_ =	strace s18  }
0x93: {  	s3 =	sld [smem:$0x3FFC];
	_ =	sdelay $0x3  }
0x94: {  	_ =	strace s3  }
0x95: {  	s3 =	sld [smem:$0x3FFD];
	_ =	sdelay $0x3  }
0x96: {  	_ =	strace s3  }
0x97: {  	_ =	strace $0x8FFFFFFF  }
0x98: {  	s19 =	sld [smem:$0x3FDB];
	_ =	sdelay $0x1  }
0x99: {  	s4 =	simm.s32 $_scs_section_size  }
0x9a: {  	s5 =	simm.s32 $_size__tile_overlayer_lowered;
	s6 =	simm.s32 $_tile_overlayer_lowered  }
0x9b: {  	s22 =	simm.s32 $0x1BFF;
	s21 =	sshll.u32 s6, $0x1;
	s3 =	sadd.s32 s4, s19  }
0x9c: {  	s7 =	simm.s32 $0x0;
	s20 =	sshll.u32 s5, $0x1;
	s5 =	sadd.s32 s21, s3  }
0x9d: {  	[timem:s7], [sflag:s22] =	dma.local [hbm:s5], s20  }
0x9e: {  	_ =	swait.ge [sflag:s22], s20  }
0x9f: {  	s4 =	ssub.s32 $0x0, s20;
	[sflag:s22] =	ssyncset.done $0x0  }
0xa0: {  	[sflag:s22] =	ssyncadd.s32 s4;
	_ =	sdelay $0x1  }
0xa1: {  	s23 =	simm.s32 $0x1B8B  }
0xa2: {  	_ =	swait.ge [sflag:s23], $0x1  }
0xa3: {  	[sflag:s23] =	ssyncset.done $0x0  }
0xa4: {  	s25 =	simm.s32 $0x1B8E;
	s24 =	sld [smem:$0x3FFE];
	[sflag:s23] =	ssyncadd.s32 $0xFFFFFFFF  }
0xa5: {  	s26 =	simm.s32 $execute0_lowered;
	[smem:$0x3FD2] =	sst s25  }
0xa6: {  	s5 =	sshll.u32 s26, $0x1;
	_ =	strace $0x8000004C;
	[dreg:$0x1] =	wrdreg $0xFFFFFFFF  }
0xa7: {  	s28 =	simm.s32 $_size_execute0_lowered;
	s3 =	sadd.s32 s3, s5;
	[dreg:$0x0] =	wrdreg $0x0  }
0xa8: {  	s5 =	sshll.u32 s28, $0x1;
	[dreg:$0x2] =	wrdreg s3  }
0xa9: {  	[dreg:$0x3] =	wrdreg s5  }
0xaa: {  	[dreg:$0x4] =	wrdreg $0xC0  }
0xab: {  	_ =	task [dreg:s7], $0x5FFFF  }
0xac: {  	[dreg:$0x1] =	wrdreg $0xFFFFFFFF  }
0xad: {  	[dreg:$0x0] =	wrdreg $0x60  }
0xae: {  	[dreg:$0x2] =	wrdreg s2  }
0xaf: {  	[dreg:$0x3] =	wrdreg s24  }
0xb0: {  	[dreg:$0x4] =	wrdreg $0xC4000  }
0xb1: {  	[dreg:$0x5] =	wrdreg $0x9  }
0xb2: {  	_ =	task.clear_ibuf [dreg:s7], $0x6FFFF;
	_ =	strace $0x9000004C  }
0xb3: {  	s29 =	simm.s32 $0x9;
	_ =	strace $0x8000004E  }
0xb4: {  	_ =	swait.ge [sflag:s29], $0x1  }
0xb5: {  	[sflag:s29] =	ssyncadd.s32 $0xFFFFFFFF  }
0xb6: {  	_ =	strace $0x9000004E  }
0xb7: {  	_ =	sfence  }
0xb8: {  	s30 =	sld [smem:$0x0];
	_ =	sdelay $0x2  }
0xb9: {  	s31 =	sshll.u32 s1, $0xD;
	s1 =	sshrl.u32 s1, $0x2  }
0xba: {  	s3 =	sand.u32 $0x4000, s31;
	s1 =	sadd.s32 s1, s30  }
0xbb: {  	s0 =	sor.u32 s3, s0;
	s1 =	sshll.u32 s1, $0x11  }
0xbc: {  	s0 =	sor.u32 s1, s0  }
0xbd: {  	s0 =	sadd.s32 $0x8F2B, s0  }
0xbe: {  	[sflag:s0] =	ssyncadd.remote.s32 $0x1  }
0xbf: {  	_ =	sfence.sel $0xFFFF  }
0xc0: {  	[dreg:$0x0] =	wrdreg $0xFFFFFFFF;
	(pc) =	sbr.abs _section_cstart, $3  }
0xc1: {  	[dreg:$0x1] =	wrdreg $0xFFFFFFFF  }
0xc2: {  	_ =	task.clear_ibuf [dreg:s7], $0x2FFFF;
	_ =	strace $0x9FFFFFFF  }
0xc3: {  	(tm) =	ssettm $0x7FFFFFFF  }
tec
execute0_lowered:
.L_overlay_start_1:
0x0: {  	(tag) =	ssettag $0x1  }
0x1: {  	s1 =	rddreg [dreg:$0x0]  }
0x2: {  	s0 =	rddreg [dreg:$0x1]  }
0x3: {  	s2 =	rddreg [dreg:$0x2];
	s4 =	simm.s32 $0x0;
	s3 =	srdreg.scid  }
0x4: {  	s12 =	stileid.u32;
	s28 =	simm.s32 $0x7;
	s29 =	simm.s32 $0x200  }
0x5: {  	s30 =	simm.s32 $0x80;
	s31 =	simm.s32 $0x280;
	s5 =	smul.u32 $0x278, s12  }
0x6: {  	[smem:$0x7FF] =	sst s4;
	s3 =	sand.u32 $0x1, s3;
	s24 =	smul.u32 $0x4F000, s12  }
0x7: {  	s6 =	sadd.s32 $0x10A00, s0;
	s10 =	sadd.s32 $0x6800, s0;
	s7 =	smul.u32 $0x2780, s3  }
0x8: {  	s8 =	sshll.u32 s3, $0x4;
	s22 =	ssub.s32 $0x2, s3;
	s3 =	smul.u32 $0x510, s3  }
0x9: {  	s9 =	sadd.s32 $0x41E00, s0;
	s8 =	sor.u32 s12, s8;
	s12 =	smul.u32 $0x51, s12  }
0xa: {  	_ =	strace $0x8000004D;
	[dreg:$0x4] =	wrdreg s9;
	s23 =	smul.u32 $0x510, s8  }
0xb: {  	s11 =	sshrl.u32 s22, $0x1;
	s5 =	sadd.s32 s5, s7;
	s8 =	smul.u32 $0x2880, s8  }
0xc: {  	s7 =	sshrl.u32 s24, $0x2;
	s5 =	sshll.u32 s5, $0x4;
	s3 =	sadd.s32 s12, s3  }
0xd: {  	s0 =	sadd.s32 s5, s0;
	s5 =	ssub.s32 s22, s11;
	s25 =	sadd.s32 s6, s23  }
0xe: {  	s8 =	sshrl.u32 s8, $0x3;
	s9 =	sadd.s32 s10, s23;
	[dreg:$0x5] =	wrdreg s25  }
0xf: {  	s3 =	sshll.u32 s3, $0x4;
	s8 =	sadd.s32 $0x10, s8;
	[dreg:$0x6] =	wrdreg s9  }
0x10: {  	s9 =	sadd.s32 s7, s2;
	s11 =	sadd.s32 $0x42600, s0;
	s12 =	sadd.s32 $0x42E00, s0  }
0x11: {  	s14 =	sadd.s32 $0x40, s3;
	s15 =	sadd.s32 $0x43600, s0;
	s16 =	sadd.s32 s3, s6  }
0x12: {  	s22 =	sadd.s32 s3, s10;
	s3 =	sadd.s32 $0x20, s3;
	s25 =	sadd.s32 $0x43E00, s0  }
0x13: {  	s0 =	sadd.s32 $0x44600, s0;
	s7 =	simm.s32 $0x100;
	s26 =	sadd.s32 s6, s8  }
0x14: {  	s8 =	sadd.s32 s10, s8;
	s23 =	sadd.s32 $0x4000, s9;
	[dreg:$0xa] =	wrdreg s11  }
0x15: {  	s13 =	sadd.s32 $0x8000, s9;
	s21 =	sadd.s32 $0xC000, s9;
	[dreg:$0xb] =	wrdreg s12  }
0x16: {  	[dreg:$0xc] =	wrdreg s15;
	s17 =	sadd.s32 s14, s6;
	s18 =	sadd.s32 s14, s10  }
0x17: {  	s19 =	sadd.s32 s3, s6;
	s20 =	sadd.s32 s3, s10;
	[dreg:$0xd] =	wrdreg s25  }
0x18: {  	[dreg:$0xe] =	wrdreg s0;
	s24 =	sadd.s32 $0x30, s16;
	s25 =	sadd.s32 $0x30, s22  }
0x19: {  	s12 =	sadd.s32 $0x10000, s9;
	s0 =	simm.s32 $0x400;
	s3 =	simm.s32 $0x4400  }
.Ltmp0:
0x1a: {  	s6 =	simm.s32 $0x1;
	[dreg:$0x7] =	wrdreg s26;
	(pc) =	sbr.rel .LBB2_1-.Ltmp0, $4  }
0x1b: {  	s10 =	simm.s32 $0x2;
	s14 =	simm.s32 $0x4;
	[dreg:$0x8] =	wrdreg s8  }
0x1c: {  	s15 =	simm.s32 $0x3;
	s16 =	simm.s32 $0x5;
	[dreg:$0x9] =	wrdreg s21  }
0x1d: {  	s22 =	simm.s32 $0x0;
	s26 =	smax.u32 s5, $0x1;
	[dreg:$0x10] =	wrdreg s12  }
0x1e: {  	s5 =	simm.s32 $0x8400;
	s8 =	simm.s32 $0x300;
	[dreg:$0xf] =	wrdreg s26  }
.LBB2_4:
0x1f: {  	_ =	swait.ge [sflag:s15], $0x4000  }
0x20: {  	[sflag:s15] =	ssyncset.done $0x0  }
0x21: {  	[sflag:s15] =	ssyncadd.s32 $0xFFFFC000  }
0x22: {  	[spmem:s2] =	stream.indirect.scatter.add.f32 [tilespmem:s5], [sflag:$0x6], $0x80, s8, s30, $0xb8;
	v63 =	vld [tilespmem:$0x0]  }
0x23: {  	_ =	swait.ge [sflag:s16], $0x4000  }
0x24: {  	[sflag:s16] =	ssyncset.done $0x0  }
0x25: {  	[dreg:$0x11] =	wrdreg s22;
	s22 =	simm.s32 $0x6;
	[sflag:s16] =	ssyncadd.s32 $0xFFFFC000  }
0x26: {  	_ =	swait.ge [sflag:s22], $0x4000  }
0x27: {  	[sflag:s22] =	ssyncset.done $0x0  }
0x28: {  	[sflag:s22] =	ssyncadd.s32 $0xFFFFC000  }
0x29: {  	[bflag:$0x0] =	sbarrier.arrive $0xFFFF  }
0x2a: {  	[tilespmem:s0], [sflag:$0x1] =	stream.linear.gather [spmem:s26], $0x4000, $0x38;
	v63 =	vld [tilespmem:$0x0]  }
0x2b: {  	_ = 	snop  }
0x2c: {  	[tilespmem:s3], [sflag:$0x2] =	stream.linear.gather [spmem:s12], $0x4000, $0x38;
	v63 =	vld [tilespmem:$0x0]  }
0x2d: {  	_ =	swait.ge [sflag:s6], $0x4000  }
0x2e: {  	[sflag:s6] =	ssyncset.done $0x0  }
0x2f: {  	s11 =	rddreg [dreg:$0xa];
	[sflag:s6] =	ssyncadd.s32 $0xFFFFC000  }
0x30: {  	[hbm4b:s11+s4] =	stream.linear.scatter [tilespmem:s0], [sflag:$0x4], $0x4000, $0x38;
	v63 =	vld [tilespmem:$0x0]  }
0x31: {  	s13 =	smov.u32 s9  }
0x32: {  	[tilespmem:s5], [sflag:$0x3] =	stream.linear.gather [spmem:s13], $0x4000, $0x38;
	v63 =	vld [tilespmem:$0x0]  }
0x33: {  	_ =	swait.ge [sflag:s10], $0x4000  }
0x34: {  	[sflag:s10] =	ssyncset.done $0x0  }
0x35: {  	s9 =	smov.u32 s26;
	s26 =	rddreg [dreg:$0xb];
	[sflag:s10] =	ssyncadd.s32 $0xFFFFC000  }
0x36: {  	[hbm4b:s26+s4] =	stream.linear.scatter [tilespmem:s3], [sflag:$0x5], $0x4000, $0x38;
	v63 =	vld [tilespmem:$0x0]  }
0x37: {  	_ =	swait.ge [sflag:s14], $0x4000  }
0x38: {  	[sflag:s14] =	ssyncset.done $0x0  }
0x39: {  	s21 =	rddreg [dreg:$0x9];
	[sflag:s14] =	ssyncadd.s32 $0xFFFFC000  }
0x3a: {  	[tilespmem:s0], [sflag:$0x1] =	stream.linear.gather [spmem:s21], $0x4000, $0x38;
	v63 =	vld [tilespmem:$0x0]  }
0x3b: {  	_ =	swait.ge [sflag:s15], $0x4000  }
0x3c: {  	[sflag:s15] =	ssyncset.done $0x0  }
0x3d: {  	s23 =	smov.u32 s12;
	s12 =	rddreg [dreg:$0xc];
	[sflag:s15] =	ssyncadd.s32 $0xFFFFC000  }
0x3e: {  	[hbm4b:s12+s4] =	stream.linear.scatter [tilespmem:s5], [sflag:$0x6], $0x4000, $0x38;
	v63 =	vld [tilespmem:$0x0]  }
0x3f: {  	_ =	swait.ge [sflag:s16], $0x4000  }
0x40: {  	[sflag:s16] =	ssyncset.done $0x0  }
0x41: {  	s12 =	rddreg [dreg:$0x10];
	[sflag:s16] =	ssyncadd.s32 $0xFFFFC000  }
0x42: {  	[tilespmem:s3], [sflag:$0x2] =	stream.linear.gather [spmem:s12], $0x3C00, $0x38;
	v63 =	vld [tilespmem:$0x0]  }
0x43: {  	_ =	swait.ge [sflag:s6], $0x4000  }
0x44: {  	[sflag:s6] =	ssyncset.done $0x0  }
0x45: {  	s26 =	rddreg [dreg:$0xd];
	[sflag:s6] =	ssyncadd.s32 $0xFFFFC000  }
0x46: {  	[hbm4b:s26+s4] =	stream.linear.scatter [tilespmem:s0], [sflag:$0x4], $0x4000, $0x38;
	v63 =	vld [tilespmem:$0x0]  }
0x47: {  	_ =	swait.ge [sflag:s10], $0x3C00  }
0x48: {  	[sflag:s10] =	ssyncset.done $0x0  }
0x49: {  	s26 =	rddreg [dreg:$0xe];
	[sflag:s10] =	ssyncadd.s32 $0xFFFFC400  }
0x4a: {  	[hbm4b:s26+s4] =	stream.linear.scatter [tilespmem:s3], [sflag:$0x5], $0x3C00, $0x38;
	v63 =	vld [tilespmem:$0x0]  }
0x4b: {  	_ =	swait.ge [sflag:s22], $0x4000  }
0x4c: {  	[sflag:s22] =	ssyncset.done $0x0  }
0x4d: {  	[sflag:s22] =	ssyncadd.s32 $0xFFFFC000  }
0x4e: {  	s11 =	rddreg [dreg:$0x11];
	_ =	swait.ge [sflag:s14], $0x4000  }
0x4f: {  	[sflag:s14] =	ssyncset.done $0x0  }
0x50: {  	[sflag:s14] =	ssyncadd.s32 $0xFFFFC000  }
0x51: {  	_ =	swait.ge [sflag:s16], $0x3C00  }
0x52: {  	s22 =	sadd.s32 $0x1, s11;
	s26 =	rddreg [dreg:$0xf]  }
0x53: {  	p0 =	sne.s32 s22, s26  }
.Ltmp1:
0x54: {  	_ = 	snop;
	(pc) =	sbr.rel @!p0 .LBB2_5-.Ltmp1, $3  }
0x55: {  	_ =	sdelay $0x1  }
0x56: {  	[sflag:s16] =	ssyncset.done $0x0  }
0x57: {  	[sflag:s16] =	ssyncadd.s32 $0xFFFFC400  }
.LBB2_1:
0x58: {  	s11 =	rddreg [dreg:$0x5]  }
0x59: {  	[tilespmem:s4], [sflag:$0x7] =	stream.linear.gather [hbm4b:s11+s4], $0x80, $0x38;
	v63 =	vld [tilespmem:$0x0]  }
0x5a: {  	_ =	swait.ge [sflag:s28], $0x80  }
0x5b: {  	[sflag:s28] =	ssyncset.done $0x0  }
0x5c: {  	s26 =	rddreg [dreg:$0x6];
	[sflag:s28] =	ssyncadd.s32 $0xFFFFFF80  }
0x5d: {  	[tilespmem:s29], [sflag:$0x7] =	stream.linear.gather [hbm4b:s26+s4], $0x80, $0x38;
	v63 =	vld [tilespmem:$0x0]  }
0x5e: {  	_ =	swait.ge [sflag:s28], $0x80  }
0x5f: {  	[sflag:s28] =	ssyncset.done $0x0  }
0x60: {  	s26 =	rddreg [dreg:$0x7];
	[sflag:s28] =	ssyncadd.s32 $0xFFFFFF80  }
0x61: {  	[tilespmem:s30], [sflag:$0x7] =	stream.linear.gather [hbm4b:s26+s4], $0x80, $0x38;
	v63 =	vld [tilespmem:$0x0]  }
0x62: {  	_ =	swait.ge [sflag:s28], $0x80  }
0x63: {  	[sflag:s28] =	ssyncset.done $0x0  }
0x64: {  	s26 =	rddreg [dreg:$0x8];
	[sflag:s28] =	ssyncadd.s32 $0xFFFFFF80  }
0x65: {  	[tilespmem:s31], [sflag:$0x7] =	stream.linear.gather [hbm4b:s26+s4], $0x80, $0x38;
	v63 =	vld [tilespmem:$0x0]  }
0x66: {  	_ =	swait.ge [sflag:s28], $0x80  }
0x67: {  	[sflag:s28] =	ssyncset.done $0x0  }
0x68: {  	[sflag:s28] =	ssyncadd.s32 $0xFFFFFF80  }
0x69: {  	[tilespmem:s0], [sflag:$0x1] =	stream.indirect.gather [hbm4b:s1+s30], $0x80, s4, s30, $0xb8;
	v63 =	vld [tilespmem:$0x0]  }
0x6a: {  	_ = 	snop  }
0x6b: {  	[tilespmem:s3], [sflag:$0x2] =	stream.indirect.gather [hbm4b:s1+s30], $0x80, s30, s30, $0xb8;
	v63 =	vld [tilespmem:$0x0]  }
0x6c: {  	s26 =	rddreg [dreg:$0x4]  }
0x6d: {  	[tilespmem:s5], [sflag:$0x7] =	stream.linear.gather [hbm4b:s26+s4], $0x4000, $0x38;
	v63 =	vld [tilespmem:$0x0]  }
0x6e: {  	_ =	swait.ge [sflag:s28], $0x4000  }
0x6f: {  	[sflag:s28] =	ssyncset.done $0x0  }
0x70: {  	[sflag:s28] =	ssyncadd.s32 $0xFFFFC000  }
0x71: {  	[spmem:s9] =	stream.linear.scatter [tilespmem:s5], [sflag:$0x7], $0x4000, $0x38;
	v63 =	vld [tilespmem:$0x0]  }
0x72: {  	_ =	swait.ge [sflag:s28], $0x4000  }
0x73: {  	[sflag:s28] =	ssyncset.done $0x0  }
0x74: {  	[sflag:s28] =	ssyncadd.s32 $0xFFFFC000  }
0x75: {  	[spmem:s23] =	stream.linear.scatter [tilespmem:s5], [sflag:$0x7], $0x4000, $0x38;
	v63 =	vld [tilespmem:$0x0]  }
0x76: {  	_ =	swait.ge [sflag:s28], $0x4000  }
0x77: {  	[sflag:s28] =	ssyncset.done $0x0  }
0x78: {  	[sflag:s28] =	ssyncadd.s32 $0xFFFFC000  }
0x79: {  	[spmem:s13] =	stream.linear.scatter [tilespmem:s5], [sflag:$0x7], $0x4000, $0x38;
	v63 =	vld [tilespmem:$0x0]  }
0x7a: {  	_ =	swait.ge [sflag:s28], $0x4000  }
0x7b: {  	[sflag:s28] =	ssyncset.done $0x0  }
0x7c: {  	[sflag:s28] =	ssyncadd.s32 $0xFFFFC000  }
0x7d: {  	[spmem:s21] =	stream.linear.scatter [tilespmem:s5], [sflag:$0x7], $0x4000, $0x38;
	v63 =	vld [tilespmem:$0x0]  }
0x7e: {  	_ =	swait.ge [sflag:s28], $0x4000  }
0x7f: {  	[sflag:s28] =	ssyncset.done $0x0  }
0x80: {  	s11 =	smov.u32 s12;
	[sflag:s28] =	ssyncadd.s32 $0xFFFFC000  }
0x81: {  	[spmem:s11] =	stream.linear.scatter [tilespmem:s5], [sflag:$0x7], $0x3C00, $0x38;
	v63 =	vld [tilespmem:$0x0]  }
0x82: {  	_ =	swait.ge [sflag:s28], $0x3C00  }
0x83: {  	[sflag:s28] =	ssyncset.done $0x0  }
0x84: {  	s12 =	smov.u32 s23;
	s26 =	smov.u32 s9;
	[sflag:s28] =	ssyncadd.s32 $0xFFFFC400  }
0x85: {  	s9 =	smov.u32 s13;
	s23 =	simm.s32 $0x0;
	[bflag:$0x0] =	sbarrier.arrive $0xFFFF  }
.LBB2_2:
0x86: {  	_ =	swait.ge [sflag:s6], $0x4000  }
0x87: {  	p0 =	seq.s32 s23, $0x0;
	[sflag:s6] =	ssyncset.done $0x0  }
0x88: {  	s11 =	simm.s32 @!p0 $0x6;
	[sflag:s6] =	ssyncadd.s32 $0xFFFFC000  }
0x89: {  	[spmem:s2] =	stream.indirect.scatter.add.f32 [tilespmem:s0], [sflag:$0x4], $0x80, s29, s30, $0xb8;
	v63 =	vld [tilespmem:$0x0]  }
0x8a: {  	_ =	swait.ge @!p0 [sflag:s11], $0x4000  }
0x8b: {  	[sflag:s11] =	ssyncset.done @!p0 $0x0  }
0x8c: {  	s13 =	sadd.s32 s23, s19;
	[sflag:s11] =	ssyncadd.s32 @!p0 $0xFFFFC000  }
0x8d: {  	[tilespmem:s7], [sflag:$0x7] =	stream.linear.gather [hbm4b:s13+s4], $0x80, $0x38;
	v63 =	vld [tilespmem:$0x0]  }
0x8e: {  	_ =	swait.ge [sflag:s28], $0x80  }
0x8f: {  	[sflag:s28] =	ssyncset.done $0x0  }
0x90: {  	s21 =	sadd.s32 s23, s20;
	[sflag:s28] =	ssyncadd.s32 $0xFFFFFF80  }
0x91: {  	[tilespmem:s8], [sflag:$0x7] =	stream.linear.gather [hbm4b:s21+s4], $0x80, $0x38;
	v63 =	vld [tilespmem:$0x0]  }
0x92: {  	_ =	swait.ge [sflag:s28], $0x80  }
0x93: {  	[sflag:s28] =	ssyncset.done $0x0  }
0x94: {  	[sflag:s28] =	ssyncadd.s32 $0xFFFFFF80  }
0x95: {  	[tilespmem:s5], [sflag:$0x3] =	stream.indirect.gather [hbm4b:s1+s30], $0x80, s7, s30, $0xb8;
	v63 =	vld [tilespmem:$0x0]  }
0x96: {  	_ =	swait.ge [sflag:s10], $0x4000  }
0x97: {  	p0 =	seq.s32 s23, $0x4E0;
	[sflag:s10] =	ssyncset.done $0x0  }
.Ltmp2:
0x98: {  	[sflag:s10] =	ssyncadd.s32 $0xFFFFC000;
	(pc) =	sbr.rel @p0 .LBB2_4-.Ltmp2, $4  }
0x99: {  	[spmem:s2] =	stream.indirect.scatter.add.f32 [tilespmem:s3], [sflag:$0x5], $0x80, s31, s30, $0xb8;
	v63 =	vld [tilespmem:$0x0]  }
0x9a: {  	_ =	swait.ge [sflag:s14], $0x4000  }
0x9b: {  	[sflag:s14] =	ssyncset.done $0x0  }
0x9c: {  	[sflag:s14] =	ssyncadd.s32 $0xFFFFC000  }
0x9d: {  	s11 =	sadd.s32 s23, s24  }
0x9e: {  	[tilespmem:s4], [sflag:$0x7] =	stream.linear.gather [hbm4b:s11+s4], $0x80, $0x38;
	v63 =	vld [tilespmem:$0x0]  }
0x9f: {  	_ =	swait.ge [sflag:s28], $0x80  }
0xa0: {  	[sflag:s28] =	ssyncset.done $0x0  }
0xa1: {  	s21 =	sadd.s32 s23, s25;
	[sflag:s28] =	ssyncadd.s32 $0xFFFFFF80  }
0xa2: {  	[tilespmem:s29], [sflag:$0x7] =	stream.linear.gather [hbm4b:s21+s4], $0x80, $0x38;
	v63 =	vld [tilespmem:$0x0]  }
0xa3: {  	_ =	swait.ge [sflag:s28], $0x80  }
0xa4: {  	[sflag:s28] =	ssyncset.done $0x0  }
0xa5: {  	[sflag:s28] =	ssyncadd.s32 $0xFFFFFF80  }
0xa6: {  	[tilespmem:s0], [sflag:$0x1] =	stream.indirect.gather [hbm4b:s1+s30], $0x80, s4, s30, $0xb8;
	v63 =	vld [tilespmem:$0x0]  }
0xa7: {  	_ =	swait.ge [sflag:s15], $0x4000  }
0xa8: {  	[sflag:s15] =	ssyncset.done $0x0  }
0xa9: {  	[sflag:s15] =	ssyncadd.s32 $0xFFFFC000  }
0xaa: {  	[spmem:s2] =	stream.indirect.scatter.add.f32 [tilespmem:s5], [sflag:$0x6], $0x80, s8, s30, $0xb8;
	v63 =	vld [tilespmem:$0x0]  }
0xab: {  	_ =	swait.ge [sflag:s16], $0x4000  }
0xac: {  	[sflag:s16] =	ssyncset.done $0x0  }
0xad: {  	s13 =	sadd.s32 s23, s17;
	[sflag:s16] =	ssyncadd.s32 $0xFFFFC000  }
0xae: {  	[tilespmem:s30], [sflag:$0x7] =	stream.linear.gather [hbm4b:s13+s4], $0x80, $0x38;
	v63 =	vld [tilespmem:$0x0]  }
0xaf: {  	_ =	swait.ge [sflag:s28], $0x80  }
0xb0: {  	[sflag:s28] =	ssyncset.done $0x0  }
0xb1: {  	s21 =	sadd.s32 s23, s18;
	[sflag:s28] =	ssyncadd.s32 $0xFFFFFF80  }
0xb2: {  	[tilespmem:s31], [sflag:$0x7] =	stream.linear.gather [hbm4b:s21+s4], $0x80, $0x38;
	v63 =	vld [tilespmem:$0x0]  }
.Ltmp3:
0xb3: {  	_ = 	snop;
	(pc) =	sbr.rel .LBB2_2-.Ltmp3, $4  }
0xb4: {  	_ =	swait.ge [sflag:s28], $0x80  }
0xb5: {  	[sflag:s28] =	ssyncset.done $0x0  }
0xb6: {  	s23 =	sadd.s32 $0x30, s23;
	[sflag:s28] =	ssyncadd.s32 $0xFFFFFF80  }
0xb7: {  	[tilespmem:s3], [sflag:$0x2] =	stream.indirect.gather [hbm4b:s1+s30], $0x80, s30, s30, $0xb8;
	v63 =	vld [tilespmem:$0x0]  }
.LBB2_5:
0xb8: {  	_ =	sfence.sel $0x180000  }
0xb9: {  	[bflag:$0x0] =	sbarrier.arrive $0xFFFF  }
0xba: {  	_ =	strace $0x9000004D  }
0xbb: {  	s0 =	stileid.u32;
	[bflag:$0x2] =	sbarrier.arrive $0xFFFF  }
0xbc: {  	p0 =	sne.s32 s0, $0x0;
	s0 =	rddreg [dreg:$0x3]  }
0xbd: {  	s0 =	sadd.s32 @!p0 $0x100000, s0  }
0xbe: {  	[sflag:s0] =	ssyncadd.tile.s32 @!p0 $0x1;
	_ =	shalt  }
.Lfunc_end2:
_tile_overlayer_lowered:
.L_overlay_start_2:
0xbf: {  	(tag) =	ssettag $0x2  }
0xc0: {  	s0 =	rddreg [dreg:$0x0];
	s2 =	stileid.u32  }
0xc1: {  	s1 =	rddreg [dreg:$0x1];
	p0 =	sne.s32 s2, $0x0  }
0xc2: {  	s3 =	rddreg [dreg:$0x2];
	[bflag:$0x3] =	sbarrier.arrive $0xFFFF;
	s2 =	simm.s32 @!p0 $0x1C07  }
0xc3: {  	[timem:s3], [sflag:s2] =	dma.local @!p0 [hbm:s0], s1  }
0xc4: {  	s0 =	simm.s32 @!p0 $0x7  }
0xc5: {  	_ =	swait.ge @!p0 [sflag:s0], s1  }
0xc6: {  	s1 =	ssub.s32 @!p0 $0x0, s1;
	[sflag:s0] =	ssyncset.done @!p0 $0x0  }
0xc7: {  	[sflag:s0] =	ssyncadd.s32 @!p0 s1  }
0xc8: {  	[bflag:$0x3] =	sbarrier.arrive $0xFFFF  }
0xc9: {  	_ =	shalt  }

// kernel: kernel.20.cloned.1.call-start
scs
__scs_entry_jumppad:
0x0: {  	(pc) =	sbr.rel $0x88, $3  }
0x1: {  	(tag) =	ssettag $0x0;
	lr =	simm.s32 $0x1  }
0x2: {  	[smem:$0x3F8B] =	sst lr;
	_ =	strace $0xD0000000  }
0x3: {  	_ = 	snop  }
0x4: {  	_ = 	snop  }
0x5: {  	_ = 	snop  }
0x6: {  	_ = 	snop  }
0x7: {  	_ = 	snop  }
__scs_overlays_trampoline_lowered:
0x8: {  	[smem:$0x3F9A] =	sst s0  }
0x9: {  	[smem:$0x3F9B] =	sst s1  }
0xa: {  	[smem:$0x3F9C] =	sst s2  }
0xb: {  	[smem:$0x3F9D] =	sst s3  }
0xc: {  	[smem:$0x3F9E] =	sst s4  }
0xd: {  	[smem:$0x3F9F] =	sst s5  }
0xe: {  	[smem:$0x3FA0] =	sst s6  }
0xf: {  	[smem:$0x3FA1] =	sst s7  }
0x10: {  	[smem:$0x3FA2] =	sst s8  }
0x11: {  	[smem:$0x3FA3] =	sst s9;
	s0 =	simm.s32 @!p0 $0x0  }
0x12: {  	s1 =	sld [smem:$0x3F89];
	s0 =	simm.s32 @p0 $0x1  }
0x13: {  	[smem:$0x3FA4] =	sst s0;
	s0 =	simm.s32 @!p1 $0x0  }
0x14: {  	s2 =	sld [smem:$0x3F88];
	s0 =	simm.s32 @p1 $0x1  }
0x15: {  	[smem:$0x3FA5] =	sst s0;
	s0 =	simm.s32 @!p2 $0x0  }
0x16: {  	s3 =	sld [smem:$0x3FDB];
	s0 =	simm.s32 @p2 $0x1  }
0x17: {  	s4 =	simm.s32 $0x1BF5;
	[smem:$0x3FA7] =	sst s0  }
0x18: {  	s0 =	sld [smem:$0x3F8A];
	_ =	swait.ge [sflag:s4], $0x0  }
0x19: {  	s7 =	sld [smem:$0x3F8B]  }
0x1a: {  	s8 =	sadd.s32 $0xFFFFE003, lr  }
0x1b: {  	s9 =	sadd.s32 $0xFFFFFEF7, lr;
	s5 =	simm.s32 $0xFFFFFFFF;
	p2 =	slt.u32 s8, $0xFFFFF086  }
0x1c: {  	p1 =	slt.u32 s9, $0xF7A;
	s5 =	simm.s32 @!p2 $0x0  }
0x1d: {  	s5 =	simm.s32 @p1 $0x1;
	p0 =	seq.s32 s7, s2  }
0x1e: {  	s7 =	smul.u32 @!p0 $0xF7A, s2;
	p2 =	seq.s32 @!p0 s5, $0x0  }
0x1f: {  	s9 =	smul.u32 $0xF7A, s1;
	s8 =	simm.s32 @!p0 $0x1BF5;
	p2 =	por !p2, p0  }
0x20: {  	[sflag:s8] =	ssyncset.s32 @!p0 $0xFFFFF086;
	s6 =	sadd.s32 @!p0 s3, s7;
	s7 =	simm.s32 @!p0 $0x108  }
0x21: {  	s3 =	sadd.s32 s3, s9;
	s6 =	sadd.s32 @!p0 $0x88, s6;
	s7 =	simm.s32 @p2 $0x1082  }
0x22: {  	[simem:s7], [sflag:s8] =	dma.local @!p0 [hbm:s6], $0xF7A  }
0x23: {  	s9 =	sor.u32 $0xD0000000, s2;
	s6 =	simm.s32 $0x108;
	_ =	swait.ge @!p0 [sflag:s8], $0x0  }
0x24: {  	s3 =	sadd.s32 $0x88, s3;
	s6 =	simm.s32 @!p1 $0x1082;
	[sflag:s4] =	ssyncset.s32 $0xFFFFF086  }
0x25: {  	[simem:s6], [sflag:s4] =	dma.local [hbm:s3], $0xF7A  }
0x26: {  	[smem:$0x3F8B] =	sst s1;
	(tag) =	ssettag s2;
	_ =	strace s9  }
0x27: {  	s1 =	sld [smem:$0x3F9B]  }
0x28: {  	s2 =	sld [smem:$0x3F9C]  }
0x29: {  	s4 =	sld [smem:$0x3F9E]  }
0x2a: {  	p0 =	seq.s32 s5, $0x0;
	s5 =	sld [smem:$0x3F9F]  }
0x2b: {  	s6 =	sld [smem:$0x3FA0]  }
0x2c: {  	s7 =	sld [smem:$0x3FA1]  }
0x2d: {  	s3 =	simm.s32 $0x108;
	s8 =	sld [smem:$0x3FA2]  }
0x2e: {  	s3 =	simm.s32 @!p0 $0x1082;
	s9 =	sld [smem:$0x3FA3]  }
0x2f: {  	lr =	sadd.s32 s0, s3;
	s0 =	sld [smem:$0x3F9A]  }
0x30: {  	s3 =	sld [smem:$0x3F9D]  }
0x31: {  	[smem:$0x3FA6] =	sst s10  }
0x32: {  	s10 =	sld [smem:$0x3FA4];
	_ =	sdelay $0x3  }
0x33: {  	p0 =	seq.s32 s10, $0x1;
	s10 =	sld [smem:$0x3FA6];
	_ =	sdelay $0x3  }
0x34: {  	[smem:$0x3FA6] =	sst s10  }
0x35: {  	s10 =	sld [smem:$0x3FA5];
	_ =	sdelay $0x3  }
0x36: {  	p1 =	seq.s32 s10, $0x1;
	s10 =	sld [smem:$0x3FA6];
	_ =	sdelay $0x3  }
0x37: {  	[smem:$0x3FA6] =	sst s10  }
0x38: {  	s10 =	sld [smem:$0x3FA7]  }
0x39: {  	_ = 	snop;
	(pc) =	sbr.ind lr, $3  }
0x3a: {  	_ = 	snop  }
0x3b: {  	_ = 	snop  }
0x3c: {  	p2 =	seq.s32 s10, $0x1;
	s10 =	sld [smem:$0x3FA6]  }
0x3d: {  	_ =	shalt  }
0x3e: {  	_ =	shalt  }
0x3f: {  	_ =	shalt  }
0x40: {  	_ =	shalt  }
0x41: {  	_ =	shalt  }
0x42: {  	_ =	shalt  }
0x43: {  	_ =	shalt  }
0x44: {  	_ =	shalt  }
0x45: {  	_ =	shalt  }
0x46: {  	_ =	shalt  }
0x47: {  	_ =	shalt  }
0x48: {  	_ =	shalt  }
0x49: {  	_ =	shalt  }
0x4a: {  	_ =	shalt  }
0x4b: {  	_ =	shalt  }
0x4c: {  	_ =	shalt  }
0x4d: {  	_ =	shalt  }
0x4e: {  	_ =	shalt  }
0x4f: {  	_ =	shalt  }
0x50: {  	_ =	shalt  }
0x51: {  	_ =	shalt  }
0x52: {  	_ =	shalt  }
0x53: {  	_ =	shalt  }
0x54: {  	_ =	shalt  }
0x55: {  	_ =	shalt  }
0x56: {  	_ =	shalt  }
0x57: {  	_ =	shalt  }
0x58: {  	_ =	shalt  }
0x59: {  	_ =	shalt  }
0x5a: {  	_ =	shalt  }
0x5b: {  	_ =	shalt  }
0x5c: {  	_ =	shalt  }
0x5d: {  	_ =	shalt  }
0x5e: {  	_ =	shalt  }
0x5f: {  	_ =	shalt  }
0x60: {  	_ =	shalt  }
0x61: {  	_ =	shalt  }
0x62: {  	_ =	shalt  }
0x63: {  	_ =	shalt  }
0x64: {  	_ =	shalt  }
0x65: {  	_ =	shalt  }
0x66: {  	_ =	shalt  }
0x67: {  	_ =	shalt  }
0x68: {  	_ =	shalt  }
0x69: {  	_ =	shalt  }
0x6a: {  	_ =	shalt  }
0x6b: {  	_ =	shalt  }
0x6c: {  	_ =	shalt  }
0x6d: {  	_ =	shalt  }
0x6e: {  	_ =	shalt  }
0x6f: {  	_ =	shalt  }
0x70: {  	_ =	shalt  }
0x71: {  	_ =	shalt  }
0x72: {  	_ =	shalt  }
0x73: {  	_ =	shalt  }
0x74: {  	_ =	shalt  }
0x75: {  	_ =	shalt  }
0x76: {  	_ =	shalt  }
0x77: {  	_ =	shalt  }
0x78: {  	_ =	shalt  }
0x79: {  	_ =	shalt  }
0x7a: {  	_ =	shalt  }
0x7b: {  	_ =	shalt  }
0x7c: {  	_ =	shalt  }
0x7d: {  	_ =	shalt  }
0x7e: {  	_ =	shalt  }
0x7f: {  	_ =	shalt  }
0x80: {  	_ =	shalt  }
0x81: {  	_ =	shalt  }
0x82: {  	_ =	shalt  }
0x83: {  	_ =	shalt  }
0x84: {  	_ =	shalt  }
0x85: {  	_ =	shalt  }
0x86: {  	_ =	shalt  }
0x87: {  	_ =	shalt  }
.Lfunc_end0:
.L_simem_size_0:
called_computation.3_lowered:
.L_overlay_start_0:
0x88: {  	s2 =	sld [smem:$0x3FD9]  }
0x89: {  	s3 =	sld [smem:$0x3FFE];
	_ =	sdelay $0x1  }
0x8a: {  	s1 =	srdreg.scid  }
0x8b: {  	s0 =	sand.u32 $0x1, s1  }
0x8c: {  	s17 =	sshll.u32 s0, $0xA;
	s2 =	sadd.s32 s3, s2  }
0x8d: {  	s2 =	sadd.s32 s2, s17  }
0x8e: {  	[smem:$0x3FB2] =	sst s2  }
0x8f: {  	_ = 	snop  }
0x90: {  	s2 =	sld [smem:$0x3FD0];
	(tm) =	ssettm $0x1  }
0x91: {  	s18 =	sld [smem:$0x3FFB];
	_ =	sdelay $0x3  }
0x92: {  	_ =	strace s18  }
0x93: {  	s3 =	sld [smem:$0x3FFC];
	_ =	sdelay $0x3  }
0x94: {  	_ =	strace s3  }
0x95: {  	s3 =	sld [smem:$0x3FFD];
	_ =	sdelay $0x3  }
0x96: {  	_ =	strace s3  }
0x97: {  	_ =	strace $0x8FFFFFFF  }
0x98: {  	s19 =	sld [smem:$0x3FDB];
	_ =	sdelay $0x1  }
0x99: {  	s4 =	simm.s32 $_scs_section_size  }
0x9a: {  	s5 =	simm.s32 $_size__tile_overlayer_lowered;
	s6 =	simm.s32 $_tile_overlayer_lowered  }
0x9b: {  	s22 =	simm.s32 $0x1BFF;
	s21 =	sshll.u32 s6, $0x1;
	s3 =	sadd.s32 s4, s19  }
0x9c: {  	s7 =	simm.s32 $0x0;
	s20 =	sshll.u32 s5, $0x1;
	s5 =	sadd.s32 s21, s3  }
0x9d: {  	[timem:s7], [sflag:s22] =	dma.local [hbm:s5], s20  }
0x9e: {  	_ =	swait.ge [sflag:s22], s20  }
0x9f: {  	s4 =	ssub.s32 $0x0, s20;
	[sflag:s22] =	ssyncset.done $0x0  }
0xa0: {  	[sflag:s22] =	ssyncadd.s32 s4;
	_ =	sdelay $0x1  }
0xa1: {  	s23 =	simm.s32 $0x1B8B  }
0xa2: {  	_ =	swait.ge [sflag:s23], $0x1  }
0xa3: {  	[sflag:s23] =	ssyncset.done $0x0  }
0xa4: {  	s25 =	simm.s32 $0x1B8E;
	s24 =	sld [smem:$0x3FFE];
	[sflag:s23] =	ssyncadd.s32 $0xFFFFFFFF  }
0xa5: {  	s26 =	simm.s32 $execute0_lowered;
	[smem:$0x3FD2] =	sst s25  }
0xa6: {  	s5 =	sshll.u32 s26, $0x1;
	_ =	strace $0x8000004F;
	[dreg:$0x1] =	wrdreg $0xFFFFFFFF  }
0xa7: {  	s28 =	simm.s32 $_size_execute0_lowered;
	s3 =	sadd.s32 s3, s5;
	[dreg:$0x0] =	wrdreg $0x0  }
0xa8: {  	s5 =	sshll.u32 s28, $0x1;
	[dreg:$0x2] =	wrdreg s3  }
0xa9: {  	[dreg:$0x3] =	wrdreg s5  }
0xaa: {  	[dreg:$0x4] =	wrdreg $0xC0  }
0xab: {  	_ =	task [dreg:s7], $0x5FFFF  }
0xac: {  	[dreg:$0x1] =	wrdreg $0xFFFFFFFF  }
0xad: {  	[dreg:$0x0] =	wrdreg $0x60  }
0xae: {  	[dreg:$0x2] =	wrdreg s2  }
0xaf: {  	[dreg:$0x3] =	wrdreg s24  }
0xb0: {  	[dreg:$0x4] =	wrdreg $0xC4000  }
0xb1: {  	[dreg:$0x5] =	wrdreg $0x9  }
0xb2: {  	_ =	task.clear_ibuf [dreg:s7], $0x6FFFF;
	_ =	strace $0x9000004F  }
0xb3: {  	s29 =	simm.s32 $0x9;
	_ =	strace $0x80000051  }
0xb4: {  	_ =	swait.ge [sflag:s29], $0x1  }
0xb5: {  	[sflag:s29] =	ssyncadd.s32 $0xFFFFFFFF  }
0xb6: {  	_ =	strace $0x90000051  }
0xb7: {  	_ =	sfence  }
0xb8: {  	s30 =	sld [smem:$0x0];
	_ =	sdelay $0x2  }
0xb9: {  	s31 =	sshll.u32 s1, $0xD;
	s1 =	sshrl.u32 s1, $0x2  }
0xba: {  	s3 =	sand.u32 $0x4000, s31;
	s1 =	sadd.s32 s1, s30  }
0xbb: {  	s0 =	sor.u32 s3, s0;
	s1 =	sshll.u32 s1, $0x11  }
0xbc: {  	s0 =	sor.u32 s1, s0  }
0xbd: {  	s0 =	sadd.s32 $0x8F2B, s0  }
0xbe: {  	[sflag:s0] =	ssyncadd.remote.s32 $0x1  }
0xbf: {  	_ =	sfence.sel $0xFFFF  }
0xc0: {  	[dreg:$0x0] =	wrdreg $0xFFFFFFFF;
	(pc) =	sbr.abs _section_cstart, $3  }
0xc1: {  	[dreg:$0x1] =	wrdreg $0xFFFFFFFF  }
0xc2: {  	_ =	task.clear_ibuf [dreg:s7], $0x2FFFF;
	_ =	strace $0x9FFFFFFF  }
0xc3: {  	(tm) =	ssettm $0x7FFFFFFF  }
tec
execute0_lowered:
.L_overlay_start_1:
0x0: {  	(tag) =	ssettag $0x1  }
0x1: {  	s1 =	rddreg [dreg:$0x0]  }
0x2: {  	s0 =	rddreg [dreg:$0x1]  }
0x3: {  	s2 =	rddreg [dreg:$0x2];
	s4 =	simm.s32 $0x0;
	s3 =	srdreg.scid  }
0x4: {  	s12 =	stileid.u32;
	s28 =	simm.s32 $0x7;
	s29 =	simm.s32 $0x200  }
0x5: {  	s30 =	simm.s32 $0x80;
	s31 =	simm.s32 $0x280;
	s5 =	smul.u32 $0x278, s12  }
0x6: {  	[smem:$0x7FF] =	sst s4;
	s3 =	sand.u32 $0x1, s3;
	s24 =	smul.u32 $0x4F000, s12  }
0x7: {  	s6 =	sadd.s32 $0x10A00, s0;
	s10 =	sadd.s32 $0x6800, s0;
	s7 =	smul.u32 $0x2780, s3  }
0x8: {  	s8 =	sshll.u32 s3, $0x4;
	s22 =	ssub.s32 $0x2, s3;
	s3 =	smul.u32 $0x510, s3  }
0x9: {  	s9 =	sadd.s32 $0x41E00, s0;
	s8 =	sor.u32 s12, s8;
	s12 =	smul.u32 $0x51, s12  }
0xa: {  	_ =	strace $0x80000050;
	[dreg:$0x4] =	wrdreg s9;
	s23 =	smul.u32 $0x510, s8  }
0xb: {  	s11 =	sshrl.u32 s22, $0x1;
	s5 =	sadd.s32 s5, s7;
	s8 =	smul.u32 $0x2880, s8  }
0xc: {  	s7 =	sshrl.u32 s24, $0x2;
	s5 =	sshll.u32 s5, $0x4;
	s3 =	sadd.s32 s12, s3  }
0xd: {  	s0 =	sadd.s32 s5, s0;
	s5 =	ssub.s32 s22, s11;
	s25 =	sadd.s32 s6, s23  }
0xe: {  	s8 =	sshrl.u32 s8, $0x3;
	s9 =	sadd.s32 s10, s23;
	[dreg:$0x5] =	wrdreg s25  }
0xf: {  	s3 =	sshll.u32 s3, $0x4;
	s8 =	sadd.s32 $0x10, s8;
	[dreg:$0x6] =	wrdreg s9  }
0x10: {  	s9 =	sadd.s32 s7, s2;
	s11 =	sadd.s32 $0x42600, s0;
	s12 =	sadd.s32 $0x42E00, s0  }
0x11: {  	s14 =	sadd.s32 $0x40, s3;
	s15 =	sadd.s32 $0x43600, s0;
	s16 =	sadd.s32 s3, s6  }
0x12: {  	s22 =	sadd.s32 s3, s10;
	s3 =	sadd.s32 $0x20, s3;
	s25 =	sadd.s32 $0x43E00, s0  }
0x13: {  	s0 =	sadd.s32 $0x44600, s0;
	s7 =	simm.s32 $0x100;
	s26 =	sadd.s32 s6, s8  }
0x14: {  	s8 =	sadd.s32 s10, s8;
	s23 =	sadd.s32 $0x4000, s9;
	[dreg:$0xa] =	wrdreg s11  }
0x15: {  	s13 =	sadd.s32 $0x8000, s9;
	s21 =	sadd.s32 $0xC000, s9;
	[dreg:$0xb] =	wrdreg s12  }
0x16: {  	[dreg:$0xc] =	wrdreg s15;
	s17 =	sadd.s32 s14, s6;
	s18 =	sadd.s32 s14, s10  }
0x17: {  	s19 =	sadd.s32 s3, s6;
	s20 =	sadd.s32 s3, s10;
	[dreg:$0xd] =	wrdreg s25  }
0x18: {  	[dreg:$0xe] =	wrdreg s0;
	s24 =	sadd.s32 $0x30, s16;
	s25 =	sadd.s32 $0x30, s22  }
0x19: {  	s12 =	sadd.s32 $0x10000, s9;
	s0 =	simm.s32 $0x400;
	s3 =	simm.s32 $0x4400  }
.Ltmp0:
0x1a: {  	s6 =	simm.s32 $0x1;
	[dreg:$0x7] =	wrdreg s26;
	(pc) =	sbr.rel .LBB2_1-.Ltmp0, $4  }
0x1b: {  	s10 =	simm.s32 $0x2;
	s14 =	simm.s32 $0x4;
	[dreg:$0x8] =	wrdreg s8  }
0x1c: {  	s15 =	simm.s32 $0x3;
	s16 =	simm.s32 $0x5;
	[dreg:$0x9] =	wrdreg s21  }
0x1d: {  	s22 =	simm.s32 $0x0;
	s26 =	smax.u32 s5, $0x1;
	[dreg:$0x10] =	wrdreg s12  }
0x1e: {  	s5 =	simm.s32 $0x8400;
	s8 =	simm.s32 $0x300;
	[dreg:$0xf] =	wrdreg s26  }
.LBB2_4:
0x1f: {  	_ =	swait.ge [sflag:s15], $0x4000  }
0x20: {  	[sflag:s15] =	ssyncset.done $0x0  }
0x21: {  	[sflag:s15] =	ssyncadd.s32 $0xFFFFC000  }
0x22: {  	[spmem:s2] =	stream.indirect.scatter.add.f32 [tilespmem:s5], [sflag:$0x6], $0x80, s8, s30, $0xb8;
	v63 =	vld [tilespmem:$0x0]  }
0x23: {  	_ =	swait.ge [sflag:s16], $0x4000  }
0x24: {  	[sflag:s16] =	ssyncset.done $0x0  }
0x25: {  	[dreg:$0x11] =	wrdreg s22;
	s22 =	simm.s32 $0x6;
	[sflag:s16] =	ssyncadd.s32 $0xFFFFC000  }
0x26: {  	_ =	swait.ge [sflag:s22], $0x4000  }
0x27: {  	[sflag:s22] =	ssyncset.done $0x0  }
0x28: {  	[sflag:s22] =	ssyncadd.s32 $0xFFFFC000  }
0x29: {  	[bflag:$0x0] =	sbarrier.arrive $0xFFFF  }
0x2a: {  	[tilespmem:s0], [sflag:$0x1] =	stream.linear.gather [spmem:s26], $0x4000, $0x38;
	v63 =	vld [tilespmem:$0x0]  }
0x2b: {  	_ = 	snop  }
0x2c: {  	[tilespmem:s3], [sflag:$0x2] =	stream.linear.gather [spmem:s12], $0x4000, $0x38;
	v63 =	vld [tilespmem:$0x0]  }
0x2d: {  	_ =	swait.ge [sflag:s6], $0x4000  }
0x2e: {  	[sflag:s6] =	ssyncset.done $0x0  }
0x2f: {  	s11 =	rddreg [dreg:$0xa];
	[sflag:s6] =	ssyncadd.s32 $0xFFFFC000  }
0x30: {  	[hbm4b:s11+s4] =	stream.linear.scatter [tilespmem:s0], [sflag:$0x4], $0x4000, $0x38;
	v63 =	vld [tilespmem:$0x0]  }
0x31: {  	s13 =	smov.u32 s9  }
0x32: {  	[tilespmem:s5], [sflag:$0x3] =	stream.linear.gather [spmem:s13], $0x4000, $0x38;
	v63 =	vld [tilespmem:$0x0]  }
0x33: {  	_ =	swait.ge [sflag:s10], $0x4000  }
0x34: {  	[sflag:s10] =	ssyncset.done $0x0  }
0x35: {  	s9 =	smov.u32 s26;
	s26 =	rddreg [dreg:$0xb];
	[sflag:s10] =	ssyncadd.s32 $0xFFFFC000  }
0x36: {  	[hbm4b:s26+s4] =	stream.linear.scatter [tilespmem:s3], [sflag:$0x5], $0x4000, $0x38;
	v63 =	vld [tilespmem:$0x0]  }
0x37: {  	_ =	swait.ge [sflag:s14], $0x4000  }
0x38: {  	[sflag:s14] =	ssyncset.done $0x0  }
0x39: {  	s21 =	rddreg [dreg:$0x9];
	[sflag:s14] =	ssyncadd.s32 $0xFFFFC000  }
0x3a: {  	[tilespmem:s0], [sflag:$0x1] =	stream.linear.gather [spmem:s21], $0x4000, $0x38;
	v63 =	vld [tilespmem:$0x0]  }
0x3b: {  	_ =	swait.ge [sflag:s15], $0x4000  }
0x3c: {  	[sflag:s15] =	ssyncset.done $0x0  }
0x3d: {  	s23 =	smov.u32 s12;
	s12 =	rddreg [dreg:$0xc];
	[sflag:s15] =	ssyncadd.s32 $0xFFFFC000  }
0x3e: {  	[hbm4b:s12+s4] =	stream.linear.scatter [tilespmem:s5], [sflag:$0x6], $0x4000, $0x38;
	v63 =	vld [tilespmem:$0x0]  }
0x3f: {  	_ =	swait.ge [sflag:s16], $0x4000  }
0x40: {  	[sflag:s16] =	ssyncset.done $0x0  }
0x41: {  	s12 =	rddreg [dreg:$0x10];
	[sflag:s16] =	ssyncadd.s32 $0xFFFFC000  }
0x42: {  	[tilespmem:s3], [sflag:$0x2] =	stream.linear.gather [spmem:s12], $0x3C00, $0x38;
	v63 =	vld [tilespmem:$0x0]  }
0x43: {  	_ =	swait.ge [sflag:s6], $0x4000  }
0x44: {  	[sflag:s6] =	ssyncset.done $0x0  }
0x45: {  	s26 =	rddreg [dreg:$0xd];
	[sflag:s6] =	ssyncadd.s32 $0xFFFFC000  }
0x46: {  	[hbm4b:s26+s4] =	stream.linear.scatter [tilespmem:s0], [sflag:$0x4], $0x4000, $0x38;
	v63 =	vld [tilespmem:$0x0]  }
0x47: {  	_ =	swait.ge [sflag:s10], $0x3C00  }
0x48: {  	[sflag:s10] =	ssyncset.done $0x0  }
0x49: {  	s26 =	rddreg [dreg:$0xe];
	[sflag:s10] =	ssyncadd.s32 $0xFFFFC400  }
0x4a: {  	[hbm4b:s26+s4] =	stream.linear.scatter [tilespmem:s3], [sflag:$0x5], $0x3C00, $0x38;
	v63 =	vld [tilespmem:$0x0]  }
0x4b: {  	_ =	swait.ge [sflag:s22], $0x4000  }
0x4c: {  	[sflag:s22] =	ssyncset.done $0x0  }
0x4d: {  	[sflag:s22] =	ssyncadd.s32 $0xFFFFC000  }
0x4e: {  	s11 =	rddreg [dreg:$0x11];
	_ =	swait.ge [sflag:s14], $0x4000  }
0x4f: {  	[sflag:s14] =	ssyncset.done $0x0  }
0x50: {  	[sflag:s14] =	ssyncadd.s32 $0xFFFFC000  }
0x51: {  	_ =	swait.ge [sflag:s16], $0x3C00  }
0x52: {  	s22 =	sadd.s32 $0x1, s11;
	s26 =	rddreg [dreg:$0xf]  }
0x53: {  	p0 =	sne.s32 s22, s26  }
.Ltmp1:
0x54: {  	_ = 	snop;
	(pc) =	sbr.rel @!p0 .LBB2_5-.Ltmp1, $3  }
0x55: {  	_ =	sdelay $0x1  }
0x56: {  	[sflag:s16] =	ssyncset.done $0x0  }
0x57: {  	[sflag:s16] =	ssyncadd.s32 $0xFFFFC400  }
.LBB2_1:
0x58: {  	s11 =	rddreg [dreg:$0x5]  }
0x59: {  	[tilespmem:s4], [sflag:$0x7] =	stream.linear.gather [hbm4b:s11+s4], $0x80, $0x38;
	v63 =	vld [tilespmem:$0x0]  }
0x5a: {  	_ =	swait.ge [sflag:s28], $0x80  }
0x5b: {  	[sflag:s28] =	ssyncset.done $0x0  }
0x5c: {  	s26 =	rddreg [dreg:$0x6];
	[sflag:s28] =	ssyncadd.s32 $0xFFFFFF80  }
0x5d: {  	[tilespmem:s29], [sflag:$0x7] =	stream.linear.gather [hbm4b:s26+s4], $0x80, $0x38;
	v63 =	vld [tilespmem:$0x0]  }
0x5e: {  	_ =	swait.ge [sflag:s28], $0x80  }
0x5f: {  	[sflag:s28] =	ssyncset.done $0x0  }
0x60: {  	s26 =	rddreg [dreg:$0x7];
	[sflag:s28] =	ssyncadd.s32 $0xFFFFFF80  }
0x61: {  	[tilespmem:s30], [sflag:$0x7] =	stream.linear.gather [hbm4b:s26+s4], $0x80, $0x38;
	v63 =	vld [tilespmem:$0x0]  }
0x62: {  	_ =	swait.ge [sflag:s28], $0x80  }
0x63: {  	[sflag:s28] =	ssyncset.done $0x0  }
0x64: {  	s26 =	rddreg [dreg:$0x8];
	[sflag:s28] =	ssyncadd.s32 $0xFFFFFF80  }
0x65: {  	[tilespmem:s31], [sflag:$0x7] =	stream.linear.gather [hbm4b:s26+s4], $0x80, $0x38;
	v63 =	vld [tilespmem:$0x0]  }
0x66: {  	_ =	swait.ge [sflag:s28], $0x80  }
0x67: {  	[sflag:s28] =	ssyncset.done $0x0  }
0x68: {  	[sflag:s28] =	ssyncadd.s32 $0xFFFFFF80  }
0x69: {  	[tilespmem:s0], [sflag:$0x1] =	stream.indirect.gather [hbm4b:s1+s30], $0x80, s4, s30, $0xb8;
	v63 =	vld [tilespmem:$0x0]  }
0x6a: {  	_ = 	snop  }
0x6b: {  	[tilespmem:s3], [sflag:$0x2] =	stream.indirect.gather [hbm4b:s1+s30], $0x80, s30, s30, $0xb8;
	v63 =	vld [tilespmem:$0x0]  }
0x6c: {  	s26 =	rddreg [dreg:$0x4]  }
0x6d: {  	[tilespmem:s5], [sflag:$0x7] =	stream.linear.gather [hbm4b:s26+s4], $0x4000, $0x38;
	v63 =	vld [tilespmem:$0x0]  }
0x6e: {  	_ =	swait.ge [sflag:s28], $0x4000  }
0x6f: {  	[sflag:s28] =	ssyncset.done $0x0  }
0x70: {  	[sflag:s28] =	ssyncadd.s32 $0xFFFFC000  }
0x71: {  	[spmem:s9] =	stream.linear.scatter [tilespmem:s5], [sflag:$0x7], $0x4000, $0x38;
	v63 =	vld [tilespmem:$0x0]  }
0x72: {  	_ =	swait.ge [sflag:s28], $0x4000  }
0x73: {  	[sflag:s28] =	ssyncset.done $0x0  }
0x74: {  	[sflag:s28] =	ssyncadd.s32 $0xFFFFC000  }
0x75: {  	[spmem:s23] =	stream.linear.scatter [tilespmem:s5], [sflag:$0x7], $0x4000, $0x38;
	v63 =	vld [tilespmem:$0x0]  }
0x76: {  	_ =	swait.ge [sflag:s28], $0x4000  }
0x77: {  	[sflag:s28] =	ssyncset.done $0x0  }
0x78: {  	[sflag:s28] =	ssyncadd.s32 $0xFFFFC000  }
0x79: {  	[spmem:s13] =	stream.linear.scatter [tilespmem:s5], [sflag:$0x7], $0x4000, $0x38;
	v63 =	vld [tilespmem:$0x0]  }
0x7a: {  	_ =	swait.ge [sflag:s28], $0x4000  }
0x7b: {  	[sflag:s28] =	ssyncset.done $0x0  }
0x7c: {  	[sflag:s28] =	ssyncadd.s32 $0xFFFFC000  }
0x7d: {  	[spmem:s21] =	stream.linear.scatter [tilespmem:s5], [sflag:$0x7], $0x4000, $0x38;
	v63 =	vld [tilespmem:$0x0]  }
0x7e: {  	_ =	swait.ge [sflag:s28], $0x4000  }
0x7f: {  	[sflag:s28] =	ssyncset.done $0x0  }
0x80: {  	s11 =	smov.u32 s12;
	[sflag:s28] =	ssyncadd.s32 $0xFFFFC000  }
0x81: {  	[spmem:s11] =	stream.linear.scatter [tilespmem:s5], [sflag:$0x7], $0x3C00, $0x38;
	v63 =	vld [tilespmem:$0x0]  }
0x82: {  	_ =	swait.ge [sflag:s28], $0x3C00  }
0x83: {  	[sflag:s28] =	ssyncset.done $0x0  }
0x84: {  	s12 =	smov.u32 s23;
	s26 =	smov.u32 s9;
	[sflag:s28] =	ssyncadd.s32 $0xFFFFC400  }
0x85: {  	s9 =	smov.u32 s13;
	s23 =	simm.s32 $0x0;
	[bflag:$0x0] =	sbarrier.arrive $0xFFFF  }
.LBB2_2:
0x86: {  	_ =	swait.ge [sflag:s6], $0x4000  }
0x87: {  	p0 =	seq.s32 s23, $0x0;
	[sflag:s6] =	ssyncset.done $0x0  }
0x88: {  	s11 =	simm.s32 @!p0 $0x6;
	[sflag:s6] =	ssyncadd.s32 $0xFFFFC000  }
0x89: {  	[spmem:s2] =	stream.indirect.scatter.add.f32 [tilespmem:s0], [sflag:$0x4], $0x80, s29, s30, $0xb8;
	v63 =	vld [tilespmem:$0x0]  }
0x8a: {  	_ =	swait.ge @!p0 [sflag:s11], $0x4000  }
0x8b: {  	[sflag:s11] =	ssyncset.done @!p0 $0x0  }
0x8c: {  	s13 =	sadd.s32 s23, s19;
	[sflag:s11] =	ssyncadd.s32 @!p0 $0xFFFFC000  }
0x8d: {  	[tilespmem:s7], [sflag:$0x7] =	stream.linear.gather [hbm4b:s13+s4], $0x80, $0x38;
	v63 =	vld [tilespmem:$0x0]  }
0x8e: {  	_ =	swait.ge [sflag:s28], $0x80  }
0x8f: {  	[sflag:s28] =	ssyncset.done $0x0  }
0x90: {  	s21 =	sadd.s32 s23, s20;
	[sflag:s28] =	ssyncadd.s32 $0xFFFFFF80  }
0x91: {  	[tilespmem:s8], [sflag:$0x7] =	stream.linear.gather [hbm4b:s21+s4], $0x80, $0x38;
	v63 =	vld [tilespmem:$0x0]  }
0x92: {  	_ =	swait.ge [sflag:s28], $0x80  }
0x93: {  	[sflag:s28] =	ssyncset.done $0x0  }
0x94: {  	[sflag:s28] =	ssyncadd.s32 $0xFFFFFF80  }
0x95: {  	[tilespmem:s5], [sflag:$0x3] =	stream.indirect.gather [hbm4b:s1+s30], $0x80, s7, s30, $0xb8;
	v63 =	vld [tilespmem:$0x0]  }
0x96: {  	_ =	swait.ge [sflag:s10], $0x4000  }
0x97: {  	p0 =	seq.s32 s23, $0x4E0;
	[sflag:s10] =	ssyncset.done $0x0  }
.Ltmp2:
0x98: {  	[sflag:s10] =	ssyncadd.s32 $0xFFFFC000;
	(pc) =	sbr.rel @p0 .LBB2_4-.Ltmp2, $4  }
0x99: {  	[spmem:s2] =	stream.indirect.scatter.add.f32 [tilespmem:s3], [sflag:$0x5], $0x80, s31, s30, $0xb8;
	v63 =	vld [tilespmem:$0x0]  }
0x9a: {  	_ =	swait.ge [sflag:s14], $0x4000  }
0x9b: {  	[sflag:s14] =	ssyncset.done $0x0  }
0x9c: {  	[sflag:s14] =	ssyncadd.s32 $0xFFFFC000  }
0x9d: {  	s11 =	sadd.s32 s23, s24  }
0x9e: {  	[tilespmem:s4], [sflag:$0x7] =	stream.linear.gather [hbm4b:s11+s4], $0x80, $0x38;
	v63 =	vld [tilespmem:$0x0]  }
0x9f: {  	_ =	swait.ge [sflag:s28], $0x80  }
0xa0: {  	[sflag:s28] =	ssyncset.done $0x0  }
0xa1: {  	s21 =	sadd.s32 s23, s25;
	[sflag:s28] =	ssyncadd.s32 $0xFFFFFF80  }
0xa2: {  	[tilespmem:s29], [sflag:$0x7] =	stream.linear.gather [hbm4b:s21+s4], $0x80, $0x38;
	v63 =	vld [tilespmem:$0x0]  }
0xa3: {  	_ =	swait.ge [sflag:s28], $0x80  }
0xa4: {  	[sflag:s28] =	ssyncset.done $0x0  }
0xa5: {  	[sflag:s28] =	ssyncadd.s32 $0xFFFFFF80  }
0xa6: {  	[tilespmem:s0], [sflag:$0x1] =	stream.indirect.gather [hbm4b:s1+s30], $0x80, s4, s30, $0xb8;
	v63 =	vld [tilespmem:$0x0]  }
0xa7: {  	_ =	swait.ge [sflag:s15], $0x4000  }
0xa8: {  	[sflag:s15] =	ssyncset.done $0x0  }
0xa9: {  	[sflag:s15] =	ssyncadd.s32 $0xFFFFC000  }
0xaa: {  	[spmem:s2] =	stream.indirect.scatter.add.f32 [tilespmem:s5], [sflag:$0x6], $0x80, s8, s30, $0xb8;
	v63 =	vld [tilespmem:$0x0]  }
0xab: {  	_ =	swait.ge [sflag:s16], $0x4000  }
0xac: {  	[sflag:s16] =	ssyncset.done $0x0  }
0xad: {  	s13 =	sadd.s32 s23, s17;
	[sflag:s16] =	ssyncadd.s32 $0xFFFFC000  }
0xae: {  	[tilespmem:s30], [sflag:$0x7] =	stream.linear.gather [hbm4b:s13+s4], $0x80, $0x38;
	v63 =	vld [tilespmem:$0x0]  }
0xaf: {  	_ =	swait.ge [sflag:s28], $0x80  }
0xb0: {  	[sflag:s28] =	ssyncset.done $0x0  }
0xb1: {  	s21 =	sadd.s32 s23, s18;
	[sflag:s28] =	ssyncadd.s32 $0xFFFFFF80  }
0xb2: {  	[tilespmem:s31], [sflag:$0x7] =	stream.linear.gather [hbm4b:s21+s4], $0x80, $0x38;
	v63 =	vld [tilespmem:$0x0]  }
.Ltmp3:
0xb3: {  	_ = 	snop;
	(pc) =	sbr.rel .LBB2_2-.Ltmp3, $4  }
0xb4: {  	_ =	swait.ge [sflag:s28], $0x80  }
0xb5: {  	[sflag:s28] =	ssyncset.done $0x0  }
0xb6: {  	s23 =	sadd.s32 $0x30, s23;
	[sflag:s28] =	ssyncadd.s32 $0xFFFFFF80  }
0xb7: {  	[tilespmem:s3], [sflag:$0x2] =	stream.indirect.gather [hbm4b:s1+s30], $0x80, s30, s30, $0xb8;
	v63 =	vld [tilespmem:$0x0]  }
.LBB2_5:
0xb8: {  	_ =	sfence.sel $0x180000  }
0xb9: {  	[bflag:$0x0] =	sbarrier.arrive $0xFFFF  }
0xba: {  	_ =	strace $0x90000050  }
0xbb: {  	s0 =	stileid.u32;
	[bflag:$0x2] =	sbarrier.arrive $0xFFFF  }
0xbc: {  	p0 =	sne.s32 s0, $0x0;
	s0 =	rddreg [dreg:$0x3]  }
0xbd: {  	s0 =	sadd.s32 @!p0 $0x100000, s0  }
0xbe: {  	[sflag:s0] =	ssyncadd.tile.s32 @!p0 $0x1;
	_ =	shalt  }
.Lfunc_end2:
_tile_overlayer_lowered:
.L_overlay_start_2:
0xbf: {  	(tag) =	ssettag $0x2  }
0xc0: {  	s0 =	rddreg [dreg:$0x0];
	s2 =	stileid.u32  }
0xc1: {  	s1 =	rddreg [dreg:$0x1];
	p0 =	sne.s32 s2, $0x0  }
0xc2: {  	s3 =	rddreg [dreg:$0x2];
	[bflag:$0x3] =	sbarrier.arrive $0xFFFF;
	s2 =	simm.s32 @!p0 $0x1C07  }
0xc3: {  	[timem:s3], [sflag:s2] =	dma.local @!p0 [hbm:s0], s1  }
0xc4: {  	s0 =	simm.s32 @!p0 $0x7  }
0xc5: {  	_ =	swait.ge @!p0 [sflag:s0], s1  }
0xc6: {  	s1 =	ssub.s32 @!p0 $0x0, s1;
	[sflag:s0] =	ssyncset.done @!p0 $0x0  }
0xc7: {  	[sflag:s0] =	ssyncadd.s32 @!p0 s1  }
0xc8: {  	[bflag:$0x3] =	sbarrier.arrive $0xFFFF  }
0xc9: {  	_ =	shalt  }

</sc_bundles>
